<compile_context>
chip_gen: v7x
topology: tpu7x:2x2x1
jax: 0.10.2.dev20260603
libtpu: 0.0.44.dev20260713+nightly
codegen_flags: <defaults>
</compile_context>

<pallas_src>
import functools

import jax
import jax.numpy as jnp
import numpy as np
from jax import lax
from jax.experimental import pallas as pl
from jax.experimental.pallas import tpu as pltpu
from jax.experimental.pallas import tpu_sc as plsc

N = 100000
X = 128
H = 128
_W = H // 2

_K = 5
_NSLAB = N // _K
_CHUNK = 128
_NC = 2
_GPW = 16
_CPW = 10
_NSP = _GPW * _CPW * _CHUNK
_NBUF = 2


def _gather_body(hc_hbm, idx0_hbm, idx1_hbm, m0_out, m1_out,
                 idx_v, row_v, gs0, gs1, ws0, ws1):
    wid = lax.axis_index("s") * _NC + lax.axis_index("c")
    gsems = (gs0, gs1)
    wsems = (ws0, ws1)

    def run(idx_hbm, mout_hbm, lw):
        wbase = lw * _CPW * _CHUNK
        pltpu.sync_copy(idx_hbm.at[pl.ds(wbase, _CPW * _CHUNK)], idx_v)

        def buf(b):
            return row_v.at[pl.ds(b * _CHUNK, _CHUNK)]

        def issue_gather(j, b):
            iv = idx_v.at[pl.ds(j * _CHUNK, _CHUNK)]
            pltpu.async_copy(hc_hbm.at[iv], buf(b), gsems[b])

        def drain_write(j, b):
            base = wbase + j * _CHUNK
            pltpu.make_async_copy(
                buf(b), mout_hbm.at[pl.ds(base, _CHUNK)], wsems[b]).wait()

        issue_gather(0, 0)

        def outer(g, carry):
            for b in range(_NBUF):
                j = g * _NBUF + b
                nb = (b + 1) % _NBUF
                @pl.when(j >= 1)
                def _():
                    drain_write(j - 1, nb)

                @pl.when(j + 1 < _CPW)
                def _():
                    issue_gather(j + 1, nb)

                iv = idx_v.at[pl.ds(j * _CHUNK, _CHUNK)]
                pltpu.make_async_copy(hc_hbm.at[iv], buf(b), gsems[b]).wait()
                base = wbase + j * _CHUNK
                pltpu.async_copy(buf(b), mout_hbm.at[pl.ds(base, _CHUNK)],
                                 wsems[b])
            return carry

        lax.fori_loop(0, _CPW // _NBUF, outer, 0)
        drain_write(_CPW - 1, (_CPW - 1) % _NBUF)

    @pl.when(wid < _GPW)
    def _():
        run(idx0_hbm, m0_out, wid)

    @pl.when(wid >= _GPW)
    def _():
        run(idx1_hbm, m1_out, wid - _GPW)


@functools.cache
def _make_sc_gather():
    mail = jax.ShapeDtypeStruct((_NSP, H), jnp.float32)
    return functools.partial(
        pl.kernel,
        mesh=plsc.VectorSubcoreMesh(core_axis_name="c", subcore_axis_name="s"),
        out_type=(mail, mail),
        scratch_types=[
            pltpu.VMEM((_CPW * _CHUNK,), jnp.int32),
            pltpu.VMEM((_NBUF * _CHUNK, H), jnp.float32),
            pltpu.SemaphoreType.DMA,
            pltpu.SemaphoreType.DMA,
            pltpu.SemaphoreType.DMA,
            pltpu.SemaphoreType.DMA,
        ],
    )(_gather_body)


_BN = 800
_BPS = _NSLAB // _BN


def _unpack(packed):
    p = lax.bitcast_convert_type(packed, jnp.int32)
    lo = lax.bitcast_convert_type(p << 16, jnp.float32)
    hi = lax.bitcast_convert_type(p & np.int32(-65536), jnp.float32)
    return jnp.concatenate([lo, hi], axis=1)


def _dense_body(x_ref, m1_ref, m2_ref, tf_ref,
                wx_ref, wh_ref, wf_ref, biou_ref, bious_ref, bf_ref,
                hacc_ref, cacc_ref, h_out_ref, c_out_ref):
    del hacc_ref, cacc_ref
    x = _unpack(x_ref[...])
    m1 = m1_ref[...]
    m2 = m2_ref[...]
    h1 = _unpack(m1[:, :_W])
    h2 = _unpack(m2[:, :_W])
    wh = wh_ref[...]
    wf = wf_ref[...]
    iou_both = (
        jnp.dot(x, wx_ref[...], preferred_element_type=jnp.float32)
        + jnp.dot(h1, wh[:H], preferred_element_type=jnp.float32)
        + jnp.dot(h2, wh[H:], preferred_element_type=jnp.float32)
    )
    f = jax.nn.sigmoid(
        jnp.dot(h1, wf[:H], preferred_element_type=jnp.float32)
        + jnp.dot(h2, wf[H:], preferred_element_type=jnp.float32)
        + bf_ref[...]
    )
    c1 = _unpack(m1[:, _W:])
    c2 = _unpack(m2[:, _W:])
    c_n = f[:, :H] * c1 + f[:, H:2 * H] * c2
    c_sm = f[:, 2 * H:3 * H] * c1 + f[:, 3 * H:] * c2
    iou_n = iou_both[:, :3 * H] + biou_ref[...]
    iou_sm = iou_both[:, 3 * H:] + bious_ref[...]
    tm = tf_ref[...]
    iou = iou_n + tm * (iou_sm - iou_n)
    c_r = c_n + tm * (c_sm - c_n)
    c_out = jax.nn.sigmoid(iou[:, :H]) * jnp.tanh(iou[:, 2 * H:]) + c_r
    c_out_ref[...] = c_out
    h_out_ref[...] = jax.nn.sigmoid(iou[:, H:2 * H]) * jnp.tanh(c_out)


def _dense_call(s, xp, mail, tf, wx, wh, wf, biou, bious, bf, hacc, cacc):
    m0, m1 = mail
    off = s * _BPS
    glob_spec = lambda w: pl.BlockSpec((_BN, w), lambda i: (i + off, 0))
    loc_spec = pl.BlockSpec((_BN, H), lambda i: (i, 0))
    full_spec = lambda a, b: pl.BlockSpec((a, b), lambda i: (0, 0))
    any_spec = pl.BlockSpec(memory_space=pl.ANY)
    return pl.pallas_call(
        _dense_body,
        grid=(_BPS,),
        in_specs=[
            glob_spec(_W),
            loc_spec,
            loc_spec,
            glob_spec(1),
            full_spec(X, 6 * H),
            full_spec(2 * H, 6 * H),
            full_spec(2 * H, 4 * H),
            full_spec(1, 3 * H),
            full_spec(1, 3 * H),
            full_spec(1, 4 * H),
            any_spec,
            any_spec,
        ],
        out_specs=[pl.BlockSpec((_BN, H), lambda i: (i + off, 0)),
                   pl.BlockSpec((_BN, H), lambda i: (i + off, 0))],
        out_shape=[
            jax.ShapeDtypeStruct((N, H), jnp.float32),
            jax.ShapeDtypeStruct((N, H), jnp.float32),
        ],
        input_output_aliases={10: 0, 11: 1},
    )(xp, m0, m1, tf, wx, wh, wf, biou, bious, bf, hacc, cacc)


def _rne16(u):
    return u + jnp.uint32(0x7FFF) + ((u >> 16) & jnp.uint32(1))


def _pack(a):
    lo = _rne16(lax.bitcast_convert_type(a[:, :_W], jnp.uint32)) >> 16
    hi = _rne16(lax.bitcast_convert_type(a[:, _W:], jnp.uint32))
    p = lo | (hi & jnp.uint32(0xFFFF0000))
    return lax.bitcast_convert_type(p, jnp.float32)


def kernel(x, h_src, c_src, child_idx, t, W_iou, U_iou, b_iou, U_f_w, U_f_b,
           W_iou_s, U_iou_s, b_iou_s, U_f_s_w, U_f_s_b):
    def slab_idx(col):
        cp = jnp.pad(child_idx[:, col], (0, _NSP - _NSLAB))
        return [lax.dynamic_slice(cp, (s * _NSLAB,), (_NSP,))
                for s in range(_K)]

    idx0 = slab_idx(0)
    idx1 = slab_idx(1)

    hcp = jnp.concatenate([_pack(h_src), _pack(c_src)], axis=1)
    xp = _pack(x)

    sc_gather = _make_sc_gather()
    mails = [sc_gather(hcp, idx0[s], idx1[s]) for s in range(_K)]

    wx = jnp.concatenate([W_iou, W_iou_s], axis=1)
    wh = jnp.concatenate(
        [U_iou, jnp.concatenate([U_iou_s, U_iou_s], axis=0)], axis=1)
    z = jnp.zeros((H, H), dtype=jnp.float32)
    ufs_bd = jnp.block([[U_f_s_w, z], [z, U_f_s_w]])
    wf = jnp.concatenate([U_f_w, ufs_bd], axis=1)
    bf = jnp.concatenate([U_f_b, U_f_s_b, U_f_s_b]).reshape(1, 4 * H)
    tf = (t == 1).astype(jnp.float32).reshape(N, 1)

    hacc = jnp.zeros((N, H), dtype=jnp.float32)
    cacc = jnp.zeros((N, H), dtype=jnp.float32)
    for s in range(_K):
        hacc, cacc = _dense_call(s, xp, mails[s], tf, wx, wh, wf,
                                 b_iou, b_iou_s, bf, hacc, cacc)
    return (hacc, cacc)

# --- scband reference (transcript-rebuilt; emitter-appended) ---
"""Pipeline reference for scband-mix-tree-lstmcell-39170101739917 (READ-ONLY COPY).

The authoritative reference and input builder live on the scoring server;
editing this copy changes nothing except your own understanding.
"""

import jax, jax.numpy as jnp
import numpy as np

N = 100000
X = 128
H = 128


def setup_inputs(seed: int = 0) -> dict:
    key = jax.random.key(seed)
    ks = jax.random.split(key, 12)
    inp = {}
    inp["x"] = jax.random.normal(ks[0], (N, X), dtype=jnp.float32)
    inp["h_src"] = jax.random.normal(ks[1], (N, H), dtype=jnp.float32)
    inp["c_src"] = jax.random.normal(ks[2], (N, H), dtype=jnp.float32)
    inp["child_idx"] = jax.random.randint(ks[3], (N, 2), 0, N, dtype=jnp.int32)
    inp["t"] = jax.random.randint(ks[4], (N,), 0, 2, dtype=jnp.int32)
    s = 0.05
    inp["W_iou"] = jax.random.normal(ks[5], (X, 3 * H), dtype=jnp.float32) * s
    inp["U_iou"] = jax.random.normal(ks[6], (2 * H, 3 * H), dtype=jnp.float32) * s
    inp["b_iou"] = jnp.zeros((1, 3 * H), dtype=jnp.float32)
    inp["U_f_w"] = jax.random.normal(ks[7], (2 * H, 2 * H), dtype=jnp.float32) * s
    inp["U_f_b"] = jnp.zeros((2 * H,), dtype=jnp.float32)
    inp["W_iou_s"] = jax.random.normal(ks[8], (X, 3 * H), dtype=jnp.float32) * s
    inp["U_iou_s"] = jax.random.normal(ks[9], (H, 3 * H), dtype=jnp.float32) * s
    inp["b_iou_s"] = jnp.zeros((1, 3 * H), dtype=jnp.float32)
    inp["U_f_s_w"] = jax.random.normal(ks[10], (H, H), dtype=jnp.float32) * s
    inp["U_f_s_b"] = jnp.zeros((H,), dtype=jnp.float32)
    return inp


def reference(x, h_src, c_src, child_idx, t, W_iou, U_iou, b_iou, U_f_w, U_f_b,
              W_iou_s, U_iou_s, b_iou_s, U_f_s_w, U_f_s_b):
    # message: gather child h/c states into the per-node mailbox [N, 2, H]
    h_mail = jnp.take(h_src, child_idx, axis=0)
    c_mail = jnp.take(c_src, child_idx, axis=0)
    # precomputed node iou terms (W_iou(x) in DGL-style TreeLSTM)
    iou = x @ W_iou
    iou_s = x @ W_iou_s
    # nary_reduce_func (2 children, so no padding needed)
    h_cat = h_mail.reshape(N, 2 * H)
    f_n = jax.nn.sigmoid(h_cat @ U_f_w + U_f_b).reshape(N, 2, H)
    c_n = jnp.sum(f_n * c_mail, axis=1)
    iou_n = iou + h_cat @ U_iou
    # sum_reduce_func
    h_tild = jnp.sum(h_mail, axis=1)
    f_s = jax.nn.sigmoid(h_mail @ U_f_s_w + U_f_s_b)
    c_sm = jnp.sum(f_s * c_mail, axis=1)
    iou_sm = iou_s + h_tild @ U_iou_s
    # per-node type mix (replaces python-loop scatter/gather with vectorized select)
    tmask = (t == 1)[:, None]
    iou_r = jnp.where(tmask, iou_sm, iou_n)
    c_r = jnp.where(tmask, c_sm, c_n)
    # apply_node_func with type-dependent bias
    b = jnp.where(tmask, b_iou_s, b_iou)
    iou_total = iou_r + b
    i, o, u = jnp.split(iou_total, 3, axis=1)
    c_out = jax.nn.sigmoid(i) * jnp.tanh(u) + c_r
    h_out = jax.nn.sigmoid(o) * jnp.tanh(c_out)
    return (h_out, c_out)

if __name__ == "__main__":
    import jax
    _d = setup_inputs()
    print(jax.jit(kernel)(*tuple(_d.values())))

</pallas_src>

<mosaic_0001>
#map = affine_map<(d0, d1) -> (0, 0)>
#map1 = affine_map<(d0, d1) -> (0)>
module attributes {stable_mosaic.version = 14 : i64} {
  func.func @_gather_body(%arg0: i32, %arg1: i32, %arg2: memref<100000x128xf32, #tpu.memory_space<hbm>>, %arg3: memref<20480xi32, #tpu.memory_space<hbm>>, %arg4: memref<20480xi32, #tpu.memory_space<hbm>>, %arg5: memref<20480x128xf32, #tpu.memory_space<hbm>>, %arg6: memref<20480x128xf32, #tpu.memory_space<hbm>>, %arg7: memref<1280xi32, #tpu.memory_space<vmem>>, %arg8: memref<256x128xf32, #tpu.memory_space<vmem>>, %arg9: memref<!tpu.dma_semaphore, #tpu.memory_space<semaphore_mem>>, %arg10: memref<!tpu.dma_semaphore, #tpu.memory_space<semaphore_mem>>, %arg11: memref<!tpu.dma_semaphore, #tpu.memory_space<semaphore_mem>>, %arg12: memref<!tpu.dma_semaphore, #tpu.memory_space<semaphore_mem>>) attributes {dimension_semantics = [#tpu.dimension_semantics<core_parallel>, #tpu.dimension_semantics<subcore_parallel>], iteration_bounds = array<i64: 2, 16>, scalar_prefetch = 0 : i64, scratch_operands = 6 : i64, tpu.core_type = #tpu.core_type<sc_vector_subcore>, window_params = [{transform_indices = #map}, {transform_indices = #map1}, {transform_indices = #map1}, {transform_indices = #map}, {transform_indices = #map}]} {
    %mul3A = arith.constant 2 : i32
    %mul3A_0 = arith.muli %arg1, %mul3A : i32
    %add3A = arith.addi %mul3A_0, %arg0 : i32
    %lt3A = arith.constant 16 : i32
    %lt3A_1 = arith.cmpi slt, %add3A, %lt3A : i32
    %convert_element_type3A = arith.extui %lt3A_1 : i1 to i32
    %cond3A = arith.constant 0 : i32
    %cond3A_2 = arith.cmpi ne, %convert_element_type3A, %cond3A : i32
    scf.if %cond3A_2 {
      %mul3A_7 = arith.constant 10 : i32
      %mul3A_8 = arith.muli %add3A, %mul3A_7 : i32
      %mul3A_9 = arith.constant 128 : i32
      %mul3A_10 = arith.muli %mul3A_8, %mul3A_9 : i32
      "tpu.region"() ({
        %run_scoped3A = tpu.sem_alloc : memref<!tpu.dma_semaphore, #tpu.memory_space<semaphore_mem>>
        %dma_start3A_34 = tpu.memref_slice %arg3[%mul3A_10] : memref<20480xi32, #tpu.memory_space<hbm>> -> memref<1280xi32, #tpu.memory_space<hbm>>
        %dma_start3A_35 = tpu.memref_slice %arg3[%mul3A_10] : memref<20480xi32, #tpu.memory_space<hbm>> -> memref<1280xi32, #tpu.memory_space<hbm>>
        tpu.enqueue_dma source(%dma_start3A_35 : memref<1280xi32, #tpu.memory_space<hbm>>) target(%arg7 : memref<1280xi32, #tpu.memory_space<vmem>>) target_semaphore(%run_scoped3A : memref<!tpu.dma_semaphore, #tpu.memory_space<semaphore_mem>>)
        %dma_wait3A_36 = tpu.memref_slice %arg3[%mul3A_10] : memref<20480xi32, #tpu.memory_space<hbm>> -> memref<1280xi32, #tpu.memory_space<hbm>>
        %dma_wait3A_37 = tpu.memref_slice %arg3[%mul3A_10] : memref<20480xi32, #tpu.memory_space<hbm>> -> memref<1280xi32, #tpu.memory_space<hbm>>
        tpu.wait_dma2 semaphore(%run_scoped3A : memref<!tpu.dma_semaphore, #tpu.memory_space<semaphore_mem>>) src(%dma_wait3A_37 : memref<1280xi32, #tpu.memory_space<hbm>>) dst(%arg7 : memref<1280xi32, #tpu.memory_space<vmem>>)
        tpu.yield
      }) : () -> ()
      %dma_start3A = arith.constant 0 : i32
      %dma_start3A_11 = arith.constant 0 : i32
      %dma_start3A_12 = tpu.memref_slice %arg8[%dma_start3A, %dma_start3A_11] : memref<256x128xf32, #tpu.memory_space<vmem>> -> memref<128x128xf32, #tpu.memory_space<vmem>>
      %dma_start3A_13 = arith.constant 0 : i32
      %dma_start3A_14 = tpu.memref_slice %arg7[%dma_start3A_13] : memref<1280xi32, #tpu.memory_space<vmem>> -> memref<128xi32, #tpu.memory_space<vmem>>
      %dma_start3A_15 = arith.constant 0 : i32
      %dma_start3A_16 = arith.constant 0 : i32
      %dma_start3A_17 = tpu.memref_slice %arg2[%dma_start3A_15, %dma_start3A_16] : memref<100000x128xf32, #tpu.memory_space<hbm>> -> memref<100000x128xf32, #tpu.memory_space<hbm>>
      tpu.enqueue_indirect_dma source(%dma_start3A_17 : memref<100000x128xf32, #tpu.memory_space<hbm>>) target(%dma_start3A_12 : memref<128x128xf32, #tpu.memory_space<vmem>>) offsets(%dma_start3A_14 : memref<128xi32, #tpu.memory_space<vmem>>) semaphore(%arg9 : memref<!tpu.dma_semaphore, #tpu.memory_space<semaphore_mem>>)
      %scan3A = arith.constant 0 : i32
      %scan3A_18 = arith.constant 0 : i32
      %scan3A_19 = arith.constant 5 : i32
      %scan3A_20 = arith.addi %scan3A_18, %scan3A_19 : i32
      %scan3A_21 = arith.constant 1 : i32
      scf.for %scan3A_34 = %scan3A_18 to %scan3A_20 step %scan3A_21  : i32 {
        %mul3A_35 = arith.constant 2 : i32
        %mul3A_36 = arith.muli %scan3A_34, %mul3A_35 : i32
        %add3A_37 = arith.constant 0 : i32
        %add3A_38 = arith.addi %mul3A_36, %add3A_37 : i32
        %ge3A_39 = arith.constant 1 : i32
        %ge3A_40 = arith.cmpi sge, %add3A_38, %ge3A_39 : i32
        %convert_element_type3A_41 = arith.extui %ge3A_40 : i1 to i32
        %cond3A_42 = arith.constant 0 : i32
        %cond3A_43 = arith.cmpi ne, %convert_element_type3A_41, %cond3A_42 : i32
        scf.if %cond3A_43 {
          %sub3A = arith.constant 1 : i32
          %sub3A_111 = arith.subi %add3A_38, %sub3A : i32
          %mul3A_112 = arith.constant 128 : i32
          %mul3A_113 = arith.muli %sub3A_111, %mul3A_112 : i32
          %add3A_114 = arith.addi %mul3A_10, %mul3A_113 : i32
          %dma_wait3A_115 = arith.constant 128 : i32
          %dma_wait3A_116 = arith.constant 0 : i32
          %dma_wait3A_117 = tpu.memref_slice %arg8[%dma_wait3A_115, %dma_wait3A_116] : memref<256x128xf32, #tpu.memory_space<vmem>> -> memref<128x128xf32, #tpu.memory_space<vmem>>
          %dma_wait3A_118 = arith.constant 0 : i32
          %dma_wait3A_119 = tpu.memref_slice %arg5[%add3A_114, %dma_wait3A_118] : memref<20480x128xf32, #tpu.memory_space<hbm>> -> memref<128x128xf32, #tpu.memory_space<hbm>>
          %dma_wait3A_120 = arith.constant 0 : i32
          %dma_wait3A_121 = tpu.memref_slice %arg5[%add3A_114, %dma_wait3A_120] : memref<20480x128xf32, #tpu.memory_space<hbm>> -> memref<128x128xf32, #tpu.memory_space<hbm>>
          %dma_wait3A_122 = arith.constant 128 : i32
          %dma_wait3A_123 = arith.constant 0 : i32
          %dma_wait3A_124 = tpu.memref_slice %arg8[%dma_wait3A_122, %dma_wait3A_123] : memref<256x128xf32, #tpu.memory_space<vmem>> -> memref<128x128xf32, #tpu.memory_space<vmem>>
          tpu.wait_dma2 semaphore(%arg12 : memref<!tpu.dma_semaphore, #tpu.memory_space<semaphore_mem>>) src(%dma_wait3A_124 : memref<128x128xf32, #tpu.memory_space<vmem>>) dst(%dma_wait3A_121 : memref<128x128xf32, #tpu.memory_space<hbm>>)
        } else {
        }
        %add3A_44 = arith.constant 1 : i32
        %add3A_45 = arith.addi %add3A_38, %add3A_44 : i32
        %lt3A_46 = arith.constant 10 : i32
        %lt3A_47 = arith.cmpi slt, %add3A_45, %lt3A_46 : i32
        %convert_element_type3A_48 = arith.extui %lt3A_47 : i1 to i32
        %cond3A_49 = arith.constant 0 : i32
        %cond3A_50 = arith.cmpi ne, %convert_element_type3A_48, %cond3A_49 : i32
        scf.if %cond3A_50 {
          %add3A_111 = arith.constant 1 : i32
          %add3A_112 = arith.addi %add3A_38, %add3A_111 : i32
          %mul3A_113 = arith.constant 128 : i32
          %mul3A_114 = arith.muli %add3A_112, %mul3A_113 : i32
          %dma_start3A_115 = arith.constant 128 : i32
          %dma_start3A_116 = arith.constant 0 : i32
          %dma_start3A_117 = tpu.memref_slice %arg8[%dma_start3A_115, %dma_start3A_116] : memref<256x128xf32, #tpu.memory_space<vmem>> -> memref<128x128xf32, #tpu.memory_space<vmem>>
          %dma_start3A_118 = tpu.memref_slice %arg7[%mul3A_114] : memref<1280xi32, #tpu.memory_space<vmem>> -> memref<128xi32, #tpu.memory_space<vmem>>
          %dma_start3A_119 = arith.constant 0 : i32
          %dma_start3A_120 = arith.constant 0 : i32
          %dma_start3A_121 = tpu.memref_slice %arg2[%dma_start3A_119, %dma_start3A_120] : memref<100000x128xf32, #tpu.memory_space<hbm>> -> memref<100000x128xf32, #tpu.memory_space<hbm>>
          tpu.enqueue_indirect_dma source(%dma_start3A_121 : memref<100000x128xf32, #tpu.memory_space<hbm>>) target(%dma_start3A_117 : memref<128x128xf32, #tpu.memory_space<vmem>>) offsets(%dma_start3A_118 : memref<128xi32, #tpu.memory_space<vmem>>) semaphore(%arg10 : memref<!tpu.dma_semaphore, #tpu.memory_space<semaphore_mem>>)
        } else {
        }
        %mul3A_51 = arith.constant 128 : i32
        %mul3A_52 = arith.muli %add3A_38, %mul3A_51 : i32
        %dma_wait3A_53 = arith.constant 0 : i32
        %dma_wait3A_54 = arith.constant 0 : i32
        %dma_wait3A_55 = tpu.memref_slice %arg8[%dma_wait3A_53, %dma_wait3A_54] : memref<256x128xf32, #tpu.memory_space<vmem>> -> memref<128x128xf32, #tpu.memory_space<vmem>>
        %dma_wait3A_56 = tpu.memref_slice %arg7[%mul3A_52] : memref<1280xi32, #tpu.memory_space<vmem>> -> memref<128xi32, #tpu.memory_space<vmem>>
        %dma_wait3A_57 = arith.constant 0 : i32
        %dma_wait3A_58 = arith.constant 0 : i32
        %dma_wait3A_59 = tpu.memref_slice %arg2[%dma_wait3A_57, %dma_wait3A_58] : memref<100000x128xf32, #tpu.memory_space<hbm>> -> memref<100000x128xf32, #tpu.memory_space<hbm>>
        tpu.wait_indirect_dma semaphore(%arg9 : memref<!tpu.dma_semaphore, #tpu.memory_space<semaphore_mem>>) src(%dma_wait3A_59 : memref<100000x128xf32, #tpu.memory_space<hbm>>) dst(%dma_wait3A_55 : memref<128x128xf32, #tpu.memory_space<vmem>>)
        %mul3A_60 = arith.constant 128 : i32
        %mul3A_61 = arith.muli %add3A_38, %mul3A_60 : i32
        %add3A_62 = arith.addi %mul3A_10, %mul3A_61 : i32
        %dma_start3A_63 = arith.constant 0 : i32
        %dma_start3A_64 = arith.constant 0 : i32
        %dma_start3A_65 = tpu.memref_slice %arg8[%dma_start3A_63, %dma_start3A_64] : memref<256x128xf32, #tpu.memory_space<vmem>> -> memref<128x128xf32, #tpu.memory_space<vmem>>
        %dma_start3A_66 = arith.constant 0 : i32
        %dma_start3A_67 = tpu.memref_slice %arg5[%add3A_62, %dma_start3A_66] : memref<20480x128xf32, #tpu.memory_space<hbm>> -> memref<128x128xf32, #tpu.memory_space<hbm>>
        %dma_start3A_68 = arith.constant 0 : i32
        %dma_start3A_69 = tpu.memref_slice %arg5[%add3A_62, %dma_start3A_68] : memref<20480x128xf32, #tpu.memory_space<hbm>> -> memref<128x128xf32, #tpu.memory_space<hbm>>
        %dma_start3A_70 = arith.constant 0 : i32
        %dma_start3A_71 = arith.constant 0 : i32
        %dma_start3A_72 = tpu.memref_slice %arg8[%dma_start3A_70, %dma_start3A_71] : memref<256x128xf32, #tpu.memory_space<vmem>> -> memref<128x128xf32, #tpu.memory_space<vmem>>
        tpu.enqueue_dma source(%dma_start3A_72 : memref<128x128xf32, #tpu.memory_space<vmem>>) target(%dma_start3A_69 : memref<128x128xf32, #tpu.memory_space<hbm>>) target_semaphore(%arg11 : memref<!tpu.dma_semaphore, #tpu.memory_space<semaphore_mem>>)
        %mul3A_73 = arith.constant 2 : i32
        %mul3A_74 = arith.muli %scan3A_34, %mul3A_73 : i32
        %add3A_75 = arith.constant 1 : i32
        %add3A_76 = arith.addi %mul3A_74, %add3A_75 : i32
        %ge3A_77 = arith.constant 1 : i32
        %ge3A_78 = arith.cmpi sge, %add3A_76, %ge3A_77 : i32
        %convert_element_type3A_79 = arith.extui %ge3A_78 : i1 to i32
        %cond3A_80 = arith.constant 0 : i32
        %cond3A_81 = arith.cmpi ne, %convert_element_type3A_79, %cond3A_80 : i32
        scf.if %cond3A_81 {
          %sub3A = arith.constant 1 : i32
          %sub3A_111 = arith.subi %add3A_76, %sub3A : i32
          %mul3A_112 = arith.constant 128 : i32
          %mul3A_113 = arith.muli %sub3A_111, %mul3A_112 : i32
          %add3A_114 = arith.addi %mul3A_10, %mul3A_113 : i32
          %dma_wait3A_115 = arith.constant 0 : i32
          %dma_wait3A_116 = arith.constant 0 : i32
          %dma_wait3A_117 = tpu.memref_slice %arg8[%dma_wait3A_115, %dma_wait3A_116] : memref<256x128xf32, #tpu.memory_space<vmem>> -> memref<128x128xf32, #tpu.memory_space<vmem>>
          %dma_wait3A_118 = arith.constant 0 : i32
          %dma_wait3A_119 = tpu.memref_slice %arg5[%add3A_114, %dma_wait3A_118] : memref<20480x128xf32, #tpu.memory_space<hbm>> -> memref<128x128xf32, #tpu.memory_space<hbm>>
          %dma_wait3A_120 = arith.constant 0 : i32
          %dma_wait3A_121 = tpu.memref_slice %arg5[%add3A_114, %dma_wait3A_120] : memref<20480x128xf32, #tpu.memory_space<hbm>> -> memref<128x128xf32, #tpu.memory_space<hbm>>
          %dma_wait3A_122 = arith.constant 0 : i32
          %dma_wait3A_123 = arith.constant 0 : i32
          %dma_wait3A_124 = tpu.memref_slice %arg8[%dma_wait3A_122, %dma_wait3A_123] : memref<256x128xf32, #tpu.memory_space<vmem>> -> memref<128x128xf32, #tpu.memory_space<vmem>>
          tpu.wait_dma2 semaphore(%arg11 : memref<!tpu.dma_semaphore, #tpu.memory_space<semaphore_mem>>) src(%dma_wait3A_124 : memref<128x128xf32, #tpu.memory_space<vmem>>) dst(%dma_wait3A_121 : memref<128x128xf32, #tpu.memory_space<hbm>>)
        } else {
        }
        %add3A_82 = arith.constant 1 : i32
        %add3A_83 = arith.addi %add3A_76, %add3A_82 : i32
        %lt3A_84 = arith.constant 10 : i32
        %lt3A_85 = arith.cmpi slt, %add3A_83, %lt3A_84 : i32
        %convert_element_type3A_86 = arith.extui %lt3A_85 : i1 to i32
        %cond3A_87 = arith.constant 0 : i32
        %cond3A_88 = arith.cmpi ne, %convert_element_type3A_86, %cond3A_87 : i32
        scf.if %cond3A_88 {
          %add3A_111 = arith.constant 1 : i32
          %add3A_112 = arith.addi %add3A_76, %add3A_111 : i32
          %mul3A_113 = arith.constant 128 : i32
          %mul3A_114 = arith.muli %add3A_112, %mul3A_113 : i32
          %dma_start3A_115 = arith.constant 0 : i32
          %dma_start3A_116 = arith.constant 0 : i32
          %dma_start3A_117 = tpu.memref_slice %arg8[%dma_start3A_115, %dma_start3A_116] : memref<256x128xf32, #tpu.memory_space<vmem>> -> memref<128x128xf32, #tpu.memory_space<vmem>>
          %dma_start3A_118 = tpu.memref_slice %arg7[%mul3A_114] : memref<1280xi32, #tpu.memory_space<vmem>> -> memref<128xi32, #tpu.memory_space<vmem>>
          %dma_start3A_119 = arith.constant 0 : i32
          %dma_start3A_120 = arith.constant 0 : i32
          %dma_start3A_121 = tpu.memref_slice %arg2[%dma_start3A_119, %dma_start3A_120] : memref<100000x128xf32, #tpu.memory_space<hbm>> -> memref<100000x128xf32, #tpu.memory_space<hbm>>
          tpu.enqueue_indirect_dma source(%dma_start3A_121 : memref<100000x128xf32, #tpu.memory_space<hbm>>) target(%dma_start3A_117 : memref<128x128xf32, #tpu.memory_space<vmem>>) offsets(%dma_start3A_118 : memref<128xi32, #tpu.memory_space<vmem>>) semaphore(%arg9 : memref<!tpu.dma_semaphore, #tpu.memory_space<semaphore_mem>>)
        } else {
        }
        %mul3A_89 = arith.constant 128 : i32
        %mul3A_90 = arith.muli %add3A_76, %mul3A_89 : i32
        %dma_wait3A_91 = arith.constant 128 : i32
        %dma_wait3A_92 = arith.constant 0 : i32
        %dma_wait3A_93 = tpu.memref_slice %arg8[%dma_wait3A_91, %dma_wait3A_92] : memref<256x128xf32, #tpu.memory_space<vmem>> -> memref<128x128xf32, #tpu.memory_space<vmem>>
        %dma_wait3A_94 = tpu.memref_slice %arg7[%mul3A_90] : memref<1280xi32, #tpu.memory_space<vmem>> -> memref<128xi32, #tpu.memory_space<vmem>>
        %dma_wait3A_95 = arith.constant 0 : i32
        %dma_wait3A_96 = arith.constant 0 : i32
        %dma_wait3A_97 = tpu.memref_slice %arg2[%dma_wait3A_95, %dma_wait3A_96] : memref<100000x128xf32, #tpu.memory_space<hbm>> -> memref<100000x128xf32, #tpu.memory_space<hbm>>
        tpu.wait_indirect_dma semaphore(%arg10 : memref<!tpu.dma_semaphore, #tpu.memory_space<semaphore_mem>>) src(%dma_wait3A_97 : memref<100000x128xf32, #tpu.memory_space<hbm>>) dst(%dma_wait3A_93 : memref<128x128xf32, #tpu.memory_space<vmem>>)
        %mul3A_98 = arith.constant 128 : i32
        %mul3A_99 = arith.muli %add3A_76, %mul3A_98 : i32
        %add3A_100 = arith.addi %mul3A_10, %mul3A_99 : i32
        %dma_start3A_101 = arith.constant 128 : i32
        %dma_start3A_102 = arith.constant 0 : i32
        %dma_start3A_103 = tpu.memref_slice %arg8[%dma_start3A_101, %dma_start3A_102] : memref<256x128xf32, #tpu.memory_space<vmem>> -> memref<128x128xf32, #tpu.memory_space<vmem>>
        %dma_start3A_104 = arith.constant 0 : i32
        %dma_start3A_105 = tpu.memref_slice %arg5[%add3A_100, %dma_start3A_104] : memref<20480x128xf32, #tpu.memory_space<hbm>> -> memref<128x128xf32, #tpu.memory_space<hbm>>
        %dma_start3A_106 = arith.constant 0 : i32
        %dma_start3A_107 = tpu.memref_slice %arg5[%add3A_100, %dma_start3A_106] : memref<20480x128xf32, #tpu.memory_space<hbm>> -> memref<128x128xf32, #tpu.memory_space<hbm>>
        %dma_start3A_108 = arith.constant 128 : i32
        %dma_start3A_109 = arith.constant 0 : i32
        %dma_start3A_110 = tpu.memref_slice %arg8[%dma_start3A_108, %dma_start3A_109] : memref<256x128xf32, #tpu.memory_space<vmem>> -> memref<128x128xf32, #tpu.memory_space<vmem>>
        tpu.enqueue_dma source(%dma_start3A_110 : memref<128x128xf32, #tpu.memory_space<vmem>>) target(%dma_start3A_107 : memref<128x128xf32, #tpu.memory_space<hbm>>) target_semaphore(%arg12 : memref<!tpu.dma_semaphore, #tpu.memory_space<semaphore_mem>>)
      }
      %scan3A_22 = arith.constant 5 : i32
      %add3A_23 = arith.constant 1152 : i32
      %add3A_24 = arith.addi %mul3A_10, %add3A_23 : i32
      %dma_wait3A = arith.constant 128 : i32
      %dma_wait3A_25 = arith.constant 0 : i32
      %dma_wait3A_26 = tpu.memref_slice %arg8[%dma_wait3A, %dma_wait3A_25] : memref<256x128xf32, #tpu.memory_space<vmem>> -> memref<128x128xf32, #tpu.memory_space<vmem>>
      %dma_wait3A_27 = arith.constant 0 : i32
      %dma_wait3A_28 = tpu.memref_slice %arg5[%add3A_24, %dma_wait3A_27] : memref<20480x128xf32, #tpu.memory_space<hbm>> -> memref<128x128xf32, #tpu.memory_space<hbm>>
      %dma_wait3A_29 = arith.constant 0 : i32
      %dma_wait3A_30 = tpu.memref_slice %arg5[%add3A_24, %dma_wait3A_29] : memref<20480x128xf32, #tpu.memory_space<hbm>> -> memref<128x128xf32, #tpu.memory_space<hbm>>
      %dma_wait3A_31 = arith.constant 128 : i32
      %dma_wait3A_32 = arith.constant 0 : i32
      %dma_wait3A_33 = tpu.memref_slice %arg8[%dma_wait3A_31, %dma_wait3A_32] : memref<256x128xf32, #tpu.memory_space<vmem>> -> memref<128x128xf32, #tpu.memory_space<vmem>>
      tpu.wait_dma2 semaphore(%arg12 : memref<!tpu.dma_semaphore, #tpu.memory_space<semaphore_mem>>) src(%dma_wait3A_33 : memref<128x128xf32, #tpu.memory_space<vmem>>) dst(%dma_wait3A_30 : memref<128x128xf32, #tpu.memory_space<hbm>>)
    } else {
    }
    %ge3A = arith.constant 16 : i32
    %ge3A_3 = arith.cmpi sge, %add3A, %ge3A : i32
    %convert_element_type3A_4 = arith.extui %ge3A_3 : i1 to i32
    %cond3A_5 = arith.constant 0 : i32
    %cond3A_6 = arith.cmpi ne, %convert_element_type3A_4, %cond3A_5 : i32
    scf.if %cond3A_6 {
      %sub3A = arith.constant 16 : i32
      %sub3A_7 = arith.subi %add3A, %sub3A : i32
      %mul3A_8 = arith.constant 10 : i32
      %mul3A_9 = arith.muli %sub3A_7, %mul3A_8 : i32
      %mul3A_10 = arith.constant 128 : i32
      %mul3A_11 = arith.muli %mul3A_9, %mul3A_10 : i32
      "tpu.region"() ({
        %run_scoped3A = tpu.sem_alloc : memref<!tpu.dma_semaphore, #tpu.memory_space<semaphore_mem>>
        %dma_start3A_35 = tpu.memref_slice %arg4[%mul3A_11] : memref<20480xi32, #tpu.memory_space<hbm>> -> memref<1280xi32, #tpu.memory_space<hbm>>
        %dma_start3A_36 = tpu.memref_slice %arg4[%mul3A_11] : memref<20480xi32, #tpu.memory_space<hbm>> -> memref<1280xi32, #tpu.memory_space<hbm>>
        tpu.enqueue_dma source(%dma_start3A_36 : memref<1280xi32, #tpu.memory_space<hbm>>) target(%arg7 : memref<1280xi32, #tpu.memory_space<vmem>>) target_semaphore(%run_scoped3A : memref<!tpu.dma_semaphore, #tpu.memory_space<semaphore_mem>>)
        %dma_wait3A_37 = tpu.memref_slice %arg4[%mul3A_11] : memref<20480xi32, #tpu.memory_space<hbm>> -> memref<1280xi32, #tpu.memory_space<hbm>>
        %dma_wait3A_38 = tpu.memref_slice %arg4[%mul3A_11] : memref<20480xi32, #tpu.memory_space<hbm>> -> memref<1280xi32, #tpu.memory_space<hbm>>
        tpu.wait_dma2 semaphore(%run_scoped3A : memref<!tpu.dma_semaphore, #tpu.memory_space<semaphore_mem>>) src(%dma_wait3A_38 : memref<1280xi32, #tpu.memory_space<hbm>>) dst(%arg7 : memref<1280xi32, #tpu.memory_space<vmem>>)
        tpu.yield
      }) : () -> ()
      %dma_start3A = arith.constant 0 : i32
      %dma_start3A_12 = arith.constant 0 : i32
      %dma_start3A_13 = tpu.memref_slice %arg8[%dma_start3A, %dma_start3A_12] : memref<256x128xf32, #tpu.memory_space<vmem>> -> memref<128x128xf32, #tpu.memory_space<vmem>>
      %dma_start3A_14 = arith.constant 0 : i32
      %dma_start3A_15 = tpu.memref_slice %arg7[%dma_start3A_14] : memref<1280xi32, #tpu.memory_space<vmem>> -> memref<128xi32, #tpu.memory_space<vmem>>
      %dma_start3A_16 = arith.constant 0 : i32
      %dma_start3A_17 = arith.constant 0 : i32
      %dma_start3A_18 = tpu.memref_slice %arg2[%dma_start3A_16, %dma_start3A_17] : memref<100000x128xf32, #tpu.memory_space<hbm>> -> memref<100000x128xf32, #tpu.memory_space<hbm>>
      tpu.enqueue_indirect_dma source(%dma_start3A_18 : memref<100000x128xf32, #tpu.memory_space<hbm>>) target(%dma_start3A_13 : memref<128x128xf32, #tpu.memory_space<vmem>>) offsets(%dma_start3A_15 : memref<128xi32, #tpu.memory_space<vmem>>) semaphore(%arg9 : memref<!tpu.dma_semaphore, #tpu.memory_space<semaphore_mem>>)
      %scan3A = arith.constant 0 : i32
      %scan3A_19 = arith.constant 0 : i32
      %scan3A_20 = arith.constant 5 : i32
      %scan3A_21 = arith.addi %scan3A_19, %scan3A_20 : i32
      %scan3A_22 = arith.constant 1 : i32
      scf.for %scan3A_35 = %scan3A_19 to %scan3A_21 step %scan3A_22  : i32 {
        %mul3A_36 = arith.constant 2 : i32
        %mul3A_37 = arith.muli %scan3A_35, %mul3A_36 : i32
        %add3A_38 = arith.constant 0 : i32
        %add3A_39 = arith.addi %mul3A_37, %add3A_38 : i32
        %ge3A_40 = arith.constant 1 : i32
        %ge3A_41 = arith.cmpi sge, %add3A_39, %ge3A_40 : i32
        %convert_element_type3A_42 = arith.extui %ge3A_41 : i1 to i32
        %cond3A_43 = arith.constant 0 : i32
        %cond3A_44 = arith.cmpi ne, %convert_element_type3A_42, %cond3A_43 : i32
        scf.if %cond3A_44 {
          %sub3A_112 = arith.constant 1 : i32
          %sub3A_113 = arith.subi %add3A_39, %sub3A_112 : i32
          %mul3A_114 = arith.constant 128 : i32
          %mul3A_115 = arith.muli %sub3A_113, %mul3A_114 : i32
          %add3A_116 = arith.addi %mul3A_11, %mul3A_115 : i32
          %dma_wait3A_117 = arith.constant 128 : i32
          %dma_wait3A_118 = arith.constant 0 : i32
          %dma_wait3A_119 = tpu.memref_slice %arg8[%dma_wait3A_117, %dma_wait3A_118] : memref<256x128xf32, #tpu.memory_space<vmem>> -> memref<128x128xf32, #tpu.memory_space<vmem>>
          %dma_wait3A_120 = arith.constant 0 : i32
          %dma_wait3A_121 = tpu.memref_slice %arg6[%add3A_116, %dma_wait3A_120] : memref<20480x128xf32, #tpu.memory_space<hbm>> -> memref<128x128xf32, #tpu.memory_space<hbm>>
          %dma_wait3A_122 = arith.constant 0 : i32
          %dma_wait3A_123 = tpu.memref_slice %arg6[%add3A_116, %dma_wait3A_122] : memref<20480x128xf32, #tpu.memory_space<hbm>> -> memref<128x128xf32, #tpu.memory_space<hbm>>
          %dma_wait3A_124 = arith.constant 128 : i32
          %dma_wait3A_125 = arith.constant 0 : i32
          %dma_wait3A_126 = tpu.memref_slice %arg8[%dma_wait3A_124, %dma_wait3A_125] : memref<256x128xf32, #tpu.memory_space<vmem>> -> memref<128x128xf32, #tpu.memory_space<vmem>>
          tpu.wait_dma2 semaphore(%arg12 : memref<!tpu.dma_semaphore, #tpu.memory_space<semaphore_mem>>) src(%dma_wait3A_126 : memref<128x128xf32, #tpu.memory_space<vmem>>) dst(%dma_wait3A_123 : memref<128x128xf32, #tpu.memory_space<hbm>>)
        } else {
        }
        %add3A_45 = arith.constant 1 : i32
        %add3A_46 = arith.addi %add3A_39, %add3A_45 : i32
        %lt3A_47 = arith.constant 10 : i32
        %lt3A_48 = arith.cmpi slt, %add3A_46, %lt3A_47 : i32
        %convert_element_type3A_49 = arith.extui %lt3A_48 : i1 to i32
        %cond3A_50 = arith.constant 0 : i32
        %cond3A_51 = arith.cmpi ne, %convert_element_type3A_49, %cond3A_50 : i32
        scf.if %cond3A_51 {
          %add3A_112 = arith.constant 1 : i32
          %add3A_113 = arith.addi %add3A_39, %add3A_112 : i32
          %mul3A_114 = arith.constant 128 : i32
          %mul3A_115 = arith.muli %add3A_113, %mul3A_114 : i32
          %dma_start3A_116 = arith.constant 128 : i32
          %dma_start3A_117 = arith.constant 0 : i32
          %dma_start3A_118 = tpu.memref_slice %arg8[%dma_start3A_116, %dma_start3A_117] : memref<256x128xf32, #tpu.memory_space<vmem>> -> memref<128x128xf32, #tpu.memory_space<vmem>>
          %dma_start3A_119 = tpu.memref_slice %arg7[%mul3A_115] : memref<1280xi32, #tpu.memory_space<vmem>> -> memref<128xi32, #tpu.memory_space<vmem>>
          %dma_start3A_120 = arith.constant 0 : i32
          %dma_start3A_121 = arith.constant 0 : i32
          %dma_start3A_122 = tpu.memref_slice %arg2[%dma_start3A_120, %dma_start3A_121] : memref<100000x128xf32, #tpu.memory_space<hbm>> -> memref<100000x128xf32, #tpu.memory_space<hbm>>
          tpu.enqueue_indirect_dma source(%dma_start3A_122 : memref<100000x128xf32, #tpu.memory_space<hbm>>) target(%dma_start3A_118 : memref<128x128xf32, #tpu.memory_space<vmem>>) offsets(%dma_start3A_119 : memref<128xi32, #tpu.memory_space<vmem>>) semaphore(%arg10 : memref<!tpu.dma_semaphore, #tpu.memory_space<semaphore_mem>>)
        } else {
        }
        %mul3A_52 = arith.constant 128 : i32
        %mul3A_53 = arith.muli %add3A_39, %mul3A_52 : i32
        %dma_wait3A_54 = arith.constant 0 : i32
        %dma_wait3A_55 = arith.constant 0 : i32
        %dma_wait3A_56 = tpu.memref_slice %arg8[%dma_wait3A_54, %dma_wait3A_55] : memref<256x128xf32, #tpu.memory_space<vmem>> -> memref<128x128xf32, #tpu.memory_space<vmem>>
        %dma_wait3A_57 = tpu.memref_slice %arg7[%mul3A_53] : memref<1280xi32, #tpu.memory_space<vmem>> -> memref<128xi32, #tpu.memory_space<vmem>>
        %dma_wait3A_58 = arith.constant 0 : i32
        %dma_wait3A_59 = arith.constant 0 : i32
        %dma_wait3A_60 = tpu.memref_slice %arg2[%dma_wait3A_58, %dma_wait3A_59] : memref<100000x128xf32, #tpu.memory_space<hbm>> -> memref<100000x128xf32, #tpu.memory_space<hbm>>
        tpu.wait_indirect_dma semaphore(%arg9 : memref<!tpu.dma_semaphore, #tpu.memory_space<semaphore_mem>>) src(%dma_wait3A_60 : memref<100000x128xf32, #tpu.memory_space<hbm>>) dst(%dma_wait3A_56 : memref<128x128xf32, #tpu.memory_space<vmem>>)
        %mul3A_61 = arith.constant 128 : i32
        %mul3A_62 = arith.muli %add3A_39, %mul3A_61 : i32
        %add3A_63 = arith.addi %mul3A_11, %mul3A_62 : i32
        %dma_start3A_64 = arith.constant 0 : i32
        %dma_start3A_65 = arith.constant 0 : i32
        %dma_start3A_66 = tpu.memref_slice %arg8[%dma_start3A_64, %dma_start3A_65] : memref<256x128xf32, #tpu.memory_space<vmem>> -> memref<128x128xf32, #tpu.memory_space<vmem>>
        %dma_start3A_67 = arith.constant 0 : i32
        %dma_start3A_68 = tpu.memref_slice %arg6[%add3A_63, %dma_start3A_67] : memref<20480x128xf32, #tpu.memory_space<hbm>> -> memref<128x128xf32, #tpu.memory_space<hbm>>
        %dma_start3A_69 = arith.constant 0 : i32
        %dma_start3A_70 = tpu.memref_slice %arg6[%add3A_63, %dma_start3A_69] : memref<20480x128xf32, #tpu.memory_space<hbm>> -> memref<128x128xf32, #tpu.memory_space<hbm>>
        %dma_start3A_71 = arith.constant 0 : i32
        %dma_start3A_72 = arith.constant 0 : i32
        %dma_start3A_73 = tpu.memref_slice %arg8[%dma_start3A_71, %dma_start3A_72] : memref<256x128xf32, #tpu.memory_space<vmem>> -> memref<128x128xf32, #tpu.memory_space<vmem>>
        tpu.enqueue_dma source(%dma_start3A_73 : memref<128x128xf32, #tpu.memory_space<vmem>>) target(%dma_start3A_70 : memref<128x128xf32, #tpu.memory_space<hbm>>) target_semaphore(%arg11 : memref<!tpu.dma_semaphore, #tpu.memory_space<semaphore_mem>>)
        %mul3A_74 = arith.constant 2 : i32
        %mul3A_75 = arith.muli %scan3A_35, %mul3A_74 : i32
        %add3A_76 = arith.constant 1 : i32
        %add3A_77 = arith.addi %mul3A_75, %add3A_76 : i32
        %ge3A_78 = arith.constant 1 : i32
        %ge3A_79 = arith.cmpi sge, %add3A_77, %ge3A_78 : i32
        %convert_element_type3A_80 = arith.extui %ge3A_79 : i1 to i32
        %cond3A_81 = arith.constant 0 : i32
        %cond3A_82 = arith.cmpi ne, %convert_element_type3A_80, %cond3A_81 : i32
        scf.if %cond3A_82 {
          %sub3A_112 = arith.constant 1 : i32
          %sub3A_113 = arith.subi %add3A_77, %sub3A_112 : i32
          %mul3A_114 = arith.constant 128 : i32
          %mul3A_115 = arith.muli %sub3A_113, %mul3A_114 : i32
          %add3A_116 = arith.addi %mul3A_11, %mul3A_115 : i32
          %dma_wait3A_117 = arith.constant 0 : i32
          %dma_wait3A_118 = arith.constant 0 : i32
          %dma_wait3A_119 = tpu.memref_slice %arg8[%dma_wait3A_117, %dma_wait3A_118] : memref<256x128xf32, #tpu.memory_space<vmem>> -> memref<128x128xf32, #tpu.memory_space<vmem>>
          %dma_wait3A_120 = arith.constant 0 : i32
          %dma_wait3A_121 = tpu.memref_slice %arg6[%add3A_116, %dma_wait3A_120] : memref<20480x128xf32, #tpu.memory_space<hbm>> -> memref<128x128xf32, #tpu.memory_space<hbm>>
          %dma_wait3A_122 = arith.constant 0 : i32
          %dma_wait3A_123 = tpu.memref_slice %arg6[%add3A_116, %dma_wait3A_122] : memref<20480x128xf32, #tpu.memory_space<hbm>> -> memref<128x128xf32, #tpu.memory_space<hbm>>
          %dma_wait3A_124 = arith.constant 0 : i32
          %dma_wait3A_125 = arith.constant 0 : i32
          %dma_wait3A_126 = tpu.memref_slice %arg8[%dma_wait3A_124, %dma_wait3A_125] : memref<256x128xf32, #tpu.memory_space<vmem>> -> memref<128x128xf32, #tpu.memory_space<vmem>>
          tpu.wait_dma2 semaphore(%arg11 : memref<!tpu.dma_semaphore, #tpu.memory_space<semaphore_mem>>) src(%dma_wait3A_126 : memref<128x128xf32, #tpu.memory_space<vmem>>) dst(%dma_wait3A_123 : memref<128x128xf32, #tpu.memory_space<hbm>>)
        } else {
        }
        %add3A_83 = arith.constant 1 : i32
        %add3A_84 = arith.addi %add3A_77, %add3A_83 : i32
        %lt3A_85 = arith.constant 10 : i32
        %lt3A_86 = arith.cmpi slt, %add3A_84, %lt3A_85 : i32
        %convert_element_type3A_87 = arith.extui %lt3A_86 : i1 to i32
        %cond3A_88 = arith.constant 0 : i32
        %cond3A_89 = arith.cmpi ne, %convert_element_type3A_87, %cond3A_88 : i32
        scf.if %cond3A_89 {
          %add3A_112 = arith.constant 1 : i32
          %add3A_113 = arith.addi %add3A_77, %add3A_112 : i32
          %mul3A_114 = arith.constant 128 : i32
          %mul3A_115 = arith.muli %add3A_113, %mul3A_114 : i32
          %dma_start3A_116 = arith.constant 0 : i32
          %dma_start3A_117 = arith.constant 0 : i32
          %dma_start3A_118 = tpu.memref_slice %arg8[%dma_start3A_116, %dma_start3A_117] : memref<256x128xf32, #tpu.memory_space<vmem>> -> memref<128x128xf32, #tpu.memory_space<vmem>>
          %dma_start3A_119 = tpu.memref_slice %arg7[%mul3A_115] : memref<1280xi32, #tpu.memory_space<vmem>> -> memref<128xi32, #tpu.memory_space<vmem>>
          %dma_start3A_120 = arith.constant 0 : i32
          %dma_start3A_121 = arith.constant 0 : i32
          %dma_start3A_122 = tpu.memref_slice %arg2[%dma_start3A_120, %dma_start3A_121] : memref<100000x128xf32, #tpu.memory_space<hbm>> -> memref<100000x128xf32, #tpu.memory_space<hbm>>
          tpu.enqueue_indirect_dma source(%dma_start3A_122 : memref<100000x128xf32, #tpu.memory_space<hbm>>) target(%dma_start3A_118 : memref<128x128xf32, #tpu.memory_space<vmem>>) offsets(%dma_start3A_119 : memref<128xi32, #tpu.memory_space<vmem>>) semaphore(%arg9 : memref<!tpu.dma_semaphore, #tpu.memory_space<semaphore_mem>>)
        } else {
        }
        %mul3A_90 = arith.constant 128 : i32
        %mul3A_91 = arith.muli %add3A_77, %mul3A_90 : i32
        %dma_wait3A_92 = arith.constant 128 : i32
        %dma_wait3A_93 = arith.constant 0 : i32
        %dma_wait3A_94 = tpu.memref_slice %arg8[%dma_wait3A_92, %dma_wait3A_93] : memref<256x128xf32, #tpu.memory_space<vmem>> -> memref<128x128xf32, #tpu.memory_space<vmem>>
        %dma_wait3A_95 = tpu.memref_slice %arg7[%mul3A_91] : memref<1280xi32, #tpu.memory_space<vmem>> -> memref<128xi32, #tpu.memory_space<vmem>>
        %dma_wait3A_96 = arith.constant 0 : i32
        %dma_wait3A_97 = arith.constant 0 : i32
        %dma_wait3A_98 = tpu.memref_slice %arg2[%dma_wait3A_96, %dma_wait3A_97] : memref<100000x128xf32, #tpu.memory_space<hbm>> -> memref<100000x128xf32, #tpu.memory_space<hbm>>
        tpu.wait_indirect_dma semaphore(%arg10 : memref<!tpu.dma_semaphore, #tpu.memory_space<semaphore_mem>>) src(%dma_wait3A_98 : memref<100000x128xf32, #tpu.memory_space<hbm>>) dst(%dma_wait3A_94 : memref<128x128xf32, #tpu.memory_space<vmem>>)
        %mul3A_99 = arith.constant 128 : i32
        %mul3A_100 = arith.muli %add3A_77, %mul3A_99 : i32
        %add3A_101 = arith.addi %mul3A_11, %mul3A_100 : i32
        %dma_start3A_102 = arith.constant 128 : i32
        %dma_start3A_103 = arith.constant 0 : i32
        %dma_start3A_104 = tpu.memref_slice %arg8[%dma_start3A_102, %dma_start3A_103] : memref<256x128xf32, #tpu.memory_space<vmem>> -> memref<128x128xf32, #tpu.memory_space<vmem>>
        %dma_start3A_105 = arith.constant 0 : i32
        %dma_start3A_106 = tpu.memref_slice %arg6[%add3A_101, %dma_start3A_105] : memref<20480x128xf32, #tpu.memory_space<hbm>> -> memref<128x128xf32, #tpu.memory_space<hbm>>
        %dma_start3A_107 = arith.constant 0 : i32
        %dma_start3A_108 = tpu.memref_slice %arg6[%add3A_101, %dma_start3A_107] : memref<20480x128xf32, #tpu.memory_space<hbm>> -> memref<128x128xf32, #tpu.memory_space<hbm>>
        %dma_start3A_109 = arith.constant 128 : i32
        %dma_start3A_110 = arith.constant 0 : i32
        %dma_start3A_111 = tpu.memref_slice %arg8[%dma_start3A_109, %dma_start3A_110] : memref<256x128xf32, #tpu.memory_space<vmem>> -> memref<128x128xf32, #tpu.memory_space<vmem>>
        tpu.enqueue_dma source(%dma_start3A_111 : memref<128x128xf32, #tpu.memory_space<vmem>>) target(%dma_start3A_108 : memref<128x128xf32, #tpu.memory_space<hbm>>) target_semaphore(%arg12 : memref<!tpu.dma_semaphore, #tpu.memory_space<semaphore_mem>>)
      }
      %scan3A_23 = arith.constant 5 : i32
      %add3A_24 = arith.constant 1152 : i32
      %add3A_25 = arith.addi %mul3A_11, %add3A_24 : i32
      %dma_wait3A = arith.constant 128 : i32
      %dma_wait3A_26 = arith.constant 0 : i32
      %dma_wait3A_27 = tpu.memref_slice %arg8[%dma_wait3A, %dma_wait3A_26] : memref<256x128xf32, #tpu.memory_space<vmem>> -> memref<128x128xf32, #tpu.memory_space<vmem>>
      %dma_wait3A_28 = arith.constant 0 : i32
      %dma_wait3A_29 = tpu.memref_slice %arg6[%add3A_25, %dma_wait3A_28] : memref<20480x128xf32, #tpu.memory_space<hbm>> -> memref<128x128xf32, #tpu.memory_space<hbm>>
      %dma_wait3A_30 = arith.constant 0 : i32
      %dma_wait3A_31 = tpu.memref_slice %arg6[%add3A_25, %dma_wait3A_30] : memref<20480x128xf32, #tpu.memory_space<hbm>> -> memref<128x128xf32, #tpu.memory_space<hbm>>
      %dma_wait3A_32 = arith.constant 128 : i32
      %dma_wait3A_33 = arith.constant 0 : i32
      %dma_wait3A_34 = tpu.memref_slice %arg8[%dma_wait3A_32, %dma_wait3A_33] : memref<256x128xf32, #tpu.memory_space<vmem>> -> memref<128x128xf32, #tpu.memory_space<vmem>>
      tpu.wait_dma2 semaphore(%arg12 : memref<!tpu.dma_semaphore, #tpu.memory_space<semaphore_mem>>) src(%dma_wait3A_34 : memref<128x128xf32, #tpu.memory_space<vmem>>) dst(%dma_wait3A_31 : memref<128x128xf32, #tpu.memory_space<hbm>>)
    } else {
    }
    return
  }
}

#map = affine_map<(d0, d1) -> (0, 0)>
#map1 = affine_map<(d0, d1) -> (0)>
module attributes {stable_mosaic.version = 14 : i64} {
  func.func @_gather_body(%arg0: i32, %arg1: i32, %arg2: memref<100000x128xf32, #tpu.memory_space<hbm>>, %arg3: memref<20480xi32, #tpu.memory_space<hbm>>, %arg4: memref<20480xi32, #tpu.memory_space<hbm>>, %arg5: memref<20480x128xf32, #tpu.memory_space<hbm>>, %arg6: memref<20480x128xf32, #tpu.memory_space<hbm>>, %arg7: memref<1280xi32, #tpu.memory_space<vmem>>, %arg8: memref<256x128xf32, #tpu.memory_space<vmem>>, %arg9: memref<!tpu.dma_semaphore, #tpu.memory_space<semaphore_mem>>, %arg10: memref<!tpu.dma_semaphore, #tpu.memory_space<semaphore_mem>>, %arg11: memref<!tpu.dma_semaphore, #tpu.memory_space<semaphore_mem>>, %arg12: memref<!tpu.dma_semaphore, #tpu.memory_space<semaphore_mem>>) attributes {dimension_semantics = [#tpu.dimension_semantics<core_parallel>, #tpu.dimension_semantics<subcore_parallel>], iteration_bounds = array<i64: 2, 16>, scalar_prefetch = 0 : i64, scratch_operands = 6 : i64, tpu.core_type = #tpu.core_type<sc_vector_subcore>, window_params = [{transform_indices = #map}, {transform_indices = #map1}, {transform_indices = #map1}, {transform_indices = #map}, {transform_indices = #map}]} {
    %mul3A = arith.constant 2 : i32
    %mul3A_0 = arith.muli %arg1, %mul3A : i32
    %add3A = arith.addi %mul3A_0, %arg0 : i32
    %lt3A = arith.constant 16 : i32
    %lt3A_1 = arith.cmpi slt, %add3A, %lt3A : i32
    %convert_element_type3A = arith.extui %lt3A_1 : i1 to i32
    %cond3A = arith.constant 0 : i32
    %cond3A_2 = arith.cmpi ne, %convert_element_type3A, %cond3A : i32
    scf.if %cond3A_2 {
      %mul3A_7 = arith.constant 10 : i32
      %mul3A_8 = arith.muli %add3A, %mul3A_7 : i32
      %mul3A_9 = arith.constant 128 : i32
      %mul3A_10 = arith.muli %mul3A_8, %mul3A_9 : i32
      "tpu.region"() ({
        %run_scoped3A = tpu.sem_alloc : memref<!tpu.dma_semaphore, #tpu.memory_space<semaphore_mem>>
        %dma_start3A_34 = tpu.memref_slice %arg3[%mul3A_10] : memref<20480xi32, #tpu.memory_space<hbm>> -> memref<1280xi32, #tpu.memory_space<hbm>>
        %dma_start3A_35 = tpu.memref_slice %arg3[%mul3A_10] : memref<20480xi32, #tpu.memory_space<hbm>> -> memref<1280xi32, #tpu.memory_space<hbm>>
        tpu.enqueue_dma source(%dma_start3A_35 : memref<1280xi32, #tpu.memory_space<hbm>>) target(%arg7 : memref<1280xi32, #tpu.memory_space<vmem>>) target_semaphore(%run_scoped3A : memref<!tpu.dma_semaphore, #tpu.memory_space<semaphore_mem>>)
        %dma_wait3A_36 = tpu.memref_slice %arg3[%mul3A_10] : memref<20480xi32, #tpu.memory_space<hbm>> -> memref<1280xi32, #tpu.memory_space<hbm>>
        %dma_wait3A_37 = tpu.memref_slice %arg3[%mul3A_10] : memref<20480xi32, #tpu.memory_space<hbm>> -> memref<1280xi32, #tpu.memory_space<hbm>>
        tpu.wait_dma2 semaphore(%run_scoped3A : memref<!tpu.dma_semaphore, #tpu.memory_space<semaphore_mem>>) src(%dma_wait3A_37 : memref<1280xi32, #tpu.memory_space<hbm>>) dst(%arg7 : memref<1280xi32, #tpu.memory_space<vmem>>)
        tpu.yield
      }) : () -> ()
      %dma_start3A = arith.constant 0 : i32
      %dma_start3A_11 = arith.constant 0 : i32
      %dma_start3A_12 = tpu.memref_slice %arg8[%dma_start3A, %dma_start3A_11] : memref<256x128xf32, #tpu.memory_space<vmem>> -> memref<128x128xf32, #tpu.memory_space<vmem>>
      %dma_start3A_13 = arith.constant 0 : i32
      %dma_start3A_14 = tpu.memref_slice %arg7[%dma_start3A_13] : memref<1280xi32, #tpu.memory_space<vmem>> -> memref<128xi32, #tpu.memory_space<vmem>>
      %dma_start3A_15 = arith.constant 0 : i32
      %dma_start3A_16 = arith.constant 0 : i32
      %dma_start3A_17 = tpu.memref_slice %arg2[%dma_start3A_15, %dma_start3A_16] : memref<100000x128xf32, #tpu.memory_space<hbm>> -> memref<100000x128xf32, #tpu.memory_space<hbm>>
      tpu.enqueue_indirect_dma source(%dma_start3A_17 : memref<100000x128xf32, #tpu.memory_space<hbm>>) target(%dma_start3A_12 : memref<128x128xf32, #tpu.memory_space<vmem>>) offsets(%dma_start3A_14 : memref<128xi32, #tpu.memory_space<vmem>>) semaphore(%arg9 : memref<!tpu.dma_semaphore, #tpu.memory_space<semaphore_mem>>)
      %scan3A = arith.constant 0 : i32
      %scan3A_18 = arith.constant 0 : i32
      %scan3A_19 = arith.constant 5 : i32
      %scan3A_20 = arith.addi %scan3A_18, %scan3A_19 : i32
      %scan3A_21 = arith.constant 1 : i32
      scf.for %scan3A_34 = %scan3A_18 to %scan3A_20 step %scan3A_21  : i32 {
        %mul3A_35 = arith.constant 2 : i32
        %mul3A_36 = arith.muli %scan3A_34, %mul3A_35 : i32
        %add3A_37 = arith.constant 0 : i32
        %add3A_38 = arith.addi %mul3A_36, %add3A_37 : i32
        %ge3A_39 = arith.constant 1 : i32
        %ge3A_40 = arith.cmpi sge, %add3A_38, %ge3A_39 : i32
        %convert_element_type3A_41 = arith.extui %ge3A_40 : i1 to i32
        %cond3A_42 = arith.constant 0 : i32
        %cond3A_43 = arith.cmpi ne, %convert_element_type3A_41, %cond3A_42 : i32
        scf.if %cond3A_43 {
          %sub3A = arith.constant 1 : i32
          %sub3A_111 = arith.subi %add3A_38, %sub3A : i32
          %mul3A_112 = arith.constant 128 : i32
          %mul3A_113 = arith.muli %sub3A_111, %mul3A_112 : i32
          %add3A_114 = arith.addi %mul3A_10, %mul3A_113 : i32
          %dma_wait3A_115 = arith.constant 128 : i32
          %dma_wait3A_116 = arith.constant 0 : i32
          %dma_wait3A_117 = tpu.memref_slice %arg8[%dma_wait3A_115, %dma_wait3A_116] : memref<256x128xf32, #tpu.memory_space<vmem>> -> memref<128x128xf32, #tpu.memory_space<vmem>>
          %dma_wait3A_118 = arith.constant 0 : i32
          %dma_wait3A_119 = tpu.memref_slice %arg5[%add3A_114, %dma_wait3A_118] : memref<20480x128xf32, #tpu.memory_space<hbm>> -> memref<128x128xf32, #tpu.memory_space<hbm>>
          %dma_wait3A_120 = arith.constant 0 : i32
          %dma_wait3A_121 = tpu.memref_slice %arg5[%add3A_114, %dma_wait3A_120] : memref<20480x128xf32, #tpu.memory_space<hbm>> -> memref<128x128xf32, #tpu.memory_space<hbm>>
          %dma_wait3A_122 = arith.constant 128 : i32
          %dma_wait3A_123 = arith.constant 0 : i32
          %dma_wait3A_124 = tpu.memref_slice %arg8[%dma_wait3A_122, %dma_wait3A_123] : memref<256x128xf32, #tpu.memory_space<vmem>> -> memref<128x128xf32, #tpu.memory_space<vmem>>
          tpu.wait_dma2 semaphore(%arg12 : memref<!tpu.dma_semaphore, #tpu.memory_space<semaphore_mem>>) src(%dma_wait3A_124 : memref<128x128xf32, #tpu.memory_space<vmem>>) dst(%dma_wait3A_121 : memref<128x128xf32, #tpu.memory_space<hbm>>)
        } else {
        }
        %add3A_44 = arith.constant 1 : i32
        %add3A_45 = arith.addi %add3A_38, %add3A_44 : i32
        %lt3A_46 = arith.constant 10 : i32
        %lt3A_47 = arith.cmpi slt, %add3A_45, %lt3A_46 : i32
        %convert_element_type3A_48 = arith.extui %lt3A_47 : i1 to i32
        %cond3A_49 = arith.constant 0 : i32
        %cond3A_50 = arith.cmpi ne, %convert_element_type3A_48, %cond3A_49 : i32
        scf.if %cond3A_50 {
          %add3A_111 = arith.constant 1 : i32
          %add3A_112 = arith.addi %add3A_38, %add3A_111 : i32
          %mul3A_113 = arith.constant 128 : i32
          %mul3A_114 = arith.muli %add3A_112, %mul3A_113 : i32
          %dma_start3A_115 = arith.constant 128 : i32
          %dma_start3A_116 = arith.constant 0 : i32
          %dma_start3A_117 = tpu.memref_slice %arg8[%dma_start3A_115, %dma_start3A_116] : memref<256x128xf32, #tpu.memory_space<vmem>> -> memref<128x128xf32, #tpu.memory_space<vmem>>
          %dma_start3A_118 = tpu.memref_slice %arg7[%mul3A_114] : memref<1280xi32, #tpu.memory_space<vmem>> -> memref<128xi32, #tpu.memory_space<vmem>>
          %dma_start3A_119 = arith.constant 0 : i32
          %dma_start3A_120 = arith.constant 0 : i32
          %dma_start3A_121 = tpu.memref_slice %arg2[%dma_start3A_119, %dma_start3A_120] : memref<100000x128xf32, #tpu.memory_space<hbm>> -> memref<100000x128xf32, #tpu.memory_space<hbm>>
          tpu.enqueue_indirect_dma source(%dma_start3A_121 : memref<100000x128xf32, #tpu.memory_space<hbm>>) target(%dma_start3A_117 : memref<128x128xf32, #tpu.memory_space<vmem>>) offsets(%dma_start3A_118 : memref<128xi32, #tpu.memory_space<vmem>>) semaphore(%arg10 : memref<!tpu.dma_semaphore, #tpu.memory_space<semaphore_mem>>)
        } else {
        }
        %mul3A_51 = arith.constant 128 : i32
        %mul3A_52 = arith.muli %add3A_38, %mul3A_51 : i32
        %dma_wait3A_53 = arith.constant 0 : i32
        %dma_wait3A_54 = arith.constant 0 : i32
        %dma_wait3A_55 = tpu.memref_slice %arg8[%dma_wait3A_53, %dma_wait3A_54] : memref<256x128xf32, #tpu.memory_space<vmem>> -> memref<128x128xf32, #tpu.memory_space<vmem>>
        %dma_wait3A_56 = tpu.memref_slice %arg7[%mul3A_52] : memref<1280xi32, #tpu.memory_space<vmem>> -> memref<128xi32, #tpu.memory_space<vmem>>
        %dma_wait3A_57 = arith.constant 0 : i32
        %dma_wait3A_58 = arith.constant 0 : i32
        %dma_wait3A_59 = tpu.memref_slice %arg2[%dma_wait3A_57, %dma_wait3A_58] : memref<100000x128xf32, #tpu.memory_space<hbm>> -> memref<100000x128xf32, #tpu.memory_space<hbm>>
        tpu.wait_indirect_dma semaphore(%arg9 : memref<!tpu.dma_semaphore, #tpu.memory_space<semaphore_mem>>) src(%dma_wait3A_59 : memref<100000x128xf32, #tpu.memory_space<hbm>>) dst(%dma_wait3A_55 : memref<128x128xf32, #tpu.memory_space<vmem>>)
        %mul3A_60 = arith.constant 128 : i32
        %mul3A_61 = arith.muli %add3A_38, %mul3A_60 : i32
        %add3A_62 = arith.addi %mul3A_10, %mul3A_61 : i32
        %dma_start3A_63 = arith.constant 0 : i32
        %dma_start3A_64 = arith.constant 0 : i32
        %dma_start3A_65 = tpu.memref_slice %arg8[%dma_start3A_63, %dma_start3A_64] : memref<256x128xf32, #tpu.memory_space<vmem>> -> memref<128x128xf32, #tpu.memory_space<vmem>>
        %dma_start3A_66 = arith.constant 0 : i32
        %dma_start3A_67 = tpu.memref_slice %arg5[%add3A_62, %dma_start3A_66] : memref<20480x128xf32, #tpu.memory_space<hbm>> -> memref<128x128xf32, #tpu.memory_space<hbm>>
        %dma_start3A_68 = arith.constant 0 : i32
        %dma_start3A_69 = tpu.memref_slice %arg5[%add3A_62, %dma_start3A_68] : memref<20480x128xf32, #tpu.memory_space<hbm>> -> memref<128x128xf32, #tpu.memory_space<hbm>>
        %dma_start3A_70 = arith.constant 0 : i32
        %dma_start3A_71 = arith.constant 0 : i32
        %dma_start3A_72 = tpu.memref_slice %arg8[%dma_start3A_70, %dma_start3A_71] : memref<256x128xf32, #tpu.memory_space<vmem>> -> memref<128x128xf32, #tpu.memory_space<vmem>>
        tpu.enqueue_dma source(%dma_start3A_72 : memref<128x128xf32, #tpu.memory_space<vmem>>) target(%dma_start3A_69 : memref<128x128xf32, #tpu.memory_space<hbm>>) target_semaphore(%arg11 : memref<!tpu.dma_semaphore, #tpu.memory_space<semaphore_mem>>)
        %mul3A_73 = arith.constant 2 : i32
        %mul3A_74 = arith.muli %scan3A_34, %mul3A_73 : i32
        %add3A_75 = arith.constant 1 : i32
        %add3A_76 = arith.addi %mul3A_74, %add3A_75 : i32
        %ge3A_77 = arith.constant 1 : i32
        %ge3A_78 = arith.cmpi sge, %add3A_76, %ge3A_77 : i32
        %convert_element_type3A_79 = arith.extui %ge3A_78 : i1 to i32
        %cond3A_80 = arith.constant 0 : i32
        %cond3A_81 = arith.cmpi ne, %convert_element_type3A_79, %cond3A_80 : i32
        scf.if %cond3A_81 {
          %sub3A = arith.constant 1 : i32
          %sub3A_111 = arith.subi %add3A_76, %sub3A : i32
          %mul3A_112 = arith.constant 128 : i32
          %mul3A_113 = arith.muli %sub3A_111, %mul3A_112 : i32
          %add3A_114 = arith.addi %mul3A_10, %mul3A_113 : i32
          %dma_wait3A_115 = arith.constant 0 : i32
          %dma_wait3A_116 = arith.constant 0 : i32
          %dma_wait3A_117 = tpu.memref_slice %arg8[%dma_wait3A_115, %dma_wait3A_116] : memref<256x128xf32, #tpu.memory_space<vmem>> -> memref<128x128xf32, #tpu.memory_space<vmem>>
          %dma_wait3A_118 = arith.constant 0 : i32
          %dma_wait3A_119 = tpu.memref_slice %arg5[%add3A_114, %dma_wait3A_118] : memref<20480x128xf32, #tpu.memory_space<hbm>> -> memref<128x128xf32, #tpu.memory_space<hbm>>
          %dma_wait3A_120 = arith.constant 0 : i32
          %dma_wait3A_121 = tpu.memref_slice %arg5[%add3A_114, %dma_wait3A_120] : memref<20480x128xf32, #tpu.memory_space<hbm>> -> memref<128x128xf32, #tpu.memory_space<hbm>>
          %dma_wait3A_122 = arith.constant 0 : i32
          %dma_wait3A_123 = arith.constant 0 : i32
          %dma_wait3A_124 = tpu.memref_slice %arg8[%dma_wait3A_122, %dma_wait3A_123] : memref<256x128xf32, #tpu.memory_space<vmem>> -> memref<128x128xf32, #tpu.memory_space<vmem>>
          tpu.wait_dma2 semaphore(%arg11 : memref<!tpu.dma_semaphore, #tpu.memory_space<semaphore_mem>>) src(%dma_wait3A_124 : memref<128x128xf32, #tpu.memory_space<vmem>>) dst(%dma_wait3A_121 : memref<128x128xf32, #tpu.memory_space<hbm>>)
        } else {
        }
        %add3A_82 = arith.constant 1 : i32
        %add3A_83 = arith.addi %add3A_76, %add3A_82 : i32
        %lt3A_84 = arith.constant 10 : i32
        %lt3A_85 = arith.cmpi slt, %add3A_83, %lt3A_84 : i32
        %convert_element_type3A_86 = arith.extui %lt3A_85 : i1 to i32
        %cond3A_87 = arith.constant 0 : i32
        %cond3A_88 = arith.cmpi ne, %convert_element_type3A_86, %cond3A_87 : i32
        scf.if %cond3A_88 {
          %add3A_111 = arith.constant 1 : i32
          %add3A_112 = arith.addi %add3A_76, %add3A_111 : i32
          %mul3A_113 = arith.constant 128 : i32
          %mul3A_114 = arith.muli %add3A_112, %mul3A_113 : i32
          %dma_start3A_115 = arith.constant 0 : i32
          %dma_start3A_116 = arith.constant 0 : i32
          %dma_start3A_117 = tpu.memref_slice %arg8[%dma_start3A_115, %dma_start3A_116] : memref<256x128xf32, #tpu.memory_space<vmem>> -> memref<128x128xf32, #tpu.memory_space<vmem>>
          %dma_start3A_118 = tpu.memref_slice %arg7[%mul3A_114] : memref<1280xi32, #tpu.memory_space<vmem>> -> memref<128xi32, #tpu.memory_space<vmem>>
          %dma_start3A_119 = arith.constant 0 : i32
          %dma_start3A_120 = arith.constant 0 : i32
          %dma_start3A_121 = tpu.memref_slice %arg2[%dma_start3A_119, %dma_start3A_120] : memref<100000x128xf32, #tpu.memory_space<hbm>> -> memref<100000x128xf32, #tpu.memory_space<hbm>>
          tpu.enqueue_indirect_dma source(%dma_start3A_121 : memref<100000x128xf32, #tpu.memory_space<hbm>>) target(%dma_start3A_117 : memref<128x128xf32, #tpu.memory_space<vmem>>) offsets(%dma_start3A_118 : memref<128xi32, #tpu.memory_space<vmem>>) semaphore(%arg9 : memref<!tpu.dma_semaphore, #tpu.memory_space<semaphore_mem>>)
        } else {
        }
        %mul3A_89 = arith.constant 128 : i32
        %mul3A_90 = arith.muli %add3A_76, %mul3A_89 : i32
        %dma_wait3A_91 = arith.constant 128 : i32
        %dma_wait3A_92 = arith.constant 0 : i32
        %dma_wait3A_93 = tpu.memref_slice %arg8[%dma_wait3A_91, %dma_wait3A_92] : memref<256x128xf32, #tpu.memory_space<vmem>> -> memref<128x128xf32, #tpu.memory_space<vmem>>
        %dma_wait3A_94 = tpu.memref_slice %arg7[%mul3A_90] : memref<1280xi32, #tpu.memory_space<vmem>> -> memref<128xi32, #tpu.memory_space<vmem>>
        %dma_wait3A_95 = arith.constant 0 : i32
        %dma_wait3A_96 = arith.constant 0 : i32
        %dma_wait3A_97 = tpu.memref_slice %arg2[%dma_wait3A_95, %dma_wait3A_96] : memref<100000x128xf32, #tpu.memory_space<hbm>> -> memref<100000x128xf32, #tpu.memory_space<hbm>>
        tpu.wait_indirect_dma semaphore(%arg10 : memref<!tpu.dma_semaphore, #tpu.memory_space<semaphore_mem>>) src(%dma_wait3A_97 : memref<100000x128xf32, #tpu.memory_space<hbm>>) dst(%dma_wait3A_93 : memref<128x128xf32, #tpu.memory_space<vmem>>)
        %mul3A_98 = arith.constant 128 : i32
        %mul3A_99 = arith.muli %add3A_76, %mul3A_98 : i32
        %add3A_100 = arith.addi %mul3A_10, %mul3A_99 : i32
        %dma_start3A_101 = arith.constant 128 : i32
        %dma_start3A_102 = arith.constant 0 : i32
        %dma_start3A_103 = tpu.memref_slice %arg8[%dma_start3A_101, %dma_start3A_102] : memref<256x128xf32, #tpu.memory_space<vmem>> -> memref<128x128xf32, #tpu.memory_space<vmem>>
        %dma_start3A_104 = arith.constant 0 : i32
        %dma_start3A_105 = tpu.memref_slice %arg5[%add3A_100, %dma_start3A_104] : memref<20480x128xf32, #tpu.memory_space<hbm>> -> memref<128x128xf32, #tpu.memory_space<hbm>>
        %dma_start3A_106 = arith.constant 0 : i32
        %dma_start3A_107 = tpu.memref_slice %arg5[%add3A_100, %dma_start3A_106] : memref<20480x128xf32, #tpu.memory_space<hbm>> -> memref<128x128xf32, #tpu.memory_space<hbm>>
        %dma_start3A_108 = arith.constant 128 : i32
        %dma_start3A_109 = arith.constant 0 : i32
        %dma_start3A_110 = tpu.memref_slice %arg8[%dma_start3A_108, %dma_start3A_109] : memref<256x128xf32, #tpu.memory_space<vmem>> -> memref<128x128xf32, #tpu.memory_space<vmem>>
        tpu.enqueue_dma source(%dma_start3A_110 : memref<128x128xf32, #tpu.memory_space<vmem>>) target(%dma_start3A_107 : memref<128x128xf32, #tpu.memory_space<hbm>>) target_semaphore(%arg12 : memref<!tpu.dma_semaphore, #tpu.memory_space<semaphore_mem>>)
      }
      %scan3A_22 = arith.constant 5 : i32
      %add3A_23 = arith.constant 1152 : i32
      %add3A_24 = arith.addi %mul3A_10, %add3A_23 : i32
      %dma_wait3A = arith.constant 128 : i32
      %dma_wait3A_25 = arith.constant 0 : i32
      %dma_wait3A_26 = tpu.memref_slice %arg8[%dma_wait3A, %dma_wait3A_25] : memref<256x128xf32, #tpu.memory_space<vmem>> -> memref<128x128xf32, #tpu.memory_space<vmem>>
      %dma_wait3A_27 = arith.constant 0 : i32
      %dma_wait3A_28 = tpu.memref_slice %arg5[%add3A_24, %dma_wait3A_27] : memref<20480x128xf32, #tpu.memory_space<hbm>> -> memref<128x128xf32, #tpu.memory_space<hbm>>
      %dma_wait3A_29 = arith.constant 0 : i32
      %dma_wait3A_30 = tpu.memref_slice %arg5[%add3A_24, %dma_wait3A_29] : memref<20480x128xf32, #tpu.memory_space<hbm>> -> memref<128x128xf32, #tpu.memory_space<hbm>>
      %dma_wait3A_31 = arith.constant 128 : i32
      %dma_wait3A_32 = arith.constant 0 : i32
      %dma_wait3A_33 = tpu.memref_slice %arg8[%dma_wait3A_31, %dma_wait3A_32] : memref<256x128xf32, #tpu.memory_space<vmem>> -> memref<128x128xf32, #tpu.memory_space<vmem>>
      tpu.wait_dma2 semaphore(%arg12 : memref<!tpu.dma_semaphore, #tpu.memory_space<semaphore_mem>>) src(%dma_wait3A_33 : memref<128x128xf32, #tpu.memory_space<vmem>>) dst(%dma_wait3A_30 : memref<128x128xf32, #tpu.memory_space<hbm>>)
    } else {
    }
    %ge3A = arith.constant 16 : i32
    %ge3A_3 = arith.cmpi sge, %add3A, %ge3A : i32
    %convert_element_type3A_4 = arith.extui %ge3A_3 : i1 to i32
    %cond3A_5 = arith.constant 0 : i32
    %cond3A_6 = arith.cmpi ne, %convert_element_type3A_4, %cond3A_5 : i32
    scf.if %cond3A_6 {
      %sub3A = arith.constant 16 : i32
      %sub3A_7 = arith.subi %add3A, %sub3A : i32
      %mul3A_8 = arith.constant 10 : i32
      %mul3A_9 = arith.muli %sub3A_7, %mul3A_8 : i32
      %mul3A_10 = arith.constant 128 : i32
      %mul3A_11 = arith.muli %mul3A_9, %mul3A_10 : i32
      "tpu.region"() ({
        %run_scoped3A = tpu.sem_alloc : memref<!tpu.dma_semaphore, #tpu.memory_space<semaphore_mem>>
        %dma_start3A_35 = tpu.memref_slice %arg4[%mul3A_11] : memref<20480xi32, #tpu.memory_space<hbm>> -> memref<1280xi32, #tpu.memory_space<hbm>>
        %dma_start3A_36 = tpu.memref_slice %arg4[%mul3A_11] : memref<20480xi32, #tpu.memory_space<hbm>> -> memref<1280xi32, #tpu.memory_space<hbm>>
        tpu.enqueue_dma source(%dma_start3A_36 : memref<1280xi32, #tpu.memory_space<hbm>>) target(%arg7 : memref<1280xi32, #tpu.memory_space<vmem>>) target_semaphore(%run_scoped3A : memref<!tpu.dma_semaphore, #tpu.memory_space<semaphore_mem>>)
        %dma_wait3A_37 = tpu.memref_slice %arg4[%mul3A_11] : memref<20480xi32, #tpu.memory_space<hbm>> -> memref<1280xi32, #tpu.memory_space<hbm>>
        %dma_wait3A_38 = tpu.memref_slice %arg4[%mul3A_11] : memref<20480xi32, #tpu.memory_space<hbm>> -> memref<1280xi32, #tpu.memory_space<hbm>>
        tpu.wait_dma2 semaphore(%run_scoped3A : memref<!tpu.dma_semaphore, #tpu.memory_space<semaphore_mem>>) src(%dma_wait3A_38 : memref<1280xi32, #tpu.memory_space<hbm>>) dst(%arg7 : memref<1280xi32, #tpu.memory_space<vmem>>)
        tpu.yield
      }) : () -> ()
      %dma_start3A = arith.constant 0 : i32
      %dma_start3A_12 = arith.constant 0 : i32
      %dma_start3A_13 = tpu.memref_slice %arg8[%dma_start3A, %dma_start3A_12] : memref<256x128xf32, #tpu.memory_space<vmem>> -> memref<128x128xf32, #tpu.memory_space<vmem>>
      %dma_start3A_14 = arith.constant 0 : i32
      %dma_start3A_15 = tpu.memref_slice %arg7[%dma_start3A_14] : memref<1280xi32, #tpu.memory_space<vmem>> -> memref<128xi32, #tpu.memory_space<vmem>>
      %dma_start3A_16 = arith.constant 0 : i32
      %dma_start3A_17 = arith.constant 0 : i32
      %dma_start3A_18 = tpu.memref_slice %arg2[%dma_start3A_16, %dma_start3A_17] : memref<100000x128xf32, #tpu.memory_space<hbm>> -> memref<100000x128xf32, #tpu.memory_space<hbm>>
      tpu.enqueue_indirect_dma source(%dma_start3A_18 : memref<100000x128xf32, #tpu.memory_space<hbm>>) target(%dma_start3A_13 : memref<128x128xf32, #tpu.memory_space<vmem>>) offsets(%dma_start3A_15 : memref<128xi32, #tpu.memory_space<vmem>>) semaphore(%arg9 : memref<!tpu.dma_semaphore, #tpu.memory_space<semaphore_mem>>)
      %scan3A = arith.constant 0 : i32
      %scan3A_19 = arith.constant 0 : i32
      %scan3A_20 = arith.constant 5 : i32
      %scan3A_21 = arith.addi %scan3A_19, %scan3A_20 : i32
      %scan3A_22 = arith.constant 1 : i32
      scf.for %scan3A_35 = %scan3A_19 to %scan3A_21 step %scan3A_22  : i32 {
        %mul3A_36 = arith.constant 2 : i32
        %mul3A_37 = arith.muli %scan3A_35, %mul3A_36 : i32
        %add3A_38 = arith.constant 0 : i32
        %add3A_39 = arith.addi %mul3A_37, %add3A_38 : i32
        %ge3A_40 = arith.constant 1 : i32
        %ge3A_41 = arith.cmpi sge, %add3A_39, %ge3A_40 : i32
        %convert_element_type3A_42 = arith.extui %ge3A_41 : i1 to i32
        %cond3A_43 = arith.constant 0 : i32
        %cond3A_44 = arith.cmpi ne, %convert_element_type3A_42, %cond3A_43 : i32
        scf.if %cond3A_44 {
          %sub3A_112 = arith.constant 1 : i32
          %sub3A_113 = arith.subi %add3A_39, %sub3A_112 : i32
          %mul3A_114 = arith.constant 128 : i32
          %mul3A_115 = arith.muli %sub3A_113, %mul3A_114 : i32
          %add3A_116 = arith.addi %mul3A_11, %mul3A_115 : i32
          %dma_wait3A_117 = arith.constant 128 : i32
          %dma_wait3A_118 = arith.constant 0 : i32
          %dma_wait3A_119 = tpu.memref_slice %arg8[%dma_wait3A_117, %dma_wait3A_118] : memref<256x128xf32, #tpu.memory_space<vmem>> -> memref<128x128xf32, #tpu.memory_space<vmem>>
          %dma_wait3A_120 = arith.constant 0 : i32
          %dma_wait3A_121 = tpu.memref_slice %arg6[%add3A_116, %dma_wait3A_120] : memref<20480x128xf32, #tpu.memory_space<hbm>> -> memref<128x128xf32, #tpu.memory_space<hbm>>
          %dma_wait3A_122 = arith.constant 0 : i32
          %dma_wait3A_123 = tpu.memref_slice %arg6[%add3A_116, %dma_wait3A_122] : memref<20480x128xf32, #tpu.memory_space<hbm>> -> memref<128x128xf32, #tpu.memory_space<hbm>>
          %dma_wait3A_124 = arith.constant 128 : i32
          %dma_wait3A_125 = arith.constant 0 : i32
          %dma_wait3A_126 = tpu.memref_slice %arg8[%dma_wait3A_124, %dma_wait3A_125] : memref<256x128xf32, #tpu.memory_space<vmem>> -> memref<128x128xf32, #tpu.memory_space<vmem>>
          tpu.wait_dma2 semaphore(%arg12 : memref<!tpu.dma_semaphore, #tpu.memory_space<semaphore_mem>>) src(%dma_wait3A_126 : memref<128x128xf32, #tpu.memory_space<vmem>>) dst(%dma_wait3A_123 : memref<128x128xf32, #tpu.memory_space<hbm>>)
        } else {
        }
        %add3A_45 = arith.constant 1 : i32
        %add3A_46 = arith.addi %add3A_39, %add3A_45 : i32
        %lt3A_47 = arith.constant 10 : i32
        %lt3A_48 = arith.cmpi slt, %add3A_46, %lt3A_47 : i32
        %convert_element_type3A_49 = arith.extui %lt3A_48 : i1 to i32
        %cond3A_50 = arith.constant 0 : i32
        %cond3A_51 = arith.cmpi ne, %convert_element_type3A_49, %cond3A_50 : i32
        scf.if %cond3A_51 {
          %add3A_112 = arith.constant 1 : i32
          %add3A_113 = arith.addi %add3A_39, %add3A_112 : i32
          %mul3A_114 = arith.constant 128 : i32
          %mul3A_115 = arith.muli %add3A_113, %mul3A_114 : i32
          %dma_start3A_116 = arith.constant 128 : i32
          %dma_start3A_117 = arith.constant 0 : i32
          %dma_start3A_118 = tpu.memref_slice %arg8[%dma_start3A_116, %dma_start3A_117] : memref<256x128xf32, #tpu.memory_space<vmem>> -> memref<128x128xf32, #tpu.memory_space<vmem>>
          %dma_start3A_119 = tpu.memref_slice %arg7[%mul3A_115] : memref<1280xi32, #tpu.memory_space<vmem>> -> memref<128xi32, #tpu.memory_space<vmem>>
          %dma_start3A_120 = arith.constant 0 : i32
          %dma_start3A_121 = arith.constant 0 : i32
          %dma_start3A_122 = tpu.memref_slice %arg2[%dma_start3A_120, %dma_start3A_121] : memref<100000x128xf32, #tpu.memory_space<hbm>> -> memref<100000x128xf32, #tpu.memory_space<hbm>>
          tpu.enqueue_indirect_dma source(%dma_start3A_122 : memref<100000x128xf32, #tpu.memory_space<hbm>>) target(%dma_start3A_118 : memref<128x128xf32, #tpu.memory_space<vmem>>) offsets(%dma_start3A_119 : memref<128xi32, #tpu.memory_space<vmem>>) semaphore(%arg10 : memref<!tpu.dma_semaphore, #tpu.memory_space<semaphore_mem>>)
        } else {
        }
        %mul3A_52 = arith.constant 128 : i32
        %mul3A_53 = arith.muli %add3A_39, %mul3A_52 : i32
        %dma_wait3A_54 = arith.constant 0 : i32
        %dma_wait3A_55 = arith.constant 0 : i32
        %dma_wait3A_56 = tpu.memref_slice %arg8[%dma_wait3A_54, %dma_wait3A_55] : memref<256x128xf32, #tpu.memory_space<vmem>> -> memref<128x128xf32, #tpu.memory_space<vmem>>
        %dma_wait3A_57 = tpu.memref_slice %arg7[%mul3A_53] : memref<1280xi32, #tpu.memory_space<vmem>> -> memref<128xi32, #tpu.memory_space<vmem>>
        %dma_wait3A_58 = arith.constant 0 : i32
        %dma_wait3A_59 = arith.constant 0 : i32
        %dma_wait3A_60 = tpu.memref_slice %arg2[%dma_wait3A_58, %dma_wait3A_59] : memref<100000x128xf32, #tpu.memory_space<hbm>> -> memref<100000x128xf32, #tpu.memory_space<hbm>>
        tpu.wait_indirect_dma semaphore(%arg9 : memref<!tpu.dma_semaphore, #tpu.memory_space<semaphore_mem>>) src(%dma_wait3A_60 : memref<100000x128xf32, #tpu.memory_space<hbm>>) dst(%dma_wait3A_56 : memref<128x128xf32, #tpu.memory_space<vmem>>)
        %mul3A_61 = arith.constant 128 : i32
        %mul3A_62 = arith.muli %add3A_39, %mul3A_61 : i32
        %add3A_63 = arith.addi %mul3A_11, %mul3A_62 : i32
        %dma_start3A_64 = arith.constant 0 : i32
        %dma_start3A_65 = arith.constant 0 : i32
        %dma_start3A_66 = tpu.memref_slice %arg8[%dma_start3A_64, %dma_start3A_65] : memref<256x128xf32, #tpu.memory_space<vmem>> -> memref<128x128xf32, #tpu.memory_space<vmem>>
        %dma_start3A_67 = arith.constant 0 : i32
        %dma_start3A_68 = tpu.memref_slice %arg6[%add3A_63, %dma_start3A_67] : memref<20480x128xf32, #tpu.memory_space<hbm>> -> memref<128x128xf32, #tpu.memory_space<hbm>>
        %dma_start3A_69 = arith.constant 0 : i32
        %dma_start3A_70 = tpu.memref_slice %arg6[%add3A_63, %dma_start3A_69] : memref<20480x128xf32, #tpu.memory_space<hbm>> -> memref<128x128xf32, #tpu.memory_space<hbm>>
        %dma_start3A_71 = arith.constant 0 : i32
        %dma_start3A_72 = arith.constant 0 : i32
        %dma_start3A_73 = tpu.memref_slice %arg8[%dma_start3A_71, %dma_start3A_72] : memref<256x128xf32, #tpu.memory_space<vmem>> -> memref<128x128xf32, #tpu.memory_space<vmem>>
        tpu.enqueue_dma source(%dma_start3A_73 : memref<128x128xf32, #tpu.memory_space<vmem>>) target(%dma_start3A_70 : memref<128x128xf32, #tpu.memory_space<hbm>>) target_semaphore(%arg11 : memref<!tpu.dma_semaphore, #tpu.memory_space<semaphore_mem>>)
        %mul3A_74 = arith.constant 2 : i32
        %mul3A_75 = arith.muli %scan3A_35, %mul3A_74 : i32
        %add3A_76 = arith.constant 1 : i32
        %add3A_77 = arith.addi %mul3A_75, %add3A_76 : i32
        %ge3A_78 = arith.constant 1 : i32
        %ge3A_79 = arith.cmpi sge, %add3A_77, %ge3A_78 : i32
        %convert_element_type3A_80 = arith.extui %ge3A_79 : i1 to i32
        %cond3A_81 = arith.constant 0 : i32
        %cond3A_82 = arith.cmpi ne, %convert_element_type3A_80, %cond3A_81 : i32
        scf.if %cond3A_82 {
          %sub3A_112 = arith.constant 1 : i32
          %sub3A_113 = arith.subi %add3A_77, %sub3A_112 : i32
          %mul3A_114 = arith.constant 128 : i32
          %mul3A_115 = arith.muli %sub3A_113, %mul3A_114 : i32
          %add3A_116 = arith.addi %mul3A_11, %mul3A_115 : i32
          %dma_wait3A_117 = arith.constant 0 : i32
          %dma_wait3A_118 = arith.constant 0 : i32
          %dma_wait3A_119 = tpu.memref_slice %arg8[%dma_wait3A_117, %dma_wait3A_118] : memref<256x128xf32, #tpu.memory_space<vmem>> -> memref<128x128xf32, #tpu.memory_space<vmem>>
          %dma_wait3A_120 = arith.constant 0 : i32
          %dma_wait3A_121 = tpu.memref_slice %arg6[%add3A_116, %dma_wait3A_120] : memref<20480x128xf32, #tpu.memory_space<hbm>> -> memref<128x128xf32, #tpu.memory_space<hbm>>
          %dma_wait3A_122 = arith.constant 0 : i32
          %dma_wait3A_123 = tpu.memref_slice %arg6[%add3A_116, %dma_wait3A_122] : memref<20480x128xf32, #tpu.memory_space<hbm>> -> memref<128x128xf32, #tpu.memory_space<hbm>>
          %dma_wait3A_124 = arith.constant 0 : i32
          %dma_wait3A_125 = arith.constant 0 : i32
          %dma_wait3A_126 = tpu.memref_slice %arg8[%dma_wait3A_124, %dma_wait3A_125] : memref<256x128xf32, #tpu.memory_space<vmem>> -> memref<128x128xf32, #tpu.memory_space<vmem>>
          tpu.wait_dma2 semaphore(%arg11 : memref<!tpu.dma_semaphore, #tpu.memory_space<semaphore_mem>>) src(%dma_wait3A_126 : memref<128x128xf32, #tpu.memory_space<vmem>>) dst(%dma_wait3A_123 : memref<128x128xf32, #tpu.memory_space<hbm>>)
        } else {
        }
        %add3A_83 = arith.constant 1 : i32
        %add3A_84 = arith.addi %add3A_77, %add3A_83 : i32
        %lt3A_85 = arith.constant 10 : i32
        %lt3A_86 = arith.cmpi slt, %add3A_84, %lt3A_85 : i32
        %convert_element_type3A_87 = arith.extui %lt3A_86 : i1 to i32
        %cond3A_88 = arith.constant 0 : i32
        %cond3A_89 = arith.cmpi ne, %convert_element_type3A_87, %cond3A_88 : i32
        scf.if %cond3A_89 {
          %add3A_112 = arith.constant 1 : i32
          %add3A_113 = arith.addi %add3A_77, %add3A_112 : i32
          %mul3A_114 = arith.constant 128 : i32
          %mul3A_115 = arith.muli %add3A_113, %mul3A_114 : i32
          %dma_start3A_116 = arith.constant 0 : i32
          %dma_start3A_117 = arith.constant 0 : i32
          %dma_start3A_118 = tpu.memref_slice %arg8[%dma_start3A_116, %dma_start3A_117] : memref<256x128xf32, #tpu.memory_space<vmem>> -> memref<128x128xf32, #tpu.memory_space<vmem>>
          %dma_start3A_119 = tpu.memref_slice %arg7[%mul3A_115] : memref<1280xi32, #tpu.memory_space<vmem>> -> memref<128xi32, #tpu.memory_space<vmem>>
          %dma_start3A_120 = arith.constant 0 : i32
          %dma_start3A_121 = arith.constant 0 : i32
          %dma_start3A_122 = tpu.memref_slice %arg2[%dma_start3A_120, %dma_start3A_121] : memref<100000x128xf32, #tpu.memory_space<hbm>> -> memref<100000x128xf32, #tpu.memory_space<hbm>>
          tpu.enqueue_indirect_dma source(%dma_start3A_122 : memref<100000x128xf32, #tpu.memory_space<hbm>>) target(%dma_start3A_118 : memref<128x128xf32, #tpu.memory_space<vmem>>) offsets(%dma_start3A_119 : memref<128xi32, #tpu.memory_space<vmem>>) semaphore(%arg9 : memref<!tpu.dma_semaphore, #tpu.memory_space<semaphore_mem>>)
        } else {
        }
        %mul3A_90 = arith.constant 128 : i32
        %mul3A_91 = arith.muli %add3A_77, %mul3A_90 : i32
        %dma_wait3A_92 = arith.constant 128 : i32
        %dma_wait3A_93 = arith.constant 0 : i32
        %dma_wait3A_94 = tpu.memref_slice %arg8[%dma_wait3A_92, %dma_wait3A_93] : memref<256x128xf32, #tpu.memory_space<vmem>> -> memref<128x128xf32, #tpu.memory_space<vmem>>
        %dma_wait3A_95 = tpu.memref_slice %arg7[%mul3A_91] : memref<1280xi32, #tpu.memory_space<vmem>> -> memref<128xi32, #tpu.memory_space<vmem>>
        %dma_wait3A_96 = arith.constant 0 : i32
        %dma_wait3A_97 = arith.constant 0 : i32
        %dma_wait3A_98 = tpu.memref_slice %arg2[%dma_wait3A_96, %dma_wait3A_97] : memref<100000x128xf32, #tpu.memory_space<hbm>> -> memref<100000x128xf32, #tpu.memory_space<hbm>>
        tpu.wait_indirect_dma semaphore(%arg10 : memref<!tpu.dma_semaphore, #tpu.memory_space<semaphore_mem>>) src(%dma_wait3A_98 : memref<100000x128xf32, #tpu.memory_space<hbm>>) dst(%dma_wait3A_94 : memref<128x128xf32, #tpu.memory_space<vmem>>)
        %mul3A_99 = arith.constant 128 : i32
        %mul3A_100 = arith.muli %add3A_77, %mul3A_99 : i32
        %add3A_101 = arith.addi %mul3A_11, %mul3A_100 : i32
        %dma_start3A_102 = arith.constant 128 : i32
        %dma_start3A_103 = arith.constant 0 : i32
        %dma_start3A_104 = tpu.memref_slice %arg8[%dma_start3A_102, %dma_start3A_103] : memref<256x128xf32, #tpu.memory_space<vmem>> -> memref<128x128xf32, #tpu.memory_space<vmem>>
        %dma_start3A_105 = arith.constant 0 : i32
        %dma_start3A_106 = tpu.memref_slice %arg6[%add3A_101, %dma_start3A_105] : memref<20480x128xf32, #tpu.memory_space<hbm>> -> memref<128x128xf32, #tpu.memory_space<hbm>>
        %dma_start3A_107 = arith.constant 0 : i32
        %dma_start3A_108 = tpu.memref_slice %arg6[%add3A_101, %dma_start3A_107] : memref<20480x128xf32, #tpu.memory_space<hbm>> -> memref<128x128xf32, #tpu.memory_space<hbm>>
        %dma_start3A_109 = arith.constant 128 : i32
        %dma_start3A_110 = arith.constant 0 : i32
        %dma_start3A_111 = tpu.memref_slice %arg8[%dma_start3A_109, %dma_start3A_110] : memref<256x128xf32, #tpu.memory_space<vmem>> -> memref<128x128xf32, #tpu.memory_space<vmem>>
        tpu.enqueue_dma source(%dma_start3A_111 : memref<128x128xf32, #tpu.memory_space<vmem>>) target(%dma_start3A_108 : memref<128x128xf32, #tpu.memory_space<hbm>>) target_semaphore(%arg12 : memref<!tpu.dma_semaphore, #tpu.memory_space<semaphore_mem>>)
      }
      %scan3A_23 = arith.constant 5 : i32
      %add3A_24 = arith.constant 1152 : i32
      %add3A_25 = arith.addi %mul3A_11, %add3A_24 : i32
      %dma_wait3A = arith.constant 128 : i32
      %dma_wait3A_26 = arith.constant 0 : i32
      %dma_wait3A_27 = tpu.memref_slice %arg8[%dma_wait3A, %dma_wait3A_26] : memref<256x128xf32, #tpu.memory_space<vmem>> -> memref<128x128xf32, #tpu.memory_space<vmem>>
      %dma_wait3A_28 = arith.constant 0 : i32
      %dma_wait3A_29 = tpu.memref_slice %arg6[%add3A_25, %dma_wait3A_28] : memref<20480x128xf32, #tpu.memory_space<hbm>> -> memref<128x128xf32, #tpu.memory_space<hbm>>
      %dma_wait3A_30 = arith.constant 0 : i32
      %dma_wait3A_31 = tpu.memref_slice %arg6[%add3A_25, %dma_wait3A_30] : memref<20480x128xf32, #tpu.memory_space<hbm>> -> memref<128x128xf32, #tpu.memory_space<hbm>>
      %dma_wait3A_32 = arith.constant 128 : i32
      %dma_wait3A_33 = arith.constant 0 : i32
      %dma_wait3A_34 = tpu.memref_slice %arg8[%dma_wait3A_32, %dma_wait3A_33] : memref<256x128xf32, #tpu.memory_space<vmem>> -> memref<128x128xf32, #tpu.memory_space<vmem>>
      tpu.wait_dma2 semaphore(%arg12 : memref<!tpu.dma_semaphore, #tpu.memory_space<semaphore_mem>>) src(%dma_wait3A_34 : memref<128x128xf32, #tpu.memory_space<vmem>>) dst(%dma_wait3A_31 : memref<128x128xf32, #tpu.memory_space<hbm>>)
    } else {
    }
    return
  }
}

#map = affine_map<(d0, d1) -> (0, 0)>
#map1 = affine_map<(d0, d1) -> (0)>
module attributes {stable_mosaic.version = 14 : i64} {
  func.func @_gather_body(%arg0: i32, %arg1: i32, %arg2: memref<100000x128xf32, #tpu.memory_space<hbm>>, %arg3: memref<20480xi32, #tpu.memory_space<hbm>>, %arg4: memref<20480xi32, #tpu.memory_space<hbm>>, %arg5: memref<20480x128xf32, #tpu.memory_space<hbm>>, %arg6: memref<20480x128xf32, #tpu.memory_space<hbm>>, %arg7: memref<1280xi32, #tpu.memory_space<vmem>>, %arg8: memref<256x128xf32, #tpu.memory_space<vmem>>, %arg9: memref<!tpu.dma_semaphore, #tpu.memory_space<semaphore_mem>>, %arg10: memref<!tpu.dma_semaphore, #tpu.memory_space<semaphore_mem>>, %arg11: memref<!tpu.dma_semaphore, #tpu.memory_space<semaphore_mem>>, %arg12: memref<!tpu.dma_semaphore, #tpu.memory_space<semaphore_mem>>) attributes {dimension_semantics = [#tpu.dimension_semantics<core_parallel>, #tpu.dimension_semantics<subcore_parallel>], iteration_bounds = array<i64: 2, 16>, scalar_prefetch = 0 : i64, scratch_operands = 6 : i64, tpu.core_type = #tpu.core_type<sc_vector_subcore>, window_params = [{transform_indices = #map}, {transform_indices = #map1}, {transform_indices = #map1}, {transform_indices = #map}, {transform_indices = #map}]} {
    %mul3A = arith.constant 2 : i32
    %mul3A_0 = arith.muli %arg1, %mul3A : i32
    %add3A = arith.addi %mul3A_0, %arg0 : i32
    %lt3A = arith.constant 16 : i32
    %lt3A_1 = arith.cmpi slt, %add3A, %lt3A : i32
    %convert_element_type3A = arith.extui %lt3A_1 : i1 to i32
    %cond3A = arith.constant 0 : i32
    %cond3A_2 = arith.cmpi ne, %convert_element_type3A, %cond3A : i32
    scf.if %cond3A_2 {
      %mul3A_7 = arith.constant 10 : i32
      %mul3A_8 = arith.muli %add3A, %mul3A_7 : i32
      %mul3A_9 = arith.constant 128 : i32
      %mul3A_10 = arith.muli %mul3A_8, %mul3A_9 : i32
      "tpu.region"() ({
        %run_scoped3A = tpu.sem_alloc : memref<!tpu.dma_semaphore, #tpu.memory_space<semaphore_mem>>
        %dma_start3A_34 = tpu.memref_slice %arg3[%mul3A_10] : memref<20480xi32, #tpu.memory_space<hbm>> -> memref<1280xi32, #tpu.memory_space<hbm>>
        %dma_start3A_35 = tpu.memref_slice %arg3[%mul3A_10] : memref<20480xi32, #tpu.memory_space<hbm>> -> memref<1280xi32, #tpu.memory_space<hbm>>
        tpu.enqueue_dma source(%dma_start3A_35 : memref<1280xi32, #tpu.memory_space<hbm>>) target(%arg7 : memref<1280xi32, #tpu.memory_space<vmem>>) target_semaphore(%run_scoped3A : memref<!tpu.dma_semaphore, #tpu.memory_space<semaphore_mem>>)
        %dma_wait3A_36 = tpu.memref_slice %arg3[%mul3A_10] : memref<20480xi32, #tpu.memory_space<hbm>> -> memref<1280xi32, #tpu.memory_space<hbm>>
        %dma_wait3A_37 = tpu.memref_slice %arg3[%mul3A_10] : memref<20480xi32, #tpu.memory_space<hbm>> -> memref<1280xi32, #tpu.memory_space<hbm>>
        tpu.wait_dma2 semaphore(%run_scoped3A : memref<!tpu.dma_semaphore, #tpu.memory_space<semaphore_mem>>) src(%dma_wait3A_37 : memref<1280xi32, #tpu.memory_space<hbm>>) dst(%arg7 : memref<1280xi32, #tpu.memory_space<vmem>>)
        tpu.yield
      }) : () -> ()
      %dma_start3A = arith.constant 0 : i32
      %dma_start3A_11 = arith.constant 0 : i32
      %dma_start3A_12 = tpu.memref_slice %arg8[%dma_start3A, %dma_start3A_11] : memref<256x128xf32, #tpu.memory_space<vmem>> -> memref<128x128xf32, #tpu.memory_space<vmem>>
      %dma_start3A_13 = arith.constant 0 : i32
      %dma_start3A_14 = tpu.memref_slice %arg7[%dma_start3A_13] : memref<1280xi32, #tpu.memory_space<vmem>> -> memref<128xi32, #tpu.memory_space<vmem>>
      %dma_start3A_15 = arith.constant 0 : i32
      %dma_start3A_16 = arith.constant 0 : i32
      %dma_start3A_17 = tpu.memref_slice %arg2[%dma_start3A_15, %dma_start3A_16] : memref<100000x128xf32, #tpu.memory_space<hbm>> -> memref<100000x128xf32, #tpu.memory_space<hbm>>
      tpu.enqueue_indirect_dma source(%dma_start3A_17 : memref<100000x128xf32, #tpu.memory_space<hbm>>) target(%dma_start3A_12 : memref<128x128xf32, #tpu.memory_space<vmem>>) offsets(%dma_start3A_14 : memref<128xi32, #tpu.memory_space<vmem>>) semaphore(%arg9 : memref<!tpu.dma_semaphore, #tpu.memory_space<semaphore_mem>>)
      %scan3A = arith.constant 0 : i32
      %scan3A_18 = arith.constant 0 : i32
      %scan3A_19 = arith.constant 5 : i32
      %scan3A_20 = arith.addi %scan3A_18, %scan3A_19 : i32
      %scan3A_21 = arith.constant 1 : i32
      scf.for %scan3A_34 = %scan3A_18 to %scan3A_20 step %scan3A_21  : i32 {
        %mul3A_35 = arith.constant 2 : i32
        %mul3A_36 = arith.muli %scan3A_34, %mul3A_35 : i32
        %add3A_37 = arith.constant 0 : i32
        %add3A_38 = arith.addi %mul3A_36, %add3A_37 : i32
        %ge3A_39 = arith.constant 1 : i32
        %ge3A_40 = arith.cmpi sge, %add3A_38, %ge3A_39 : i32
        %convert_element_type3A_41 = arith.extui %ge3A_40 : i1 to i32
        %cond3A_42 = arith.constant 0 : i32
        %cond3A_43 = arith.cmpi ne, %convert_element_type3A_41, %cond3A_42 : i32
        scf.if %cond3A_43 {
          %sub3A = arith.constant 1 : i32
          %sub3A_111 = arith.subi %add3A_38, %sub3A : i32
          %mul3A_112 = arith.constant 128 : i32
          %mul3A_113 = arith.muli %sub3A_111, %mul3A_112 : i32
          %add3A_114 = arith.addi %mul3A_10, %mul3A_113 : i32
          %dma_wait3A_115 = arith.constant 128 : i32
          %dma_wait3A_116 = arith.constant 0 : i32
          %dma_wait3A_117 = tpu.memref_slice %arg8[%dma_wait3A_115, %dma_wait3A_116] : memref<256x128xf32, #tpu.memory_space<vmem>> -> memref<128x128xf32, #tpu.memory_space<vmem>>
          %dma_wait3A_118 = arith.constant 0 : i32
          %dma_wait3A_119 = tpu.memref_slice %arg5[%add3A_114, %dma_wait3A_118] : memref<20480x128xf32, #tpu.memory_space<hbm>> -> memref<128x128xf32, #tpu.memory_space<hbm>>
          %dma_wait3A_120 = arith.constant 0 : i32
          %dma_wait3A_121 = tpu.memref_slice %arg5[%add3A_114, %dma_wait3A_120] : memref<20480x128xf32, #tpu.memory_space<hbm>> -> memref<128x128xf32, #tpu.memory_space<hbm>>
          %dma_wait3A_122 = arith.constant 128 : i32
          %dma_wait3A_123 = arith.constant 0 : i32
          %dma_wait3A_124 = tpu.memref_slice %arg8[%dma_wait3A_122, %dma_wait3A_123] : memref<256x128xf32, #tpu.memory_space<vmem>> -> memref<128x128xf32, #tpu.memory_space<vmem>>
          tpu.wait_dma2 semaphore(%arg12 : memref<!tpu.dma_semaphore, #tpu.memory_space<semaphore_mem>>) src(%dma_wait3A_124 : memref<128x128xf32, #tpu.memory_space<vmem>>) dst(%dma_wait3A_121 : memref<128x128xf32, #tpu.memory_space<hbm>>)
        } else {
        }
        %add3A_44 = arith.constant 1 : i32
        %add3A_45 = arith.addi %add3A_38, %add3A_44 : i32
        %lt3A_46 = arith.constant 10 : i32
        %lt3A_47 = arith.cmpi slt, %add3A_45, %lt3A_46 : i32
        %convert_element_type3A_48 = arith.extui %lt3A_47 : i1 to i32
        %cond3A_49 = arith.constant 0 : i32
        %cond3A_50 = arith.cmpi ne, %convert_element_type3A_48, %cond3A_49 : i32
        scf.if %cond3A_50 {
          %add3A_111 = arith.constant 1 : i32
          %add3A_112 = arith.addi %add3A_38, %add3A_111 : i32
          %mul3A_113 = arith.constant 128 : i32
          %mul3A_114 = arith.muli %add3A_112, %mul3A_113 : i32
          %dma_start3A_115 = arith.constant 128 : i32
          %dma_start3A_116 = arith.constant 0 : i32
          %dma_start3A_117 = tpu.memref_slice %arg8[%dma_start3A_115, %dma_start3A_116] : memref<256x128xf32, #tpu.memory_space<vmem>> -> memref<128x128xf32, #tpu.memory_space<vmem>>
          %dma_start3A_118 = tpu.memref_slice %arg7[%mul3A_114] : memref<1280xi32, #tpu.memory_space<vmem>> -> memref<128xi32, #tpu.memory_space<vmem>>
          %dma_start3A_119 = arith.constant 0 : i32
          %dma_start3A_120 = arith.constant 0 : i32
          %dma_start3A_121 = tpu.memref_slice %arg2[%dma_start3A_119, %dma_start3A_120] : memref<100000x128xf32, #tpu.memory_space<hbm>> -> memref<100000x128xf32, #tpu.memory_space<hbm>>
          tpu.enqueue_indirect_dma source(%dma_start3A_121 : memref<100000x128xf32, #tpu.memory_space<hbm>>) target(%dma_start3A_117 : memref<128x128xf32, #tpu.memory_space<vmem>>) offsets(%dma_start3A_118 : memref<128xi32, #tpu.memory_space<vmem>>) semaphore(%arg10 : memref<!tpu.dma_semaphore, #tpu.memory_space<semaphore_mem>>)
        } else {
        }
        %mul3A_51 = arith.constant 128 : i32
        %mul3A_52 = arith.muli %add3A_38, %mul3A_51 : i32
        %dma_wait3A_53 = arith.constant 0 : i32
        %dma_wait3A_54 = arith.constant 0 : i32
        %dma_wait3A_55 = tpu.memref_slice %arg8[%dma_wait3A_53, %dma_wait3A_54] : memref<256x128xf32, #tpu.memory_space<vmem>> -> memref<128x128xf32, #tpu.memory_space<vmem>>
        %dma_wait3A_56 = tpu.memref_slice %arg7[%mul3A_52] : memref<1280xi32, #tpu.memory_space<vmem>> -> memref<128xi32, #tpu.memory_space<vmem>>
        %dma_wait3A_57 = arith.constant 0 : i32
        %dma_wait3A_58 = arith.constant 0 : i32
        %dma_wait3A_59 = tpu.memref_slice %arg2[%dma_wait3A_57, %dma_wait3A_58] : memref<100000x128xf32, #tpu.memory_space<hbm>> -> memref<100000x128xf32, #tpu.memory_space<hbm>>
        tpu.wait_indirect_dma semaphore(%arg9 : memref<!tpu.dma_semaphore, #tpu.memory_space<semaphore_mem>>) src(%dma_wait3A_59 : memref<100000x128xf32, #tpu.memory_space<hbm>>) dst(%dma_wait3A_55 : memref<128x128xf32, #tpu.memory_space<vmem>>)
        %mul3A_60 = arith.constant 128 : i32
        %mul3A_61 = arith.muli %add3A_38, %mul3A_60 : i32
        %add3A_62 = arith.addi %mul3A_10, %mul3A_61 : i32
        %dma_start3A_63 = arith.constant 0 : i32
        %dma_start3A_64 = arith.constant 0 : i32
        %dma_start3A_65 = tpu.memref_slice %arg8[%dma_start3A_63, %dma_start3A_64] : memref<256x128xf32, #tpu.memory_space<vmem>> -> memref<128x128xf32, #tpu.memory_space<vmem>>
        %dma_start3A_66 = arith.constant 0 : i32
        %dma_start3A_67 = tpu.memref_slice %arg5[%add3A_62, %dma_start3A_66] : memref<20480x128xf32, #tpu.memory_space<hbm>> -> memref<128x128xf32, #tpu.memory_space<hbm>>
        %dma_start3A_68 = arith.constant 0 : i32
        %dma_start3A_69 = tpu.memref_slice %arg5[%add3A_62, %dma_start3A_68] : memref<20480x128xf32, #tpu.memory_space<hbm>> -> memref<128x128xf32, #tpu.memory_space<hbm>>
        %dma_start3A_70 = arith.constant 0 : i32
        %dma_start3A_71 = arith.constant 0 : i32
        %dma_start3A_72 = tpu.memref_slice %arg8[%dma_start3A_70, %dma_start3A_71] : memref<256x128xf32, #tpu.memory_space<vmem>> -> memref<128x128xf32, #tpu.memory_space<vmem>>
        tpu.enqueue_dma source(%dma_start3A_72 : memref<128x128xf32, #tpu.memory_space<vmem>>) target(%dma_start3A_69 : memref<128x128xf32, #tpu.memory_space<hbm>>) target_semaphore(%arg11 : memref<!tpu.dma_semaphore, #tpu.memory_space<semaphore_mem>>)
        %mul3A_73 = arith.constant 2 : i32
        %mul3A_74 = arith.muli %scan3A_34, %mul3A_73 : i32
        %add3A_75 = arith.constant 1 : i32
        %add3A_76 = arith.addi %mul3A_74, %add3A_75 : i32
        %ge3A_77 = arith.constant 1 : i32
        %ge3A_78 = arith.cmpi sge, %add3A_76, %ge3A_77 : i32
        %convert_element_type3A_79 = arith.extui %ge3A_78 : i1 to i32
        %cond3A_80 = arith.constant 0 : i32
        %cond3A_81 = arith.cmpi ne, %convert_element_type3A_79, %cond3A_80 : i32
        scf.if %cond3A_81 {
          %sub3A = arith.constant 1 : i32
          %sub3A_111 = arith.subi %add3A_76, %sub3A : i32
          %mul3A_112 = arith.constant 128 : i32
          %mul3A_113 = arith.muli %sub3A_111, %mul3A_112 : i32
          %add3A_114 = arith.addi %mul3A_10, %mul3A_113 : i32
          %dma_wait3A_115 = arith.constant 0 : i32
          %dma_wait3A_116 = arith.constant 0 : i32
          %dma_wait3A_117 = tpu.memref_slice %arg8[%dma_wait3A_115, %dma_wait3A_116] : memref<256x128xf32, #tpu.memory_space<vmem>> -> memref<128x128xf32, #tpu.memory_space<vmem>>
          %dma_wait3A_118 = arith.constant 0 : i32
          %dma_wait3A_119 = tpu.memref_slice %arg5[%add3A_114, %dma_wait3A_118] : memref<20480x128xf32, #tpu.memory_space<hbm>> -> memref<128x128xf32, #tpu.memory_space<hbm>>
          %dma_wait3A_120 = arith.constant 0 : i32
          %dma_wait3A_121 = tpu.memref_slice %arg5[%add3A_114, %dma_wait3A_120] : memref<20480x128xf32, #tpu.memory_space<hbm>> -> memref<128x128xf32, #tpu.memory_space<hbm>>
          %dma_wait3A_122 = arith.constant 0 : i32
          %dma_wait3A_123 = arith.constant 0 : i32
          %dma_wait3A_124 = tpu.memref_slice %arg8[%dma_wait3A_122, %dma_wait3A_123] : memref<256x128xf32, #tpu.memory_space<vmem>> -> memref<128x128xf32, #tpu.memory_space<vmem>>
          tpu.wait_dma2 semaphore(%arg11 : memref<!tpu.dma_semaphore, #tpu.memory_space<semaphore_mem>>) src(%dma_wait3A_124 : memref<128x128xf32, #tpu.memory_space<vmem>>) dst(%dma_wait3A_121 : memref<128x128xf32, #tpu.memory_space<hbm>>)
        } else {
        }
        %add3A_82 = arith.constant 1 : i32
        %add3A_83 = arith.addi %add3A_76, %add3A_82 : i32
        %lt3A_84 = arith.constant 10 : i32
        %lt3A_85 = arith.cmpi slt, %add3A_83, %lt3A_84 : i32
        %convert_element_type3A_86 = arith.extui %lt3A_85 : i1 to i32
        %cond3A_87 = arith.constant 0 : i32
        %cond3A_88 = arith.cmpi ne, %convert_element_type3A_86, %cond3A_87 : i32
        scf.if %cond3A_88 {
          %add3A_111 = arith.constant 1 : i32
          %add3A_112 = arith.addi %add3A_76, %add3A_111 : i32
          %mul3A_113 = arith.constant 128 : i32
          %mul3A_114 = arith.muli %add3A_112, %mul3A_113 : i32
          %dma_start3A_115 = arith.constant 0 : i32
          %dma_start3A_116 = arith.constant 0 : i32
          %dma_start3A_117 = tpu.memref_slice %arg8[%dma_start3A_115, %dma_start3A_116] : memref<256x128xf32, #tpu.memory_space<vmem>> -> memref<128x128xf32, #tpu.memory_space<vmem>>
          %dma_start3A_118 = tpu.memref_slice %arg7[%mul3A_114] : memref<1280xi32, #tpu.memory_space<vmem>> -> memref<128xi32, #tpu.memory_space<vmem>>
          %dma_start3A_119 = arith.constant 0 : i32
          %dma_start3A_120 = arith.constant 0 : i32
          %dma_start3A_121 = tpu.memref_slice %arg2[%dma_start3A_119, %dma_start3A_120] : memref<100000x128xf32, #tpu.memory_space<hbm>> -> memref<100000x128xf32, #tpu.memory_space<hbm>>
          tpu.enqueue_indirect_dma source(%dma_start3A_121 : memref<100000x128xf32, #tpu.memory_space<hbm>>) target(%dma_start3A_117 : memref<128x128xf32, #tpu.memory_space<vmem>>) offsets(%dma_start3A_118 : memref<128xi32, #tpu.memory_space<vmem>>) semaphore(%arg9 : memref<!tpu.dma_semaphore, #tpu.memory_space<semaphore_mem>>)
        } else {
        }
        %mul3A_89 = arith.constant 128 : i32
        %mul3A_90 = arith.muli %add3A_76, %mul3A_89 : i32
        %dma_wait3A_91 = arith.constant 128 : i32
        %dma_wait3A_92 = arith.constant 0 : i32
        %dma_wait3A_93 = tpu.memref_slice %arg8[%dma_wait3A_91, %dma_wait3A_92] : memref<256x128xf32, #tpu.memory_space<vmem>> -> memref<128x128xf32, #tpu.memory_space<vmem>>
        %dma_wait3A_94 = tpu.memref_slice %arg7[%mul3A_90] : memref<1280xi32, #tpu.memory_space<vmem>> -> memref<128xi32, #tpu.memory_space<vmem>>
        %dma_wait3A_95 = arith.constant 0 : i32
        %dma_wait3A_96 = arith.constant 0 : i32
        %dma_wait3A_97 = tpu.memref_slice %arg2[%dma_wait3A_95, %dma_wait3A_96] : memref<100000x128xf32, #tpu.memory_space<hbm>> -> memref<100000x128xf32, #tpu.memory_space<hbm>>
        tpu.wait_indirect_dma semaphore(%arg10 : memref<!tpu.dma_semaphore, #tpu.memory_space<semaphore_mem>>) src(%dma_wait3A_97 : memref<100000x128xf32, #tpu.memory_space<hbm>>) dst(%dma_wait3A_93 : memref<128x128xf32, #tpu.memory_space<vmem>>)
        %mul3A_98 = arith.constant 128 : i32
        %mul3A_99 = arith.muli %add3A_76, %mul3A_98 : i32
        %add3A_100 = arith.addi %mul3A_10, %mul3A_99 : i32
        %dma_start3A_101 = arith.constant 128 : i32
        %dma_start3A_102 = arith.constant 0 : i32
        %dma_start3A_103 = tpu.memref_slice %arg8[%dma_start3A_101, %dma_start3A_102] : memref<256x128xf32, #tpu.memory_space<vmem>> -> memref<128x128xf32, #tpu.memory_space<vmem>>
        %dma_start3A_104 = arith.constant 0 : i32
        %dma_start3A_105 = tpu.memref_slice %arg5[%add3A_100, %dma_start3A_104] : memref<20480x128xf32, #tpu.memory_space<hbm>> -> memref<128x128xf32, #tpu.memory_space<hbm>>
        %dma_start3A_106 = arith.constant 0 : i32
        %dma_start3A_107 = tpu.memref_slice %arg5[%add3A_100, %dma_start3A_106] : memref<20480x128xf32, #tpu.memory_space<hbm>> -> memref<128x128xf32, #tpu.memory_space<hbm>>
        %dma_start3A_108 = arith.constant 128 : i32
        %dma_start3A_109 = arith.constant 0 : i32
        %dma_start3A_110 = tpu.memref_slice %arg8[%dma_start3A_108, %dma_start3A_109] : memref<256x128xf32, #tpu.memory_space<vmem>> -> memref<128x128xf32, #tpu.memory_space<vmem>>
        tpu.enqueue_dma source(%dma_start3A_110 : memref<128x128xf32, #tpu.memory_space<vmem>>) target(%dma_start3A_107 : memref<128x128xf32, #tpu.memory_space<hbm>>) target_semaphore(%arg12 : memref<!tpu.dma_semaphore, #tpu.memory_space<semaphore_mem>>)
      }
      %scan3A_22 = arith.constant 5 : i32
      %add3A_23 = arith.constant 1152 : i32
      %add3A_24 = arith.addi %mul3A_10, %add3A_23 : i32
      %dma_wait3A = arith.constant 128 : i32
      %dma_wait3A_25 = arith.constant 0 : i32
      %dma_wait3A_26 = tpu.memref_slice %arg8[%dma_wait3A, %dma_wait3A_25] : memref<256x128xf32, #tpu.memory_space<vmem>> -> memref<128x128xf32, #tpu.memory_space<vmem>>
      %dma_wait3A_27 = arith.constant 0 : i32
      %dma_wait3A_28 = tpu.memref_slice %arg5[%add3A_24, %dma_wait3A_27] : memref<20480x128xf32, #tpu.memory_space<hbm>> -> memref<128x128xf32, #tpu.memory_space<hbm>>
      %dma_wait3A_29 = arith.constant 0 : i32
      %dma_wait3A_30 = tpu.memref_slice %arg5[%add3A_24, %dma_wait3A_29] : memref<20480x128xf32, #tpu.memory_space<hbm>> -> memref<128x128xf32, #tpu.memory_space<hbm>>
      %dma_wait3A_31 = arith.constant 128 : i32
      %dma_wait3A_32 = arith.constant 0 : i32
      %dma_wait3A_33 = tpu.memref_slice %arg8[%dma_wait3A_31, %dma_wait3A_32] : memref<256x128xf32, #tpu.memory_space<vmem>> -> memref<128x128xf32, #tpu.memory_space<vmem>>
      tpu.wait_dma2 semaphore(%arg12 : memref<!tpu.dma_semaphore, #tpu.memory_space<semaphore_mem>>) src(%dma_wait3A_33 : memref<128x128xf32, #tpu.memory_space<vmem>>) dst(%dma_wait3A_30 : memref<128x128xf32, #tpu.memory_space<hbm>>)
    } else {
    }
    %ge3A = arith.constant 16 : i32
    %ge3A_3 = arith.cmpi sge, %add3A, %ge3A : i32
    %convert_element_type3A_4 = arith.extui %ge3A_3 : i1 to i32
    %cond3A_5 = arith.constant 0 : i32
    %cond3A_6 = arith.cmpi ne, %convert_element_type3A_4, %cond3A_5 : i32
    scf.if %cond3A_6 {
      %sub3A = arith.constant 16 : i32
      %sub3A_7 = arith.subi %add3A, %sub3A : i32
      %mul3A_8 = arith.constant 10 : i32
      %mul3A_9 = arith.muli %sub3A_7, %mul3A_8 : i32
      %mul3A_10 = arith.constant 128 : i32
      %mul3A_11 = arith.muli %mul3A_9, %mul3A_10 : i32
      "tpu.region"() ({
        %run_scoped3A = tpu.sem_alloc : memref<!tpu.dma_semaphore, #tpu.memory_space<semaphore_mem>>
        %dma_start3A_35 = tpu.memref_slice %arg4[%mul3A_11] : memref<20480xi32, #tpu.memory_space<hbm>> -> memref<1280xi32, #tpu.memory_space<hbm>>
        %dma_start3A_36 = tpu.memref_slice %arg4[%mul3A_11] : memref<20480xi32, #tpu.memory_space<hbm>> -> memref<1280xi32, #tpu.memory_space<hbm>>
        tpu.enqueue_dma source(%dma_start3A_36 : memref<1280xi32, #tpu.memory_space<hbm>>) target(%arg7 : memref<1280xi32, #tpu.memory_space<vmem>>) target_semaphore(%run_scoped3A : memref<!tpu.dma_semaphore, #tpu.memory_space<semaphore_mem>>)
        %dma_wait3A_37 = tpu.memref_slice %arg4[%mul3A_11] : memref<20480xi32, #tpu.memory_space<hbm>> -> memref<1280xi32, #tpu.memory_space<hbm>>
        %dma_wait3A_38 = tpu.memref_slice %arg4[%mul3A_11] : memref<20480xi32, #tpu.memory_space<hbm>> -> memref<1280xi32, #tpu.memory_space<hbm>>
        tpu.wait_dma2 semaphore(%run_scoped3A : memref<!tpu.dma_semaphore, #tpu.memory_space<semaphore_mem>>) src(%dma_wait3A_38 : memref<1280xi32, #tpu.memory_space<hbm>>) dst(%arg7 : memref<1280xi32, #tpu.memory_space<vmem>>)
        tpu.yield
      }) : () -> ()
      %dma_start3A = arith.constant 0 : i32
      %dma_start3A_12 = arith.constant 0 : i32
      %dma_start3A_13 = tpu.memref_slice %arg8[%dma_start3A, %dma_start3A_12] : memref<256x128xf32, #tpu.memory_space<vmem>> -> memref<128x128xf32, #tpu.memory_space<vmem>>
      %dma_start3A_14 = arith.constant 0 : i32
      %dma_start3A_15 = tpu.memref_slice %arg7[%dma_start3A_14] : memref<1280xi32, #tpu.memory_space<vmem>> -> memref<128xi32, #tpu.memory_space<vmem>>
      %dma_start3A_16 = arith.constant 0 : i32
      %dma_start3A_17 = arith.constant 0 : i32
      %dma_start3A_18 = tpu.memref_slice %arg2[%dma_start3A_16, %dma_start3A_17] : memref<100000x128xf32, #tpu.memory_space<hbm>> -> memref<100000x128xf32, #tpu.memory_space<hbm>>
      tpu.enqueue_indirect_dma source(%dma_start3A_18 : memref<100000x128xf32, #tpu.memory_space<hbm>>) target(%dma_start3A_13 : memref<128x128xf32, #tpu.memory_space<vmem>>) offsets(%dma_start3A_15 : memref<128xi32, #tpu.memory_space<vmem>>) semaphore(%arg9 : memref<!tpu.dma_semaphore, #tpu.memory_space<semaphore_mem>>)
      %scan3A = arith.constant 0 : i32
      %scan3A_19 = arith.constant 0 : i32
      %scan3A_20 = arith.constant 5 : i32
      %scan3A_21 = arith.addi %scan3A_19, %scan3A_20 : i32
      %scan3A_22 = arith.constant 1 : i32
      scf.for %scan3A_35 = %scan3A_19 to %scan3A_21 step %scan3A_22  : i32 {
        %mul3A_36 = arith.constant 2 : i32
        %mul3A_37 = arith.muli %scan3A_35, %mul3A_36 : i32
        %add3A_38 = arith.constant 0 : i32
        %add3A_39 = arith.addi %mul3A_37, %add3A_38 : i32
        %ge3A_40 = arith.constant 1 : i32
        %ge3A_41 = arith.cmpi sge, %add3A_39, %ge3A_40 : i32
        %convert_element_type3A_42 = arith.extui %ge3A_41 : i1 to i32
        %cond3A_43 = arith.constant 0 : i32
        %cond3A_44 = arith.cmpi ne, %convert_element_type3A_42, %cond3A_43 : i32
        scf.if %cond3A_44 {
          %sub3A_112 = arith.constant 1 : i32
          %sub3A_113 = arith.subi %add3A_39, %sub3A_112 : i32
          %mul3A_114 = arith.constant 128 : i32
          %mul3A_115 = arith.muli %sub3A_113, %mul3A_114 : i32
          %add3A_116 = arith.addi %mul3A_11, %mul3A_115 : i32
          %dma_wait3A_117 = arith.constant 128 : i32
          %dma_wait3A_118 = arith.constant 0 : i32
          %dma_wait3A_119 = tpu.memref_slice %arg8[%dma_wait3A_117, %dma_wait3A_118] : memref<256x128xf32, #tpu.memory_space<vmem>> -> memref<128x128xf32, #tpu.memory_space<vmem>>
          %dma_wait3A_120 = arith.constant 0 : i32
          %dma_wait3A_121 = tpu.memref_slice %arg6[%add3A_116, %dma_wait3A_120] : memref<20480x128xf32, #tpu.memory_space<hbm>> -> memref<128x128xf32, #tpu.memory_space<hbm>>
          %dma_wait3A_122 = arith.constant 0 : i32
          %dma_wait3A_123 = tpu.memref_slice %arg6[%add3A_116, %dma_wait3A_122] : memref<20480x128xf32, #tpu.memory_space<hbm>> -> memref<128x128xf32, #tpu.memory_space<hbm>>
          %dma_wait3A_124 = arith.constant 128 : i32
          %dma_wait3A_125 = arith.constant 0 : i32
          %dma_wait3A_126 = tpu.memref_slice %arg8[%dma_wait3A_124, %dma_wait3A_125] : memref<256x128xf32, #tpu.memory_space<vmem>> -> memref<128x128xf32, #tpu.memory_space<vmem>>
          tpu.wait_dma2 semaphore(%arg12 : memref<!tpu.dma_semaphore, #tpu.memory_space<semaphore_mem>>) src(%dma_wait3A_126 : memref<128x128xf32, #tpu.memory_space<vmem>>) dst(%dma_wait3A_123 : memref<128x128xf32, #tpu.memory_space<hbm>>)
        } else {
        }
        %add3A_45 = arith.constant 1 : i32
        %add3A_46 = arith.addi %add3A_39, %add3A_45 : i32
        %lt3A_47 = arith.constant 10 : i32
        %lt3A_48 = arith.cmpi slt, %add3A_46, %lt3A_47 : i32
        %convert_element_type3A_49 = arith.extui %lt3A_48 : i1 to i32
        %cond3A_50 = arith.constant 0 : i32
        %cond3A_51 = arith.cmpi ne, %convert_element_type3A_49, %cond3A_50 : i32
        scf.if %cond3A_51 {
          %add3A_112 = arith.constant 1 : i32
          %add3A_113 = arith.addi %add3A_39, %add3A_112 : i32
          %mul3A_114 = arith.constant 128 : i32
          %mul3A_115 = arith.muli %add3A_113, %mul3A_114 : i32
          %dma_start3A_116 = arith.constant 128 : i32
          %dma_start3A_117 = arith.constant 0 : i32
          %dma_start3A_118 = tpu.memref_slice %arg8[%dma_start3A_116, %dma_start3A_117] : memref<256x128xf32, #tpu.memory_space<vmem>> -> memref<128x128xf32, #tpu.memory_space<vmem>>
          %dma_start3A_119 = tpu.memref_slice %arg7[%mul3A_115] : memref<1280xi32, #tpu.memory_space<vmem>> -> memref<128xi32, #tpu.memory_space<vmem>>
          %dma_start3A_120 = arith.constant 0 : i32
          %dma_start3A_121 = arith.constant 0 : i32
          %dma_start3A_122 = tpu.memref_slice %arg2[%dma_start3A_120, %dma_start3A_121] : memref<100000x128xf32, #tpu.memory_space<hbm>> -> memref<100000x128xf32, #tpu.memory_space<hbm>>
          tpu.enqueue_indirect_dma source(%dma_start3A_122 : memref<100000x128xf32, #tpu.memory_space<hbm>>) target(%dma_start3A_118 : memref<128x128xf32, #tpu.memory_space<vmem>>) offsets(%dma_start3A_119 : memref<128xi32, #tpu.memory_space<vmem>>) semaphore(%arg10 : memref<!tpu.dma_semaphore, #tpu.memory_space<semaphore_mem>>)
        } else {
        }
        %mul3A_52 = arith.constant 128 : i32
        %mul3A_53 = arith.muli %add3A_39, %mul3A_52 : i32
        %dma_wait3A_54 = arith.constant 0 : i32
        %dma_wait3A_55 = arith.constant 0 : i32
        %dma_wait3A_56 = tpu.memref_slice %arg8[%dma_wait3A_54, %dma_wait3A_55] : memref<256x128xf32, #tpu.memory_space<vmem>> -> memref<128x128xf32, #tpu.memory_space<vmem>>
        %dma_wait3A_57 = tpu.memref_slice %arg7[%mul3A_53] : memref<1280xi32, #tpu.memory_space<vmem>> -> memref<128xi32, #tpu.memory_space<vmem>>
        %dma_wait3A_58 = arith.constant 0 : i32
        %dma_wait3A_59 = arith.constant 0 : i32
        %dma_wait3A_60 = tpu.memref_slice %arg2[%dma_wait3A_58, %dma_wait3A_59] : memref<100000x128xf32, #tpu.memory_space<hbm>> -> memref<100000x128xf32, #tpu.memory_space<hbm>>
        tpu.wait_indirect_dma semaphore(%arg9 : memref<!tpu.dma_semaphore, #tpu.memory_space<semaphore_mem>>) src(%dma_wait3A_60 : memref<100000x128xf32, #tpu.memory_space<hbm>>) dst(%dma_wait3A_56 : memref<128x128xf32, #tpu.memory_space<vmem>>)
        %mul3A_61 = arith.constant 128 : i32
        %mul3A_62 = arith.muli %add3A_39, %mul3A_61 : i32
        %add3A_63 = arith.addi %mul3A_11, %mul3A_62 : i32
        %dma_start3A_64 = arith.constant 0 : i32
        %dma_start3A_65 = arith.constant 0 : i32
        %dma_start3A_66 = tpu.memref_slice %arg8[%dma_start3A_64, %dma_start3A_65] : memref<256x128xf32, #tpu.memory_space<vmem>> -> memref<128x128xf32, #tpu.memory_space<vmem>>
        %dma_start3A_67 = arith.constant 0 : i32
        %dma_start3A_68 = tpu.memref_slice %arg6[%add3A_63, %dma_start3A_67] : memref<20480x128xf32, #tpu.memory_space<hbm>> -> memref<128x128xf32, #tpu.memory_space<hbm>>
        %dma_start3A_69 = arith.constant 0 : i32
        %dma_start3A_70 = tpu.memref_slice %arg6[%add3A_63, %dma_start3A_69] : memref<20480x128xf32, #tpu.memory_space<hbm>> -> memref<128x128xf32, #tpu.memory_space<hbm>>
        %dma_start3A_71 = arith.constant 0 : i32
        %dma_start3A_72 = arith.constant 0 : i32
        %dma_start3A_73 = tpu.memref_slice %arg8[%dma_start3A_71, %dma_start3A_72] : memref<256x128xf32, #tpu.memory_space<vmem>> -> memref<128x128xf32, #tpu.memory_space<vmem>>
        tpu.enqueue_dma source(%dma_start3A_73 : memref<128x128xf32, #tpu.memory_space<vmem>>) target(%dma_start3A_70 : memref<128x128xf32, #tpu.memory_space<hbm>>) target_semaphore(%arg11 : memref<!tpu.dma_semaphore, #tpu.memory_space<semaphore_mem>>)
        %mul3A_74 = arith.constant 2 : i32
        %mul3A_75 = arith.muli %scan3A_35, %mul3A_74 : i32
        %add3A_76 = arith.constant 1 : i32
        %add3A_77 = arith.addi %mul3A_75, %add3A_76 : i32
        %ge3A_78 = arith.constant 1 : i32
        %ge3A_79 = arith.cmpi sge, %add3A_77, %ge3A_78 : i32
        %convert_element_type3A_80 = arith.extui %ge3A_79 : i1 to i32
        %cond3A_81 = arith.constant 0 : i32
        %cond3A_82 = arith.cmpi ne, %convert_element_type3A_80, %cond3A_81 : i32
        scf.if %cond3A_82 {
          %sub3A_112 = arith.constant 1 : i32
          %sub3A_113 = arith.subi %add3A_77, %sub3A_112 : i32
          %mul3A_114 = arith.constant 128 : i32
          %mul3A_115 = arith.muli %sub3A_113, %mul3A_114 : i32
          %add3A_116 = arith.addi %mul3A_11, %mul3A_115 : i32
          %dma_wait3A_117 = arith.constant 0 : i32
          %dma_wait3A_118 = arith.constant 0 : i32
          %dma_wait3A_119 = tpu.memref_slice %arg8[%dma_wait3A_117, %dma_wait3A_118] : memref<256x128xf32, #tpu.memory_space<vmem>> -> memref<128x128xf32, #tpu.memory_space<vmem>>
          %dma_wait3A_120 = arith.constant 0 : i32
          %dma_wait3A_121 = tpu.memref_slice %arg6[%add3A_116, %dma_wait3A_120] : memref<20480x128xf32, #tpu.memory_space<hbm>> -> memref<128x128xf32, #tpu.memory_space<hbm>>
          %dma_wait3A_122 = arith.constant 0 : i32
          %dma_wait3A_123 = tpu.memref_slice %arg6[%add3A_116, %dma_wait3A_122] : memref<20480x128xf32, #tpu.memory_space<hbm>> -> memref<128x128xf32, #tpu.memory_space<hbm>>
          %dma_wait3A_124 = arith.constant 0 : i32
          %dma_wait3A_125 = arith.constant 0 : i32
          %dma_wait3A_126 = tpu.memref_slice %arg8[%dma_wait3A_124, %dma_wait3A_125] : memref<256x128xf32, #tpu.memory_space<vmem>> -> memref<128x128xf32, #tpu.memory_space<vmem>>
          tpu.wait_dma2 semaphore(%arg11 : memref<!tpu.dma_semaphore, #tpu.memory_space<semaphore_mem>>) src(%dma_wait3A_126 : memref<128x128xf32, #tpu.memory_space<vmem>>) dst(%dma_wait3A_123 : memref<128x128xf32, #tpu.memory_space<hbm>>)
        } else {
        }
        %add3A_83 = arith.constant 1 : i32
        %add3A_84 = arith.addi %add3A_77, %add3A_83 : i32
        %lt3A_85 = arith.constant 10 : i32
        %lt3A_86 = arith.cmpi slt, %add3A_84, %lt3A_85 : i32
        %convert_element_type3A_87 = arith.extui %lt3A_86 : i1 to i32
        %cond3A_88 = arith.constant 0 : i32
        %cond3A_89 = arith.cmpi ne, %convert_element_type3A_87, %cond3A_88 : i32
        scf.if %cond3A_89 {
          %add3A_112 = arith.constant 1 : i32
          %add3A_113 = arith.addi %add3A_77, %add3A_112 : i32
          %mul3A_114 = arith.constant 128 : i32
          %mul3A_115 = arith.muli %add3A_113, %mul3A_114 : i32
          %dma_start3A_116 = arith.constant 0 : i32
          %dma_start3A_117 = arith.constant 0 : i32
          %dma_start3A_118 = tpu.memref_slice %arg8[%dma_start3A_116, %dma_start3A_117] : memref<256x128xf32, #tpu.memory_space<vmem>> -> memref<128x128xf32, #tpu.memory_space<vmem>>
          %dma_start3A_119 = tpu.memref_slice %arg7[%mul3A_115] : memref<1280xi32, #tpu.memory_space<vmem>> -> memref<128xi32, #tpu.memory_space<vmem>>
          %dma_start3A_120 = arith.constant 0 : i32
          %dma_start3A_121 = arith.constant 0 : i32
          %dma_start3A_122 = tpu.memref_slice %arg2[%dma_start3A_120, %dma_start3A_121] : memref<100000x128xf32, #tpu.memory_space<hbm>> -> memref<100000x128xf32, #tpu.memory_space<hbm>>
          tpu.enqueue_indirect_dma source(%dma_start3A_122 : memref<100000x128xf32, #tpu.memory_space<hbm>>) target(%dma_start3A_118 : memref<128x128xf32, #tpu.memory_space<vmem>>) offsets(%dma_start3A_119 : memref<128xi32, #tpu.memory_space<vmem>>) semaphore(%arg9 : memref<!tpu.dma_semaphore, #tpu.memory_space<semaphore_mem>>)
        } else {
        }
        %mul3A_90 = arith.constant 128 : i32
        %mul3A_91 = arith.muli %add3A_77, %mul3A_90 : i32
        %dma_wait3A_92 = arith.constant 128 : i32
        %dma_wait3A_93 = arith.constant 0 : i32
        %dma_wait3A_94 = tpu.memref_slice %arg8[%dma_wait3A_92, %dma_wait3A_93] : memref<256x128xf32, #tpu.memory_space<vmem>> -> memref<128x128xf32, #tpu.memory_space<vmem>>
        %dma_wait3A_95 = tpu.memref_slice %arg7[%mul3A_91] : memref<1280xi32, #tpu.memory_space<vmem>> -> memref<128xi32, #tpu.memory_space<vmem>>
        %dma_wait3A_96 = arith.constant 0 : i32
        %dma_wait3A_97 = arith.constant 0 : i32
        %dma_wait3A_98 = tpu.memref_slice %arg2[%dma_wait3A_96, %dma_wait3A_97] : memref<100000x128xf32, #tpu.memory_space<hbm>> -> memref<100000x128xf32, #tpu.memory_space<hbm>>
        tpu.wait_indirect_dma semaphore(%arg10 : memref<!tpu.dma_semaphore, #tpu.memory_space<semaphore_mem>>) src(%dma_wait3A_98 : memref<100000x128xf32, #tpu.memory_space<hbm>>) dst(%dma_wait3A_94 : memref<128x128xf32, #tpu.memory_space<vmem>>)
        %mul3A_99 = arith.constant 128 : i32
        %mul3A_100 = arith.muli %add3A_77, %mul3A_99 : i32
        %add3A_101 = arith.addi %mul3A_11, %mul3A_100 : i32
        %dma_start3A_102 = arith.constant 128 : i32
        %dma_start3A_103 = arith.constant 0 : i32
        %dma_start3A_104 = tpu.memref_slice %arg8[%dma_start3A_102, %dma_start3A_103] : memref<256x128xf32, #tpu.memory_space<vmem>> -> memref<128x128xf32, #tpu.memory_space<vmem>>
        %dma_start3A_105 = arith.constant 0 : i32
        %dma_start3A_106 = tpu.memref_slice %arg6[%add3A_101, %dma_start3A_105] : memref<20480x128xf32, #tpu.memory_space<hbm>> -> memref<128x128xf32, #tpu.memory_space<hbm>>
        %dma_start3A_107 = arith.constant 0 : i32
        %dma_start3A_108 = tpu.memref_slice %arg6[%add3A_101, %dma_start3A_107] : memref<20480x128xf32, #tpu.memory_space<hbm>> -> memref<128x128xf32, #tpu.memory_space<hbm>>
        %dma_start3A_109 = arith.constant 128 : i32
        %dma_start3A_110 = arith.constant 0 : i32
        %dma_start3A_111 = tpu.memref_slice %arg8[%dma_start3A_109, %dma_start3A_110] : memref<256x128xf32, #tpu.memory_space<vmem>> -> memref<128x128xf32, #tpu.memory_space<vmem>>
        tpu.enqueue_dma source(%dma_start3A_111 : memref<128x128xf32, #tpu.memory_space<vmem>>) target(%dma_start3A_108 : memref<128x128xf32, #tpu.memory_space<hbm>>) target_semaphore(%arg12 : memref<!tpu.dma_semaphore, #tpu.memory_space<semaphore_mem>>)
      }
      %scan3A_23 = arith.constant 5 : i32
      %add3A_24 = arith.constant 1152 : i32
      %add3A_25 = arith.addi %mul3A_11, %add3A_24 : i32
      %dma_wait3A = arith.constant 128 : i32
      %dma_wait3A_26 = arith.constant 0 : i32
      %dma_wait3A_27 = tpu.memref_slice %arg8[%dma_wait3A, %dma_wait3A_26] : memref<256x128xf32, #tpu.memory_space<vmem>> -> memref<128x128xf32, #tpu.memory_space<vmem>>
      %dma_wait3A_28 = arith.constant 0 : i32
      %dma_wait3A_29 = tpu.memref_slice %arg6[%add3A_25, %dma_wait3A_28] : memref<20480x128xf32, #tpu.memory_space<hbm>> -> memref<128x128xf32, #tpu.memory_space<hbm>>
      %dma_wait3A_30 = arith.constant 0 : i32
      %dma_wait3A_31 = tpu.memref_slice %arg6[%add3A_25, %dma_wait3A_30] : memref<20480x128xf32, #tpu.memory_space<hbm>> -> memref<128x128xf32, #tpu.memory_space<hbm>>
      %dma_wait3A_32 = arith.constant 128 : i32
      %dma_wait3A_33 = arith.constant 0 : i32
      %dma_wait3A_34 = tpu.memref_slice %arg8[%dma_wait3A_32, %dma_wait3A_33] : memref<256x128xf32, #tpu.memory_space<vmem>> -> memref<128x128xf32, #tpu.memory_space<vmem>>
      tpu.wait_dma2 semaphore(%arg12 : memref<!tpu.dma_semaphore, #tpu.memory_space<semaphore_mem>>) src(%dma_wait3A_34 : memref<128x128xf32, #tpu.memory_space<vmem>>) dst(%dma_wait3A_31 : memref<128x128xf32, #tpu.memory_space<hbm>>)
    } else {
    }
    return
  }
}

#map = affine_map<(d0, d1) -> (0, 0)>
#map1 = affine_map<(d0, d1) -> (0)>
module attributes {stable_mosaic.version = 14 : i64} {
  func.func @_gather_body(%arg0: i32, %arg1: i32, %arg2: memref<100000x128xf32, #tpu.memory_space<hbm>>, %arg3: memref<20480xi32, #tpu.memory_space<hbm>>, %arg4: memref<20480xi32, #tpu.memory_space<hbm>>, %arg5: memref<20480x128xf32, #tpu.memory_space<hbm>>, %arg6: memref<20480x128xf32, #tpu.memory_space<hbm>>, %arg7: memref<1280xi32, #tpu.memory_space<vmem>>, %arg8: memref<256x128xf32, #tpu.memory_space<vmem>>, %arg9: memref<!tpu.dma_semaphore, #tpu.memory_space<semaphore_mem>>, %arg10: memref<!tpu.dma_semaphore, #tpu.memory_space<semaphore_mem>>, %arg11: memref<!tpu.dma_semaphore, #tpu.memory_space<semaphore_mem>>, %arg12: memref<!tpu.dma_semaphore, #tpu.memory_space<semaphore_mem>>) attributes {dimension_semantics = [#tpu.dimension_semantics<core_parallel>, #tpu.dimension_semantics<subcore_parallel>], iteration_bounds = array<i64: 2, 16>, scalar_prefetch = 0 : i64, scratch_operands = 6 : i64, tpu.core_type = #tpu.core_type<sc_vector_subcore>, window_params = [{transform_indices = #map}, {transform_indices = #map1}, {transform_indices = #map1}, {transform_indices = #map}, {transform_indices = #map}]} {
    %mul3A = arith.constant 2 : i32
    %mul3A_0 = arith.muli %arg1, %mul3A : i32
    %add3A = arith.addi %mul3A_0, %arg0 : i32
    %lt3A = arith.constant 16 : i32
    %lt3A_1 = arith.cmpi slt, %add3A, %lt3A : i32
    %convert_element_type3A = arith.extui %lt3A_1 : i1 to i32
    %cond3A = arith.constant 0 : i32
    %cond3A_2 = arith.cmpi ne, %convert_element_type3A, %cond3A : i32
    scf.if %cond3A_2 {
      %mul3A_7 = arith.constant 10 : i32
      %mul3A_8 = arith.muli %add3A, %mul3A_7 : i32
      %mul3A_9 = arith.constant 128 : i32
      %mul3A_10 = arith.muli %mul3A_8, %mul3A_9 : i32
      "tpu.region"() ({
        %run_scoped3A = tpu.sem_alloc : memref<!tpu.dma_semaphore, #tpu.memory_space<semaphore_mem>>
        %dma_start3A_34 = tpu.memref_slice %arg3[%mul3A_10] : memref<20480xi32, #tpu.memory_space<hbm>> -> memref<1280xi32, #tpu.memory_space<hbm>>
        %dma_start3A_35 = tpu.memref_slice %arg3[%mul3A_10] : memref<20480xi32, #tpu.memory_space<hbm>> -> memref<1280xi32, #tpu.memory_space<hbm>>
        tpu.enqueue_dma source(%dma_start3A_35 : memref<1280xi32, #tpu.memory_space<hbm>>) target(%arg7 : memref<1280xi32, #tpu.memory_space<vmem>>) target_semaphore(%run_scoped3A : memref<!tpu.dma_semaphore, #tpu.memory_space<semaphore_mem>>)
        %dma_wait3A_36 = tpu.memref_slice %arg3[%mul3A_10] : memref<20480xi32, #tpu.memory_space<hbm>> -> memref<1280xi32, #tpu.memory_space<hbm>>
        %dma_wait3A_37 = tpu.memref_slice %arg3[%mul3A_10] : memref<20480xi32, #tpu.memory_space<hbm>> -> memref<1280xi32, #tpu.memory_space<hbm>>
        tpu.wait_dma2 semaphore(%run_scoped3A : memref<!tpu.dma_semaphore, #tpu.memory_space<semaphore_mem>>) src(%dma_wait3A_37 : memref<1280xi32, #tpu.memory_space<hbm>>) dst(%arg7 : memref<1280xi32, #tpu.memory_space<vmem>>)
        tpu.yield
      }) : () -> ()
      %dma_start3A = arith.constant 0 : i32
      %dma_start3A_11 = arith.constant 0 : i32
      %dma_start3A_12 = tpu.memref_slice %arg8[%dma_start3A, %dma_start3A_11] : memref<256x128xf32, #tpu.memory_space<vmem>> -> memref<128x128xf32, #tpu.memory_space<vmem>>
      %dma_start3A_13 = arith.constant 0 : i32
      %dma_start3A_14 = tpu.memref_slice %arg7[%dma_start3A_13] : memref<1280xi32, #tpu.memory_space<vmem>> -> memref<128xi32, #tpu.memory_space<vmem>>
      %dma_start3A_15 = arith.constant 0 : i32
      %dma_start3A_16 = arith.constant 0 : i32
      %dma_start3A_17 = tpu.memref_slice %arg2[%dma_start3A_15, %dma_start3A_16] : memref<100000x128xf32, #tpu.memory_space<hbm>> -> memref<100000x128xf32, #tpu.memory_space<hbm>>
      tpu.enqueue_indirect_dma source(%dma_start3A_17 : memref<100000x128xf32, #tpu.memory_space<hbm>>) target(%dma_start3A_12 : memref<128x128xf32, #tpu.memory_space<vmem>>) offsets(%dma_start3A_14 : memref<128xi32, #tpu.memory_space<vmem>>) semaphore(%arg9 : memref<!tpu.dma_semaphore, #tpu.memory_space<semaphore_mem>>)
      %scan3A = arith.constant 0 : i32
      %scan3A_18 = arith.constant 0 : i32
      %scan3A_19 = arith.constant 5 : i32
      %scan3A_20 = arith.addi %scan3A_18, %scan3A_19 : i32
      %scan3A_21 = arith.constant 1 : i32
      scf.for %scan3A_34 = %scan3A_18 to %scan3A_20 step %scan3A_21  : i32 {
        %mul3A_35 = arith.constant 2 : i32
        %mul3A_36 = arith.muli %scan3A_34, %mul3A_35 : i32
        %add3A_37 = arith.constant 0 : i32
        %add3A_38 = arith.addi %mul3A_36, %add3A_37 : i32
        %ge3A_39 = arith.constant 1 : i32
        %ge3A_40 = arith.cmpi sge, %add3A_38, %ge3A_39 : i32
        %convert_element_type3A_41 = arith.extui %ge3A_40 : i1 to i32
        %cond3A_42 = arith.constant 0 : i32
        %cond3A_43 = arith.cmpi ne, %convert_element_type3A_41, %cond3A_42 : i32
        scf.if %cond3A_43 {
          %sub3A = arith.constant 1 : i32
          %sub3A_111 = arith.subi %add3A_38, %sub3A : i32
          %mul3A_112 = arith.constant 128 : i32
          %mul3A_113 = arith.muli %sub3A_111, %mul3A_112 : i32
          %add3A_114 = arith.addi %mul3A_10, %mul3A_113 : i32
          %dma_wait3A_115 = arith.constant 128 : i32
          %dma_wait3A_116 = arith.constant 0 : i32
          %dma_wait3A_117 = tpu.memref_slice %arg8[%dma_wait3A_115, %dma_wait3A_116] : memref<256x128xf32, #tpu.memory_space<vmem>> -> memref<128x128xf32, #tpu.memory_space<vmem>>
          %dma_wait3A_118 = arith.constant 0 : i32
          %dma_wait3A_119 = tpu.memref_slice %arg5[%add3A_114, %dma_wait3A_118] : memref<20480x128xf32, #tpu.memory_space<hbm>> -> memref<128x128xf32, #tpu.memory_space<hbm>>
          %dma_wait3A_120 = arith.constant 0 : i32
          %dma_wait3A_121 = tpu.memref_slice %arg5[%add3A_114, %dma_wait3A_120] : memref<20480x128xf32, #tpu.memory_space<hbm>> -> memref<128x128xf32, #tpu.memory_space<hbm>>
          %dma_wait3A_122 = arith.constant 128 : i32
          %dma_wait3A_123 = arith.constant 0 : i32
          %dma_wait3A_124 = tpu.memref_slice %arg8[%dma_wait3A_122, %dma_wait3A_123] : memref<256x128xf32, #tpu.memory_space<vmem>> -> memref<128x128xf32, #tpu.memory_space<vmem>>
          tpu.wait_dma2 semaphore(%arg12 : memref<!tpu.dma_semaphore, #tpu.memory_space<semaphore_mem>>) src(%dma_wait3A_124 : memref<128x128xf32, #tpu.memory_space<vmem>>) dst(%dma_wait3A_121 : memref<128x128xf32, #tpu.memory_space<hbm>>)
        } else {
        }
        %add3A_44 = arith.constant 1 : i32
        %add3A_45 = arith.addi %add3A_38, %add3A_44 : i32
        %lt3A_46 = arith.constant 10 : i32
        %lt3A_47 = arith.cmpi slt, %add3A_45, %lt3A_46 : i32
        %convert_element_type3A_48 = arith.extui %lt3A_47 : i1 to i32
        %cond3A_49 = arith.constant 0 : i32
        %cond3A_50 = arith.cmpi ne, %convert_element_type3A_48, %cond3A_49 : i32
        scf.if %cond3A_50 {
          %add3A_111 = arith.constant 1 : i32
          %add3A_112 = arith.addi %add3A_38, %add3A_111 : i32
          %mul3A_113 = arith.constant 128 : i32
          %mul3A_114 = arith.muli %add3A_112, %mul3A_113 : i32
          %dma_start3A_115 = arith.constant 128 : i32
          %dma_start3A_116 = arith.constant 0 : i32
          %dma_start3A_117 = tpu.memref_slice %arg8[%dma_start3A_115, %dma_start3A_116] : memref<256x128xf32, #tpu.memory_space<vmem>> -> memref<128x128xf32, #tpu.memory_space<vmem>>
          %dma_start3A_118 = tpu.memref_slice %arg7[%mul3A_114] : memref<1280xi32, #tpu.memory_space<vmem>> -> memref<128xi32, #tpu.memory_space<vmem>>
          %dma_start3A_119 = arith.constant 0 : i32
          %dma_start3A_120 = arith.constant 0 : i32
          %dma_start3A_121 = tpu.memref_slice %arg2[%dma_start3A_119, %dma_start3A_120] : memref<100000x128xf32, #tpu.memory_space<hbm>> -> memref<100000x128xf32, #tpu.memory_space<hbm>>
          tpu.enqueue_indirect_dma source(%dma_start3A_121 : memref<100000x128xf32, #tpu.memory_space<hbm>>) target(%dma_start3A_117 : memref<128x128xf32, #tpu.memory_space<vmem>>) offsets(%dma_start3A_118 : memref<128xi32, #tpu.memory_space<vmem>>) semaphore(%arg10 : memref<!tpu.dma_semaphore, #tpu.memory_space<semaphore_mem>>)
        } else {
        }
        %mul3A_51 = arith.constant 128 : i32
        %mul3A_52 = arith.muli %add3A_38, %mul3A_51 : i32
        %dma_wait3A_53 = arith.constant 0 : i32
        %dma_wait3A_54 = arith.constant 0 : i32
        %dma_wait3A_55 = tpu.memref_slice %arg8[%dma_wait3A_53, %dma_wait3A_54] : memref<256x128xf32, #tpu.memory_space<vmem>> -> memref<128x128xf32, #tpu.memory_space<vmem>>
        %dma_wait3A_56 = tpu.memref_slice %arg7[%mul3A_52] : memref<1280xi32, #tpu.memory_space<vmem>> -> memref<128xi32, #tpu.memory_space<vmem>>
        %dma_wait3A_57 = arith.constant 0 : i32
        %dma_wait3A_58 = arith.constant 0 : i32
        %dma_wait3A_59 = tpu.memref_slice %arg2[%dma_wait3A_57, %dma_wait3A_58] : memref<100000x128xf32, #tpu.memory_space<hbm>> -> memref<100000x128xf32, #tpu.memory_space<hbm>>
        tpu.wait_indirect_dma semaphore(%arg9 : memref<!tpu.dma_semaphore, #tpu.memory_space<semaphore_mem>>) src(%dma_wait3A_59 : memref<100000x128xf32, #tpu.memory_space<hbm>>) dst(%dma_wait3A_55 : memref<128x128xf32, #tpu.memory_space<vmem>>)
        %mul3A_60 = arith.constant 128 : i32
        %mul3A_61 = arith.muli %add3A_38, %mul3A_60 : i32
        %add3A_62 = arith.addi %mul3A_10, %mul3A_61 : i32
        %dma_start3A_63 = arith.constant 0 : i32
        %dma_start3A_64 = arith.constant 0 : i32
        %dma_start3A_65 = tpu.memref_slice %arg8[%dma_start3A_63, %dma_start3A_64] : memref<256x128xf32, #tpu.memory_space<vmem>> -> memref<128x128xf32, #tpu.memory_space<vmem>>
        %dma_start3A_66 = arith.constant 0 : i32
        %dma_start3A_67 = tpu.memref_slice %arg5[%add3A_62, %dma_start3A_66] : memref<20480x128xf32, #tpu.memory_space<hbm>> -> memref<128x128xf32, #tpu.memory_space<hbm>>
        %dma_start3A_68 = arith.constant 0 : i32
        %dma_start3A_69 = tpu.memref_slice %arg5[%add3A_62, %dma_start3A_68] : memref<20480x128xf32, #tpu.memory_space<hbm>> -> memref<128x128xf32, #tpu.memory_space<hbm>>
        %dma_start3A_70 = arith.constant 0 : i32
        %dma_start3A_71 = arith.constant 0 : i32
        %dma_start3A_72 = tpu.memref_slice %arg8[%dma_start3A_70, %dma_start3A_71] : memref<256x128xf32, #tpu.memory_space<vmem>> -> memref<128x128xf32, #tpu.memory_space<vmem>>
        tpu.enqueue_dma source(%dma_start3A_72 : memref<128x128xf32, #tpu.memory_space<vmem>>) target(%dma_start3A_69 : memref<128x128xf32, #tpu.memory_space<hbm>>) target_semaphore(%arg11 : memref<!tpu.dma_semaphore, #tpu.memory_space<semaphore_mem>>)
        %mul3A_73 = arith.constant 2 : i32
        %mul3A_74 = arith.muli %scan3A_34, %mul3A_73 : i32
        %add3A_75 = arith.constant 1 : i32
        %add3A_76 = arith.addi %mul3A_74, %add3A_75 : i32
        %ge3A_77 = arith.constant 1 : i32
        %ge3A_78 = arith.cmpi sge, %add3A_76, %ge3A_77 : i32
        %convert_element_type3A_79 = arith.extui %ge3A_78 : i1 to i32
        %cond3A_80 = arith.constant 0 : i32
        %cond3A_81 = arith.cmpi ne, %convert_element_type3A_79, %cond3A_80 : i32
        scf.if %cond3A_81 {
          %sub3A = arith.constant 1 : i32
          %sub3A_111 = arith.subi %add3A_76, %sub3A : i32
          %mul3A_112 = arith.constant 128 : i32
          %mul3A_113 = arith.muli %sub3A_111, %mul3A_112 : i32
          %add3A_114 = arith.addi %mul3A_10, %mul3A_113 : i32
          %dma_wait3A_115 = arith.constant 0 : i32
          %dma_wait3A_116 = arith.constant 0 : i32
          %dma_wait3A_117 = tpu.memref_slice %arg8[%dma_wait3A_115, %dma_wait3A_116] : memref<256x128xf32, #tpu.memory_space<vmem>> -> memref<128x128xf32, #tpu.memory_space<vmem>>
          %dma_wait3A_118 = arith.constant 0 : i32
          %dma_wait3A_119 = tpu.memref_slice %arg5[%add3A_114, %dma_wait3A_118] : memref<20480x128xf32, #tpu.memory_space<hbm>> -> memref<128x128xf32, #tpu.memory_space<hbm>>
          %dma_wait3A_120 = arith.constant 0 : i32
          %dma_wait3A_121 = tpu.memref_slice %arg5[%add3A_114, %dma_wait3A_120] : memref<20480x128xf32, #tpu.memory_space<hbm>> -> memref<128x128xf32, #tpu.memory_space<hbm>>
          %dma_wait3A_122 = arith.constant 0 : i32
          %dma_wait3A_123 = arith.constant 0 : i32
          %dma_wait3A_124 = tpu.memref_slice %arg8[%dma_wait3A_122, %dma_wait3A_123] : memref<256x128xf32, #tpu.memory_space<vmem>> -> memref<128x128xf32, #tpu.memory_space<vmem>>
          tpu.wait_dma2 semaphore(%arg11 : memref<!tpu.dma_semaphore, #tpu.memory_space<semaphore_mem>>) src(%dma_wait3A_124 : memref<128x128xf32, #tpu.memory_space<vmem>>) dst(%dma_wait3A_121 : memref<128x128xf32, #tpu.memory_space<hbm>>)
        } else {
        }
        %add3A_82 = arith.constant 1 : i32
        %add3A_83 = arith.addi %add3A_76, %add3A_82 : i32
        %lt3A_84 = arith.constant 10 : i32
        %lt3A_85 = arith.cmpi slt, %add3A_83, %lt3A_84 : i32
        %convert_element_type3A_86 = arith.extui %lt3A_85 : i1 to i32
        %cond3A_87 = arith.constant 0 : i32
        %cond3A_88 = arith.cmpi ne, %convert_element_type3A_86, %cond3A_87 : i32
        scf.if %cond3A_88 {
          %add3A_111 = arith.constant 1 : i32
          %add3A_112 = arith.addi %add3A_76, %add3A_111 : i32
          %mul3A_113 = arith.constant 128 : i32
          %mul3A_114 = arith.muli %add3A_112, %mul3A_113 : i32
          %dma_start3A_115 = arith.constant 0 : i32
          %dma_start3A_116 = arith.constant 0 : i32
          %dma_start3A_117 = tpu.memref_slice %arg8[%dma_start3A_115, %dma_start3A_116] : memref<256x128xf32, #tpu.memory_space<vmem>> -> memref<128x128xf32, #tpu.memory_space<vmem>>
          %dma_start3A_118 = tpu.memref_slice %arg7[%mul3A_114] : memref<1280xi32, #tpu.memory_space<vmem>> -> memref<128xi32, #tpu.memory_space<vmem>>
          %dma_start3A_119 = arith.constant 0 : i32
          %dma_start3A_120 = arith.constant 0 : i32
          %dma_start3A_121 = tpu.memref_slice %arg2[%dma_start3A_119, %dma_start3A_120] : memref<100000x128xf32, #tpu.memory_space<hbm>> -> memref<100000x128xf32, #tpu.memory_space<hbm>>
          tpu.enqueue_indirect_dma source(%dma_start3A_121 : memref<100000x128xf32, #tpu.memory_space<hbm>>) target(%dma_start3A_117 : memref<128x128xf32, #tpu.memory_space<vmem>>) offsets(%dma_start3A_118 : memref<128xi32, #tpu.memory_space<vmem>>) semaphore(%arg9 : memref<!tpu.dma_semaphore, #tpu.memory_space<semaphore_mem>>)
        } else {
        }
        %mul3A_89 = arith.constant 128 : i32
        %mul3A_90 = arith.muli %add3A_76, %mul3A_89 : i32
        %dma_wait3A_91 = arith.constant 128 : i32
        %dma_wait3A_92 = arith.constant 0 : i32
        %dma_wait3A_93 = tpu.memref_slice %arg8[%dma_wait3A_91, %dma_wait3A_92] : memref<256x128xf32, #tpu.memory_space<vmem>> -> memref<128x128xf32, #tpu.memory_space<vmem>>
        %dma_wait3A_94 = tpu.memref_slice %arg7[%mul3A_90] : memref<1280xi32, #tpu.memory_space<vmem>> -> memref<128xi32, #tpu.memory_space<vmem>>
        %dma_wait3A_95 = arith.constant 0 : i32
        %dma_wait3A_96 = arith.constant 0 : i32
        %dma_wait3A_97 = tpu.memref_slice %arg2[%dma_wait3A_95, %dma_wait3A_96] : memref<100000x128xf32, #tpu.memory_space<hbm>> -> memref<100000x128xf32, #tpu.memory_space<hbm>>
        tpu.wait_indirect_dma semaphore(%arg10 : memref<!tpu.dma_semaphore, #tpu.memory_space<semaphore_mem>>) src(%dma_wait3A_97 : memref<100000x128xf32, #tpu.memory_space<hbm>>) dst(%dma_wait3A_93 : memref<128x128xf32, #tpu.memory_space<vmem>>)
        %mul3A_98 = arith.constant 128 : i32
        %mul3A_99 = arith.muli %add3A_76, %mul3A_98 : i32
        %add3A_100 = arith.addi %mul3A_10, %mul3A_99 : i32
        %dma_start3A_101 = arith.constant 128 : i32
        %dma_start3A_102 = arith.constant 0 : i32
        %dma_start3A_103 = tpu.memref_slice %arg8[%dma_start3A_101, %dma_start3A_102] : memref<256x128xf32, #tpu.memory_space<vmem>> -> memref<128x128xf32, #tpu.memory_space<vmem>>
        %dma_start3A_104 = arith.constant 0 : i32
        %dma_start3A_105 = tpu.memref_slice %arg5[%add3A_100, %dma_start3A_104] : memref<20480x128xf32, #tpu.memory_space<hbm>> -> memref<128x128xf32, #tpu.memory_space<hbm>>
        %dma_start3A_106 = arith.constant 0 : i32
        %dma_start3A_107 = tpu.memref_slice %arg5[%add3A_100, %dma_start3A_106] : memref<20480x128xf32, #tpu.memory_space<hbm>> -> memref<128x128xf32, #tpu.memory_space<hbm>>
        %dma_start3A_108 = arith.constant 128 : i32
        %dma_start3A_109 = arith.constant 0 : i32
        %dma_start3A_110 = tpu.memref_slice %arg8[%dma_start3A_108, %dma_start3A_109] : memref<256x128xf32, #tpu.memory_space<vmem>> -> memref<128x128xf32, #tpu.memory_space<vmem>>
        tpu.enqueue_dma source(%dma_start3A_110 : memref<128x128xf32, #tpu.memory_space<vmem>>) target(%dma_start3A_107 : memref<128x128xf32, #tpu.memory_space<hbm>>) target_semaphore(%arg12 : memref<!tpu.dma_semaphore, #tpu.memory_space<semaphore_mem>>)
      }
      %scan3A_22 = arith.constant 5 : i32
      %add3A_23 = arith.constant 1152 : i32
      %add3A_24 = arith.addi %mul3A_10, %add3A_23 : i32
      %dma_wait3A = arith.constant 128 : i32
      %dma_wait3A_25 = arith.constant 0 : i32
      %dma_wait3A_26 = tpu.memref_slice %arg8[%dma_wait3A, %dma_wait3A_25] : memref<256x128xf32, #tpu.memory_space<vmem>> -> memref<128x128xf32, #tpu.memory_space<vmem>>
      %dma_wait3A_27 = arith.constant 0 : i32
      %dma_wait3A_28 = tpu.memref_slice %arg5[%add3A_24, %dma_wait3A_27] : memref<20480x128xf32, #tpu.memory_space<hbm>> -> memref<128x128xf32, #tpu.memory_space<hbm>>
      %dma_wait3A_29 = arith.constant 0 : i32
      %dma_wait3A_30 = tpu.memref_slice %arg5[%add3A_24, %dma_wait3A_29] : memref<20480x128xf32, #tpu.memory_space<hbm>> -> memref<128x128xf32, #tpu.memory_space<hbm>>
      %dma_wait3A_31 = arith.constant 128 : i32
      %dma_wait3A_32 = arith.constant 0 : i32
      %dma_wait3A_33 = tpu.memref_slice %arg8[%dma_wait3A_31, %dma_wait3A_32] : memref<256x128xf32, #tpu.memory_space<vmem>> -> memref<128x128xf32, #tpu.memory_space<vmem>>
      tpu.wait_dma2 semaphore(%arg12 : memref<!tpu.dma_semaphore, #tpu.memory_space<semaphore_mem>>) src(%dma_wait3A_33 : memref<128x128xf32, #tpu.memory_space<vmem>>) dst(%dma_wait3A_30 : memref<128x128xf32, #tpu.memory_space<hbm>>)
    } else {
    }
    %ge3A = arith.constant 16 : i32
    %ge3A_3 = arith.cmpi sge, %add3A, %ge3A : i32
    %convert_element_type3A_4 = arith.extui %ge3A_3 : i1 to i32
    %cond3A_5 = arith.constant 0 : i32
    %cond3A_6 = arith.cmpi ne, %convert_element_type3A_4, %cond3A_5 : i32
    scf.if %cond3A_6 {
      %sub3A = arith.constant 16 : i32
      %sub3A_7 = arith.subi %add3A, %sub3A : i32
      %mul3A_8 = arith.constant 10 : i32
      %mul3A_9 = arith.muli %sub3A_7, %mul3A_8 : i32
      %mul3A_10 = arith.constant 128 : i32
      %mul3A_11 = arith.muli %mul3A_9, %mul3A_10 : i32
      "tpu.region"() ({
        %run_scoped3A = tpu.sem_alloc : memref<!tpu.dma_semaphore, #tpu.memory_space<semaphore_mem>>
        %dma_start3A_35 = tpu.memref_slice %arg4[%mul3A_11] : memref<20480xi32, #tpu.memory_space<hbm>> -> memref<1280xi32, #tpu.memory_space<hbm>>
        %dma_start3A_36 = tpu.memref_slice %arg4[%mul3A_11] : memref<20480xi32, #tpu.memory_space<hbm>> -> memref<1280xi32, #tpu.memory_space<hbm>>
        tpu.enqueue_dma source(%dma_start3A_36 : memref<1280xi32, #tpu.memory_space<hbm>>) target(%arg7 : memref<1280xi32, #tpu.memory_space<vmem>>) target_semaphore(%run_scoped3A : memref<!tpu.dma_semaphore, #tpu.memory_space<semaphore_mem>>)
        %dma_wait3A_37 = tpu.memref_slice %arg4[%mul3A_11] : memref<20480xi32, #tpu.memory_space<hbm>> -> memref<1280xi32, #tpu.memory_space<hbm>>
        %dma_wait3A_38 = tpu.memref_slice %arg4[%mul3A_11] : memref<20480xi32, #tpu.memory_space<hbm>> -> memref<1280xi32, #tpu.memory_space<hbm>>
        tpu.wait_dma2 semaphore(%run_scoped3A : memref<!tpu.dma_semaphore, #tpu.memory_space<semaphore_mem>>) src(%dma_wait3A_38 : memref<1280xi32, #tpu.memory_space<hbm>>) dst(%arg7 : memref<1280xi32, #tpu.memory_space<vmem>>)
        tpu.yield
      }) : () -> ()
      %dma_start3A = arith.constant 0 : i32
      %dma_start3A_12 = arith.constant 0 : i32
      %dma_start3A_13 = tpu.memref_slice %arg8[%dma_start3A, %dma_start3A_12] : memref<256x128xf32, #tpu.memory_space<vmem>> -> memref<128x128xf32, #tpu.memory_space<vmem>>
      %dma_start3A_14 = arith.constant 0 : i32
      %dma_start3A_15 = tpu.memref_slice %arg7[%dma_start3A_14] : memref<1280xi32, #tpu.memory_space<vmem>> -> memref<128xi32, #tpu.memory_space<vmem>>
      %dma_start3A_16 = arith.constant 0 : i32
      %dma_start3A_17 = arith.constant 0 : i32
      %dma_start3A_18 = tpu.memref_slice %arg2[%dma_start3A_16, %dma_start3A_17] : memref<100000x128xf32, #tpu.memory_space<hbm>> -> memref<100000x128xf32, #tpu.memory_space<hbm>>
      tpu.enqueue_indirect_dma source(%dma_start3A_18 : memref<100000x128xf32, #tpu.memory_space<hbm>>) target(%dma_start3A_13 : memref<128x128xf32, #tpu.memory_space<vmem>>) offsets(%dma_start3A_15 : memref<128xi32, #tpu.memory_space<vmem>>) semaphore(%arg9 : memref<!tpu.dma_semaphore, #tpu.memory_space<semaphore_mem>>)
      %scan3A = arith.constant 0 : i32
      %scan3A_19 = arith.constant 0 : i32
      %scan3A_20 = arith.constant 5 : i32
      %scan3A_21 = arith.addi %scan3A_19, %scan3A_20 : i32
      %scan3A_22 = arith.constant 1 : i32
      scf.for %scan3A_35 = %scan3A_19 to %scan3A_21 step %scan3A_22  : i32 {
        %mul3A_36 = arith.constant 2 : i32
        %mul3A_37 = arith.muli %scan3A_35, %mul3A_36 : i32
        %add3A_38 = arith.constant 0 : i32
        %add3A_39 = arith.addi %mul3A_37, %add3A_38 : i32
        %ge3A_40 = arith.constant 1 : i32
        %ge3A_41 = arith.cmpi sge, %add3A_39, %ge3A_40 : i32
        %convert_element_type3A_42 = arith.extui %ge3A_41 : i1 to i32
        %cond3A_43 = arith.constant 0 : i32
        %cond3A_44 = arith.cmpi ne, %convert_element_type3A_42, %cond3A_43 : i32
        scf.if %cond3A_44 {
          %sub3A_112 = arith.constant 1 : i32
          %sub3A_113 = arith.subi %add3A_39, %sub3A_112 : i32
          %mul3A_114 = arith.constant 128 : i32
          %mul3A_115 = arith.muli %sub3A_113, %mul3A_114 : i32
          %add3A_116 = arith.addi %mul3A_11, %mul3A_115 : i32
          %dma_wait3A_117 = arith.constant 128 : i32
          %dma_wait3A_118 = arith.constant 0 : i32
          %dma_wait3A_119 = tpu.memref_slice %arg8[%dma_wait3A_117, %dma_wait3A_118] : memref<256x128xf32, #tpu.memory_space<vmem>> -> memref<128x128xf32, #tpu.memory_space<vmem>>
          %dma_wait3A_120 = arith.constant 0 : i32
          %dma_wait3A_121 = tpu.memref_slice %arg6[%add3A_116, %dma_wait3A_120] : memref<20480x128xf32, #tpu.memory_space<hbm>> -> memref<128x128xf32, #tpu.memory_space<hbm>>
          %dma_wait3A_122 = arith.constant 0 : i32
          %dma_wait3A_123 = tpu.memref_slice %arg6[%add3A_116, %dma_wait3A_122] : memref<20480x128xf32, #tpu.memory_space<hbm>> -> memref<128x128xf32, #tpu.memory_space<hbm>>
          %dma_wait3A_124 = arith.constant 128 : i32
          %dma_wait3A_125 = arith.constant 0 : i32
          %dma_wait3A_126 = tpu.memref_slice %arg8[%dma_wait3A_124, %dma_wait3A_125] : memref<256x128xf32, #tpu.memory_space<vmem>> -> memref<128x128xf32, #tpu.memory_space<vmem>>
          tpu.wait_dma2 semaphore(%arg12 : memref<!tpu.dma_semaphore, #tpu.memory_space<semaphore_mem>>) src(%dma_wait3A_126 : memref<128x128xf32, #tpu.memory_space<vmem>>) dst(%dma_wait3A_123 : memref<128x128xf32, #tpu.memory_space<hbm>>)
        } else {
        }
        %add3A_45 = arith.constant 1 : i32
        %add3A_46 = arith.addi %add3A_39, %add3A_45 : i32
        %lt3A_47 = arith.constant 10 : i32
        %lt3A_48 = arith.cmpi slt, %add3A_46, %lt3A_47 : i32
        %convert_element_type3A_49 = arith.extui %lt3A_48 : i1 to i32
        %cond3A_50 = arith.constant 0 : i32
        %cond3A_51 = arith.cmpi ne, %convert_element_type3A_49, %cond3A_50 : i32
        scf.if %cond3A_51 {
          %add3A_112 = arith.constant 1 : i32
          %add3A_113 = arith.addi %add3A_39, %add3A_112 : i32
          %mul3A_114 = arith.constant 128 : i32
          %mul3A_115 = arith.muli %add3A_113, %mul3A_114 : i32
          %dma_start3A_116 = arith.constant 128 : i32
          %dma_start3A_117 = arith.constant 0 : i32
          %dma_start3A_118 = tpu.memref_slice %arg8[%dma_start3A_116, %dma_start3A_117] : memref<256x128xf32, #tpu.memory_space<vmem>> -> memref<128x128xf32, #tpu.memory_space<vmem>>
          %dma_start3A_119 = tpu.memref_slice %arg7[%mul3A_115] : memref<1280xi32, #tpu.memory_space<vmem>> -> memref<128xi32, #tpu.memory_space<vmem>>
          %dma_start3A_120 = arith.constant 0 : i32
          %dma_start3A_121 = arith.constant 0 : i32
          %dma_start3A_122 = tpu.memref_slice %arg2[%dma_start3A_120, %dma_start3A_121] : memref<100000x128xf32, #tpu.memory_space<hbm>> -> memref<100000x128xf32, #tpu.memory_space<hbm>>
          tpu.enqueue_indirect_dma source(%dma_start3A_122 : memref<100000x128xf32, #tpu.memory_space<hbm>>) target(%dma_start3A_118 : memref<128x128xf32, #tpu.memory_space<vmem>>) offsets(%dma_start3A_119 : memref<128xi32, #tpu.memory_space<vmem>>) semaphore(%arg10 : memref<!tpu.dma_semaphore, #tpu.memory_space<semaphore_mem>>)
        } else {
        }
        %mul3A_52 = arith.constant 128 : i32
        %mul3A_53 = arith.muli %add3A_39, %mul3A_52 : i32
        %dma_wait3A_54 = arith.constant 0 : i32
        %dma_wait3A_55 = arith.constant 0 : i32
        %dma_wait3A_56 = tpu.memref_slice %arg8[%dma_wait3A_54, %dma_wait3A_55] : memref<256x128xf32, #tpu.memory_space<vmem>> -> memref<128x128xf32, #tpu.memory_space<vmem>>
        %dma_wait3A_57 = tpu.memref_slice %arg7[%mul3A_53] : memref<1280xi32, #tpu.memory_space<vmem>> -> memref<128xi32, #tpu.memory_space<vmem>>
        %dma_wait3A_58 = arith.constant 0 : i32
        %dma_wait3A_59 = arith.constant 0 : i32
        %dma_wait3A_60 = tpu.memref_slice %arg2[%dma_wait3A_58, %dma_wait3A_59] : memref<100000x128xf32, #tpu.memory_space<hbm>> -> memref<100000x128xf32, #tpu.memory_space<hbm>>
        tpu.wait_indirect_dma semaphore(%arg9 : memref<!tpu.dma_semaphore, #tpu.memory_space<semaphore_mem>>) src(%dma_wait3A_60 : memref<100000x128xf32, #tpu.memory_space<hbm>>) dst(%dma_wait3A_56 : memref<128x128xf32, #tpu.memory_space<vmem>>)
        %mul3A_61 = arith.constant 128 : i32
        %mul3A_62 = arith.muli %add3A_39, %mul3A_61 : i32
        %add3A_63 = arith.addi %mul3A_11, %mul3A_62 : i32
        %dma_start3A_64 = arith.constant 0 : i32
        %dma_start3A_65 = arith.constant 0 : i32
        %dma_start3A_66 = tpu.memref_slice %arg8[%dma_start3A_64, %dma_start3A_65] : memref<256x128xf32, #tpu.memory_space<vmem>> -> memref<128x128xf32, #tpu.memory_space<vmem>>
        %dma_start3A_67 = arith.constant 0 : i32
        %dma_start3A_68 = tpu.memref_slice %arg6[%add3A_63, %dma_start3A_67] : memref<20480x128xf32, #tpu.memory_space<hbm>> -> memref<128x128xf32, #tpu.memory_space<hbm>>
        %dma_start3A_69 = arith.constant 0 : i32
        %dma_start3A_70 = tpu.memref_slice %arg6[%add3A_63, %dma_start3A_69] : memref<20480x128xf32, #tpu.memory_space<hbm>> -> memref<128x128xf32, #tpu.memory_space<hbm>>
        %dma_start3A_71 = arith.constant 0 : i32
        %dma_start3A_72 = arith.constant 0 : i32
        %dma_start3A_73 = tpu.memref_slice %arg8[%dma_start3A_71, %dma_start3A_72] : memref<256x128xf32, #tpu.memory_space<vmem>> -> memref<128x128xf32, #tpu.memory_space<vmem>>
        tpu.enqueue_dma source(%dma_start3A_73 : memref<128x128xf32, #tpu.memory_space<vmem>>) target(%dma_start3A_70 : memref<128x128xf32, #tpu.memory_space<hbm>>) target_semaphore(%arg11 : memref<!tpu.dma_semaphore, #tpu.memory_space<semaphore_mem>>)
        %mul3A_74 = arith.constant 2 : i32
        %mul3A_75 = arith.muli %scan3A_35, %mul3A_74 : i32
        %add3A_76 = arith.constant 1 : i32
        %add3A_77 = arith.addi %mul3A_75, %add3A_76 : i32
        %ge3A_78 = arith.constant 1 : i32
        %ge3A_79 = arith.cmpi sge, %add3A_77, %ge3A_78 : i32
        %convert_element_type3A_80 = arith.extui %ge3A_79 : i1 to i32
        %cond3A_81 = arith.constant 0 : i32
        %cond3A_82 = arith.cmpi ne, %convert_element_type3A_80, %cond3A_81 : i32
        scf.if %cond3A_82 {
          %sub3A_112 = arith.constant 1 : i32
          %sub3A_113 = arith.subi %add3A_77, %sub3A_112 : i32
          %mul3A_114 = arith.constant 128 : i32
          %mul3A_115 = arith.muli %sub3A_113, %mul3A_114 : i32
          %add3A_116 = arith.addi %mul3A_11, %mul3A_115 : i32
          %dma_wait3A_117 = arith.constant 0 : i32
          %dma_wait3A_118 = arith.constant 0 : i32
          %dma_wait3A_119 = tpu.memref_slice %arg8[%dma_wait3A_117, %dma_wait3A_118] : memref<256x128xf32, #tpu.memory_space<vmem>> -> memref<128x128xf32, #tpu.memory_space<vmem>>
          %dma_wait3A_120 = arith.constant 0 : i32
          %dma_wait3A_121 = tpu.memref_slice %arg6[%add3A_116, %dma_wait3A_120] : memref<20480x128xf32, #tpu.memory_space<hbm>> -> memref<128x128xf32, #tpu.memory_space<hbm>>
          %dma_wait3A_122 = arith.constant 0 : i32
          %dma_wait3A_123 = tpu.memref_slice %arg6[%add3A_116, %dma_wait3A_122] : memref<20480x128xf32, #tpu.memory_space<hbm>> -> memref<128x128xf32, #tpu.memory_space<hbm>>
          %dma_wait3A_124 = arith.constant 0 : i32
          %dma_wait3A_125 = arith.constant 0 : i32
          %dma_wait3A_126 = tpu.memref_slice %arg8[%dma_wait3A_124, %dma_wait3A_125] : memref<256x128xf32, #tpu.memory_space<vmem>> -> memref<128x128xf32, #tpu.memory_space<vmem>>
          tpu.wait_dma2 semaphore(%arg11 : memref<!tpu.dma_semaphore, #tpu.memory_space<semaphore_mem>>) src(%dma_wait3A_126 : memref<128x128xf32, #tpu.memory_space<vmem>>) dst(%dma_wait3A_123 : memref<128x128xf32, #tpu.memory_space<hbm>>)
        } else {
        }
        %add3A_83 = arith.constant 1 : i32
        %add3A_84 = arith.addi %add3A_77, %add3A_83 : i32
        %lt3A_85 = arith.constant 10 : i32
        %lt3A_86 = arith.cmpi slt, %add3A_84, %lt3A_85 : i32
        %convert_element_type3A_87 = arith.extui %lt3A_86 : i1 to i32
        %cond3A_88 = arith.constant 0 : i32
        %cond3A_89 = arith.cmpi ne, %convert_element_type3A_87, %cond3A_88 : i32
        scf.if %cond3A_89 {
          %add3A_112 = arith.constant 1 : i32
          %add3A_113 = arith.addi %add3A_77, %add3A_112 : i32
          %mul3A_114 = arith.constant 128 : i32
          %mul3A_115 = arith.muli %add3A_113, %mul3A_114 : i32
          %dma_start3A_116 = arith.constant 0 : i32
          %dma_start3A_117 = arith.constant 0 : i32
          %dma_start3A_118 = tpu.memref_slice %arg8[%dma_start3A_116, %dma_start3A_117] : memref<256x128xf32, #tpu.memory_space<vmem>> -> memref<128x128xf32, #tpu.memory_space<vmem>>
          %dma_start3A_119 = tpu.memref_slice %arg7[%mul3A_115] : memref<1280xi32, #tpu.memory_space<vmem>> -> memref<128xi32, #tpu.memory_space<vmem>>
          %dma_start3A_120 = arith.constant 0 : i32
          %dma_start3A_121 = arith.constant 0 : i32
          %dma_start3A_122 = tpu.memref_slice %arg2[%dma_start3A_120, %dma_start3A_121] : memref<100000x128xf32, #tpu.memory_space<hbm>> -> memref<100000x128xf32, #tpu.memory_space<hbm>>
          tpu.enqueue_indirect_dma source(%dma_start3A_122 : memref<100000x128xf32, #tpu.memory_space<hbm>>) target(%dma_start3A_118 : memref<128x128xf32, #tpu.memory_space<vmem>>) offsets(%dma_start3A_119 : memref<128xi32, #tpu.memory_space<vmem>>) semaphore(%arg9 : memref<!tpu.dma_semaphore, #tpu.memory_space<semaphore_mem>>)
        } else {
        }
        %mul3A_90 = arith.constant 128 : i32
        %mul3A_91 = arith.muli %add3A_77, %mul3A_90 : i32
        %dma_wait3A_92 = arith.constant 128 : i32
        %dma_wait3A_93 = arith.constant 0 : i32
        %dma_wait3A_94 = tpu.memref_slice %arg8[%dma_wait3A_92, %dma_wait3A_93] : memref<256x128xf32, #tpu.memory_space<vmem>> -> memref<128x128xf32, #tpu.memory_space<vmem>>
        %dma_wait3A_95 = tpu.memref_slice %arg7[%mul3A_91] : memref<1280xi32, #tpu.memory_space<vmem>> -> memref<128xi32, #tpu.memory_space<vmem>>
        %dma_wait3A_96 = arith.constant 0 : i32
        %dma_wait3A_97 = arith.constant 0 : i32
        %dma_wait3A_98 = tpu.memref_slice %arg2[%dma_wait3A_96, %dma_wait3A_97] : memref<100000x128xf32, #tpu.memory_space<hbm>> -> memref<100000x128xf32, #tpu.memory_space<hbm>>
        tpu.wait_indirect_dma semaphore(%arg10 : memref<!tpu.dma_semaphore, #tpu.memory_space<semaphore_mem>>) src(%dma_wait3A_98 : memref<100000x128xf32, #tpu.memory_space<hbm>>) dst(%dma_wait3A_94 : memref<128x128xf32, #tpu.memory_space<vmem>>)
        %mul3A_99 = arith.constant 128 : i32
        %mul3A_100 = arith.muli %add3A_77, %mul3A_99 : i32
        %add3A_101 = arith.addi %mul3A_11, %mul3A_100 : i32
        %dma_start3A_102 = arith.constant 128 : i32
        %dma_start3A_103 = arith.constant 0 : i32
        %dma_start3A_104 = tpu.memref_slice %arg8[%dma_start3A_102, %dma_start3A_103] : memref<256x128xf32, #tpu.memory_space<vmem>> -> memref<128x128xf32, #tpu.memory_space<vmem>>
        %dma_start3A_105 = arith.constant 0 : i32
        %dma_start3A_106 = tpu.memref_slice %arg6[%add3A_101, %dma_start3A_105] : memref<20480x128xf32, #tpu.memory_space<hbm>> -> memref<128x128xf32, #tpu.memory_space<hbm>>
        %dma_start3A_107 = arith.constant 0 : i32
        %dma_start3A_108 = tpu.memref_slice %arg6[%add3A_101, %dma_start3A_107] : memref<20480x128xf32, #tpu.memory_space<hbm>> -> memref<128x128xf32, #tpu.memory_space<hbm>>
        %dma_start3A_109 = arith.constant 128 : i32
        %dma_start3A_110 = arith.constant 0 : i32
        %dma_start3A_111 = tpu.memref_slice %arg8[%dma_start3A_109, %dma_start3A_110] : memref<256x128xf32, #tpu.memory_space<vmem>> -> memref<128x128xf32, #tpu.memory_space<vmem>>
        tpu.enqueue_dma source(%dma_start3A_111 : memref<128x128xf32, #tpu.memory_space<vmem>>) target(%dma_start3A_108 : memref<128x128xf32, #tpu.memory_space<hbm>>) target_semaphore(%arg12 : memref<!tpu.dma_semaphore, #tpu.memory_space<semaphore_mem>>)
      }
      %scan3A_23 = arith.constant 5 : i32
      %add3A_24 = arith.constant 1152 : i32
      %add3A_25 = arith.addi %mul3A_11, %add3A_24 : i32
      %dma_wait3A = arith.constant 128 : i32
      %dma_wait3A_26 = arith.constant 0 : i32
      %dma_wait3A_27 = tpu.memref_slice %arg8[%dma_wait3A, %dma_wait3A_26] : memref<256x128xf32, #tpu.memory_space<vmem>> -> memref<128x128xf32, #tpu.memory_space<vmem>>
      %dma_wait3A_28 = arith.constant 0 : i32
      %dma_wait3A_29 = tpu.memref_slice %arg6[%add3A_25, %dma_wait3A_28] : memref<20480x128xf32, #tpu.memory_space<hbm>> -> memref<128x128xf32, #tpu.memory_space<hbm>>
      %dma_wait3A_30 = arith.constant 0 : i32
      %dma_wait3A_31 = tpu.memref_slice %arg6[%add3A_25, %dma_wait3A_30] : memref<20480x128xf32, #tpu.memory_space<hbm>> -> memref<128x128xf32, #tpu.memory_space<hbm>>
      %dma_wait3A_32 = arith.constant 128 : i32
      %dma_wait3A_33 = arith.constant 0 : i32
      %dma_wait3A_34 = tpu.memref_slice %arg8[%dma_wait3A_32, %dma_wait3A_33] : memref<256x128xf32, #tpu.memory_space<vmem>> -> memref<128x128xf32, #tpu.memory_space<vmem>>
      tpu.wait_dma2 semaphore(%arg12 : memref<!tpu.dma_semaphore, #tpu.memory_space<semaphore_mem>>) src(%dma_wait3A_34 : memref<128x128xf32, #tpu.memory_space<vmem>>) dst(%dma_wait3A_31 : memref<128x128xf32, #tpu.memory_space<hbm>>)
    } else {
    }
    return
  }
}

#map = affine_map<(d0, d1) -> (0, 0)>
#map1 = affine_map<(d0, d1) -> (0)>
module attributes {stable_mosaic.version = 14 : i64} {
  func.func @_gather_body(%arg0: i32, %arg1: i32, %arg2: memref<100000x128xf32, #tpu.memory_space<hbm>>, %arg3: memref<20480xi32, #tpu.memory_space<hbm>>, %arg4: memref<20480xi32, #tpu.memory_space<hbm>>, %arg5: memref<20480x128xf32, #tpu.memory_space<hbm>>, %arg6: memref<20480x128xf32, #tpu.memory_space<hbm>>, %arg7: memref<1280xi32, #tpu.memory_space<vmem>>, %arg8: memref<256x128xf32, #tpu.memory_space<vmem>>, %arg9: memref<!tpu.dma_semaphore, #tpu.memory_space<semaphore_mem>>, %arg10: memref<!tpu.dma_semaphore, #tpu.memory_space<semaphore_mem>>, %arg11: memref<!tpu.dma_semaphore, #tpu.memory_space<semaphore_mem>>, %arg12: memref<!tpu.dma_semaphore, #tpu.memory_space<semaphore_mem>>) attributes {dimension_semantics = [#tpu.dimension_semantics<core_parallel>, #tpu.dimension_semantics<subcore_parallel>], iteration_bounds = array<i64: 2, 16>, scalar_prefetch = 0 : i64, scratch_operands = 6 : i64, tpu.core_type = #tpu.core_type<sc_vector_subcore>, window_params = [{transform_indices = #map}, {transform_indices = #map1}, {transform_indices = #map1}, {transform_indices = #map}, {transform_indices = #map}]} {
    %mul3A = arith.constant 2 : i32
    %mul3A_0 = arith.muli %arg1, %mul3A : i32
    %add3A = arith.addi %mul3A_0, %arg0 : i32
    %lt3A = arith.constant 16 : i32
    %lt3A_1 = arith.cmpi slt, %add3A, %lt3A : i32
    %convert_element_type3A = arith.extui %lt3A_1 : i1 to i32
    %cond3A = arith.constant 0 : i32
    %cond3A_2 = arith.cmpi ne, %convert_element_type3A, %cond3A : i32
    scf.if %cond3A_2 {
      %mul3A_7 = arith.constant 10 : i32
      %mul3A_8 = arith.muli %add3A, %mul3A_7 : i32
      %mul3A_9 = arith.constant 128 : i32
      %mul3A_10 = arith.muli %mul3A_8, %mul3A_9 : i32
      "tpu.region"() ({
        %run_scoped3A = tpu.sem_alloc : memref<!tpu.dma_semaphore, #tpu.memory_space<semaphore_mem>>
        %dma_start3A_34 = tpu.memref_slice %arg3[%mul3A_10] : memref<20480xi32, #tpu.memory_space<hbm>> -> memref<1280xi32, #tpu.memory_space<hbm>>
        %dma_start3A_35 = tpu.memref_slice %arg3[%mul3A_10] : memref<20480xi32, #tpu.memory_space<hbm>> -> memref<1280xi32, #tpu.memory_space<hbm>>
        tpu.enqueue_dma source(%dma_start3A_35 : memref<1280xi32, #tpu.memory_space<hbm>>) target(%arg7 : memref<1280xi32, #tpu.memory_space<vmem>>) target_semaphore(%run_scoped3A : memref<!tpu.dma_semaphore, #tpu.memory_space<semaphore_mem>>)
        %dma_wait3A_36 = tpu.memref_slice %arg3[%mul3A_10] : memref<20480xi32, #tpu.memory_space<hbm>> -> memref<1280xi32, #tpu.memory_space<hbm>>
        %dma_wait3A_37 = tpu.memref_slice %arg3[%mul3A_10] : memref<20480xi32, #tpu.memory_space<hbm>> -> memref<1280xi32, #tpu.memory_space<hbm>>
        tpu.wait_dma2 semaphore(%run_scoped3A : memref<!tpu.dma_semaphore, #tpu.memory_space<semaphore_mem>>) src(%dma_wait3A_37 : memref<1280xi32, #tpu.memory_space<hbm>>) dst(%arg7 : memref<1280xi32, #tpu.memory_space<vmem>>)
        tpu.yield
      }) : () -> ()
      %dma_start3A = arith.constant 0 : i32
      %dma_start3A_11 = arith.constant 0 : i32
      %dma_start3A_12 = tpu.memref_slice %arg8[%dma_start3A, %dma_start3A_11] : memref<256x128xf32, #tpu.memory_space<vmem>> -> memref<128x128xf32, #tpu.memory_space<vmem>>
      %dma_start3A_13 = arith.constant 0 : i32
      %dma_start3A_14 = tpu.memref_slice %arg7[%dma_start3A_13] : memref<1280xi32, #tpu.memory_space<vmem>> -> memref<128xi32, #tpu.memory_space<vmem>>
      %dma_start3A_15 = arith.constant 0 : i32
      %dma_start3A_16 = arith.constant 0 : i32
      %dma_start3A_17 = tpu.memref_slice %arg2[%dma_start3A_15, %dma_start3A_16] : memref<100000x128xf32, #tpu.memory_space<hbm>> -> memref<100000x128xf32, #tpu.memory_space<hbm>>
      tpu.enqueue_indirect_dma source(%dma_start3A_17 : memref<100000x128xf32, #tpu.memory_space<hbm>>) target(%dma_start3A_12 : memref<128x128xf32, #tpu.memory_space<vmem>>) offsets(%dma_start3A_14 : memref<128xi32, #tpu.memory_space<vmem>>) semaphore(%arg9 : memref<!tpu.dma_semaphore, #tpu.memory_space<semaphore_mem>>)
      %scan3A = arith.constant 0 : i32
      %scan3A_18 = arith.constant 0 : i32
      %scan3A_19 = arith.constant 5 : i32
      %scan3A_20 = arith.addi %scan3A_18, %scan3A_19 : i32
      %scan3A_21 = arith.constant 1 : i32
      scf.for %scan3A_34 = %scan3A_18 to %scan3A_20 step %scan3A_21  : i32 {
        %mul3A_35 = arith.constant 2 : i32
        %mul3A_36 = arith.muli %scan3A_34, %mul3A_35 : i32
        %add3A_37 = arith.constant 0 : i32
        %add3A_38 = arith.addi %mul3A_36, %add3A_37 : i32
        %ge3A_39 = arith.constant 1 : i32
        %ge3A_40 = arith.cmpi sge, %add3A_38, %ge3A_39 : i32
        %convert_element_type3A_41 = arith.extui %ge3A_40 : i1 to i32
        %cond3A_42 = arith.constant 0 : i32
        %cond3A_43 = arith.cmpi ne, %convert_element_type3A_41, %cond3A_42 : i32
        scf.if %cond3A_43 {
          %sub3A = arith.constant 1 : i32
          %sub3A_111 = arith.subi %add3A_38, %sub3A : i32
          %mul3A_112 = arith.constant 128 : i32
          %mul3A_113 = arith.muli %sub3A_111, %mul3A_112 : i32
          %add3A_114 = arith.addi %mul3A_10, %mul3A_113 : i32
          %dma_wait3A_115 = arith.constant 128 : i32
          %dma_wait3A_116 = arith.constant 0 : i32
          %dma_wait3A_117 = tpu.memref_slice %arg8[%dma_wait3A_115, %dma_wait3A_116] : memref<256x128xf32, #tpu.memory_space<vmem>> -> memref<128x128xf32, #tpu.memory_space<vmem>>
          %dma_wait3A_118 = arith.constant 0 : i32
          %dma_wait3A_119 = tpu.memref_slice %arg5[%add3A_114, %dma_wait3A_118] : memref<20480x128xf32, #tpu.memory_space<hbm>> -> memref<128x128xf32, #tpu.memory_space<hbm>>
          %dma_wait3A_120 = arith.constant 0 : i32
          %dma_wait3A_121 = tpu.memref_slice %arg5[%add3A_114, %dma_wait3A_120] : memref<20480x128xf32, #tpu.memory_space<hbm>> -> memref<128x128xf32, #tpu.memory_space<hbm>>
          %dma_wait3A_122 = arith.constant 128 : i32
          %dma_wait3A_123 = arith.constant 0 : i32
          %dma_wait3A_124 = tpu.memref_slice %arg8[%dma_wait3A_122, %dma_wait3A_123] : memref<256x128xf32, #tpu.memory_space<vmem>> -> memref<128x128xf32, #tpu.memory_space<vmem>>
          tpu.wait_dma2 semaphore(%arg12 : memref<!tpu.dma_semaphore, #tpu.memory_space<semaphore_mem>>) src(%dma_wait3A_124 : memref<128x128xf32, #tpu.memory_space<vmem>>) dst(%dma_wait3A_121 : memref<128x128xf32, #tpu.memory_space<hbm>>)
        } else {
        }
        %add3A_44 = arith.constant 1 : i32
        %add3A_45 = arith.addi %add3A_38, %add3A_44 : i32
        %lt3A_46 = arith.constant 10 : i32
        %lt3A_47 = arith.cmpi slt, %add3A_45, %lt3A_46 : i32
        %convert_element_type3A_48 = arith.extui %lt3A_47 : i1 to i32
        %cond3A_49 = arith.constant 0 : i32
        %cond3A_50 = arith.cmpi ne, %convert_element_type3A_48, %cond3A_49 : i32
        scf.if %cond3A_50 {
          %add3A_111 = arith.constant 1 : i32
          %add3A_112 = arith.addi %add3A_38, %add3A_111 : i32
          %mul3A_113 = arith.constant 128 : i32
          %mul3A_114 = arith.muli %add3A_112, %mul3A_113 : i32
          %dma_start3A_115 = arith.constant 128 : i32
          %dma_start3A_116 = arith.constant 0 : i32
          %dma_start3A_117 = tpu.memref_slice %arg8[%dma_start3A_115, %dma_start3A_116] : memref<256x128xf32, #tpu.memory_space<vmem>> -> memref<128x128xf32, #tpu.memory_space<vmem>>
          %dma_start3A_118 = tpu.memref_slice %arg7[%mul3A_114] : memref<1280xi32, #tpu.memory_space<vmem>> -> memref<128xi32, #tpu.memory_space<vmem>>
          %dma_start3A_119 = arith.constant 0 : i32
          %dma_start3A_120 = arith.constant 0 : i32
          %dma_start3A_121 = tpu.memref_slice %arg2[%dma_start3A_119, %dma_start3A_120] : memref<100000x128xf32, #tpu.memory_space<hbm>> -> memref<100000x128xf32, #tpu.memory_space<hbm>>
          tpu.enqueue_indirect_dma source(%dma_start3A_121 : memref<100000x128xf32, #tpu.memory_space<hbm>>) target(%dma_start3A_117 : memref<128x128xf32, #tpu.memory_space<vmem>>) offsets(%dma_start3A_118 : memref<128xi32, #tpu.memory_space<vmem>>) semaphore(%arg10 : memref<!tpu.dma_semaphore, #tpu.memory_space<semaphore_mem>>)
        } else {
        }
        %mul3A_51 = arith.constant 128 : i32
        %mul3A_52 = arith.muli %add3A_38, %mul3A_51 : i32
        %dma_wait3A_53 = arith.constant 0 : i32
        %dma_wait3A_54 = arith.constant 0 : i32
        %dma_wait3A_55 = tpu.memref_slice %arg8[%dma_wait3A_53, %dma_wait3A_54] : memref<256x128xf32, #tpu.memory_space<vmem>> -> memref<128x128xf32, #tpu.memory_space<vmem>>
        %dma_wait3A_56 = tpu.memref_slice %arg7[%mul3A_52] : memref<1280xi32, #tpu.memory_space<vmem>> -> memref<128xi32, #tpu.memory_space<vmem>>
        %dma_wait3A_57 = arith.constant 0 : i32
        %dma_wait3A_58 = arith.constant 0 : i32
        %dma_wait3A_59 = tpu.memref_slice %arg2[%dma_wait3A_57, %dma_wait3A_58] : memref<100000x128xf32, #tpu.memory_space<hbm>> -> memref<100000x128xf32, #tpu.memory_space<hbm>>
        tpu.wait_indirect_dma semaphore(%arg9 : memref<!tpu.dma_semaphore, #tpu.memory_space<semaphore_mem>>) src(%dma_wait3A_59 : memref<100000x128xf32, #tpu.memory_space<hbm>>) dst(%dma_wait3A_55 : memref<128x128xf32, #tpu.memory_space<vmem>>)
        %mul3A_60 = arith.constant 128 : i32
        %mul3A_61 = arith.muli %add3A_38, %mul3A_60 : i32
        %add3A_62 = arith.addi %mul3A_10, %mul3A_61 : i32
        %dma_start3A_63 = arith.constant 0 : i32
        %dma_start3A_64 = arith.constant 0 : i32
        %dma_start3A_65 = tpu.memref_slice %arg8[%dma_start3A_63, %dma_start3A_64] : memref<256x128xf32, #tpu.memory_space<vmem>> -> memref<128x128xf32, #tpu.memory_space<vmem>>
        %dma_start3A_66 = arith.constant 0 : i32
        %dma_start3A_67 = tpu.memref_slice %arg5[%add3A_62, %dma_start3A_66] : memref<20480x128xf32, #tpu.memory_space<hbm>> -> memref<128x128xf32, #tpu.memory_space<hbm>>
        %dma_start3A_68 = arith.constant 0 : i32
        %dma_start3A_69 = tpu.memref_slice %arg5[%add3A_62, %dma_start3A_68] : memref<20480x128xf32, #tpu.memory_space<hbm>> -> memref<128x128xf32, #tpu.memory_space<hbm>>
        %dma_start3A_70 = arith.constant 0 : i32
        %dma_start3A_71 = arith.constant 0 : i32
        %dma_start3A_72 = tpu.memref_slice %arg8[%dma_start3A_70, %dma_start3A_71] : memref<256x128xf32, #tpu.memory_space<vmem>> -> memref<128x128xf32, #tpu.memory_space<vmem>>
        tpu.enqueue_dma source(%dma_start3A_72 : memref<128x128xf32, #tpu.memory_space<vmem>>) target(%dma_start3A_69 : memref<128x128xf32, #tpu.memory_space<hbm>>) target_semaphore(%arg11 : memref<!tpu.dma_semaphore, #tpu.memory_space<semaphore_mem>>)
        %mul3A_73 = arith.constant 2 : i32
        %mul3A_74 = arith.muli %scan3A_34, %mul3A_73 : i32
        %add3A_75 = arith.constant 1 : i32
        %add3A_76 = arith.addi %mul3A_74, %add3A_75 : i32
        %ge3A_77 = arith.constant 1 : i32
        %ge3A_78 = arith.cmpi sge, %add3A_76, %ge3A_77 : i32
        %convert_element_type3A_79 = arith.extui %ge3A_78 : i1 to i32
        %cond3A_80 = arith.constant 0 : i32
        %cond3A_81 = arith.cmpi ne, %convert_element_type3A_79, %cond3A_80 : i32
        scf.if %cond3A_81 {
          %sub3A = arith.constant 1 : i32
          %sub3A_111 = arith.subi %add3A_76, %sub3A : i32
          %mul3A_112 = arith.constant 128 : i32
          %mul3A_113 = arith.muli %sub3A_111, %mul3A_112 : i32
          %add3A_114 = arith.addi %mul3A_10, %mul3A_113 : i32
          %dma_wait3A_115 = arith.constant 0 : i32
          %dma_wait3A_116 = arith.constant 0 : i32
          %dma_wait3A_117 = tpu.memref_slice %arg8[%dma_wait3A_115, %dma_wait3A_116] : memref<256x128xf32, #tpu.memory_space<vmem>> -> memref<128x128xf32, #tpu.memory_space<vmem>>
          %dma_wait3A_118 = arith.constant 0 : i32
          %dma_wait3A_119 = tpu.memref_slice %arg5[%add3A_114, %dma_wait3A_118] : memref<20480x128xf32, #tpu.memory_space<hbm>> -> memref<128x128xf32, #tpu.memory_space<hbm>>
          %dma_wait3A_120 = arith.constant 0 : i32
          %dma_wait3A_121 = tpu.memref_slice %arg5[%add3A_114, %dma_wait3A_120] : memref<20480x128xf32, #tpu.memory_space<hbm>> -> memref<128x128xf32, #tpu.memory_space<hbm>>
          %dma_wait3A_122 = arith.constant 0 : i32
          %dma_wait3A_123 = arith.constant 0 : i32
          %dma_wait3A_124 = tpu.memref_slice %arg8[%dma_wait3A_122, %dma_wait3A_123] : memref<256x128xf32, #tpu.memory_space<vmem>> -> memref<128x128xf32, #tpu.memory_space<vmem>>
          tpu.wait_dma2 semaphore(%arg11 : memref<!tpu.dma_semaphore, #tpu.memory_space<semaphore_mem>>) src(%dma_wait3A_124 : memref<128x128xf32, #tpu.memory_space<vmem>>) dst(%dma_wait3A_121 : memref<128x128xf32, #tpu.memory_space<hbm>>)
        } else {
        }
        %add3A_82 = arith.constant 1 : i32
        %add3A_83 = arith.addi %add3A_76, %add3A_82 : i32
        %lt3A_84 = arith.constant 10 : i32
        %lt3A_85 = arith.cmpi slt, %add3A_83, %lt3A_84 : i32
        %convert_element_type3A_86 = arith.extui %lt3A_85 : i1 to i32
        %cond3A_87 = arith.constant 0 : i32
        %cond3A_88 = arith.cmpi ne, %convert_element_type3A_86, %cond3A_87 : i32
        scf.if %cond3A_88 {
          %add3A_111 = arith.constant 1 : i32
          %add3A_112 = arith.addi %add3A_76, %add3A_111 : i32
          %mul3A_113 = arith.constant 128 : i32
          %mul3A_114 = arith.muli %add3A_112, %mul3A_113 : i32
          %dma_start3A_115 = arith.constant 0 : i32
          %dma_start3A_116 = arith.constant 0 : i32
          %dma_start3A_117 = tpu.memref_slice %arg8[%dma_start3A_115, %dma_start3A_116] : memref<256x128xf32, #tpu.memory_space<vmem>> -> memref<128x128xf32, #tpu.memory_space<vmem>>
          %dma_start3A_118 = tpu.memref_slice %arg7[%mul3A_114] : memref<1280xi32, #tpu.memory_space<vmem>> -> memref<128xi32, #tpu.memory_space<vmem>>
          %dma_start3A_119 = arith.constant 0 : i32
          %dma_start3A_120 = arith.constant 0 : i32
          %dma_start3A_121 = tpu.memref_slice %arg2[%dma_start3A_119, %dma_start3A_120] : memref<100000x128xf32, #tpu.memory_space<hbm>> -> memref<100000x128xf32, #tpu.memory_space<hbm>>
          tpu.enqueue_indirect_dma source(%dma_start3A_121 : memref<100000x128xf32, #tpu.memory_space<hbm>>) target(%dma_start3A_117 : memref<128x128xf32, #tpu.memory_space<vmem>>) offsets(%dma_start3A_118 : memref<128xi32, #tpu.memory_space<vmem>>) semaphore(%arg9 : memref<!tpu.dma_semaphore, #tpu.memory_space<semaphore_mem>>)
        } else {
        }
        %mul3A_89 = arith.constant 128 : i32
        %mul3A_90 = arith.muli %add3A_76, %mul3A_89 : i32
        %dma_wait3A_91 = arith.constant 128 : i32
        %dma_wait3A_92 = arith.constant 0 : i32
        %dma_wait3A_93 = tpu.memref_slice %arg8[%dma_wait3A_91, %dma_wait3A_92] : memref<256x128xf32, #tpu.memory_space<vmem>> -> memref<128x128xf32, #tpu.memory_space<vmem>>
        %dma_wait3A_94 = tpu.memref_slice %arg7[%mul3A_90] : memref<1280xi32, #tpu.memory_space<vmem>> -> memref<128xi32, #tpu.memory_space<vmem>>
        %dma_wait3A_95 = arith.constant 0 : i32
        %dma_wait3A_96 = arith.constant 0 : i32
        %dma_wait3A_97 = tpu.memref_slice %arg2[%dma_wait3A_95, %dma_wait3A_96] : memref<100000x128xf32, #tpu.memory_space<hbm>> -> memref<100000x128xf32, #tpu.memory_space<hbm>>
        tpu.wait_indirect_dma semaphore(%arg10 : memref<!tpu.dma_semaphore, #tpu.memory_space<semaphore_mem>>) src(%dma_wait3A_97 : memref<100000x128xf32, #tpu.memory_space<hbm>>) dst(%dma_wait3A_93 : memref<128x128xf32, #tpu.memory_space<vmem>>)
        %mul3A_98 = arith.constant 128 : i32
        %mul3A_99 = arith.muli %add3A_76, %mul3A_98 : i32
        %add3A_100 = arith.addi %mul3A_10, %mul3A_99 : i32
        %dma_start3A_101 = arith.constant 128 : i32
        %dma_start3A_102 = arith.constant 0 : i32
        %dma_start3A_103 = tpu.memref_slice %arg8[%dma_start3A_101, %dma_start3A_102] : memref<256x128xf32, #tpu.memory_space<vmem>> -> memref<128x128xf32, #tpu.memory_space<vmem>>
        %dma_start3A_104 = arith.constant 0 : i32
        %dma_start3A_105 = tpu.memref_slice %arg5[%add3A_100, %dma_start3A_104] : memref<20480x128xf32, #tpu.memory_space<hbm>> -> memref<128x128xf32, #tpu.memory_space<hbm>>
        %dma_start3A_106 = arith.constant 0 : i32
        %dma_start3A_107 = tpu.memref_slice %arg5[%add3A_100, %dma_start3A_106] : memref<20480x128xf32, #tpu.memory_space<hbm>> -> memref<128x128xf32, #tpu.memory_space<hbm>>
        %dma_start3A_108 = arith.constant 128 : i32
        %dma_start3A_109 = arith.constant 0 : i32
        %dma_start3A_110 = tpu.memref_slice %arg8[%dma_start3A_108, %dma_start3A_109] : memref<256x128xf32, #tpu.memory_space<vmem>> -> memref<128x128xf32, #tpu.memory_space<vmem>>
        tpu.enqueue_dma source(%dma_start3A_110 : memref<128x128xf32, #tpu.memory_space<vmem>>) target(%dma_start3A_107 : memref<128x128xf32, #tpu.memory_space<hbm>>) target_semaphore(%arg12 : memref<!tpu.dma_semaphore, #tpu.memory_space<semaphore_mem>>)
      }
      %scan3A_22 = arith.constant 5 : i32
      %add3A_23 = arith.constant 1152 : i32
      %add3A_24 = arith.addi %mul3A_10, %add3A_23 : i32
      %dma_wait3A = arith.constant 128 : i32
      %dma_wait3A_25 = arith.constant 0 : i32
      %dma_wait3A_26 = tpu.memref_slice %arg8[%dma_wait3A, %dma_wait3A_25] : memref<256x128xf32, #tpu.memory_space<vmem>> -> memref<128x128xf32, #tpu.memory_space<vmem>>
      %dma_wait3A_27 = arith.constant 0 : i32
      %dma_wait3A_28 = tpu.memref_slice %arg5[%add3A_24, %dma_wait3A_27] : memref<20480x128xf32, #tpu.memory_space<hbm>> -> memref<128x128xf32, #tpu.memory_space<hbm>>
      %dma_wait3A_29 = arith.constant 0 : i32
      %dma_wait3A_30 = tpu.memref_slice %arg5[%add3A_24, %dma_wait3A_29] : memref<20480x128xf32, #tpu.memory_space<hbm>> -> memref<128x128xf32, #tpu.memory_space<hbm>>
      %dma_wait3A_31 = arith.constant 128 : i32
      %dma_wait3A_32 = arith.constant 0 : i32
      %dma_wait3A_33 = tpu.memref_slice %arg8[%dma_wait3A_31, %dma_wait3A_32] : memref<256x128xf32, #tpu.memory_space<vmem>> -> memref<128x128xf32, #tpu.memory_space<vmem>>
      tpu.wait_dma2 semaphore(%arg12 : memref<!tpu.dma_semaphore, #tpu.memory_space<semaphore_mem>>) src(%dma_wait3A_33 : memref<128x128xf32, #tpu.memory_space<vmem>>) dst(%dma_wait3A_30 : memref<128x128xf32, #tpu.memory_space<hbm>>)
    } else {
    }
    %ge3A = arith.constant 16 : i32
    %ge3A_3 = arith.cmpi sge, %add3A, %ge3A : i32
    %convert_element_type3A_4 = arith.extui %ge3A_3 : i1 to i32
    %cond3A_5 = arith.constant 0 : i32
    %cond3A_6 = arith.cmpi ne, %convert_element_type3A_4, %cond3A_5 : i32
    scf.if %cond3A_6 {
      %sub3A = arith.constant 16 : i32
      %sub3A_7 = arith.subi %add3A, %sub3A : i32
      %mul3A_8 = arith.constant 10 : i32
      %mul3A_9 = arith.muli %sub3A_7, %mul3A_8 : i32
      %mul3A_10 = arith.constant 128 : i32
      %mul3A_11 = arith.muli %mul3A_9, %mul3A_10 : i32
      "tpu.region"() ({
        %run_scoped3A = tpu.sem_alloc : memref<!tpu.dma_semaphore, #tpu.memory_space<semaphore_mem>>
        %dma_start3A_35 = tpu.memref_slice %arg4[%mul3A_11] : memref<20480xi32, #tpu.memory_space<hbm>> -> memref<1280xi32, #tpu.memory_space<hbm>>
        %dma_start3A_36 = tpu.memref_slice %arg4[%mul3A_11] : memref<20480xi32, #tpu.memory_space<hbm>> -> memref<1280xi32, #tpu.memory_space<hbm>>
        tpu.enqueue_dma source(%dma_start3A_36 : memref<1280xi32, #tpu.memory_space<hbm>>) target(%arg7 : memref<1280xi32, #tpu.memory_space<vmem>>) target_semaphore(%run_scoped3A : memref<!tpu.dma_semaphore, #tpu.memory_space<semaphore_mem>>)
        %dma_wait3A_37 = tpu.memref_slice %arg4[%mul3A_11] : memref<20480xi32, #tpu.memory_space<hbm>> -> memref<1280xi32, #tpu.memory_space<hbm>>
        %dma_wait3A_38 = tpu.memref_slice %arg4[%mul3A_11] : memref<20480xi32, #tpu.memory_space<hbm>> -> memref<1280xi32, #tpu.memory_space<hbm>>
        tpu.wait_dma2 semaphore(%run_scoped3A : memref<!tpu.dma_semaphore, #tpu.memory_space<semaphore_mem>>) src(%dma_wait3A_38 : memref<1280xi32, #tpu.memory_space<hbm>>) dst(%arg7 : memref<1280xi32, #tpu.memory_space<vmem>>)
        tpu.yield
      }) : () -> ()
      %dma_start3A = arith.constant 0 : i32
      %dma_start3A_12 = arith.constant 0 : i32
      %dma_start3A_13 = tpu.memref_slice %arg8[%dma_start3A, %dma_start3A_12] : memref<256x128xf32, #tpu.memory_space<vmem>> -> memref<128x128xf32, #tpu.memory_space<vmem>>
      %dma_start3A_14 = arith.constant 0 : i32
      %dma_start3A_15 = tpu.memref_slice %arg7[%dma_start3A_14] : memref<1280xi32, #tpu.memory_space<vmem>> -> memref<128xi32, #tpu.memory_space<vmem>>
      %dma_start3A_16 = arith.constant 0 : i32
      %dma_start3A_17 = arith.constant 0 : i32
      %dma_start3A_18 = tpu.memref_slice %arg2[%dma_start3A_16, %dma_start3A_17] : memref<100000x128xf32, #tpu.memory_space<hbm>> -> memref<100000x128xf32, #tpu.memory_space<hbm>>
      tpu.enqueue_indirect_dma source(%dma_start3A_18 : memref<100000x128xf32, #tpu.memory_space<hbm>>) target(%dma_start3A_13 : memref<128x128xf32, #tpu.memory_space<vmem>>) offsets(%dma_start3A_15 : memref<128xi32, #tpu.memory_space<vmem>>) semaphore(%arg9 : memref<!tpu.dma_semaphore, #tpu.memory_space<semaphore_mem>>)
      %scan3A = arith.constant 0 : i32
      %scan3A_19 = arith.constant 0 : i32
      %scan3A_20 = arith.constant 5 : i32
      %scan3A_21 = arith.addi %scan3A_19, %scan3A_20 : i32
      %scan3A_22 = arith.constant 1 : i32
      scf.for %scan3A_35 = %scan3A_19 to %scan3A_21 step %scan3A_22  : i32 {
        %mul3A_36 = arith.constant 2 : i32
        %mul3A_37 = arith.muli %scan3A_35, %mul3A_36 : i32
        %add3A_38 = arith.constant 0 : i32
        %add3A_39 = arith.addi %mul3A_37, %add3A_38 : i32
        %ge3A_40 = arith.constant 1 : i32
        %ge3A_41 = arith.cmpi sge, %add3A_39, %ge3A_40 : i32
        %convert_element_type3A_42 = arith.extui %ge3A_41 : i1 to i32
        %cond3A_43 = arith.constant 0 : i32
        %cond3A_44 = arith.cmpi ne, %convert_element_type3A_42, %cond3A_43 : i32
        scf.if %cond3A_44 {
          %sub3A_112 = arith.constant 1 : i32
          %sub3A_113 = arith.subi %add3A_39, %sub3A_112 : i32
          %mul3A_114 = arith.constant 128 : i32
          %mul3A_115 = arith.muli %sub3A_113, %mul3A_114 : i32
          %add3A_116 = arith.addi %mul3A_11, %mul3A_115 : i32
          %dma_wait3A_117 = arith.constant 128 : i32
          %dma_wait3A_118 = arith.constant 0 : i32
          %dma_wait3A_119 = tpu.memref_slice %arg8[%dma_wait3A_117, %dma_wait3A_118] : memref<256x128xf32, #tpu.memory_space<vmem>> -> memref<128x128xf32, #tpu.memory_space<vmem>>
          %dma_wait3A_120 = arith.constant 0 : i32
          %dma_wait3A_121 = tpu.memref_slice %arg6[%add3A_116, %dma_wait3A_120] : memref<20480x128xf32, #tpu.memory_space<hbm>> -> memref<128x128xf32, #tpu.memory_space<hbm>>
          %dma_wait3A_122 = arith.constant 0 : i32
          %dma_wait3A_123 = tpu.memref_slice %arg6[%add3A_116, %dma_wait3A_122] : memref<20480x128xf32, #tpu.memory_space<hbm>> -> memref<128x128xf32, #tpu.memory_space<hbm>>
          %dma_wait3A_124 = arith.constant 128 : i32
          %dma_wait3A_125 = arith.constant 0 : i32
          %dma_wait3A_126 = tpu.memref_slice %arg8[%dma_wait3A_124, %dma_wait3A_125] : memref<256x128xf32, #tpu.memory_space<vmem>> -> memref<128x128xf32, #tpu.memory_space<vmem>>
          tpu.wait_dma2 semaphore(%arg12 : memref<!tpu.dma_semaphore, #tpu.memory_space<semaphore_mem>>) src(%dma_wait3A_126 : memref<128x128xf32, #tpu.memory_space<vmem>>) dst(%dma_wait3A_123 : memref<128x128xf32, #tpu.memory_space<hbm>>)
        } else {
        }
        %add3A_45 = arith.constant 1 : i32
        %add3A_46 = arith.addi %add3A_39, %add3A_45 : i32
        %lt3A_47 = arith.constant 10 : i32
        %lt3A_48 = arith.cmpi slt, %add3A_46, %lt3A_47 : i32
        %convert_element_type3A_49 = arith.extui %lt3A_48 : i1 to i32
        %cond3A_50 = arith.constant 0 : i32
        %cond3A_51 = arith.cmpi ne, %convert_element_type3A_49, %cond3A_50 : i32
        scf.if %cond3A_51 {
          %add3A_112 = arith.constant 1 : i32
          %add3A_113 = arith.addi %add3A_39, %add3A_112 : i32
          %mul3A_114 = arith.constant 128 : i32
          %mul3A_115 = arith.muli %add3A_113, %mul3A_114 : i32
          %dma_start3A_116 = arith.constant 128 : i32
          %dma_start3A_117 = arith.constant 0 : i32
          %dma_start3A_118 = tpu.memref_slice %arg8[%dma_start3A_116, %dma_start3A_117] : memref<256x128xf32, #tpu.memory_space<vmem>> -> memref<128x128xf32, #tpu.memory_space<vmem>>
          %dma_start3A_119 = tpu.memref_slice %arg7[%mul3A_115] : memref<1280xi32, #tpu.memory_space<vmem>> -> memref<128xi32, #tpu.memory_space<vmem>>
          %dma_start3A_120 = arith.constant 0 : i32
          %dma_start3A_121 = arith.constant 0 : i32
          %dma_start3A_122 = tpu.memref_slice %arg2[%dma_start3A_120, %dma_start3A_121] : memref<100000x128xf32, #tpu.memory_space<hbm>> -> memref<100000x128xf32, #tpu.memory_space<hbm>>
          tpu.enqueue_indirect_dma source(%dma_start3A_122 : memref<100000x128xf32, #tpu.memory_space<hbm>>) target(%dma_start3A_118 : memref<128x128xf32, #tpu.memory_space<vmem>>) offsets(%dma_start3A_119 : memref<128xi32, #tpu.memory_space<vmem>>) semaphore(%arg10 : memref<!tpu.dma_semaphore, #tpu.memory_space<semaphore_mem>>)
        } else {
        }
        %mul3A_52 = arith.constant 128 : i32
        %mul3A_53 = arith.muli %add3A_39, %mul3A_52 : i32
        %dma_wait3A_54 = arith.constant 0 : i32
        %dma_wait3A_55 = arith.constant 0 : i32
        %dma_wait3A_56 = tpu.memref_slice %arg8[%dma_wait3A_54, %dma_wait3A_55] : memref<256x128xf32, #tpu.memory_space<vmem>> -> memref<128x128xf32, #tpu.memory_space<vmem>>
        %dma_wait3A_57 = tpu.memref_slice %arg7[%mul3A_53] : memref<1280xi32, #tpu.memory_space<vmem>> -> memref<128xi32, #tpu.memory_space<vmem>>
        %dma_wait3A_58 = arith.constant 0 : i32
        %dma_wait3A_59 = arith.constant 0 : i32
        %dma_wait3A_60 = tpu.memref_slice %arg2[%dma_wait3A_58, %dma_wait3A_59] : memref<100000x128xf32, #tpu.memory_space<hbm>> -> memref<100000x128xf32, #tpu.memory_space<hbm>>
        tpu.wait_indirect_dma semaphore(%arg9 : memref<!tpu.dma_semaphore, #tpu.memory_space<semaphore_mem>>) src(%dma_wait3A_60 : memref<100000x128xf32, #tpu.memory_space<hbm>>) dst(%dma_wait3A_56 : memref<128x128xf32, #tpu.memory_space<vmem>>)
        %mul3A_61 = arith.constant 128 : i32
        %mul3A_62 = arith.muli %add3A_39, %mul3A_61 : i32
        %add3A_63 = arith.addi %mul3A_11, %mul3A_62 : i32
        %dma_start3A_64 = arith.constant 0 : i32
        %dma_start3A_65 = arith.constant 0 : i32
        %dma_start3A_66 = tpu.memref_slice %arg8[%dma_start3A_64, %dma_start3A_65] : memref<256x128xf32, #tpu.memory_space<vmem>> -> memref<128x128xf32, #tpu.memory_space<vmem>>
        %dma_start3A_67 = arith.constant 0 : i32
        %dma_start3A_68 = tpu.memref_slice %arg6[%add3A_63, %dma_start3A_67] : memref<20480x128xf32, #tpu.memory_space<hbm>> -> memref<128x128xf32, #tpu.memory_space<hbm>>
        %dma_start3A_69 = arith.constant 0 : i32
        %dma_start3A_70 = tpu.memref_slice %arg6[%add3A_63, %dma_start3A_69] : memref<20480x128xf32, #tpu.memory_space<hbm>> -> memref<128x128xf32, #tpu.memory_space<hbm>>
        %dma_start3A_71 = arith.constant 0 : i32
        %dma_start3A_72 = arith.constant 0 : i32
        %dma_start3A_73 = tpu.memref_slice %arg8[%dma_start3A_71, %dma_start3A_72] : memref<256x128xf32, #tpu.memory_space<vmem>> -> memref<128x128xf32, #tpu.memory_space<vmem>>
        tpu.enqueue_dma source(%dma_start3A_73 : memref<128x128xf32, #tpu.memory_space<vmem>>) target(%dma_start3A_70 : memref<128x128xf32, #tpu.memory_space<hbm>>) target_semaphore(%arg11 : memref<!tpu.dma_semaphore, #tpu.memory_space<semaphore_mem>>)
        %mul3A_74 = arith.constant 2 : i32
        %mul3A_75 = arith.muli %scan3A_35, %mul3A_74 : i32
        %add3A_76 = arith.constant 1 : i32
        %add3A_77 = arith.addi %mul3A_75, %add3A_76 : i32
        %ge3A_78 = arith.constant 1 : i32
        %ge3A_79 = arith.cmpi sge, %add3A_77, %ge3A_78 : i32
        %convert_element_type3A_80 = arith.extui %ge3A_79 : i1 to i32
        %cond3A_81 = arith.constant 0 : i32
        %cond3A_82 = arith.cmpi ne, %convert_element_type3A_80, %cond3A_81 : i32
        scf.if %cond3A_82 {
          %sub3A_112 = arith.constant 1 : i32
          %sub3A_113 = arith.subi %add3A_77, %sub3A_112 : i32
          %mul3A_114 = arith.constant 128 : i32
          %mul3A_115 = arith.muli %sub3A_113, %mul3A_114 : i32
          %add3A_116 = arith.addi %mul3A_11, %mul3A_115 : i32
          %dma_wait3A_117 = arith.constant 0 : i32
          %dma_wait3A_118 = arith.constant 0 : i32
          %dma_wait3A_119 = tpu.memref_slice %arg8[%dma_wait3A_117, %dma_wait3A_118] : memref<256x128xf32, #tpu.memory_space<vmem>> -> memref<128x128xf32, #tpu.memory_space<vmem>>
          %dma_wait3A_120 = arith.constant 0 : i32
          %dma_wait3A_121 = tpu.memref_slice %arg6[%add3A_116, %dma_wait3A_120] : memref<20480x128xf32, #tpu.memory_space<hbm>> -> memref<128x128xf32, #tpu.memory_space<hbm>>
          %dma_wait3A_122 = arith.constant 0 : i32
          %dma_wait3A_123 = tpu.memref_slice %arg6[%add3A_116, %dma_wait3A_122] : memref<20480x128xf32, #tpu.memory_space<hbm>> -> memref<128x128xf32, #tpu.memory_space<hbm>>
          %dma_wait3A_124 = arith.constant 0 : i32
          %dma_wait3A_125 = arith.constant 0 : i32
          %dma_wait3A_126 = tpu.memref_slice %arg8[%dma_wait3A_124, %dma_wait3A_125] : memref<256x128xf32, #tpu.memory_space<vmem>> -> memref<128x128xf32, #tpu.memory_space<vmem>>
          tpu.wait_dma2 semaphore(%arg11 : memref<!tpu.dma_semaphore, #tpu.memory_space<semaphore_mem>>) src(%dma_wait3A_126 : memref<128x128xf32, #tpu.memory_space<vmem>>) dst(%dma_wait3A_123 : memref<128x128xf32, #tpu.memory_space<hbm>>)
        } else {
        }
        %add3A_83 = arith.constant 1 : i32
        %add3A_84 = arith.addi %add3A_77, %add3A_83 : i32
        %lt3A_85 = arith.constant 10 : i32
        %lt3A_86 = arith.cmpi slt, %add3A_84, %lt3A_85 : i32
        %convert_element_type3A_87 = arith.extui %lt3A_86 : i1 to i32
        %cond3A_88 = arith.constant 0 : i32
        %cond3A_89 = arith.cmpi ne, %convert_element_type3A_87, %cond3A_88 : i32
        scf.if %cond3A_89 {
          %add3A_112 = arith.constant 1 : i32
          %add3A_113 = arith.addi %add3A_77, %add3A_112 : i32
          %mul3A_114 = arith.constant 128 : i32
          %mul3A_115 = arith.muli %add3A_113, %mul3A_114 : i32
          %dma_start3A_116 = arith.constant 0 : i32
          %dma_start3A_117 = arith.constant 0 : i32
          %dma_start3A_118 = tpu.memref_slice %arg8[%dma_start3A_116, %dma_start3A_117] : memref<256x128xf32, #tpu.memory_space<vmem>> -> memref<128x128xf32, #tpu.memory_space<vmem>>
          %dma_start3A_119 = tpu.memref_slice %arg7[%mul3A_115] : memref<1280xi32, #tpu.memory_space<vmem>> -> memref<128xi32, #tpu.memory_space<vmem>>
          %dma_start3A_120 = arith.constant 0 : i32
          %dma_start3A_121 = arith.constant 0 : i32
          %dma_start3A_122 = tpu.memref_slice %arg2[%dma_start3A_120, %dma_start3A_121] : memref<100000x128xf32, #tpu.memory_space<hbm>> -> memref<100000x128xf32, #tpu.memory_space<hbm>>
          tpu.enqueue_indirect_dma source(%dma_start3A_122 : memref<100000x128xf32, #tpu.memory_space<hbm>>) target(%dma_start3A_118 : memref<128x128xf32, #tpu.memory_space<vmem>>) offsets(%dma_start3A_119 : memref<128xi32, #tpu.memory_space<vmem>>) semaphore(%arg9 : memref<!tpu.dma_semaphore, #tpu.memory_space<semaphore_mem>>)
        } else {
        }
        %mul3A_90 = arith.constant 128 : i32
        %mul3A_91 = arith.muli %add3A_77, %mul3A_90 : i32
        %dma_wait3A_92 = arith.constant 128 : i32
        %dma_wait3A_93 = arith.constant 0 : i32
        %dma_wait3A_94 = tpu.memref_slice %arg8[%dma_wait3A_92, %dma_wait3A_93] : memref<256x128xf32, #tpu.memory_space<vmem>> -> memref<128x128xf32, #tpu.memory_space<vmem>>
        %dma_wait3A_95 = tpu.memref_slice %arg7[%mul3A_91] : memref<1280xi32, #tpu.memory_space<vmem>> -> memref<128xi32, #tpu.memory_space<vmem>>
        %dma_wait3A_96 = arith.constant 0 : i32
        %dma_wait3A_97 = arith.constant 0 : i32
        %dma_wait3A_98 = tpu.memref_slice %arg2[%dma_wait3A_96, %dma_wait3A_97] : memref<100000x128xf32, #tpu.memory_space<hbm>> -> memref<100000x128xf32, #tpu.memory_space<hbm>>
        tpu.wait_indirect_dma semaphore(%arg10 : memref<!tpu.dma_semaphore, #tpu.memory_space<semaphore_mem>>) src(%dma_wait3A_98 : memref<100000x128xf32, #tpu.memory_space<hbm>>) dst(%dma_wait3A_94 : memref<128x128xf32, #tpu.memory_space<vmem>>)
        %mul3A_99 = arith.constant 128 : i32
        %mul3A_100 = arith.muli %add3A_77, %mul3A_99 : i32
        %add3A_101 = arith.addi %mul3A_11, %mul3A_100 : i32
        %dma_start3A_102 = arith.constant 128 : i32
        %dma_start3A_103 = arith.constant 0 : i32
        %dma_start3A_104 = tpu.memref_slice %arg8[%dma_start3A_102, %dma_start3A_103] : memref<256x128xf32, #tpu.memory_space<vmem>> -> memref<128x128xf32, #tpu.memory_space<vmem>>
        %dma_start3A_105 = arith.constant 0 : i32
        %dma_start3A_106 = tpu.memref_slice %arg6[%add3A_101, %dma_start3A_105] : memref<20480x128xf32, #tpu.memory_space<hbm>> -> memref<128x128xf32, #tpu.memory_space<hbm>>
        %dma_start3A_107 = arith.constant 0 : i32
        %dma_start3A_108 = tpu.memref_slice %arg6[%add3A_101, %dma_start3A_107] : memref<20480x128xf32, #tpu.memory_space<hbm>> -> memref<128x128xf32, #tpu.memory_space<hbm>>
        %dma_start3A_109 = arith.constant 128 : i32
        %dma_start3A_110 = arith.constant 0 : i32
        %dma_start3A_111 = tpu.memref_slice %arg8[%dma_start3A_109, %dma_start3A_110] : memref<256x128xf32, #tpu.memory_space<vmem>> -> memref<128x128xf32, #tpu.memory_space<vmem>>
        tpu.enqueue_dma source(%dma_start3A_111 : memref<128x128xf32, #tpu.memory_space<vmem>>) target(%dma_start3A_108 : memref<128x128xf32, #tpu.memory_space<hbm>>) target_semaphore(%arg12 : memref<!tpu.dma_semaphore, #tpu.memory_space<semaphore_mem>>)
      }
      %scan3A_23 = arith.constant 5 : i32
      %add3A_24 = arith.constant 1152 : i32
      %add3A_25 = arith.addi %mul3A_11, %add3A_24 : i32
      %dma_wait3A = arith.constant 128 : i32
      %dma_wait3A_26 = arith.constant 0 : i32
      %dma_wait3A_27 = tpu.memref_slice %arg8[%dma_wait3A, %dma_wait3A_26] : memref<256x128xf32, #tpu.memory_space<vmem>> -> memref<128x128xf32, #tpu.memory_space<vmem>>
      %dma_wait3A_28 = arith.constant 0 : i32
      %dma_wait3A_29 = tpu.memref_slice %arg6[%add3A_25, %dma_wait3A_28] : memref<20480x128xf32, #tpu.memory_space<hbm>> -> memref<128x128xf32, #tpu.memory_space<hbm>>
      %dma_wait3A_30 = arith.constant 0 : i32
      %dma_wait3A_31 = tpu.memref_slice %arg6[%add3A_25, %dma_wait3A_30] : memref<20480x128xf32, #tpu.memory_space<hbm>> -> memref<128x128xf32, #tpu.memory_space<hbm>>
      %dma_wait3A_32 = arith.constant 128 : i32
      %dma_wait3A_33 = arith.constant 0 : i32
      %dma_wait3A_34 = tpu.memref_slice %arg8[%dma_wait3A_32, %dma_wait3A_33] : memref<256x128xf32, #tpu.memory_space<vmem>> -> memref<128x128xf32, #tpu.memory_space<vmem>>
      tpu.wait_dma2 semaphore(%arg12 : memref<!tpu.dma_semaphore, #tpu.memory_space<semaphore_mem>>) src(%dma_wait3A_34 : memref<128x128xf32, #tpu.memory_space<vmem>>) dst(%dma_wait3A_31 : memref<128x128xf32, #tpu.memory_space<hbm>>)
    } else {
    }
    return
  }
}

module attributes {stable_mosaic.version = 14 : i64} {
  func.func @_dense_body(%arg0: i32, %arg1: memref<800x64xf32, #tpu.memory_space<vmem>>, %arg2: memref<800x128xf32, #tpu.memory_space<vmem>>, %arg3: memref<800x128xf32, #tpu.memory_space<vmem>>, %arg4: memref<800x1xf32, #tpu.memory_space<vmem>>, %arg5: memref<128x768xf32, #tpu.memory_space<vmem>>, %arg6: memref<256x768xf32, #tpu.memory_space<vmem>>, %arg7: memref<256x512xf32, #tpu.memory_space<vmem>>, %arg8: memref<1x384xf32, #tpu.memory_space<vmem>>, %arg9: memref<1x384xf32, #tpu.memory_space<vmem>>, %arg10: memref<1x512xf32, #tpu.memory_space<vmem>>, %arg11: memref<100000x128xf32, #tpu.memory_space<any>>, %arg12: memref<100000x128xf32, #tpu.memory_space<any>>, %arg13: memref<800x128xf32, #tpu.memory_space<vmem>>, %arg14: memref<800x128xf32, #tpu.memory_space<vmem>>) attributes {dimension_semantics = [#tpu.dimension_semantics<arbitrary>], iteration_bounds = array<i64: 25>, scalar_prefetch = 0 : i64, scratch_operands = 0 : i64, tpu.core_type = #tpu.core_type<tc>, window_params = [{transform_indices = @transform_0, window_bounds = array<i64: 800, 64>}, {transform_indices = @transform_1, window_bounds = array<i64: 800, 128>}, {transform_indices = @transform_2, window_bounds = array<i64: 800, 128>}, {transform_indices = @transform_3, window_bounds = array<i64: 800, 1>}, {pipeline_mode = #tpu.pipeline_mode<synchronous>, transform_indices = @transform_4, window_bounds = array<i64: 128, 768>}, {pipeline_mode = #tpu.pipeline_mode<synchronous>, transform_indices = @transform_5, window_bounds = array<i64: 256, 768>}, {pipeline_mode = #tpu.pipeline_mode<synchronous>, transform_indices = @transform_6, window_bounds = array<i64: 256, 512>}, {pipeline_mode = #tpu.pipeline_mode<synchronous>, transform_indices = @transform_7, window_bounds = array<i64: 1, 384>}, {pipeline_mode = #tpu.pipeline_mode<synchronous>, transform_indices = @transform_8, window_bounds = array<i64: 1, 384>}, {pipeline_mode = #tpu.pipeline_mode<synchronous>, transform_indices = @transform_9, window_bounds = array<i64: 1, 512>}, {}, {}, {transform_indices = @transform_12, window_bounds = array<i64: 800, 128>}, {transform_indices = @transform_13, window_bounds = array<i64: 800, 128>}]} {
    %get3A = arith.constant 0 : index
    %get3A_0 = arith.constant 0 : index
    %get3A_1 = vector.load %arg1[%get3A, %get3A_0] : memref<800x64xf32, #tpu.memory_space<vmem>>, vector<800x64xf32>
    %bitcast_convert_type3A = tpu.bitcast %get3A_1 : vector<800x64xf32> -> vector<800x64xi32>
    %shift_left3A = arith.constant 16 : i32
    %shift_left3A_2 = vector.broadcast %shift_left3A : i32 to vector<800x64xi32>
    %shift_left3A_3 = arith.shli %bitcast_convert_type3A, %shift_left3A_2 : vector<800x64xi32>
    %bitcast_convert_type3A_4 = tpu.bitcast %shift_left3A_3 : vector<800x64xi32> -> vector<800x64xf32>
    %and3A = arith.constant -65536 : i32
    %and3A_5 = vector.broadcast %and3A : i32 to vector<800x64xi32>
    %and3A_6 = arith.andi %bitcast_convert_type3A, %and3A_5 : vector<800x64xi32>
    %bitcast_convert_type3A_7 = tpu.bitcast %and3A_6 : vector<800x64xi32> -> vector<800x64xf32>
    %concatenate3A = tpu.concatenate %bitcast_convert_type3A_4, %bitcast_convert_type3A_7 in 1 : vector<800x64xf32>, vector<800x64xf32> -> vector<800x128xf32>
    %get3A_8 = arith.constant 0 : index
    %get3A_9 = arith.constant 0 : index
    %get3A_10 = vector.load %arg2[%get3A_8, %get3A_9] : memref<800x128xf32, #tpu.memory_space<vmem>>, vector<800x128xf32>
    %get3A_11 = arith.constant 0 : index
    %get3A_12 = arith.constant 0 : index
    %get3A_13 = vector.load %arg3[%get3A_11, %get3A_12] : memref<800x128xf32, #tpu.memory_space<vmem>>, vector<800x128xf32>
    %slice3A = vector.extract_strided_slice %get3A_10 {offsets = [0, 0], sizes = [800, 64], strides = [1, 1]} : vector<800x128xf32> to vector<800x64xf32>
    %bitcast_convert_type3A_14 = tpu.bitcast %slice3A : vector<800x64xf32> -> vector<800x64xi32>
    %shift_left3A_15 = arith.constant 16 : i32
    %shift_left3A_16 = vector.broadcast %shift_left3A_15 : i32 to vector<800x64xi32>
    %shift_left3A_17 = arith.shli %bitcast_convert_type3A_14, %shift_left3A_16 : vector<800x64xi32>
    %bitcast_convert_type3A_18 = tpu.bitcast %shift_left3A_17 : vector<800x64xi32> -> vector<800x64xf32>
    %and3A_19 = arith.constant -65536 : i32
    %and3A_20 = vector.broadcast %and3A_19 : i32 to vector<800x64xi32>
    %and3A_21 = arith.andi %bitcast_convert_type3A_14, %and3A_20 : vector<800x64xi32>
    %bitcast_convert_type3A_22 = tpu.bitcast %and3A_21 : vector<800x64xi32> -> vector<800x64xf32>
    %concatenate3A_23 = tpu.concatenate %bitcast_convert_type3A_18, %bitcast_convert_type3A_22 in 1 : vector<800x64xf32>, vector<800x64xf32> -> vector<800x128xf32>
    %slice3A_24 = vector.extract_strided_slice %get3A_13 {offsets = [0, 0], sizes = [800, 64], strides = [1, 1]} : vector<800x128xf32> to vector<800x64xf32>
    %bitcast_convert_type3A_25 = tpu.bitcast %slice3A_24 : vector<800x64xf32> -> vector<800x64xi32>
    %shift_left3A_26 = arith.constant 16 : i32
    %shift_left3A_27 = vector.broadcast %shift_left3A_26 : i32 to vector<800x64xi32>
    %shift_left3A_28 = arith.shli %bitcast_convert_type3A_25, %shift_left3A_27 : vector<800x64xi32>
    %bitcast_convert_type3A_29 = tpu.bitcast %shift_left3A_28 : vector<800x64xi32> -> vector<800x64xf32>
    %and3A_30 = arith.constant -65536 : i32
    %and3A_31 = vector.broadcast %and3A_30 : i32 to vector<800x64xi32>
    %and3A_32 = arith.andi %bitcast_convert_type3A_25, %and3A_31 : vector<800x64xi32>
    %bitcast_convert_type3A_33 = tpu.bitcast %and3A_32 : vector<800x64xi32> -> vector<800x64xf32>
    %concatenate3A_34 = tpu.concatenate %bitcast_convert_type3A_29, %bitcast_convert_type3A_33 in 1 : vector<800x64xf32>, vector<800x64xf32> -> vector<800x128xf32>
    %get3A_35 = arith.constant 0 : index
    %get3A_36 = arith.constant 0 : index
    %get3A_37 = vector.load %arg6[%get3A_35, %get3A_36] : memref<256x768xf32, #tpu.memory_space<vmem>>, vector<256x768xf32>
    %get3A_38 = arith.constant 0 : index
    %get3A_39 = arith.constant 0 : index
    %get3A_40 = vector.load %arg7[%get3A_38, %get3A_39] : memref<256x512xf32, #tpu.memory_space<vmem>>, vector<256x512xf32>
    %get3A_41 = arith.constant 0 : index
    %get3A_42 = arith.constant 0 : index
    %get3A_43 = vector.load %arg5[%get3A_41, %get3A_42] : memref<128x768xf32, #tpu.memory_space<vmem>>, vector<128x768xf32>
    %dot_general3A = arith.constant dense<0.000000e+00> : vector<800x768xf32>
    %dot_general3A_44 = tpu.matmul %concatenate3A, %get3A_43, %dot_general3A {dimension_numbers = #tpu.dot_dimension_numbers<[1], [0], [0], [1], [0, 0, 1, 1], [], []>, transpose_lhs_hint = false} : vector<800x128xf32>, vector<128x768xf32>, vector<800x768xf32> -> vector<800x768xf32>
    %slice3A_45 = vector.extract_strided_slice %get3A_37 {offsets = [0, 0], sizes = [128, 768], strides = [1, 1]} : vector<256x768xf32> to vector<128x768xf32>
    %dot_general3A_46 = arith.constant dense<0.000000e+00> : vector<800x768xf32>
    %dot_general3A_47 = tpu.matmul %concatenate3A_23, %slice3A_45, %dot_general3A_46 {dimension_numbers = #tpu.dot_dimension_numbers<[1], [0], [0], [1], [0, 0, 1, 1], [], []>, transpose_lhs_hint = false} : vector<800x128xf32>, vector<128x768xf32>, vector<800x768xf32> -> vector<800x768xf32>
    %add3A = arith.addf %dot_general3A_44, %dot_general3A_47 : vector<800x768xf32>
    %slice3A_48 = vector.extract_strided_slice %get3A_37 {offsets = [128, 0], sizes = [128, 768], strides = [1, 1]} : vector<256x768xf32> to vector<128x768xf32>
    %dot_general3A_49 = arith.constant dense<0.000000e+00> : vector<800x768xf32>
    %dot_general3A_50 = tpu.matmul %concatenate3A_34, %slice3A_48, %dot_general3A_49 {dimension_numbers = #tpu.dot_dimension_numbers<[1], [0], [0], [1], [0, 0, 1, 1], [], []>, transpose_lhs_hint = false} : vector<800x128xf32>, vector<128x768xf32>, vector<800x768xf32> -> vector<800x768xf32>
    %add3A_51 = arith.addf %add3A, %dot_general3A_50 : vector<800x768xf32>
    %slice3A_52 = vector.extract_strided_slice %get3A_40 {offsets = [0, 0], sizes = [128, 512], strides = [1, 1]} : vector<256x512xf32> to vector<128x512xf32>
    %dot_general3A_53 = arith.constant dense<0.000000e+00> : vector<800x512xf32>
    %dot_general3A_54 = tpu.matmul %concatenate3A_23, %slice3A_52, %dot_general3A_53 {dimension_numbers = #tpu.dot_dimension_numbers<[1], [0], [0], [1], [0, 0, 1, 1], [], []>, transpose_lhs_hint = false} : vector<800x128xf32>, vector<128x512xf32>, vector<800x512xf32> -> vector<800x512xf32>
    %slice3A_55 = vector.extract_strided_slice %get3A_40 {offsets = [128, 0], sizes = [128, 512], strides = [1, 1]} : vector<256x512xf32> to vector<128x512xf32>
    %dot_general3A_56 = arith.constant dense<0.000000e+00> : vector<800x512xf32>
    %dot_general3A_57 = tpu.matmul %concatenate3A_34, %slice3A_55, %dot_general3A_56 {dimension_numbers = #tpu.dot_dimension_numbers<[1], [0], [0], [1], [0, 0, 1, 1], [], []>, transpose_lhs_hint = false} : vector<800x128xf32>, vector<128x512xf32>, vector<800x512xf32> -> vector<800x512xf32>
    %add3A_58 = arith.addf %dot_general3A_54, %dot_general3A_57 : vector<800x512xf32>
    %get3A_59 = arith.constant 0 : index
    %get3A_60 = arith.constant 0 : index
    %get3A_61 = vector.load %arg10[%get3A_59, %get3A_60] : memref<1x512xf32, #tpu.memory_space<vmem>>, vector<1x512xf32>
    %add3A_62 = vector.broadcast %get3A_61 : vector<1x512xf32> to vector<800x512xf32>
    %add3A_63 = arith.addf %add3A_58, %add3A_62 : vector<800x512xf32>
    %logistic3A = arith.negf %add3A_63 : vector<800x512xf32>
    %logistic3A_64 = math.exp %logistic3A : vector<800x512xf32>
    %logistic3A_65 = arith.constant 1.000000e+00 : f32
    %logistic3A_66 = vector.broadcast %logistic3A_65 : f32 to vector<800x512xf32>
    %logistic3A_67 = arith.addf %logistic3A_66, %logistic3A_64 : vector<800x512xf32>
    %logistic3A_68 = arith.divf %logistic3A_66, %logistic3A_67 : vector<800x512xf32>
    %slice3A_69 = vector.extract_strided_slice %get3A_10 {offsets = [0, 64], sizes = [800, 64], strides = [1, 1]} : vector<800x128xf32> to vector<800x64xf32>
    %bitcast_convert_type3A_70 = tpu.bitcast %slice3A_69 : vector<800x64xf32> -> vector<800x64xi32>
    %shift_left3A_71 = arith.constant 16 : i32
    %shift_left3A_72 = vector.broadcast %shift_left3A_71 : i32 to vector<800x64xi32>
    %shift_left3A_73 = arith.shli %bitcast_convert_type3A_70, %shift_left3A_72 : vector<800x64xi32>
    %bitcast_convert_type3A_74 = tpu.bitcast %shift_left3A_73 : vector<800x64xi32> -> vector<800x64xf32>
    %and3A_75 = arith.constant -65536 : i32
    %and3A_76 = vector.broadcast %and3A_75 : i32 to vector<800x64xi32>
    %and3A_77 = arith.andi %bitcast_convert_type3A_70, %and3A_76 : vector<800x64xi32>
    %bitcast_convert_type3A_78 = tpu.bitcast %and3A_77 : vector<800x64xi32> -> vector<800x64xf32>
    %concatenate3A_79 = tpu.concatenate %bitcast_convert_type3A_74, %bitcast_convert_type3A_78 in 1 : vector<800x64xf32>, vector<800x64xf32> -> vector<800x128xf32>
    %slice3A_80 = vector.extract_strided_slice %get3A_13 {offsets = [0, 64], sizes = [800, 64], strides = [1, 1]} : vector<800x128xf32> to vector<800x64xf32>
    %bitcast_convert_type3A_81 = tpu.bitcast %slice3A_80 : vector<800x64xf32> -> vector<800x64xi32>
    %shift_left3A_82 = arith.constant 16 : i32
    %shift_left3A_83 = vector.broadcast %shift_left3A_82 : i32 to vector<800x64xi32>
    %shift_left3A_84 = arith.shli %bitcast_convert_type3A_81, %shift_left3A_83 : vector<800x64xi32>
    %bitcast_convert_type3A_85 = tpu.bitcast %shift_left3A_84 : vector<800x64xi32> -> vector<800x64xf32>
    %and3A_86 = arith.constant -65536 : i32
    %and3A_87 = vector.broadcast %and3A_86 : i32 to vector<800x64xi32>
    %and3A_88 = arith.andi %bitcast_convert_type3A_81, %and3A_87 : vector<800x64xi32>
    %bitcast_convert_type3A_89 = tpu.bitcast %and3A_88 : vector<800x64xi32> -> vector<800x64xf32>
    %concatenate3A_90 = tpu.concatenate %bitcast_convert_type3A_85, %bitcast_convert_type3A_89 in 1 : vector<800x64xf32>, vector<800x64xf32> -> vector<800x128xf32>
    %slice3A_91 = vector.extract_strided_slice %logistic3A_68 {offsets = [0, 0], sizes = [800, 128], strides = [1, 1]} : vector<800x512xf32> to vector<800x128xf32>
    %mul3A = arith.mulf %slice3A_91, %concatenate3A_79 : vector<800x128xf32>
    %slice3A_92 = vector.extract_strided_slice %logistic3A_68 {offsets = [0, 128], sizes = [800, 128], strides = [1, 1]} : vector<800x512xf32> to vector<800x128xf32>
    %mul3A_93 = arith.mulf %slice3A_92, %concatenate3A_90 : vector<800x128xf32>
    %add3A_94 = arith.addf %mul3A, %mul3A_93 : vector<800x128xf32>
    %slice3A_95 = vector.extract_strided_slice %logistic3A_68 {offsets = [0, 256], sizes = [800, 128], strides = [1, 1]} : vector<800x512xf32> to vector<800x128xf32>
    %mul3A_96 = arith.mulf %slice3A_95, %concatenate3A_79 : vector<800x128xf32>
    %slice3A_97 = vector.extract_strided_slice %logistic3A_68 {offsets = [0, 384], sizes = [800, 128], strides = [1, 1]} : vector<800x512xf32> to vector<800x128xf32>
    %mul3A_98 = arith.mulf %slice3A_97, %concatenate3A_90 : vector<800x128xf32>
    %add3A_99 = arith.addf %mul3A_96, %mul3A_98 : vector<800x128xf32>
    %slice3A_100 = vector.extract_strided_slice %add3A_51 {offsets = [0, 0], sizes = [800, 384], strides = [1, 1]} : vector<800x768xf32> to vector<800x384xf32>
    %get3A_101 = arith.constant 0 : index
    %get3A_102 = arith.constant 0 : index
    %get3A_103 = vector.load %arg8[%get3A_101, %get3A_102] : memref<1x384xf32, #tpu.memory_space<vmem>>, vector<1x384xf32>
    %add3A_104 = vector.broadcast %get3A_103 : vector<1x384xf32> to vector<800x384xf32>
    %add3A_105 = arith.addf %slice3A_100, %add3A_104 : vector<800x384xf32>
    %slice3A_106 = vector.extract_strided_slice %add3A_51 {offsets = [0, 384], sizes = [800, 384], strides = [1, 1]} : vector<800x768xf32> to vector<800x384xf32>
    %get3A_107 = arith.constant 0 : index
    %get3A_108 = arith.constant 0 : index
    %get3A_109 = vector.load %arg9[%get3A_107, %get3A_108] : memref<1x384xf32, #tpu.memory_space<vmem>>, vector<1x384xf32>
    %add3A_110 = vector.broadcast %get3A_109 : vector<1x384xf32> to vector<800x384xf32>
    %add3A_111 = arith.addf %slice3A_106, %add3A_110 : vector<800x384xf32>
    %get3A_112 = arith.constant 0 : index
    %get3A_113 = arith.constant 0 : index
    %get3A_114 = vector.load %arg4[%get3A_112, %get3A_113] : memref<800x1xf32, #tpu.memory_space<vmem>>, vector<800x1xf32>
    %sub3A = arith.subf %add3A_111, %add3A_105 : vector<800x384xf32>
    %mul3A_115 = vector.broadcast %get3A_114 : vector<800x1xf32> to vector<800x384xf32>
    %mul3A_116 = arith.mulf %mul3A_115, %sub3A : vector<800x384xf32>
    %add3A_117 = arith.addf %add3A_105, %mul3A_116 : vector<800x384xf32>
    %sub3A_118 = arith.subf %add3A_99, %add3A_94 : vector<800x128xf32>
    %mul3A_119 = vector.broadcast %get3A_114 : vector<800x1xf32> to vector<800x128xf32>
    %mul3A_120 = arith.mulf %mul3A_119, %sub3A_118 : vector<800x128xf32>
    %add3A_121 = arith.addf %add3A_94, %mul3A_120 : vector<800x128xf32>
    %slice3A_122 = vector.extract_strided_slice %add3A_117 {offsets = [0, 0], sizes = [800, 128], strides = [1, 1]} : vector<800x384xf32> to vector<800x128xf32>
    %logistic3A_123 = arith.negf %slice3A_122 : vector<800x128xf32>
    %logistic3A_124 = math.exp %logistic3A_123 : vector<800x128xf32>
    %logistic3A_125 = arith.constant 1.000000e+00 : f32
    %logistic3A_126 = vector.broadcast %logistic3A_125 : f32 to vector<800x128xf32>
    %logistic3A_127 = arith.addf %logistic3A_126, %logistic3A_124 : vector<800x128xf32>
    %logistic3A_128 = arith.divf %logistic3A_126, %logistic3A_127 : vector<800x128xf32>
    %slice3A_129 = vector.extract_strided_slice %add3A_117 {offsets = [0, 256], sizes = [800, 128], strides = [1, 1]} : vector<800x384xf32> to vector<800x128xf32>
    %tanh3A = math.tanh %slice3A_129 : vector<800x128xf32>
    %mul3A_130 = arith.mulf %logistic3A_128, %tanh3A : vector<800x128xf32>
    %add3A_131 = arith.addf %mul3A_130, %add3A_121 : vector<800x128xf32>
    %swap3A = arith.constant 0 : index
    %swap3A_132 = arith.constant 0 : index
    %swap3A_133 = vector.load %arg14[%swap3A, %swap3A_132] : memref<800x128xf32, #tpu.memory_space<vmem>>, vector<800x128xf32>
    tpu.vector_store %arg14[%swap3A, %swap3A_132], %add3A_131 {strides = array<i32>} : memref<800x128xf32, #tpu.memory_space<vmem>>, vector<800x128xf32>,
    %slice3A_134 = vector.extract_strided_slice %add3A_117 {offsets = [0, 128], sizes = [800, 128], strides = [1, 1]} : vector<800x384xf32> to vector<800x128xf32>
    %logistic3A_135 = arith.negf %slice3A_134 : vector<800x128xf32>
    %logistic3A_136 = math.exp %logistic3A_135 : vector<800x128xf32>
    %logistic3A_137 = arith.constant 1.000000e+00 : f32
    %logistic3A_138 = vector.broadcast %logistic3A_137 : f32 to vector<800x128xf32>
    %logistic3A_139 = arith.addf %logistic3A_138, %logistic3A_136 : vector<800x128xf32>
    %logistic3A_140 = arith.divf %logistic3A_138, %logistic3A_139 : vector<800x128xf32>
    %tanh3A_141 = math.tanh %add3A_131 : vector<800x128xf32>
    %mul3A_142 = arith.mulf %logistic3A_140, %tanh3A_141 : vector<800x128xf32>
    %swap3A_143 = arith.constant 0 : index
    %swap3A_144 = arith.constant 0 : index
    %swap3A_145 = vector.load %arg13[%swap3A_143, %swap3A_144] : memref<800x128xf32, #tpu.memory_space<vmem>>, vector<800x128xf32>
    tpu.vector_store %arg13[%swap3A_143, %swap3A_144], %mul3A_142 {strides = array<i32>} : memref<800x128xf32, #tpu.memory_space<vmem>>, vector<800x128xf32>,
    return
  }
  func.func @transform_0(%arg0: i32) -> (i32, i32) {
    %add3A = arith.constant 0 : i32
    %add3A_0 = arith.addi %arg0, %add3A : i32
    %c0_i32 = arith.constant 0 : i32
    %c0_i32_1 = arith.constant 0 : i32
    return %add3A_0, %c0_i32 : i32, i32
  }
  func.func @transform_1(%arg0: i32) -> (i32, i32) {
    %c0_i32 = arith.constant 0 : i32
    %c0_i32_0 = arith.constant 0 : i32
    return %arg0, %c0_i32 : i32, i32
  }
  func.func @transform_2(%arg0: i32) -> (i32, i32) {
    %c0_i32 = arith.constant 0 : i32
    %c0_i32_0 = arith.constant 0 : i32
    return %arg0, %c0_i32 : i32, i32
  }
  func.func @transform_3(%arg0: i32) -> (i32, i32) {
    %add3A = arith.constant 0 : i32
    %add3A_0 = arith.addi %arg0, %add3A : i32
    %c0_i32 = arith.constant 0 : i32
    %c0_i32_1 = arith.constant 0 : i32
    return %add3A_0, %c0_i32 : i32, i32
  }
  func.func @transform_4(%arg0: i32) -> (i32, i32) {
    %c0_i32 = arith.constant 0 : i32
    %c0_i32_0 = arith.constant 0 : i32
    %c0_i32_1 = arith.constant 0 : i32
    return %c0_i32, %c0_i32_0 : i32, i32
  }
  func.func @transform_5(%arg0: i32) -> (i32, i32) {
    %c0_i32 = arith.constant 0 : i32
    %c0_i32_0 = arith.constant 0 : i32
    %c0_i32_1 = arith.constant 0 : i32
    return %c0_i32, %c0_i32_0 : i32, i32
  }
  func.func @transform_6(%arg0: i32) -> (i32, i32) {
    %c0_i32 = arith.constant 0 : i32
    %c0_i32_0 = arith.constant 0 : i32
    %c0_i32_1 = arith.constant 0 : i32
    return %c0_i32, %c0_i32_0 : i32, i32
  }
  func.func @transform_7(%arg0: i32) -> (i32, i32) {
    %c0_i32 = arith.constant 0 : i32
    %c0_i32_0 = arith.constant 0 : i32
    %c0_i32_1 = arith.constant 0 : i32
    return %c0_i32, %c0_i32_0 : i32, i32
  }
  func.func @transform_8(%arg0: i32) -> (i32, i32) {
    %c0_i32 = arith.constant 0 : i32
    %c0_i32_0 = arith.constant 0 : i32
    %c0_i32_1 = arith.constant 0 : i32
    return %c0_i32, %c0_i32_0 : i32, i32
  }
  func.func @transform_9(%arg0: i32) -> (i32, i32) {
    %c0_i32 = arith.constant 0 : i32
    %c0_i32_0 = arith.constant 0 : i32
    %c0_i32_1 = arith.constant 0 : i32
    return %c0_i32, %c0_i32_0 : i32, i32
  }
  func.func @transform_12(%arg0: i32) -> (i32, i32) {
    %add3A = arith.constant 0 : i32
    %add3A_0 = arith.addi %arg0, %add3A : i32
    %c0_i32 = arith.constant 0 : i32
    %c0_i32_1 = arith.constant 0 : i32
    return %add3A_0, %c0_i32 : i32, i32
  }
  func.func @transform_13(%arg0: i32) -> (i32, i32) {
    %add3A = arith.constant 0 : i32
    %add3A_0 = arith.addi %arg0, %add3A : i32
    %c0_i32 = arith.constant 0 : i32
    %c0_i32_1 = arith.constant 0 : i32
    return %add3A_0, %c0_i32 : i32, i32
  }
}

module attributes {stable_mosaic.version = 14 : i64} {
  func.func @_dense_body(%arg0: i32, %arg1: memref<800x64xf32, #tpu.memory_space<vmem>>, %arg2: memref<800x128xf32, #tpu.memory_space<vmem>>, %arg3: memref<800x128xf32, #tpu.memory_space<vmem>>, %arg4: memref<800x1xf32, #tpu.memory_space<vmem>>, %arg5: memref<128x768xf32, #tpu.memory_space<vmem>>, %arg6: memref<256x768xf32, #tpu.memory_space<vmem>>, %arg7: memref<256x512xf32, #tpu.memory_space<vmem>>, %arg8: memref<1x384xf32, #tpu.memory_space<vmem>>, %arg9: memref<1x384xf32, #tpu.memory_space<vmem>>, %arg10: memref<1x512xf32, #tpu.memory_space<vmem>>, %arg11: memref<100000x128xf32, #tpu.memory_space<any>>, %arg12: memref<100000x128xf32, #tpu.memory_space<any>>, %arg13: memref<800x128xf32, #tpu.memory_space<vmem>>, %arg14: memref<800x128xf32, #tpu.memory_space<vmem>>) attributes {dimension_semantics = [#tpu.dimension_semantics<arbitrary>], iteration_bounds = array<i64: 25>, scalar_prefetch = 0 : i64, scratch_operands = 0 : i64, tpu.core_type = #tpu.core_type<tc>, window_params = [{transform_indices = @transform_0, window_bounds = array<i64: 800, 64>}, {transform_indices = @transform_1, window_bounds = array<i64: 800, 128>}, {transform_indices = @transform_2, window_bounds = array<i64: 800, 128>}, {transform_indices = @transform_3, window_bounds = array<i64: 800, 1>}, {pipeline_mode = #tpu.pipeline_mode<synchronous>, transform_indices = @transform_4, window_bounds = array<i64: 128, 768>}, {pipeline_mode = #tpu.pipeline_mode<synchronous>, transform_indices = @transform_5, window_bounds = array<i64: 256, 768>}, {pipeline_mode = #tpu.pipeline_mode<synchronous>, transform_indices = @transform_6, window_bounds = array<i64: 256, 512>}, {pipeline_mode = #tpu.pipeline_mode<synchronous>, transform_indices = @transform_7, window_bounds = array<i64: 1, 384>}, {pipeline_mode = #tpu.pipeline_mode<synchronous>, transform_indices = @transform_8, window_bounds = array<i64: 1, 384>}, {pipeline_mode = #tpu.pipeline_mode<synchronous>, transform_indices = @transform_9, window_bounds = array<i64: 1, 512>}, {}, {}, {transform_indices = @transform_12, window_bounds = array<i64: 800, 128>}, {transform_indices = @transform_13, window_bounds = array<i64: 800, 128>}]} {
    %get3A = arith.constant 0 : index
    %get3A_0 = arith.constant 0 : index
    %get3A_1 = vector.load %arg1[%get3A, %get3A_0] : memref<800x64xf32, #tpu.memory_space<vmem>>, vector<800x64xf32>
    %bitcast_convert_type3A = tpu.bitcast %get3A_1 : vector<800x64xf32> -> vector<800x64xi32>
    %shift_left3A = arith.constant 16 : i32
    %shift_left3A_2 = vector.broadcast %shift_left3A : i32 to vector<800x64xi32>
    %shift_left3A_3 = arith.shli %bitcast_convert_type3A, %shift_left3A_2 : vector<800x64xi32>
    %bitcast_convert_type3A_4 = tpu.bitcast %shift_left3A_3 : vector<800x64xi32> -> vector<800x64xf32>
    %and3A = arith.constant -65536 : i32
    %and3A_5 = vector.broadcast %and3A : i32 to vector<800x64xi32>
    %and3A_6 = arith.andi %bitcast_convert_type3A, %and3A_5 : vector<800x64xi32>
    %bitcast_convert_type3A_7 = tpu.bitcast %and3A_6 : vector<800x64xi32> -> vector<800x64xf32>
    %concatenate3A = tpu.concatenate %bitcast_convert_type3A_4, %bitcast_convert_type3A_7 in 1 : vector<800x64xf32>, vector<800x64xf32> -> vector<800x128xf32>
    %get3A_8 = arith.constant 0 : index
    %get3A_9 = arith.constant 0 : index
    %get3A_10 = vector.load %arg2[%get3A_8, %get3A_9] : memref<800x128xf32, #tpu.memory_space<vmem>>, vector<800x128xf32>
    %get3A_11 = arith.constant 0 : index
    %get3A_12 = arith.constant 0 : index
    %get3A_13 = vector.load %arg3[%get3A_11, %get3A_12] : memref<800x128xf32, #tpu.memory_space<vmem>>, vector<800x128xf32>
    %slice3A = vector.extract_strided_slice %get3A_10 {offsets = [0, 0], sizes = [800, 64], strides = [1, 1]} : vector<800x128xf32> to vector<800x64xf32>
    %bitcast_convert_type3A_14 = tpu.bitcast %slice3A : vector<800x64xf32> -> vector<800x64xi32>
    %shift_left3A_15 = arith.constant 16 : i32
    %shift_left3A_16 = vector.broadcast %shift_left3A_15 : i32 to vector<800x64xi32>
    %shift_left3A_17 = arith.shli %bitcast_convert_type3A_14, %shift_left3A_16 : vector<800x64xi32>
    %bitcast_convert_type3A_18 = tpu.bitcast %shift_left3A_17 : vector<800x64xi32> -> vector<800x64xf32>
    %and3A_19 = arith.constant -65536 : i32
    %and3A_20 = vector.broadcast %and3A_19 : i32 to vector<800x64xi32>
    %and3A_21 = arith.andi %bitcast_convert_type3A_14, %and3A_20 : vector<800x64xi32>
    %bitcast_convert_type3A_22 = tpu.bitcast %and3A_21 : vector<800x64xi32> -> vector<800x64xf32>
    %concatenate3A_23 = tpu.concatenate %bitcast_convert_type3A_18, %bitcast_convert_type3A_22 in 1 : vector<800x64xf32>, vector<800x64xf32> -> vector<800x128xf32>
    %slice3A_24 = vector.extract_strided_slice %get3A_13 {offsets = [0, 0], sizes = [800, 64], strides = [1, 1]} : vector<800x128xf32> to vector<800x64xf32>
    %bitcast_convert_type3A_25 = tpu.bitcast %slice3A_24 : vector<800x64xf32> -> vector<800x64xi32>
    %shift_left3A_26 = arith.constant 16 : i32
    %shift_left3A_27 = vector.broadcast %shift_left3A_26 : i32 to vector<800x64xi32>
    %shift_left3A_28 = arith.shli %bitcast_convert_type3A_25, %shift_left3A_27 : vector<800x64xi32>
    %bitcast_convert_type3A_29 = tpu.bitcast %shift_left3A_28 : vector<800x64xi32> -> vector<800x64xf32>
    %and3A_30 = arith.constant -65536 : i32
    %and3A_31 = vector.broadcast %and3A_30 : i32 to vector<800x64xi32>
    %and3A_32 = arith.andi %bitcast_convert_type3A_25, %and3A_31 : vector<800x64xi32>
    %bitcast_convert_type3A_33 = tpu.bitcast %and3A_32 : vector<800x64xi32> -> vector<800x64xf32>
    %concatenate3A_34 = tpu.concatenate %bitcast_convert_type3A_29, %bitcast_convert_type3A_33 in 1 : vector<800x64xf32>, vector<800x64xf32> -> vector<800x128xf32>
    %get3A_35 = arith.constant 0 : index
    %get3A_36 = arith.constant 0 : index
    %get3A_37 = vector.load %arg6[%get3A_35, %get3A_36] : memref<256x768xf32, #tpu.memory_space<vmem>>, vector<256x768xf32>
    %get3A_38 = arith.constant 0 : index
    %get3A_39 = arith.constant 0 : index
    %get3A_40 = vector.load %arg7[%get3A_38, %get3A_39] : memref<256x512xf32, #tpu.memory_space<vmem>>, vector<256x512xf32>
    %get3A_41 = arith.constant 0 : index
    %get3A_42 = arith.constant 0 : index
    %get3A_43 = vector.load %arg5[%get3A_41, %get3A_42] : memref<128x768xf32, #tpu.memory_space<vmem>>, vector<128x768xf32>
    %dot_general3A = arith.constant dense<0.000000e+00> : vector<800x768xf32>
    %dot_general3A_44 = tpu.matmul %concatenate3A, %get3A_43, %dot_general3A {dimension_numbers = #tpu.dot_dimension_numbers<[1], [0], [0], [1], [0, 0, 1, 1], [], []>, transpose_lhs_hint = false} : vector<800x128xf32>, vector<128x768xf32>, vector<800x768xf32> -> vector<800x768xf32>
    %slice3A_45 = vector.extract_strided_slice %get3A_37 {offsets = [0, 0], sizes = [128, 768], strides = [1, 1]} : vector<256x768xf32> to vector<128x768xf32>
    %dot_general3A_46 = arith.constant dense<0.000000e+00> : vector<800x768xf32>
    %dot_general3A_47 = tpu.matmul %concatenate3A_23, %slice3A_45, %dot_general3A_46 {dimension_numbers = #tpu.dot_dimension_numbers<[1], [0], [0], [1], [0, 0, 1, 1], [], []>, transpose_lhs_hint = false} : vector<800x128xf32>, vector<128x768xf32>, vector<800x768xf32> -> vector<800x768xf32>
    %add3A = arith.addf %dot_general3A_44, %dot_general3A_47 : vector<800x768xf32>
    %slice3A_48 = vector.extract_strided_slice %get3A_37 {offsets = [128, 0], sizes = [128, 768], strides = [1, 1]} : vector<256x768xf32> to vector<128x768xf32>
    %dot_general3A_49 = arith.constant dense<0.000000e+00> : vector<800x768xf32>
    %dot_general3A_50 = tpu.matmul %concatenate3A_34, %slice3A_48, %dot_general3A_49 {dimension_numbers = #tpu.dot_dimension_numbers<[1], [0], [0], [1], [0, 0, 1, 1], [], []>, transpose_lhs_hint = false} : vector<800x128xf32>, vector<128x768xf32>, vector<800x768xf32> -> vector<800x768xf32>
    %add3A_51 = arith.addf %add3A, %dot_general3A_50 : vector<800x768xf32>
    %slice3A_52 = vector.extract_strided_slice %get3A_40 {offsets = [0, 0], sizes = [128, 512], strides = [1, 1]} : vector<256x512xf32> to vector<128x512xf32>
    %dot_general3A_53 = arith.constant dense<0.000000e+00> : vector<800x512xf32>
    %dot_general3A_54 = tpu.matmul %concatenate3A_23, %slice3A_52, %dot_general3A_53 {dimension_numbers = #tpu.dot_dimension_numbers<[1], [0], [0], [1], [0, 0, 1, 1], [], []>, transpose_lhs_hint = false} : vector<800x128xf32>, vector<128x512xf32>, vector<800x512xf32> -> vector<800x512xf32>
    %slice3A_55 = vector.extract_strided_slice %get3A_40 {offsets = [128, 0], sizes = [128, 512], strides = [1, 1]} : vector<256x512xf32> to vector<128x512xf32>
    %dot_general3A_56 = arith.constant dense<0.000000e+00> : vector<800x512xf32>
    %dot_general3A_57 = tpu.matmul %concatenate3A_34, %slice3A_55, %dot_general3A_56 {dimension_numbers = #tpu.dot_dimension_numbers<[1], [0], [0], [1], [0, 0, 1, 1], [], []>, transpose_lhs_hint = false} : vector<800x128xf32>, vector<128x512xf32>, vector<800x512xf32> -> vector<800x512xf32>
    %add3A_58 = arith.addf %dot_general3A_54, %dot_general3A_57 : vector<800x512xf32>
    %get3A_59 = arith.constant 0 : index
    %get3A_60 = arith.constant 0 : index
    %get3A_61 = vector.load %arg10[%get3A_59, %get3A_60] : memref<1x512xf32, #tpu.memory_space<vmem>>, vector<1x512xf32>
    %add3A_62 = vector.broadcast %get3A_61 : vector<1x512xf32> to vector<800x512xf32>
    %add3A_63 = arith.addf %add3A_58, %add3A_62 : vector<800x512xf32>
    %logistic3A = arith.negf %add3A_63 : vector<800x512xf32>
    %logistic3A_64 = math.exp %logistic3A : vector<800x512xf32>
    %logistic3A_65 = arith.constant 1.000000e+00 : f32
    %logistic3A_66 = vector.broadcast %logistic3A_65 : f32 to vector<800x512xf32>
    %logistic3A_67 = arith.addf %logistic3A_66, %logistic3A_64 : vector<800x512xf32>
    %logistic3A_68 = arith.divf %logistic3A_66, %logistic3A_67 : vector<800x512xf32>
    %slice3A_69 = vector.extract_strided_slice %get3A_10 {offsets = [0, 64], sizes = [800, 64], strides = [1, 1]} : vector<800x128xf32> to vector<800x64xf32>
    %bitcast_convert_type3A_70 = tpu.bitcast %slice3A_69 : vector<800x64xf32> -> vector<800x64xi32>
    %shift_left3A_71 = arith.constant 16 : i32
    %shift_left3A_72 = vector.broadcast %shift_left3A_71 : i32 to vector<800x64xi32>
    %shift_left3A_73 = arith.shli %bitcast_convert_type3A_70, %shift_left3A_72 : vector<800x64xi32>
    %bitcast_convert_type3A_74 = tpu.bitcast %shift_left3A_73 : vector<800x64xi32> -> vector<800x64xf32>
    %and3A_75 = arith.constant -65536 : i32
    %and3A_76 = vector.broadcast %and3A_75 : i32 to vector<800x64xi32>
    %and3A_77 = arith.andi %bitcast_convert_type3A_70, %and3A_76 : vector<800x64xi32>
    %bitcast_convert_type3A_78 = tpu.bitcast %and3A_77 : vector<800x64xi32> -> vector<800x64xf32>
    %concatenate3A_79 = tpu.concatenate %bitcast_convert_type3A_74, %bitcast_convert_type3A_78 in 1 : vector<800x64xf32>, vector<800x64xf32> -> vector<800x128xf32>
    %slice3A_80 = vector.extract_strided_slice %get3A_13 {offsets = [0, 64], sizes = [800, 64], strides = [1, 1]} : vector<800x128xf32> to vector<800x64xf32>
    %bitcast_convert_type3A_81 = tpu.bitcast %slice3A_80 : vector<800x64xf32> -> vector<800x64xi32>
    %shift_left3A_82 = arith.constant 16 : i32
    %shift_left3A_83 = vector.broadcast %shift_left3A_82 : i32 to vector<800x64xi32>
    %shift_left3A_84 = arith.shli %bitcast_convert_type3A_81, %shift_left3A_83 : vector<800x64xi32>
    %bitcast_convert_type3A_85 = tpu.bitcast %shift_left3A_84 : vector<800x64xi32> -> vector<800x64xf32>
    %and3A_86 = arith.constant -65536 : i32
    %and3A_87 = vector.broadcast %and3A_86 : i32 to vector<800x64xi32>
    %and3A_88 = arith.andi %bitcast_convert_type3A_81, %and3A_87 : vector<800x64xi32>
    %bitcast_convert_type3A_89 = tpu.bitcast %and3A_88 : vector<800x64xi32> -> vector<800x64xf32>
    %concatenate3A_90 = tpu.concatenate %bitcast_convert_type3A_85, %bitcast_convert_type3A_89 in 1 : vector<800x64xf32>, vector<800x64xf32> -> vector<800x128xf32>
    %slice3A_91 = vector.extract_strided_slice %logistic3A_68 {offsets = [0, 0], sizes = [800, 128], strides = [1, 1]} : vector<800x512xf32> to vector<800x128xf32>
    %mul3A = arith.mulf %slice3A_91, %concatenate3A_79 : vector<800x128xf32>
    %slice3A_92 = vector.extract_strided_slice %logistic3A_68 {offsets = [0, 128], sizes = [800, 128], strides = [1, 1]} : vector<800x512xf32> to vector<800x128xf32>
    %mul3A_93 = arith.mulf %slice3A_92, %concatenate3A_90 : vector<800x128xf32>
    %add3A_94 = arith.addf %mul3A, %mul3A_93 : vector<800x128xf32>
    %slice3A_95 = vector.extract_strided_slice %logistic3A_68 {offsets = [0, 256], sizes = [800, 128], strides = [1, 1]} : vector<800x512xf32> to vector<800x128xf32>
    %mul3A_96 = arith.mulf %slice3A_95, %concatenate3A_79 : vector<800x128xf32>
    %slice3A_97 = vector.extract_strided_slice %logistic3A_68 {offsets = [0, 384], sizes = [800, 128], strides = [1, 1]} : vector<800x512xf32> to vector<800x128xf32>
    %mul3A_98 = arith.mulf %slice3A_97, %concatenate3A_90 : vector<800x128xf32>
    %add3A_99 = arith.addf %mul3A_96, %mul3A_98 : vector<800x128xf32>
    %slice3A_100 = vector.extract_strided_slice %add3A_51 {offsets = [0, 0], sizes = [800, 384], strides = [1, 1]} : vector<800x768xf32> to vector<800x384xf32>
    %get3A_101 = arith.constant 0 : index
    %get3A_102 = arith.constant 0 : index
    %get3A_103 = vector.load %arg8[%get3A_101, %get3A_102] : memref<1x384xf32, #tpu.memory_space<vmem>>, vector<1x384xf32>
    %add3A_104 = vector.broadcast %get3A_103 : vector<1x384xf32> to vector<800x384xf32>
    %add3A_105 = arith.addf %slice3A_100, %add3A_104 : vector<800x384xf32>
    %slice3A_106 = vector.extract_strided_slice %add3A_51 {offsets = [0, 384], sizes = [800, 384], strides = [1, 1]} : vector<800x768xf32> to vector<800x384xf32>
    %get3A_107 = arith.constant 0 : index
    %get3A_108 = arith.constant 0 : index
    %get3A_109 = vector.load %arg9[%get3A_107, %get3A_108] : memref<1x384xf32, #tpu.memory_space<vmem>>, vector<1x384xf32>
    %add3A_110 = vector.broadcast %get3A_109 : vector<1x384xf32> to vector<800x384xf32>
    %add3A_111 = arith.addf %slice3A_106, %add3A_110 : vector<800x384xf32>
    %get3A_112 = arith.constant 0 : index
    %get3A_113 = arith.constant 0 : index
    %get3A_114 = vector.load %arg4[%get3A_112, %get3A_113] : memref<800x1xf32, #tpu.memory_space<vmem>>, vector<800x1xf32>
    %sub3A = arith.subf %add3A_111, %add3A_105 : vector<800x384xf32>
    %mul3A_115 = vector.broadcast %get3A_114 : vector<800x1xf32> to vector<800x384xf32>
    %mul3A_116 = arith.mulf %mul3A_115, %sub3A : vector<800x384xf32>
    %add3A_117 = arith.addf %add3A_105, %mul3A_116 : vector<800x384xf32>
    %sub3A_118 = arith.subf %add3A_99, %add3A_94 : vector<800x128xf32>
    %mul3A_119 = vector.broadcast %get3A_114 : vector<800x1xf32> to vector<800x128xf32>
    %mul3A_120 = arith.mulf %mul3A_119, %sub3A_118 : vector<800x128xf32>
    %add3A_121 = arith.addf %add3A_94, %mul3A_120 : vector<800x128xf32>
    %slice3A_122 = vector.extract_strided_slice %add3A_117 {offsets = [0, 0], sizes = [800, 128], strides = [1, 1]} : vector<800x384xf32> to vector<800x128xf32>
    %logistic3A_123 = arith.negf %slice3A_122 : vector<800x128xf32>
    %logistic3A_124 = math.exp %logistic3A_123 : vector<800x128xf32>
    %logistic3A_125 = arith.constant 1.000000e+00 : f32
    %logistic3A_126 = vector.broadcast %logistic3A_125 : f32 to vector<800x128xf32>
    %logistic3A_127 = arith.addf %logistic3A_126, %logistic3A_124 : vector<800x128xf32>
    %logistic3A_128 = arith.divf %logistic3A_126, %logistic3A_127 : vector<800x128xf32>
    %slice3A_129 = vector.extract_strided_slice %add3A_117 {offsets = [0, 256], sizes = [800, 128], strides = [1, 1]} : vector<800x384xf32> to vector<800x128xf32>
    %tanh3A = math.tanh %slice3A_129 : vector<800x128xf32>
    %mul3A_130 = arith.mulf %logistic3A_128, %tanh3A : vector<800x128xf32>
    %add3A_131 = arith.addf %mul3A_130, %add3A_121 : vector<800x128xf32>
    %swap3A = arith.constant 0 : index
    %swap3A_132 = arith.constant 0 : index
    %swap3A_133 = vector.load %arg14[%swap3A, %swap3A_132] : memref<800x128xf32, #tpu.memory_space<vmem>>, vector<800x128xf32>
    tpu.vector_store %arg14[%swap3A, %swap3A_132], %add3A_131 {strides = array<i32>} : memref<800x128xf32, #tpu.memory_space<vmem>>, vector<800x128xf32>,
    %slice3A_134 = vector.extract_strided_slice %add3A_117 {offsets = [0, 128], sizes = [800, 128], strides = [1, 1]} : vector<800x384xf32> to vector<800x128xf32>
    %logistic3A_135 = arith.negf %slice3A_134 : vector<800x128xf32>
    %logistic3A_136 = math.exp %logistic3A_135 : vector<800x128xf32>
    %logistic3A_137 = arith.constant 1.000000e+00 : f32
    %logistic3A_138 = vector.broadcast %logistic3A_137 : f32 to vector<800x128xf32>
    %logistic3A_139 = arith.addf %logistic3A_138, %logistic3A_136 : vector<800x128xf32>
    %logistic3A_140 = arith.divf %logistic3A_138, %logistic3A_139 : vector<800x128xf32>
    %tanh3A_141 = math.tanh %add3A_131 : vector<800x128xf32>
    %mul3A_142 = arith.mulf %logistic3A_140, %tanh3A_141 : vector<800x128xf32>
    %swap3A_143 = arith.constant 0 : index
    %swap3A_144 = arith.constant 0 : index
    %swap3A_145 = vector.load %arg13[%swap3A_143, %swap3A_144] : memref<800x128xf32, #tpu.memory_space<vmem>>, vector<800x128xf32>
    tpu.vector_store %arg13[%swap3A_143, %swap3A_144], %mul3A_142 {strides = array<i32>} : memref<800x128xf32, #tpu.memory_space<vmem>>, vector<800x128xf32>,
    return
  }
  func.func @transform_0(%arg0: i32) -> (i32, i32) {
    %add3A = arith.constant 25 : i32
    %add3A_0 = arith.addi %arg0, %add3A : i32
    %c0_i32 = arith.constant 0 : i32
    %c0_i32_1 = arith.constant 0 : i32
    return %add3A_0, %c0_i32 : i32, i32
  }
  func.func @transform_1(%arg0: i32) -> (i32, i32) {
    %c0_i32 = arith.constant 0 : i32
    %c0_i32_0 = arith.constant 0 : i32
    return %arg0, %c0_i32 : i32, i32
  }
  func.func @transform_2(%arg0: i32) -> (i32, i32) {
    %c0_i32 = arith.constant 0 : i32
    %c0_i32_0 = arith.constant 0 : i32
    return %arg0, %c0_i32 : i32, i32
  }
  func.func @transform_3(%arg0: i32) -> (i32, i32) {
    %add3A = arith.constant 25 : i32
    %add3A_0 = arith.addi %arg0, %add3A : i32
    %c0_i32 = arith.constant 0 : i32
    %c0_i32_1 = arith.constant 0 : i32
    return %add3A_0, %c0_i32 : i32, i32
  }
  func.func @transform_4(%arg0: i32) -> (i32, i32) {
    %c0_i32 = arith.constant 0 : i32
    %c0_i32_0 = arith.constant 0 : i32
    %c0_i32_1 = arith.constant 0 : i32
    return %c0_i32, %c0_i32_0 : i32, i32
  }
  func.func @transform_5(%arg0: i32) -> (i32, i32) {
    %c0_i32 = arith.constant 0 : i32
    %c0_i32_0 = arith.constant 0 : i32
    %c0_i32_1 = arith.constant 0 : i32
    return %c0_i32, %c0_i32_0 : i32, i32
  }
  func.func @transform_6(%arg0: i32) -> (i32, i32) {
    %c0_i32 = arith.constant 0 : i32
    %c0_i32_0 = arith.constant 0 : i32
    %c0_i32_1 = arith.constant 0 : i32
    return %c0_i32, %c0_i32_0 : i32, i32
  }
  func.func @transform_7(%arg0: i32) -> (i32, i32) {
    %c0_i32 = arith.constant 0 : i32
    %c0_i32_0 = arith.constant 0 : i32
    %c0_i32_1 = arith.constant 0 : i32
    return %c0_i32, %c0_i32_0 : i32, i32
  }
  func.func @transform_8(%arg0: i32) -> (i32, i32) {
    %c0_i32 = arith.constant 0 : i32
    %c0_i32_0 = arith.constant 0 : i32
    %c0_i32_1 = arith.constant 0 : i32
    return %c0_i32, %c0_i32_0 : i32, i32
  }
  func.func @transform_9(%arg0: i32) -> (i32, i32) {
    %c0_i32 = arith.constant 0 : i32
    %c0_i32_0 = arith.constant 0 : i32
    %c0_i32_1 = arith.constant 0 : i32
    return %c0_i32, %c0_i32_0 : i32, i32
  }
  func.func @transform_12(%arg0: i32) -> (i32, i32) {
    %add3A = arith.constant 25 : i32
    %add3A_0 = arith.addi %arg0, %add3A : i32
    %c0_i32 = arith.constant 0 : i32
    %c0_i32_1 = arith.constant 0 : i32
    return %add3A_0, %c0_i32 : i32, i32
  }
  func.func @transform_13(%arg0: i32) -> (i32, i32) {
    %add3A = arith.constant 25 : i32
    %add3A_0 = arith.addi %arg0, %add3A : i32
    %c0_i32 = arith.constant 0 : i32
    %c0_i32_1 = arith.constant 0 : i32
    return %add3A_0, %c0_i32 : i32, i32
  }
}

module attributes {stable_mosaic.version = 14 : i64} {
  func.func @_dense_body(%arg0: i32, %arg1: memref<800x64xf32, #tpu.memory_space<vmem>>, %arg2: memref<800x128xf32, #tpu.memory_space<vmem>>, %arg3: memref<800x128xf32, #tpu.memory_space<vmem>>, %arg4: memref<800x1xf32, #tpu.memory_space<vmem>>, %arg5: memref<128x768xf32, #tpu.memory_space<vmem>>, %arg6: memref<256x768xf32, #tpu.memory_space<vmem>>, %arg7: memref<256x512xf32, #tpu.memory_space<vmem>>, %arg8: memref<1x384xf32, #tpu.memory_space<vmem>>, %arg9: memref<1x384xf32, #tpu.memory_space<vmem>>, %arg10: memref<1x512xf32, #tpu.memory_space<vmem>>, %arg11: memref<100000x128xf32, #tpu.memory_space<any>>, %arg12: memref<100000x128xf32, #tpu.memory_space<any>>, %arg13: memref<800x128xf32, #tpu.memory_space<vmem>>, %arg14: memref<800x128xf32, #tpu.memory_space<vmem>>) attributes {dimension_semantics = [#tpu.dimension_semantics<arbitrary>], iteration_bounds = array<i64: 25>, scalar_prefetch = 0 : i64, scratch_operands = 0 : i64, tpu.core_type = #tpu.core_type<tc>, window_params = [{transform_indices = @transform_0, window_bounds = array<i64: 800, 64>}, {transform_indices = @transform_1, window_bounds = array<i64: 800, 128>}, {transform_indices = @transform_2, window_bounds = array<i64: 800, 128>}, {transform_indices = @transform_3, window_bounds = array<i64: 800, 1>}, {pipeline_mode = #tpu.pipeline_mode<synchronous>, transform_indices = @transform_4, window_bounds = array<i64: 128, 768>}, {pipeline_mode = #tpu.pipeline_mode<synchronous>, transform_indices = @transform_5, window_bounds = array<i64: 256, 768>}, {pipeline_mode = #tpu.pipeline_mode<synchronous>, transform_indices = @transform_6, window_bounds = array<i64: 256, 512>}, {pipeline_mode = #tpu.pipeline_mode<synchronous>, transform_indices = @transform_7, window_bounds = array<i64: 1, 384>}, {pipeline_mode = #tpu.pipeline_mode<synchronous>, transform_indices = @transform_8, window_bounds = array<i64: 1, 384>}, {pipeline_mode = #tpu.pipeline_mode<synchronous>, transform_indices = @transform_9, window_bounds = array<i64: 1, 512>}, {}, {}, {transform_indices = @transform_12, window_bounds = array<i64: 800, 128>}, {transform_indices = @transform_13, window_bounds = array<i64: 800, 128>}]} {
    %get3A = arith.constant 0 : index
    %get3A_0 = arith.constant 0 : index
    %get3A_1 = vector.load %arg1[%get3A, %get3A_0] : memref<800x64xf32, #tpu.memory_space<vmem>>, vector<800x64xf32>
    %bitcast_convert_type3A = tpu.bitcast %get3A_1 : vector<800x64xf32> -> vector<800x64xi32>
    %shift_left3A = arith.constant 16 : i32
    %shift_left3A_2 = vector.broadcast %shift_left3A : i32 to vector<800x64xi32>
    %shift_left3A_3 = arith.shli %bitcast_convert_type3A, %shift_left3A_2 : vector<800x64xi32>
    %bitcast_convert_type3A_4 = tpu.bitcast %shift_left3A_3 : vector<800x64xi32> -> vector<800x64xf32>
    %and3A = arith.constant -65536 : i32
    %and3A_5 = vector.broadcast %and3A : i32 to vector<800x64xi32>
    %and3A_6 = arith.andi %bitcast_convert_type3A, %and3A_5 : vector<800x64xi32>
    %bitcast_convert_type3A_7 = tpu.bitcast %and3A_6 : vector<800x64xi32> -> vector<800x64xf32>
    %concatenate3A = tpu.concatenate %bitcast_convert_type3A_4, %bitcast_convert_type3A_7 in 1 : vector<800x64xf32>, vector<800x64xf32> -> vector<800x128xf32>
    %get3A_8 = arith.constant 0 : index
    %get3A_9 = arith.constant 0 : index
    %get3A_10 = vector.load %arg2[%get3A_8, %get3A_9] : memref<800x128xf32, #tpu.memory_space<vmem>>, vector<800x128xf32>
    %get3A_11 = arith.constant 0 : index
    %get3A_12 = arith.constant 0 : index
    %get3A_13 = vector.load %arg3[%get3A_11, %get3A_12] : memref<800x128xf32, #tpu.memory_space<vmem>>, vector<800x128xf32>
    %slice3A = vector.extract_strided_slice %get3A_10 {offsets = [0, 0], sizes = [800, 64], strides = [1, 1]} : vector<800x128xf32> to vector<800x64xf32>
    %bitcast_convert_type3A_14 = tpu.bitcast %slice3A : vector<800x64xf32> -> vector<800x64xi32>
    %shift_left3A_15 = arith.constant 16 : i32
    %shift_left3A_16 = vector.broadcast %shift_left3A_15 : i32 to vector<800x64xi32>
    %shift_left3A_17 = arith.shli %bitcast_convert_type3A_14, %shift_left3A_16 : vector<800x64xi32>
    %bitcast_convert_type3A_18 = tpu.bitcast %shift_left3A_17 : vector<800x64xi32> -> vector<800x64xf32>
    %and3A_19 = arith.constant -65536 : i32
    %and3A_20 = vector.broadcast %and3A_19 : i32 to vector<800x64xi32>
    %and3A_21 = arith.andi %bitcast_convert_type3A_14, %and3A_20 : vector<800x64xi32>
    %bitcast_convert_type3A_22 = tpu.bitcast %and3A_21 : vector<800x64xi32> -> vector<800x64xf32>
    %concatenate3A_23 = tpu.concatenate %bitcast_convert_type3A_18, %bitcast_convert_type3A_22 in 1 : vector<800x64xf32>, vector<800x64xf32> -> vector<800x128xf32>
    %slice3A_24 = vector.extract_strided_slice %get3A_13 {offsets = [0, 0], sizes = [800, 64], strides = [1, 1]} : vector<800x128xf32> to vector<800x64xf32>
    %bitcast_convert_type3A_25 = tpu.bitcast %slice3A_24 : vector<800x64xf32> -> vector<800x64xi32>
    %shift_left3A_26 = arith.constant 16 : i32
    %shift_left3A_27 = vector.broadcast %shift_left3A_26 : i32 to vector<800x64xi32>
    %shift_left3A_28 = arith.shli %bitcast_convert_type3A_25, %shift_left3A_27 : vector<800x64xi32>
    %bitcast_convert_type3A_29 = tpu.bitcast %shift_left3A_28 : vector<800x64xi32> -> vector<800x64xf32>
    %and3A_30 = arith.constant -65536 : i32
    %and3A_31 = vector.broadcast %and3A_30 : i32 to vector<800x64xi32>
    %and3A_32 = arith.andi %bitcast_convert_type3A_25, %and3A_31 : vector<800x64xi32>
    %bitcast_convert_type3A_33 = tpu.bitcast %and3A_32 : vector<800x64xi32> -> vector<800x64xf32>
    %concatenate3A_34 = tpu.concatenate %bitcast_convert_type3A_29, %bitcast_convert_type3A_33 in 1 : vector<800x64xf32>, vector<800x64xf32> -> vector<800x128xf32>
    %get3A_35 = arith.constant 0 : index
    %get3A_36 = arith.constant 0 : index
    %get3A_37 = vector.load %arg6[%get3A_35, %get3A_36] : memref<256x768xf32, #tpu.memory_space<vmem>>, vector<256x768xf32>
    %get3A_38 = arith.constant 0 : index
    %get3A_39 = arith.constant 0 : index
    %get3A_40 = vector.load %arg7[%get3A_38, %get3A_39] : memref<256x512xf32, #tpu.memory_space<vmem>>, vector<256x512xf32>
    %get3A_41 = arith.constant 0 : index
    %get3A_42 = arith.constant 0 : index
    %get3A_43 = vector.load %arg5[%get3A_41, %get3A_42] : memref<128x768xf32, #tpu.memory_space<vmem>>, vector<128x768xf32>
    %dot_general3A = arith.constant dense<0.000000e+00> : vector<800x768xf32>
    %dot_general3A_44 = tpu.matmul %concatenate3A, %get3A_43, %dot_general3A {dimension_numbers = #tpu.dot_dimension_numbers<[1], [0], [0], [1], [0, 0, 1, 1], [], []>, transpose_lhs_hint = false} : vector<800x128xf32>, vector<128x768xf32>, vector<800x768xf32> -> vector<800x768xf32>
    %slice3A_45 = vector.extract_strided_slice %get3A_37 {offsets = [0, 0], sizes = [128, 768], strides = [1, 1]} : vector<256x768xf32> to vector<128x768xf32>
    %dot_general3A_46 = arith.constant dense<0.000000e+00> : vector<800x768xf32>
    %dot_general3A_47 = tpu.matmul %concatenate3A_23, %slice3A_45, %dot_general3A_46 {dimension_numbers = #tpu.dot_dimension_numbers<[1], [0], [0], [1], [0, 0, 1, 1], [], []>, transpose_lhs_hint = false} : vector<800x128xf32>, vector<128x768xf32>, vector<800x768xf32> -> vector<800x768xf32>
    %add3A = arith.addf %dot_general3A_44, %dot_general3A_47 : vector<800x768xf32>
    %slice3A_48 = vector.extract_strided_slice %get3A_37 {offsets = [128, 0], sizes = [128, 768], strides = [1, 1]} : vector<256x768xf32> to vector<128x768xf32>
    %dot_general3A_49 = arith.constant dense<0.000000e+00> : vector<800x768xf32>
    %dot_general3A_50 = tpu.matmul %concatenate3A_34, %slice3A_48, %dot_general3A_49 {dimension_numbers = #tpu.dot_dimension_numbers<[1], [0], [0], [1], [0, 0, 1, 1], [], []>, transpose_lhs_hint = false} : vector<800x128xf32>, vector<128x768xf32>, vector<800x768xf32> -> vector<800x768xf32>
    %add3A_51 = arith.addf %add3A, %dot_general3A_50 : vector<800x768xf32>
    %slice3A_52 = vector.extract_strided_slice %get3A_40 {offsets = [0, 0], sizes = [128, 512], strides = [1, 1]} : vector<256x512xf32> to vector<128x512xf32>
    %dot_general3A_53 = arith.constant dense<0.000000e+00> : vector<800x512xf32>
    %dot_general3A_54 = tpu.matmul %concatenate3A_23, %slice3A_52, %dot_general3A_53 {dimension_numbers = #tpu.dot_dimension_numbers<[1], [0], [0], [1], [0, 0, 1, 1], [], []>, transpose_lhs_hint = false} : vector<800x128xf32>, vector<128x512xf32>, vector<800x512xf32> -> vector<800x512xf32>
    %slice3A_55 = vector.extract_strided_slice %get3A_40 {offsets = [128, 0], sizes = [128, 512], strides = [1, 1]} : vector<256x512xf32> to vector<128x512xf32>
    %dot_general3A_56 = arith.constant dense<0.000000e+00> : vector<800x512xf32>
    %dot_general3A_57 = tpu.matmul %concatenate3A_34, %slice3A_55, %dot_general3A_56 {dimension_numbers = #tpu.dot_dimension_numbers<[1], [0], [0], [1], [0, 0, 1, 1], [], []>, transpose_lhs_hint = false} : vector<800x128xf32>, vector<128x512xf32>, vector<800x512xf32> -> vector<800x512xf32>
    %add3A_58 = arith.addf %dot_general3A_54, %dot_general3A_57 : vector<800x512xf32>
    %get3A_59 = arith.constant 0 : index
    %get3A_60 = arith.constant 0 : index
    %get3A_61 = vector.load %arg10[%get3A_59, %get3A_60] : memref<1x512xf32, #tpu.memory_space<vmem>>, vector<1x512xf32>
    %add3A_62 = vector.broadcast %get3A_61 : vector<1x512xf32> to vector<800x512xf32>
    %add3A_63 = arith.addf %add3A_58, %add3A_62 : vector<800x512xf32>
    %logistic3A = arith.negf %add3A_63 : vector<800x512xf32>
    %logistic3A_64 = math.exp %logistic3A : vector<800x512xf32>
    %logistic3A_65 = arith.constant 1.000000e+00 : f32
    %logistic3A_66 = vector.broadcast %logistic3A_65 : f32 to vector<800x512xf32>
    %logistic3A_67 = arith.addf %logistic3A_66, %logistic3A_64 : vector<800x512xf32>
    %logistic3A_68 = arith.divf %logistic3A_66, %logistic3A_67 : vector<800x512xf32>
    %slice3A_69 = vector.extract_strided_slice %get3A_10 {offsets = [0, 64], sizes = [800, 64], strides = [1, 1]} : vector<800x128xf32> to vector<800x64xf32>
    %bitcast_convert_type3A_70 = tpu.bitcast %slice3A_69 : vector<800x64xf32> -> vector<800x64xi32>
    %shift_left3A_71 = arith.constant 16 : i32
    %shift_left3A_72 = vector.broadcast %shift_left3A_71 : i32 to vector<800x64xi32>
    %shift_left3A_73 = arith.shli %bitcast_convert_type3A_70, %shift_left3A_72 : vector<800x64xi32>
    %bitcast_convert_type3A_74 = tpu.bitcast %shift_left3A_73 : vector<800x64xi32> -> vector<800x64xf32>
    %and3A_75 = arith.constant -65536 : i32
    %and3A_76 = vector.broadcast %and3A_75 : i32 to vector<800x64xi32>
    %and3A_77 = arith.andi %bitcast_convert_type3A_70, %and3A_76 : vector<800x64xi32>
    %bitcast_convert_type3A_78 = tpu.bitcast %and3A_77 : vector<800x64xi32> -> vector<800x64xf32>
    %concatenate3A_79 = tpu.concatenate %bitcast_convert_type3A_74, %bitcast_convert_type3A_78 in 1 : vector<800x64xf32>, vector<800x64xf32> -> vector<800x128xf32>
    %slice3A_80 = vector.extract_strided_slice %get3A_13 {offsets = [0, 64], sizes = [800, 64], strides = [1, 1]} : vector<800x128xf32> to vector<800x64xf32>
    %bitcast_convert_type3A_81 = tpu.bitcast %slice3A_80 : vector<800x64xf32> -> vector<800x64xi32>
    %shift_left3A_82 = arith.constant 16 : i32
    %shift_left3A_83 = vector.broadcast %shift_left3A_82 : i32 to vector<800x64xi32>
    %shift_left3A_84 = arith.shli %bitcast_convert_type3A_81, %shift_left3A_83 : vector<800x64xi32>
    %bitcast_convert_type3A_85 = tpu.bitcast %shift_left3A_84 : vector<800x64xi32> -> vector<800x64xf32>
    %and3A_86 = arith.constant -65536 : i32
    %and3A_87 = vector.broadcast %and3A_86 : i32 to vector<800x64xi32>
    %and3A_88 = arith.andi %bitcast_convert_type3A_81, %and3A_87 : vector<800x64xi32>
    %bitcast_convert_type3A_89 = tpu.bitcast %and3A_88 : vector<800x64xi32> -> vector<800x64xf32>
    %concatenate3A_90 = tpu.concatenate %bitcast_convert_type3A_85, %bitcast_convert_type3A_89 in 1 : vector<800x64xf32>, vector<800x64xf32> -> vector<800x128xf32>
    %slice3A_91 = vector.extract_strided_slice %logistic3A_68 {offsets = [0, 0], sizes = [800, 128], strides = [1, 1]} : vector<800x512xf32> to vector<800x128xf32>
    %mul3A = arith.mulf %slice3A_91, %concatenate3A_79 : vector<800x128xf32>
    %slice3A_92 = vector.extract_strided_slice %logistic3A_68 {offsets = [0, 128], sizes = [800, 128], strides = [1, 1]} : vector<800x512xf32> to vector<800x128xf32>
    %mul3A_93 = arith.mulf %slice3A_92, %concatenate3A_90 : vector<800x128xf32>
    %add3A_94 = arith.addf %mul3A, %mul3A_93 : vector<800x128xf32>
    %slice3A_95 = vector.extract_strided_slice %logistic3A_68 {offsets = [0, 256], sizes = [800, 128], strides = [1, 1]} : vector<800x512xf32> to vector<800x128xf32>
    %mul3A_96 = arith.mulf %slice3A_95, %concatenate3A_79 : vector<800x128xf32>
    %slice3A_97 = vector.extract_strided_slice %logistic3A_68 {offsets = [0, 384], sizes = [800, 128], strides = [1, 1]} : vector<800x512xf32> to vector<800x128xf32>
    %mul3A_98 = arith.mulf %slice3A_97, %concatenate3A_90 : vector<800x128xf32>
    %add3A_99 = arith.addf %mul3A_96, %mul3A_98 : vector<800x128xf32>
    %slice3A_100 = vector.extract_strided_slice %add3A_51 {offsets = [0, 0], sizes = [800, 384], strides = [1, 1]} : vector<800x768xf32> to vector<800x384xf32>
    %get3A_101 = arith.constant 0 : index
    %get3A_102 = arith.constant 0 : index
    %get3A_103 = vector.load %arg8[%get3A_101, %get3A_102] : memref<1x384xf32, #tpu.memory_space<vmem>>, vector<1x384xf32>
    %add3A_104 = vector.broadcast %get3A_103 : vector<1x384xf32> to vector<800x384xf32>
    %add3A_105 = arith.addf %slice3A_100, %add3A_104 : vector<800x384xf32>
    %slice3A_106 = vector.extract_strided_slice %add3A_51 {offsets = [0, 384], sizes = [800, 384], strides = [1, 1]} : vector<800x768xf32> to vector<800x384xf32>
    %get3A_107 = arith.constant 0 : index
    %get3A_108 = arith.constant 0 : index
    %get3A_109 = vector.load %arg9[%get3A_107, %get3A_108] : memref<1x384xf32, #tpu.memory_space<vmem>>, vector<1x384xf32>
    %add3A_110 = vector.broadcast %get3A_109 : vector<1x384xf32> to vector<800x384xf32>
    %add3A_111 = arith.addf %slice3A_106, %add3A_110 : vector<800x384xf32>
    %get3A_112 = arith.constant 0 : index
    %get3A_113 = arith.constant 0 : index
    %get3A_114 = vector.load %arg4[%get3A_112, %get3A_113] : memref<800x1xf32, #tpu.memory_space<vmem>>, vector<800x1xf32>
    %sub3A = arith.subf %add3A_111, %add3A_105 : vector<800x384xf32>
    %mul3A_115 = vector.broadcast %get3A_114 : vector<800x1xf32> to vector<800x384xf32>
    %mul3A_116 = arith.mulf %mul3A_115, %sub3A : vector<800x384xf32>
    %add3A_117 = arith.addf %add3A_105, %mul3A_116 : vector<800x384xf32>
    %sub3A_118 = arith.subf %add3A_99, %add3A_94 : vector<800x128xf32>
    %mul3A_119 = vector.broadcast %get3A_114 : vector<800x1xf32> to vector<800x128xf32>
    %mul3A_120 = arith.mulf %mul3A_119, %sub3A_118 : vector<800x128xf32>
    %add3A_121 = arith.addf %add3A_94, %mul3A_120 : vector<800x128xf32>
    %slice3A_122 = vector.extract_strided_slice %add3A_117 {offsets = [0, 0], sizes = [800, 128], strides = [1, 1]} : vector<800x384xf32> to vector<800x128xf32>
    %logistic3A_123 = arith.negf %slice3A_122 : vector<800x128xf32>
    %logistic3A_124 = math.exp %logistic3A_123 : vector<800x128xf32>
    %logistic3A_125 = arith.constant 1.000000e+00 : f32
    %logistic3A_126 = vector.broadcast %logistic3A_125 : f32 to vector<800x128xf32>
    %logistic3A_127 = arith.addf %logistic3A_126, %logistic3A_124 : vector<800x128xf32>
    %logistic3A_128 = arith.divf %logistic3A_126, %logistic3A_127 : vector<800x128xf32>
    %slice3A_129 = vector.extract_strided_slice %add3A_117 {offsets = [0, 256], sizes = [800, 128], strides = [1, 1]} : vector<800x384xf32> to vector<800x128xf32>
    %tanh3A = math.tanh %slice3A_129 : vector<800x128xf32>
    %mul3A_130 = arith.mulf %logistic3A_128, %tanh3A : vector<800x128xf32>
    %add3A_131 = arith.addf %mul3A_130, %add3A_121 : vector<800x128xf32>
    %swap3A = arith.constant 0 : index
    %swap3A_132 = arith.constant 0 : index
    %swap3A_133 = vector.load %arg14[%swap3A, %swap3A_132] : memref<800x128xf32, #tpu.memory_space<vmem>>, vector<800x128xf32>
    tpu.vector_store %arg14[%swap3A, %swap3A_132], %add3A_131 {strides = array<i32>} : memref<800x128xf32, #tpu.memory_space<vmem>>, vector<800x128xf32>,
    %slice3A_134 = vector.extract_strided_slice %add3A_117 {offsets = [0, 128], sizes = [800, 128], strides = [1, 1]} : vector<800x384xf32> to vector<800x128xf32>
    %logistic3A_135 = arith.negf %slice3A_134 : vector<800x128xf32>
    %logistic3A_136 = math.exp %logistic3A_135 : vector<800x128xf32>
    %logistic3A_137 = arith.constant 1.000000e+00 : f32
    %logistic3A_138 = vector.broadcast %logistic3A_137 : f32 to vector<800x128xf32>
    %logistic3A_139 = arith.addf %logistic3A_138, %logistic3A_136 : vector<800x128xf32>
    %logistic3A_140 = arith.divf %logistic3A_138, %logistic3A_139 : vector<800x128xf32>
    %tanh3A_141 = math.tanh %add3A_131 : vector<800x128xf32>
    %mul3A_142 = arith.mulf %logistic3A_140, %tanh3A_141 : vector<800x128xf32>
    %swap3A_143 = arith.constant 0 : index
    %swap3A_144 = arith.constant 0 : index
    %swap3A_145 = vector.load %arg13[%swap3A_143, %swap3A_144] : memref<800x128xf32, #tpu.memory_space<vmem>>, vector<800x128xf32>
    tpu.vector_store %arg13[%swap3A_143, %swap3A_144], %mul3A_142 {strides = array<i32>} : memref<800x128xf32, #tpu.memory_space<vmem>>, vector<800x128xf32>,
    return
  }
  func.func @transform_0(%arg0: i32) -> (i32, i32) {
    %add3A = arith.constant 50 : i32
    %add3A_0 = arith.addi %arg0, %add3A : i32
    %c0_i32 = arith.constant 0 : i32
    %c0_i32_1 = arith.constant 0 : i32
    return %add3A_0, %c0_i32 : i32, i32
  }
  func.func @transform_1(%arg0: i32) -> (i32, i32) {
    %c0_i32 = arith.constant 0 : i32
    %c0_i32_0 = arith.constant 0 : i32
    return %arg0, %c0_i32 : i32, i32
  }
  func.func @transform_2(%arg0: i32) -> (i32, i32) {
    %c0_i32 = arith.constant 0 : i32
    %c0_i32_0 = arith.constant 0 : i32
    return %arg0, %c0_i32 : i32, i32
  }
  func.func @transform_3(%arg0: i32) -> (i32, i32) {
    %add3A = arith.constant 50 : i32
    %add3A_0 = arith.addi %arg0, %add3A : i32
    %c0_i32 = arith.constant 0 : i32
    %c0_i32_1 = arith.constant 0 : i32
    return %add3A_0, %c0_i32 : i32, i32
  }
  func.func @transform_4(%arg0: i32) -> (i32, i32) {
    %c0_i32 = arith.constant 0 : i32
    %c0_i32_0 = arith.constant 0 : i32
    %c0_i32_1 = arith.constant 0 : i32
    return %c0_i32, %c0_i32_0 : i32, i32
  }
  func.func @transform_5(%arg0: i32) -> (i32, i32) {
    %c0_i32 = arith.constant 0 : i32
    %c0_i32_0 = arith.constant 0 : i32
    %c0_i32_1 = arith.constant 0 : i32
    return %c0_i32, %c0_i32_0 : i32, i32
  }
  func.func @transform_6(%arg0: i32) -> (i32, i32) {
    %c0_i32 = arith.constant 0 : i32
    %c0_i32_0 = arith.constant 0 : i32
    %c0_i32_1 = arith.constant 0 : i32
    return %c0_i32, %c0_i32_0 : i32, i32
  }
  func.func @transform_7(%arg0: i32) -> (i32, i32) {
    %c0_i32 = arith.constant 0 : i32
    %c0_i32_0 = arith.constant 0 : i32
    %c0_i32_1 = arith.constant 0 : i32
    return %c0_i32, %c0_i32_0 : i32, i32
  }
  func.func @transform_8(%arg0: i32) -> (i32, i32) {
    %c0_i32 = arith.constant 0 : i32
    %c0_i32_0 = arith.constant 0 : i32
    %c0_i32_1 = arith.constant 0 : i32
    return %c0_i32, %c0_i32_0 : i32, i32
  }
  func.func @transform_9(%arg0: i32) -> (i32, i32) {
    %c0_i32 = arith.constant 0 : i32
    %c0_i32_0 = arith.constant 0 : i32
    %c0_i32_1 = arith.constant 0 : i32
    return %c0_i32, %c0_i32_0 : i32, i32
  }
  func.func @transform_12(%arg0: i32) -> (i32, i32) {
    %add3A = arith.constant 50 : i32
    %add3A_0 = arith.addi %arg0, %add3A : i32
    %c0_i32 = arith.constant 0 : i32
    %c0_i32_1 = arith.constant 0 : i32
    return %add3A_0, %c0_i32 : i32, i32
  }
  func.func @transform_13(%arg0: i32) -> (i32, i32) {
    %add3A = arith.constant 50 : i32
    %add3A_0 = arith.addi %arg0, %add3A : i32
    %c0_i32 = arith.constant 0 : i32
    %c0_i32_1 = arith.constant 0 : i32
    return %add3A_0, %c0_i32 : i32, i32
  }
}

module attributes {stable_mosaic.version = 14 : i64} {
  func.func @_dense_body(%arg0: i32, %arg1: memref<800x64xf32, #tpu.memory_space<vmem>>, %arg2: memref<800x128xf32, #tpu.memory_space<vmem>>, %arg3: memref<800x128xf32, #tpu.memory_space<vmem>>, %arg4: memref<800x1xf32, #tpu.memory_space<vmem>>, %arg5: memref<128x768xf32, #tpu.memory_space<vmem>>, %arg6: memref<256x768xf32, #tpu.memory_space<vmem>>, %arg7: memref<256x512xf32, #tpu.memory_space<vmem>>, %arg8: memref<1x384xf32, #tpu.memory_space<vmem>>, %arg9: memref<1x384xf32, #tpu.memory_space<vmem>>, %arg10: memref<1x512xf32, #tpu.memory_space<vmem>>, %arg11: memref<100000x128xf32, #tpu.memory_space<any>>, %arg12: memref<100000x128xf32, #tpu.memory_space<any>>, %arg13: memref<800x128xf32, #tpu.memory_space<vmem>>, %arg14: memref<800x128xf32, #tpu.memory_space<vmem>>) attributes {dimension_semantics = [#tpu.dimension_semantics<arbitrary>], iteration_bounds = array<i64: 25>, scalar_prefetch = 0 : i64, scratch_operands = 0 : i64, tpu.core_type = #tpu.core_type<tc>, window_params = [{transform_indices = @transform_0, window_bounds = array<i64: 800, 64>}, {transform_indices = @transform_1, window_bounds = array<i64: 800, 128>}, {transform_indices = @transform_2, window_bounds = array<i64: 800, 128>}, {transform_indices = @transform_3, window_bounds = array<i64: 800, 1>}, {pipeline_mode = #tpu.pipeline_mode<synchronous>, transform_indices = @transform_4, window_bounds = array<i64: 128, 768>}, {pipeline_mode = #tpu.pipeline_mode<synchronous>, transform_indices = @transform_5, window_bounds = array<i64: 256, 768>}, {pipeline_mode = #tpu.pipeline_mode<synchronous>, transform_indices = @transform_6, window_bounds = array<i64: 256, 512>}, {pipeline_mode = #tpu.pipeline_mode<synchronous>, transform_indices = @transform_7, window_bounds = array<i64: 1, 384>}, {pipeline_mode = #tpu.pipeline_mode<synchronous>, transform_indices = @transform_8, window_bounds = array<i64: 1, 384>}, {pipeline_mode = #tpu.pipeline_mode<synchronous>, transform_indices = @transform_9, window_bounds = array<i64: 1, 512>}, {}, {}, {transform_indices = @transform_12, window_bounds = array<i64: 800, 128>}, {transform_indices = @transform_13, window_bounds = array<i64: 800, 128>}]} {
    %get3A = arith.constant 0 : index
    %get3A_0 = arith.constant 0 : index
    %get3A_1 = vector.load %arg1[%get3A, %get3A_0] : memref<800x64xf32, #tpu.memory_space<vmem>>, vector<800x64xf32>
    %bitcast_convert_type3A = tpu.bitcast %get3A_1 : vector<800x64xf32> -> vector<800x64xi32>
    %shift_left3A = arith.constant 16 : i32
    %shift_left3A_2 = vector.broadcast %shift_left3A : i32 to vector<800x64xi32>
    %shift_left3A_3 = arith.shli %bitcast_convert_type3A, %shift_left3A_2 : vector<800x64xi32>
    %bitcast_convert_type3A_4 = tpu.bitcast %shift_left3A_3 : vector<800x64xi32> -> vector<800x64xf32>
    %and3A = arith.constant -65536 : i32
    %and3A_5 = vector.broadcast %and3A : i32 to vector<800x64xi32>
    %and3A_6 = arith.andi %bitcast_convert_type3A, %and3A_5 : vector<800x64xi32>
    %bitcast_convert_type3A_7 = tpu.bitcast %and3A_6 : vector<800x64xi32> -> vector<800x64xf32>
    %concatenate3A = tpu.concatenate %bitcast_convert_type3A_4, %bitcast_convert_type3A_7 in 1 : vector<800x64xf32>, vector<800x64xf32> -> vector<800x128xf32>
    %get3A_8 = arith.constant 0 : index
    %get3A_9 = arith.constant 0 : index
    %get3A_10 = vector.load %arg2[%get3A_8, %get3A_9] : memref<800x128xf32, #tpu.memory_space<vmem>>, vector<800x128xf32>
    %get3A_11 = arith.constant 0 : index
    %get3A_12 = arith.constant 0 : index
    %get3A_13 = vector.load %arg3[%get3A_11, %get3A_12] : memref<800x128xf32, #tpu.memory_space<vmem>>, vector<800x128xf32>
    %slice3A = vector.extract_strided_slice %get3A_10 {offsets = [0, 0], sizes = [800, 64], strides = [1, 1]} : vector<800x128xf32> to vector<800x64xf32>
    %bitcast_convert_type3A_14 = tpu.bitcast %slice3A : vector<800x64xf32> -> vector<800x64xi32>
    %shift_left3A_15 = arith.constant 16 : i32
    %shift_left3A_16 = vector.broadcast %shift_left3A_15 : i32 to vector<800x64xi32>
    %shift_left3A_17 = arith.shli %bitcast_convert_type3A_14, %shift_left3A_16 : vector<800x64xi32>
    %bitcast_convert_type3A_18 = tpu.bitcast %shift_left3A_17 : vector<800x64xi32> -> vector<800x64xf32>
    %and3A_19 = arith.constant -65536 : i32
    %and3A_20 = vector.broadcast %and3A_19 : i32 to vector<800x64xi32>
    %and3A_21 = arith.andi %bitcast_convert_type3A_14, %and3A_20 : vector<800x64xi32>
    %bitcast_convert_type3A_22 = tpu.bitcast %and3A_21 : vector<800x64xi32> -> vector<800x64xf32>
    %concatenate3A_23 = tpu.concatenate %bitcast_convert_type3A_18, %bitcast_convert_type3A_22 in 1 : vector<800x64xf32>, vector<800x64xf32> -> vector<800x128xf32>
    %slice3A_24 = vector.extract_strided_slice %get3A_13 {offsets = [0, 0], sizes = [800, 64], strides = [1, 1]} : vector<800x128xf32> to vector<800x64xf32>
    %bitcast_convert_type3A_25 = tpu.bitcast %slice3A_24 : vector<800x64xf32> -> vector<800x64xi32>
    %shift_left3A_26 = arith.constant 16 : i32
    %shift_left3A_27 = vector.broadcast %shift_left3A_26 : i32 to vector<800x64xi32>
    %shift_left3A_28 = arith.shli %bitcast_convert_type3A_25, %shift_left3A_27 : vector<800x64xi32>
    %bitcast_convert_type3A_29 = tpu.bitcast %shift_left3A_28 : vector<800x64xi32> -> vector<800x64xf32>
    %and3A_30 = arith.constant -65536 : i32
    %and3A_31 = vector.broadcast %and3A_30 : i32 to vector<800x64xi32>
    %and3A_32 = arith.andi %bitcast_convert_type3A_25, %and3A_31 : vector<800x64xi32>
    %bitcast_convert_type3A_33 = tpu.bitcast %and3A_32 : vector<800x64xi32> -> vector<800x64xf32>
    %concatenate3A_34 = tpu.concatenate %bitcast_convert_type3A_29, %bitcast_convert_type3A_33 in 1 : vector<800x64xf32>, vector<800x64xf32> -> vector<800x128xf32>
    %get3A_35 = arith.constant 0 : index
    %get3A_36 = arith.constant 0 : index
    %get3A_37 = vector.load %arg6[%get3A_35, %get3A_36] : memref<256x768xf32, #tpu.memory_space<vmem>>, vector<256x768xf32>
    %get3A_38 = arith.constant 0 : index
    %get3A_39 = arith.constant 0 : index
    %get3A_40 = vector.load %arg7[%get3A_38, %get3A_39] : memref<256x512xf32, #tpu.memory_space<vmem>>, vector<256x512xf32>
    %get3A_41 = arith.constant 0 : index
    %get3A_42 = arith.constant 0 : index
    %get3A_43 = vector.load %arg5[%get3A_41, %get3A_42] : memref<128x768xf32, #tpu.memory_space<vmem>>, vector<128x768xf32>
    %dot_general3A = arith.constant dense<0.000000e+00> : vector<800x768xf32>
    %dot_general3A_44 = tpu.matmul %concatenate3A, %get3A_43, %dot_general3A {dimension_numbers = #tpu.dot_dimension_numbers<[1], [0], [0], [1], [0, 0, 1, 1], [], []>, transpose_lhs_hint = false} : vector<800x128xf32>, vector<128x768xf32>, vector<800x768xf32> -> vector<800x768xf32>
    %slice3A_45 = vector.extract_strided_slice %get3A_37 {offsets = [0, 0], sizes = [128, 768], strides = [1, 1]} : vector<256x768xf32> to vector<128x768xf32>
    %dot_general3A_46 = arith.constant dense<0.000000e+00> : vector<800x768xf32>
    %dot_general3A_47 = tpu.matmul %concatenate3A_23, %slice3A_45, %dot_general3A_46 {dimension_numbers = #tpu.dot_dimension_numbers<[1], [0], [0], [1], [0, 0, 1, 1], [], []>, transpose_lhs_hint = false} : vector<800x128xf32>, vector<128x768xf32>, vector<800x768xf32> -> vector<800x768xf32>
    %add3A = arith.addf %dot_general3A_44, %dot_general3A_47 : vector<800x768xf32>
    %slice3A_48 = vector.extract_strided_slice %get3A_37 {offsets = [128, 0], sizes = [128, 768], strides = [1, 1]} : vector<256x768xf32> to vector<128x768xf32>
    %dot_general3A_49 = arith.constant dense<0.000000e+00> : vector<800x768xf32>
    %dot_general3A_50 = tpu.matmul %concatenate3A_34, %slice3A_48, %dot_general3A_49 {dimension_numbers = #tpu.dot_dimension_numbers<[1], [0], [0], [1], [0, 0, 1, 1], [], []>, transpose_lhs_hint = false} : vector<800x128xf32>, vector<128x768xf32>, vector<800x768xf32> -> vector<800x768xf32>
    %add3A_51 = arith.addf %add3A, %dot_general3A_50 : vector<800x768xf32>
    %slice3A_52 = vector.extract_strided_slice %get3A_40 {offsets = [0, 0], sizes = [128, 512], strides = [1, 1]} : vector<256x512xf32> to vector<128x512xf32>
    %dot_general3A_53 = arith.constant dense<0.000000e+00> : vector<800x512xf32>
    %dot_general3A_54 = tpu.matmul %concatenate3A_23, %slice3A_52, %dot_general3A_53 {dimension_numbers = #tpu.dot_dimension_numbers<[1], [0], [0], [1], [0, 0, 1, 1], [], []>, transpose_lhs_hint = false} : vector<800x128xf32>, vector<128x512xf32>, vector<800x512xf32> -> vector<800x512xf32>
    %slice3A_55 = vector.extract_strided_slice %get3A_40 {offsets = [128, 0], sizes = [128, 512], strides = [1, 1]} : vector<256x512xf32> to vector<128x512xf32>
    %dot_general3A_56 = arith.constant dense<0.000000e+00> : vector<800x512xf32>
    %dot_general3A_57 = tpu.matmul %concatenate3A_34, %slice3A_55, %dot_general3A_56 {dimension_numbers = #tpu.dot_dimension_numbers<[1], [0], [0], [1], [0, 0, 1, 1], [], []>, transpose_lhs_hint = false} : vector<800x128xf32>, vector<128x512xf32>, vector<800x512xf32> -> vector<800x512xf32>
    %add3A_58 = arith.addf %dot_general3A_54, %dot_general3A_57 : vector<800x512xf32>
    %get3A_59 = arith.constant 0 : index
    %get3A_60 = arith.constant 0 : index
    %get3A_61 = vector.load %arg10[%get3A_59, %get3A_60] : memref<1x512xf32, #tpu.memory_space<vmem>>, vector<1x512xf32>
    %add3A_62 = vector.broadcast %get3A_61 : vector<1x512xf32> to vector<800x512xf32>
    %add3A_63 = arith.addf %add3A_58, %add3A_62 : vector<800x512xf32>
    %logistic3A = arith.negf %add3A_63 : vector<800x512xf32>
    %logistic3A_64 = math.exp %logistic3A : vector<800x512xf32>
    %logistic3A_65 = arith.constant 1.000000e+00 : f32
    %logistic3A_66 = vector.broadcast %logistic3A_65 : f32 to vector<800x512xf32>
    %logistic3A_67 = arith.addf %logistic3A_66, %logistic3A_64 : vector<800x512xf32>
    %logistic3A_68 = arith.divf %logistic3A_66, %logistic3A_67 : vector<800x512xf32>
    %slice3A_69 = vector.extract_strided_slice %get3A_10 {offsets = [0, 64], sizes = [800, 64], strides = [1, 1]} : vector<800x128xf32> to vector<800x64xf32>
    %bitcast_convert_type3A_70 = tpu.bitcast %slice3A_69 : vector<800x64xf32> -> vector<800x64xi32>
    %shift_left3A_71 = arith.constant 16 : i32
    %shift_left3A_72 = vector.broadcast %shift_left3A_71 : i32 to vector<800x64xi32>
    %shift_left3A_73 = arith.shli %bitcast_convert_type3A_70, %shift_left3A_72 : vector<800x64xi32>
    %bitcast_convert_type3A_74 = tpu.bitcast %shift_left3A_73 : vector<800x64xi32> -> vector<800x64xf32>
    %and3A_75 = arith.constant -65536 : i32
    %and3A_76 = vector.broadcast %and3A_75 : i32 to vector<800x64xi32>
    %and3A_77 = arith.andi %bitcast_convert_type3A_70, %and3A_76 : vector<800x64xi32>
    %bitcast_convert_type3A_78 = tpu.bitcast %and3A_77 : vector<800x64xi32> -> vector<800x64xf32>
    %concatenate3A_79 = tpu.concatenate %bitcast_convert_type3A_74, %bitcast_convert_type3A_78 in 1 : vector<800x64xf32>, vector<800x64xf32> -> vector<800x128xf32>
    %slice3A_80 = vector.extract_strided_slice %get3A_13 {offsets = [0, 64], sizes = [800, 64], strides = [1, 1]} : vector<800x128xf32> to vector<800x64xf32>
    %bitcast_convert_type3A_81 = tpu.bitcast %slice3A_80 : vector<800x64xf32> -> vector<800x64xi32>
    %shift_left3A_82 = arith.constant 16 : i32
    %shift_left3A_83 = vector.broadcast %shift_left3A_82 : i32 to vector<800x64xi32>
    %shift_left3A_84 = arith.shli %bitcast_convert_type3A_81, %shift_left3A_83 : vector<800x64xi32>
    %bitcast_convert_type3A_85 = tpu.bitcast %shift_left3A_84 : vector<800x64xi32> -> vector<800x64xf32>
    %and3A_86 = arith.constant -65536 : i32
    %and3A_87 = vector.broadcast %and3A_86 : i32 to vector<800x64xi32>
    %and3A_88 = arith.andi %bitcast_convert_type3A_81, %and3A_87 : vector<800x64xi32>
    %bitcast_convert_type3A_89 = tpu.bitcast %and3A_88 : vector<800x64xi32> -> vector<800x64xf32>
    %concatenate3A_90 = tpu.concatenate %bitcast_convert_type3A_85, %bitcast_convert_type3A_89 in 1 : vector<800x64xf32>, vector<800x64xf32> -> vector<800x128xf32>
    %slice3A_91 = vector.extract_strided_slice %logistic3A_68 {offsets = [0, 0], sizes = [800, 128], strides = [1, 1]} : vector<800x512xf32> to vector<800x128xf32>
    %mul3A = arith.mulf %slice3A_91, %concatenate3A_79 : vector<800x128xf32>
    %slice3A_92 = vector.extract_strided_slice %logistic3A_68 {offsets = [0, 128], sizes = [800, 128], strides = [1, 1]} : vector<800x512xf32> to vector<800x128xf32>
    %mul3A_93 = arith.mulf %slice3A_92, %concatenate3A_90 : vector<800x128xf32>
    %add3A_94 = arith.addf %mul3A, %mul3A_93 : vector<800x128xf32>
    %slice3A_95 = vector.extract_strided_slice %logistic3A_68 {offsets = [0, 256], sizes = [800, 128], strides = [1, 1]} : vector<800x512xf32> to vector<800x128xf32>
    %mul3A_96 = arith.mulf %slice3A_95, %concatenate3A_79 : vector<800x128xf32>
    %slice3A_97 = vector.extract_strided_slice %logistic3A_68 {offsets = [0, 384], sizes = [800, 128], strides = [1, 1]} : vector<800x512xf32> to vector<800x128xf32>
    %mul3A_98 = arith.mulf %slice3A_97, %concatenate3A_90 : vector<800x128xf32>
    %add3A_99 = arith.addf %mul3A_96, %mul3A_98 : vector<800x128xf32>
    %slice3A_100 = vector.extract_strided_slice %add3A_51 {offsets = [0, 0], sizes = [800, 384], strides = [1, 1]} : vector<800x768xf32> to vector<800x384xf32>
    %get3A_101 = arith.constant 0 : index
    %get3A_102 = arith.constant 0 : index
    %get3A_103 = vector.load %arg8[%get3A_101, %get3A_102] : memref<1x384xf32, #tpu.memory_space<vmem>>, vector<1x384xf32>
    %add3A_104 = vector.broadcast %get3A_103 : vector<1x384xf32> to vector<800x384xf32>
    %add3A_105 = arith.addf %slice3A_100, %add3A_104 : vector<800x384xf32>
    %slice3A_106 = vector.extract_strided_slice %add3A_51 {offsets = [0, 384], sizes = [800, 384], strides = [1, 1]} : vector<800x768xf32> to vector<800x384xf32>
    %get3A_107 = arith.constant 0 : index
    %get3A_108 = arith.constant 0 : index
    %get3A_109 = vector.load %arg9[%get3A_107, %get3A_108] : memref<1x384xf32, #tpu.memory_space<vmem>>, vector<1x384xf32>
    %add3A_110 = vector.broadcast %get3A_109 : vector<1x384xf32> to vector<800x384xf32>
    %add3A_111 = arith.addf %slice3A_106, %add3A_110 : vector<800x384xf32>
    %get3A_112 = arith.constant 0 : index
    %get3A_113 = arith.constant 0 : index
    %get3A_114 = vector.load %arg4[%get3A_112, %get3A_113] : memref<800x1xf32, #tpu.memory_space<vmem>>, vector<800x1xf32>
    %sub3A = arith.subf %add3A_111, %add3A_105 : vector<800x384xf32>
    %mul3A_115 = vector.broadcast %get3A_114 : vector<800x1xf32> to vector<800x384xf32>
    %mul3A_116 = arith.mulf %mul3A_115, %sub3A : vector<800x384xf32>
    %add3A_117 = arith.addf %add3A_105, %mul3A_116 : vector<800x384xf32>
    %sub3A_118 = arith.subf %add3A_99, %add3A_94 : vector<800x128xf32>
    %mul3A_119 = vector.broadcast %get3A_114 : vector<800x1xf32> to vector<800x128xf32>
    %mul3A_120 = arith.mulf %mul3A_119, %sub3A_118 : vector<800x128xf32>
    %add3A_121 = arith.addf %add3A_94, %mul3A_120 : vector<800x128xf32>
    %slice3A_122 = vector.extract_strided_slice %add3A_117 {offsets = [0, 0], sizes = [800, 128], strides = [1, 1]} : vector<800x384xf32> to vector<800x128xf32>
    %logistic3A_123 = arith.negf %slice3A_122 : vector<800x128xf32>
    %logistic3A_124 = math.exp %logistic3A_123 : vector<800x128xf32>
    %logistic3A_125 = arith.constant 1.000000e+00 : f32
    %logistic3A_126 = vector.broadcast %logistic3A_125 : f32 to vector<800x128xf32>
    %logistic3A_127 = arith.addf %logistic3A_126, %logistic3A_124 : vector<800x128xf32>
    %logistic3A_128 = arith.divf %logistic3A_126, %logistic3A_127 : vector<800x128xf32>
    %slice3A_129 = vector.extract_strided_slice %add3A_117 {offsets = [0, 256], sizes = [800, 128], strides = [1, 1]} : vector<800x384xf32> to vector<800x128xf32>
    %tanh3A = math.tanh %slice3A_129 : vector<800x128xf32>
    %mul3A_130 = arith.mulf %logistic3A_128, %tanh3A : vector<800x128xf32>
    %add3A_131 = arith.addf %mul3A_130, %add3A_121 : vector<800x128xf32>
    %swap3A = arith.constant 0 : index
    %swap3A_132 = arith.constant 0 : index
    %swap3A_133 = vector.load %arg14[%swap3A, %swap3A_132] : memref<800x128xf32, #tpu.memory_space<vmem>>, vector<800x128xf32>
    tpu.vector_store %arg14[%swap3A, %swap3A_132], %add3A_131 {strides = array<i32>} : memref<800x128xf32, #tpu.memory_space<vmem>>, vector<800x128xf32>,
    %slice3A_134 = vector.extract_strided_slice %add3A_117 {offsets = [0, 128], sizes = [800, 128], strides = [1, 1]} : vector<800x384xf32> to vector<800x128xf32>
    %logistic3A_135 = arith.negf %slice3A_134 : vector<800x128xf32>
    %logistic3A_136 = math.exp %logistic3A_135 : vector<800x128xf32>
    %logistic3A_137 = arith.constant 1.000000e+00 : f32
    %logistic3A_138 = vector.broadcast %logistic3A_137 : f32 to vector<800x128xf32>
    %logistic3A_139 = arith.addf %logistic3A_138, %logistic3A_136 : vector<800x128xf32>
    %logistic3A_140 = arith.divf %logistic3A_138, %logistic3A_139 : vector<800x128xf32>
    %tanh3A_141 = math.tanh %add3A_131 : vector<800x128xf32>
    %mul3A_142 = arith.mulf %logistic3A_140, %tanh3A_141 : vector<800x128xf32>
    %swap3A_143 = arith.constant 0 : index
    %swap3A_144 = arith.constant 0 : index
    %swap3A_145 = vector.load %arg13[%swap3A_143, %swap3A_144] : memref<800x128xf32, #tpu.memory_space<vmem>>, vector<800x128xf32>
    tpu.vector_store %arg13[%swap3A_143, %swap3A_144], %mul3A_142 {strides = array<i32>} : memref<800x128xf32, #tpu.memory_space<vmem>>, vector<800x128xf32>,
    return
  }
  func.func @transform_0(%arg0: i32) -> (i32, i32) {
    %add3A = arith.constant 75 : i32
    %add3A_0 = arith.addi %arg0, %add3A : i32
    %c0_i32 = arith.constant 0 : i32
    %c0_i32_1 = arith.constant 0 : i32
    return %add3A_0, %c0_i32 : i32, i32
  }
  func.func @transform_1(%arg0: i32) -> (i32, i32) {
    %c0_i32 = arith.constant 0 : i32
    %c0_i32_0 = arith.constant 0 : i32
    return %arg0, %c0_i32 : i32, i32
  }
  func.func @transform_2(%arg0: i32) -> (i32, i32) {
    %c0_i32 = arith.constant 0 : i32
    %c0_i32_0 = arith.constant 0 : i32
    return %arg0, %c0_i32 : i32, i32
  }
  func.func @transform_3(%arg0: i32) -> (i32, i32) {
    %add3A = arith.constant 75 : i32
    %add3A_0 = arith.addi %arg0, %add3A : i32
    %c0_i32 = arith.constant 0 : i32
    %c0_i32_1 = arith.constant 0 : i32
    return %add3A_0, %c0_i32 : i32, i32
  }
  func.func @transform_4(%arg0: i32) -> (i32, i32) {
    %c0_i32 = arith.constant 0 : i32
    %c0_i32_0 = arith.constant 0 : i32
    %c0_i32_1 = arith.constant 0 : i32
    return %c0_i32, %c0_i32_0 : i32, i32
  }
  func.func @transform_5(%arg0: i32) -> (i32, i32) {
    %c0_i32 = arith.constant 0 : i32
    %c0_i32_0 = arith.constant 0 : i32
    %c0_i32_1 = arith.constant 0 : i32
    return %c0_i32, %c0_i32_0 : i32, i32
  }
  func.func @transform_6(%arg0: i32) -> (i32, i32) {
    %c0_i32 = arith.constant 0 : i32
    %c0_i32_0 = arith.constant 0 : i32
    %c0_i32_1 = arith.constant 0 : i32
    return %c0_i32, %c0_i32_0 : i32, i32
  }
  func.func @transform_7(%arg0: i32) -> (i32, i32) {
    %c0_i32 = arith.constant 0 : i32
    %c0_i32_0 = arith.constant 0 : i32
    %c0_i32_1 = arith.constant 0 : i32
    return %c0_i32, %c0_i32_0 : i32, i32
  }
  func.func @transform_8(%arg0: i32) -> (i32, i32) {
    %c0_i32 = arith.constant 0 : i32
    %c0_i32_0 = arith.constant 0 : i32
    %c0_i32_1 = arith.constant 0 : i32
    return %c0_i32, %c0_i32_0 : i32, i32
  }
  func.func @transform_9(%arg0: i32) -> (i32, i32) {
    %c0_i32 = arith.constant 0 : i32
    %c0_i32_0 = arith.constant 0 : i32
    %c0_i32_1 = arith.constant 0 : i32
    return %c0_i32, %c0_i32_0 : i32, i32
  }
  func.func @transform_12(%arg0: i32) -> (i32, i32) {
    %add3A = arith.constant 75 : i32
    %add3A_0 = arith.addi %arg0, %add3A : i32
    %c0_i32 = arith.constant 0 : i32
    %c0_i32_1 = arith.constant 0 : i32
    return %add3A_0, %c0_i32 : i32, i32
  }
  func.func @transform_13(%arg0: i32) -> (i32, i32) {
    %add3A = arith.constant 75 : i32
    %add3A_0 = arith.addi %arg0, %add3A : i32
    %c0_i32 = arith.constant 0 : i32
    %c0_i32_1 = arith.constant 0 : i32
    return %add3A_0, %c0_i32 : i32, i32
  }
}

module attributes {stable_mosaic.version = 14 : i64} {
  func.func @_dense_body(%arg0: i32, %arg1: memref<800x64xf32, #tpu.memory_space<vmem>>, %arg2: memref<800x128xf32, #tpu.memory_space<vmem>>, %arg3: memref<800x128xf32, #tpu.memory_space<vmem>>, %arg4: memref<800x1xf32, #tpu.memory_space<vmem>>, %arg5: memref<128x768xf32, #tpu.memory_space<vmem>>, %arg6: memref<256x768xf32, #tpu.memory_space<vmem>>, %arg7: memref<256x512xf32, #tpu.memory_space<vmem>>, %arg8: memref<1x384xf32, #tpu.memory_space<vmem>>, %arg9: memref<1x384xf32, #tpu.memory_space<vmem>>, %arg10: memref<1x512xf32, #tpu.memory_space<vmem>>, %arg11: memref<100000x128xf32, #tpu.memory_space<any>>, %arg12: memref<100000x128xf32, #tpu.memory_space<any>>, %arg13: memref<800x128xf32, #tpu.memory_space<vmem>>, %arg14: memref<800x128xf32, #tpu.memory_space<vmem>>) attributes {dimension_semantics = [#tpu.dimension_semantics<arbitrary>], iteration_bounds = array<i64: 25>, scalar_prefetch = 0 : i64, scratch_operands = 0 : i64, tpu.core_type = #tpu.core_type<tc>, window_params = [{transform_indices = @transform_0, window_bounds = array<i64: 800, 64>}, {transform_indices = @transform_1, window_bounds = array<i64: 800, 128>}, {transform_indices = @transform_2, window_bounds = array<i64: 800, 128>}, {transform_indices = @transform_3, window_bounds = array<i64: 800, 1>}, {pipeline_mode = #tpu.pipeline_mode<synchronous>, transform_indices = @transform_4, window_bounds = array<i64: 128, 768>}, {pipeline_mode = #tpu.pipeline_mode<synchronous>, transform_indices = @transform_5, window_bounds = array<i64: 256, 768>}, {pipeline_mode = #tpu.pipeline_mode<synchronous>, transform_indices = @transform_6, window_bounds = array<i64: 256, 512>}, {pipeline_mode = #tpu.pipeline_mode<synchronous>, transform_indices = @transform_7, window_bounds = array<i64: 1, 384>}, {pipeline_mode = #tpu.pipeline_mode<synchronous>, transform_indices = @transform_8, window_bounds = array<i64: 1, 384>}, {pipeline_mode = #tpu.pipeline_mode<synchronous>, transform_indices = @transform_9, window_bounds = array<i64: 1, 512>}, {}, {}, {transform_indices = @transform_12, window_bounds = array<i64: 800, 128>}, {transform_indices = @transform_13, window_bounds = array<i64: 800, 128>}]} {
    %get3A = arith.constant 0 : index
    %get3A_0 = arith.constant 0 : index
    %get3A_1 = vector.load %arg1[%get3A, %get3A_0] : memref<800x64xf32, #tpu.memory_space<vmem>>, vector<800x64xf32>
    %bitcast_convert_type3A = tpu.bitcast %get3A_1 : vector<800x64xf32> -> vector<800x64xi32>
    %shift_left3A = arith.constant 16 : i32
    %shift_left3A_2 = vector.broadcast %shift_left3A : i32 to vector<800x64xi32>
    %shift_left3A_3 = arith.shli %bitcast_convert_type3A, %shift_left3A_2 : vector<800x64xi32>
    %bitcast_convert_type3A_4 = tpu.bitcast %shift_left3A_3 : vector<800x64xi32> -> vector<800x64xf32>
    %and3A = arith.constant -65536 : i32
    %and3A_5 = vector.broadcast %and3A : i32 to vector<800x64xi32>
    %and3A_6 = arith.andi %bitcast_convert_type3A, %and3A_5 : vector<800x64xi32>
    %bitcast_convert_type3A_7 = tpu.bitcast %and3A_6 : vector<800x64xi32> -> vector<800x64xf32>
    %concatenate3A = tpu.concatenate %bitcast_convert_type3A_4, %bitcast_convert_type3A_7 in 1 : vector<800x64xf32>, vector<800x64xf32> -> vector<800x128xf32>
    %get3A_8 = arith.constant 0 : index
    %get3A_9 = arith.constant 0 : index
    %get3A_10 = vector.load %arg2[%get3A_8, %get3A_9] : memref<800x128xf32, #tpu.memory_space<vmem>>, vector<800x128xf32>
    %get3A_11 = arith.constant 0 : index
    %get3A_12 = arith.constant 0 : index
    %get3A_13 = vector.load %arg3[%get3A_11, %get3A_12] : memref<800x128xf32, #tpu.memory_space<vmem>>, vector<800x128xf32>
    %slice3A = vector.extract_strided_slice %get3A_10 {offsets = [0, 0], sizes = [800, 64], strides = [1, 1]} : vector<800x128xf32> to vector<800x64xf32>
    %bitcast_convert_type3A_14 = tpu.bitcast %slice3A : vector<800x64xf32> -> vector<800x64xi32>
    %shift_left3A_15 = arith.constant 16 : i32
    %shift_left3A_16 = vector.broadcast %shift_left3A_15 : i32 to vector<800x64xi32>
    %shift_left3A_17 = arith.shli %bitcast_convert_type3A_14, %shift_left3A_16 : vector<800x64xi32>
    %bitcast_convert_type3A_18 = tpu.bitcast %shift_left3A_17 : vector<800x64xi32> -> vector<800x64xf32>
    %and3A_19 = arith.constant -65536 : i32
    %and3A_20 = vector.broadcast %and3A_19 : i32 to vector<800x64xi32>
    %and3A_21 = arith.andi %bitcast_convert_type3A_14, %and3A_20 : vector<800x64xi32>
    %bitcast_convert_type3A_22 = tpu.bitcast %and3A_21 : vector<800x64xi32> -> vector<800x64xf32>
    %concatenate3A_23 = tpu.concatenate %bitcast_convert_type3A_18, %bitcast_convert_type3A_22 in 1 : vector<800x64xf32>, vector<800x64xf32> -> vector<800x128xf32>
    %slice3A_24 = vector.extract_strided_slice %get3A_13 {offsets = [0, 0], sizes = [800, 64], strides = [1, 1]} : vector<800x128xf32> to vector<800x64xf32>
    %bitcast_convert_type3A_25 = tpu.bitcast %slice3A_24 : vector<800x64xf32> -> vector<800x64xi32>
    %shift_left3A_26 = arith.constant 16 : i32
    %shift_left3A_27 = vector.broadcast %shift_left3A_26 : i32 to vector<800x64xi32>
    %shift_left3A_28 = arith.shli %bitcast_convert_type3A_25, %shift_left3A_27 : vector<800x64xi32>
    %bitcast_convert_type3A_29 = tpu.bitcast %shift_left3A_28 : vector<800x64xi32> -> vector<800x64xf32>
    %and3A_30 = arith.constant -65536 : i32
    %and3A_31 = vector.broadcast %and3A_30 : i32 to vector<800x64xi32>
    %and3A_32 = arith.andi %bitcast_convert_type3A_25, %and3A_31 : vector<800x64xi32>
    %bitcast_convert_type3A_33 = tpu.bitcast %and3A_32 : vector<800x64xi32> -> vector<800x64xf32>
    %concatenate3A_34 = tpu.concatenate %bitcast_convert_type3A_29, %bitcast_convert_type3A_33 in 1 : vector<800x64xf32>, vector<800x64xf32> -> vector<800x128xf32>
    %get3A_35 = arith.constant 0 : index
    %get3A_36 = arith.constant 0 : index
    %get3A_37 = vector.load %arg6[%get3A_35, %get3A_36] : memref<256x768xf32, #tpu.memory_space<vmem>>, vector<256x768xf32>
    %get3A_38 = arith.constant 0 : index
    %get3A_39 = arith.constant 0 : index
    %get3A_40 = vector.load %arg7[%get3A_38, %get3A_39] : memref<256x512xf32, #tpu.memory_space<vmem>>, vector<256x512xf32>
    %get3A_41 = arith.constant 0 : index
    %get3A_42 = arith.constant 0 : index
    %get3A_43 = vector.load %arg5[%get3A_41, %get3A_42] : memref<128x768xf32, #tpu.memory_space<vmem>>, vector<128x768xf32>
    %dot_general3A = arith.constant dense<0.000000e+00> : vector<800x768xf32>
    %dot_general3A_44 = tpu.matmul %concatenate3A, %get3A_43, %dot_general3A {dimension_numbers = #tpu.dot_dimension_numbers<[1], [0], [0], [1], [0, 0, 1, 1], [], []>, transpose_lhs_hint = false} : vector<800x128xf32>, vector<128x768xf32>, vector<800x768xf32> -> vector<800x768xf32>
    %slice3A_45 = vector.extract_strided_slice %get3A_37 {offsets = [0, 0], sizes = [128, 768], strides = [1, 1]} : vector<256x768xf32> to vector<128x768xf32>
    %dot_general3A_46 = arith.constant dense<0.000000e+00> : vector<800x768xf32>
    %dot_general3A_47 = tpu.matmul %concatenate3A_23, %slice3A_45, %dot_general3A_46 {dimension_numbers = #tpu.dot_dimension_numbers<[1], [0], [0], [1], [0, 0, 1, 1], [], []>, transpose_lhs_hint = false} : vector<800x128xf32>, vector<128x768xf32>, vector<800x768xf32> -> vector<800x768xf32>
    %add3A = arith.addf %dot_general3A_44, %dot_general3A_47 : vector<800x768xf32>
    %slice3A_48 = vector.extract_strided_slice %get3A_37 {offsets = [128, 0], sizes = [128, 768], strides = [1, 1]} : vector<256x768xf32> to vector<128x768xf32>
    %dot_general3A_49 = arith.constant dense<0.000000e+00> : vector<800x768xf32>
    %dot_general3A_50 = tpu.matmul %concatenate3A_34, %slice3A_48, %dot_general3A_49 {dimension_numbers = #tpu.dot_dimension_numbers<[1], [0], [0], [1], [0, 0, 1, 1], [], []>, transpose_lhs_hint = false} : vector<800x128xf32>, vector<128x768xf32>, vector<800x768xf32> -> vector<800x768xf32>
    %add3A_51 = arith.addf %add3A, %dot_general3A_50 : vector<800x768xf32>
    %slice3A_52 = vector.extract_strided_slice %get3A_40 {offsets = [0, 0], sizes = [128, 512], strides = [1, 1]} : vector<256x512xf32> to vector<128x512xf32>
    %dot_general3A_53 = arith.constant dense<0.000000e+00> : vector<800x512xf32>
    %dot_general3A_54 = tpu.matmul %concatenate3A_23, %slice3A_52, %dot_general3A_53 {dimension_numbers = #tpu.dot_dimension_numbers<[1], [0], [0], [1], [0, 0, 1, 1], [], []>, transpose_lhs_hint = false} : vector<800x128xf32>, vector<128x512xf32>, vector<800x512xf32> -> vector<800x512xf32>
    %slice3A_55 = vector.extract_strided_slice %get3A_40 {offsets = [128, 0], sizes = [128, 512], strides = [1, 1]} : vector<256x512xf32> to vector<128x512xf32>
    %dot_general3A_56 = arith.constant dense<0.000000e+00> : vector<800x512xf32>
    %dot_general3A_57 = tpu.matmul %concatenate3A_34, %slice3A_55, %dot_general3A_56 {dimension_numbers = #tpu.dot_dimension_numbers<[1], [0], [0], [1], [0, 0, 1, 1], [], []>, transpose_lhs_hint = false} : vector<800x128xf32>, vector<128x512xf32>, vector<800x512xf32> -> vector<800x512xf32>
    %add3A_58 = arith.addf %dot_general3A_54, %dot_general3A_57 : vector<800x512xf32>
    %get3A_59 = arith.constant 0 : index
    %get3A_60 = arith.constant 0 : index
    %get3A_61 = vector.load %arg10[%get3A_59, %get3A_60] : memref<1x512xf32, #tpu.memory_space<vmem>>, vector<1x512xf32>
    %add3A_62 = vector.broadcast %get3A_61 : vector<1x512xf32> to vector<800x512xf32>
    %add3A_63 = arith.addf %add3A_58, %add3A_62 : vector<800x512xf32>
    %logistic3A = arith.negf %add3A_63 : vector<800x512xf32>
    %logistic3A_64 = math.exp %logistic3A : vector<800x512xf32>
    %logistic3A_65 = arith.constant 1.000000e+00 : f32
    %logistic3A_66 = vector.broadcast %logistic3A_65 : f32 to vector<800x512xf32>
    %logistic3A_67 = arith.addf %logistic3A_66, %logistic3A_64 : vector<800x512xf32>
    %logistic3A_68 = arith.divf %logistic3A_66, %logistic3A_67 : vector<800x512xf32>
    %slice3A_69 = vector.extract_strided_slice %get3A_10 {offsets = [0, 64], sizes = [800, 64], strides = [1, 1]} : vector<800x128xf32> to vector<800x64xf32>
    %bitcast_convert_type3A_70 = tpu.bitcast %slice3A_69 : vector<800x64xf32> -> vector<800x64xi32>
    %shift_left3A_71 = arith.constant 16 : i32
    %shift_left3A_72 = vector.broadcast %shift_left3A_71 : i32 to vector<800x64xi32>
    %shift_left3A_73 = arith.shli %bitcast_convert_type3A_70, %shift_left3A_72 : vector<800x64xi32>
    %bitcast_convert_type3A_74 = tpu.bitcast %shift_left3A_73 : vector<800x64xi32> -> vector<800x64xf32>
    %and3A_75 = arith.constant -65536 : i32
    %and3A_76 = vector.broadcast %and3A_75 : i32 to vector<800x64xi32>
    %and3A_77 = arith.andi %bitcast_convert_type3A_70, %and3A_76 : vector<800x64xi32>
    %bitcast_convert_type3A_78 = tpu.bitcast %and3A_77 : vector<800x64xi32> -> vector<800x64xf32>
    %concatenate3A_79 = tpu.concatenate %bitcast_convert_type3A_74, %bitcast_convert_type3A_78 in 1 : vector<800x64xf32>, vector<800x64xf32> -> vector<800x128xf32>
    %slice3A_80 = vector.extract_strided_slice %get3A_13 {offsets = [0, 64], sizes = [800, 64], strides = [1, 1]} : vector<800x128xf32> to vector<800x64xf32>
    %bitcast_convert_type3A_81 = tpu.bitcast %slice3A_80 : vector<800x64xf32> -> vector<800x64xi32>
    %shift_left3A_82 = arith.constant 16 : i32
    %shift_left3A_83 = vector.broadcast %shift_left3A_82 : i32 to vector<800x64xi32>
    %shift_left3A_84 = arith.shli %bitcast_convert_type3A_81, %shift_left3A_83 : vector<800x64xi32>
    %bitcast_convert_type3A_85 = tpu.bitcast %shift_left3A_84 : vector<800x64xi32> -> vector<800x64xf32>
    %and3A_86 = arith.constant -65536 : i32
    %and3A_87 = vector.broadcast %and3A_86 : i32 to vector<800x64xi32>
    %and3A_88 = arith.andi %bitcast_convert_type3A_81, %and3A_87 : vector<800x64xi32>
    %bitcast_convert_type3A_89 = tpu.bitcast %and3A_88 : vector<800x64xi32> -> vector<800x64xf32>
    %concatenate3A_90 = tpu.concatenate %bitcast_convert_type3A_85, %bitcast_convert_type3A_89 in 1 : vector<800x64xf32>, vector<800x64xf32> -> vector<800x128xf32>
    %slice3A_91 = vector.extract_strided_slice %logistic3A_68 {offsets = [0, 0], sizes = [800, 128], strides = [1, 1]} : vector<800x512xf32> to vector<800x128xf32>
    %mul3A = arith.mulf %slice3A_91, %concatenate3A_79 : vector<800x128xf32>
    %slice3A_92 = vector.extract_strided_slice %logistic3A_68 {offsets = [0, 128], sizes = [800, 128], strides = [1, 1]} : vector<800x512xf32> to vector<800x128xf32>
    %mul3A_93 = arith.mulf %slice3A_92, %concatenate3A_90 : vector<800x128xf32>
    %add3A_94 = arith.addf %mul3A, %mul3A_93 : vector<800x128xf32>
    %slice3A_95 = vector.extract_strided_slice %logistic3A_68 {offsets = [0, 256], sizes = [800, 128], strides = [1, 1]} : vector<800x512xf32> to vector<800x128xf32>
    %mul3A_96 = arith.mulf %slice3A_95, %concatenate3A_79 : vector<800x128xf32>
    %slice3A_97 = vector.extract_strided_slice %logistic3A_68 {offsets = [0, 384], sizes = [800, 128], strides = [1, 1]} : vector<800x512xf32> to vector<800x128xf32>
    %mul3A_98 = arith.mulf %slice3A_97, %concatenate3A_90 : vector<800x128xf32>
    %add3A_99 = arith.addf %mul3A_96, %mul3A_98 : vector<800x128xf32>
    %slice3A_100 = vector.extract_strided_slice %add3A_51 {offsets = [0, 0], sizes = [800, 384], strides = [1, 1]} : vector<800x768xf32> to vector<800x384xf32>
    %get3A_101 = arith.constant 0 : index
    %get3A_102 = arith.constant 0 : index
    %get3A_103 = vector.load %arg8[%get3A_101, %get3A_102] : memref<1x384xf32, #tpu.memory_space<vmem>>, vector<1x384xf32>
    %add3A_104 = vector.broadcast %get3A_103 : vector<1x384xf32> to vector<800x384xf32>
    %add3A_105 = arith.addf %slice3A_100, %add3A_104 : vector<800x384xf32>
    %slice3A_106 = vector.extract_strided_slice %add3A_51 {offsets = [0, 384], sizes = [800, 384], strides = [1, 1]} : vector<800x768xf32> to vector<800x384xf32>
    %get3A_107 = arith.constant 0 : index
    %get3A_108 = arith.constant 0 : index
    %get3A_109 = vector.load %arg9[%get3A_107, %get3A_108] : memref<1x384xf32, #tpu.memory_space<vmem>>, vector<1x384xf32>
    %add3A_110 = vector.broadcast %get3A_109 : vector<1x384xf32> to vector<800x384xf32>
    %add3A_111 = arith.addf %slice3A_106, %add3A_110 : vector<800x384xf32>
    %get3A_112 = arith.constant 0 : index
    %get3A_113 = arith.constant 0 : index
    %get3A_114 = vector.load %arg4[%get3A_112, %get3A_113] : memref<800x1xf32, #tpu.memory_space<vmem>>, vector<800x1xf32>
    %sub3A = arith.subf %add3A_111, %add3A_105 : vector<800x384xf32>
    %mul3A_115 = vector.broadcast %get3A_114 : vector<800x1xf32> to vector<800x384xf32>
    %mul3A_116 = arith.mulf %mul3A_115, %sub3A : vector<800x384xf32>
    %add3A_117 = arith.addf %add3A_105, %mul3A_116 : vector<800x384xf32>
    %sub3A_118 = arith.subf %add3A_99, %add3A_94 : vector<800x128xf32>
    %mul3A_119 = vector.broadcast %get3A_114 : vector<800x1xf32> to vector<800x128xf32>
    %mul3A_120 = arith.mulf %mul3A_119, %sub3A_118 : vector<800x128xf32>
    %add3A_121 = arith.addf %add3A_94, %mul3A_120 : vector<800x128xf32>
    %slice3A_122 = vector.extract_strided_slice %add3A_117 {offsets = [0, 0], sizes = [800, 128], strides = [1, 1]} : vector<800x384xf32> to vector<800x128xf32>
    %logistic3A_123 = arith.negf %slice3A_122 : vector<800x128xf32>
    %logistic3A_124 = math.exp %logistic3A_123 : vector<800x128xf32>
    %logistic3A_125 = arith.constant 1.000000e+00 : f32
    %logistic3A_126 = vector.broadcast %logistic3A_125 : f32 to vector<800x128xf32>
    %logistic3A_127 = arith.addf %logistic3A_126, %logistic3A_124 : vector<800x128xf32>
    %logistic3A_128 = arith.divf %logistic3A_126, %logistic3A_127 : vector<800x128xf32>
    %slice3A_129 = vector.extract_strided_slice %add3A_117 {offsets = [0, 256], sizes = [800, 128], strides = [1, 1]} : vector<800x384xf32> to vector<800x128xf32>
    %tanh3A = math.tanh %slice3A_129 : vector<800x128xf32>
    %mul3A_130 = arith.mulf %logistic3A_128, %tanh3A : vector<800x128xf32>
    %add3A_131 = arith.addf %mul3A_130, %add3A_121 : vector<800x128xf32>
    %swap3A = arith.constant 0 : index
    %swap3A_132 = arith.constant 0 : index
    %swap3A_133 = vector.load %arg14[%swap3A, %swap3A_132] : memref<800x128xf32, #tpu.memory_space<vmem>>, vector<800x128xf32>
    tpu.vector_store %arg14[%swap3A, %swap3A_132], %add3A_131 {strides = array<i32>} : memref<800x128xf32, #tpu.memory_space<vmem>>, vector<800x128xf32>,
    %slice3A_134 = vector.extract_strided_slice %add3A_117 {offsets = [0, 128], sizes = [800, 128], strides = [1, 1]} : vector<800x384xf32> to vector<800x128xf32>
    %logistic3A_135 = arith.negf %slice3A_134 : vector<800x128xf32>
    %logistic3A_136 = math.exp %logistic3A_135 : vector<800x128xf32>
    %logistic3A_137 = arith.constant 1.000000e+00 : f32
    %logistic3A_138 = vector.broadcast %logistic3A_137 : f32 to vector<800x128xf32>
    %logistic3A_139 = arith.addf %logistic3A_138, %logistic3A_136 : vector<800x128xf32>
    %logistic3A_140 = arith.divf %logistic3A_138, %logistic3A_139 : vector<800x128xf32>
    %tanh3A_141 = math.tanh %add3A_131 : vector<800x128xf32>
    %mul3A_142 = arith.mulf %logistic3A_140, %tanh3A_141 : vector<800x128xf32>
    %swap3A_143 = arith.constant 0 : index
    %swap3A_144 = arith.constant 0 : index
    %swap3A_145 = vector.load %arg13[%swap3A_143, %swap3A_144] : memref<800x128xf32, #tpu.memory_space<vmem>>, vector<800x128xf32>
    tpu.vector_store %arg13[%swap3A_143, %swap3A_144], %mul3A_142 {strides = array<i32>} : memref<800x128xf32, #tpu.memory_space<vmem>>, vector<800x128xf32>,
    return
  }
  func.func @transform_0(%arg0: i32) -> (i32, i32) {
    %add3A = arith.constant 100 : i32
    %add3A_0 = arith.addi %arg0, %add3A : i32
    %c0_i32 = arith.constant 0 : i32
    %c0_i32_1 = arith.constant 0 : i32
    return %add3A_0, %c0_i32 : i32, i32
  }
  func.func @transform_1(%arg0: i32) -> (i32, i32) {
    %c0_i32 = arith.constant 0 : i32
    %c0_i32_0 = arith.constant 0 : i32
    return %arg0, %c0_i32 : i32, i32
  }
  func.func @transform_2(%arg0: i32) -> (i32, i32) {
    %c0_i32 = arith.constant 0 : i32
    %c0_i32_0 = arith.constant 0 : i32
    return %arg0, %c0_i32 : i32, i32
  }
  func.func @transform_3(%arg0: i32) -> (i32, i32) {
    %add3A = arith.constant 100 : i32
    %add3A_0 = arith.addi %arg0, %add3A : i32
    %c0_i32 = arith.constant 0 : i32
    %c0_i32_1 = arith.constant 0 : i32
    return %add3A_0, %c0_i32 : i32, i32
  }
  func.func @transform_4(%arg0: i32) -> (i32, i32) {
    %c0_i32 = arith.constant 0 : i32
    %c0_i32_0 = arith.constant 0 : i32
    %c0_i32_1 = arith.constant 0 : i32
    return %c0_i32, %c0_i32_0 : i32, i32
  }
  func.func @transform_5(%arg0: i32) -> (i32, i32) {
    %c0_i32 = arith.constant 0 : i32
    %c0_i32_0 = arith.constant 0 : i32
    %c0_i32_1 = arith.constant 0 : i32
    return %c0_i32, %c0_i32_0 : i32, i32
  }
  func.func @transform_6(%arg0: i32) -> (i32, i32) {
    %c0_i32 = arith.constant 0 : i32
    %c0_i32_0 = arith.constant 0 : i32
    %c0_i32_1 = arith.constant 0 : i32
    return %c0_i32, %c0_i32_0 : i32, i32
  }
  func.func @transform_7(%arg0: i32) -> (i32, i32) {
    %c0_i32 = arith.constant 0 : i32
    %c0_i32_0 = arith.constant 0 : i32
    %c0_i32_1 = arith.constant 0 : i32
    return %c0_i32, %c0_i32_0 : i32, i32
  }
  func.func @transform_8(%arg0: i32) -> (i32, i32) {
    %c0_i32 = arith.constant 0 : i32
    %c0_i32_0 = arith.constant 0 : i32
    %c0_i32_1 = arith.constant 0 : i32
    return %c0_i32, %c0_i32_0 : i32, i32
  }
  func.func @transform_9(%arg0: i32) -> (i32, i32) {
    %c0_i32 = arith.constant 0 : i32
    %c0_i32_0 = arith.constant 0 : i32
    %c0_i32_1 = arith.constant 0 : i32
    return %c0_i32, %c0_i32_0 : i32, i32
  }
  func.func @transform_12(%arg0: i32) -> (i32, i32) {
    %add3A = arith.constant 100 : i32
    %add3A_0 = arith.addi %arg0, %add3A : i32
    %c0_i32 = arith.constant 0 : i32
    %c0_i32_1 = arith.constant 0 : i32
    return %add3A_0, %c0_i32 : i32, i32
  }
  func.func @transform_13(%arg0: i32) -> (i32, i32) {
    %add3A = arith.constant 100 : i32
    %add3A_0 = arith.addi %arg0, %add3A : i32
    %c0_i32 = arith.constant 0 : i32
    %c0_i32_1 = arith.constant 0 : i32
    return %add3A_0, %c0_i32 : i32, i32
  }
}

</mosaic_0001>

<sc_bundles>
// kernel: kernel.12.cloned.1.call-start
scs
__scs_entry_jumppad:
0x0: {  	(pc) =	sbr.rel $0x88, $3  }
0x1: {  	(tag) =	ssettag $0x0;
	lr =	simm.s32 $0x1  }
0x2: {  	[smem:$0x3F92] =	sst lr;
	_ =	strace $0xD0000000  }
0x3: {  	_ = 	snop  }
0x4: {  	_ = 	snop  }
0x5: {  	_ = 	snop  }
0x6: {  	_ = 	snop  }
0x7: {  	_ = 	snop  }
__scs_overlays_trampoline_lowered:
0x8: {  	[smem:$0x3FA1] =	sst s0  }
0x9: {  	[smem:$0x3FA2] =	sst s1  }
0xa: {  	[smem:$0x3FA3] =	sst s2  }
0xb: {  	[smem:$0x3FA4] =	sst s3  }
0xc: {  	[smem:$0x3FA5] =	sst s4  }
0xd: {  	[smem:$0x3FA6] =	sst s5  }
0xe: {  	[smem:$0x3FA7] =	sst s6  }
0xf: {  	[smem:$0x3FA8] =	sst s7  }
0x10: {  	[smem:$0x3FA9] =	sst s8  }
0x11: {  	[smem:$0x3FAA] =	sst s9;
	s0 =	simm.s32 @!p0 $0x0  }
0x12: {  	s1 =	sld [smem:$0x3F90];
	s0 =	simm.s32 @p0 $0x1  }
0x13: {  	[smem:$0x3FAB] =	sst s0;
	s0 =	simm.s32 @!p1 $0x0  }
0x14: {  	s2 =	sld [smem:$0x3F8F];
	s0 =	simm.s32 @p1 $0x1  }
0x15: {  	[smem:$0x3FAC] =	sst s0;
	s0 =	simm.s32 @!p2 $0x0  }
0x16: {  	s3 =	sld [smem:$0x3FDB];
	s0 =	simm.s32 @p2 $0x1  }
0x17: {  	s4 =	simm.s32 $0x1BF5;
	[smem:$0x3FAE] =	sst s0  }
0x18: {  	s0 =	sld [smem:$0x3F91];
	_ =	swait.ge [sflag:s4], $0x0  }
0x19: {  	s7 =	sld [smem:$0x3F92]  }
0x1a: {  	s8 =	sadd.s32 $0xFFFFE003, lr  }
0x1b: {  	s9 =	sadd.s32 $0xFFFFFEF7, lr;
	s5 =	simm.s32 $0xFFFFFFFF;
	p2 =	slt.u32 s8, $0xFFFFF086  }
0x1c: {  	p1 =	slt.u32 s9, $0xF7A;
	s5 =	simm.s32 @!p2 $0x0  }
0x1d: {  	s5 =	simm.s32 @p1 $0x1;
	p0 =	seq.s32 s7, s2  }
0x1e: {  	s7 =	smul.u32 @!p0 $0xF7A, s2;
	p2 =	seq.s32 @!p0 s5, $0x0  }
0x1f: {  	s9 =	smul.u32 $0xF7A, s1;
	s8 =	simm.s32 @!p0 $0x1BF5;
	p2 =	por !p2, p0  }
0x20: {  	[sflag:s8] =	ssyncset.s32 @!p0 $0xFFFFF086;
	s6 =	sadd.s32 @!p0 s3, s7;
	s7 =	simm.s32 @!p0 $0x108  }
0x21: {  	s3 =	sadd.s32 s3, s9;
	s6 =	sadd.s32 @!p0 $0x88, s6;
	s7 =	simm.s32 @p2 $0x1082  }
0x22: {  	[simem:s7], [sflag:s8] =	dma.local @!p0 [hbm:s6], $0xF7A  }
0x23: {  	s9 =	sor.u32 $0xD0000000, s2;
	s6 =	simm.s32 $0x108;
	_ =	swait.ge @!p0 [sflag:s8], $0x0  }
0x24: {  	s3 =	sadd.s32 $0x88, s3;
	s6 =	simm.s32 @!p1 $0x1082;
	[sflag:s4] =	ssyncset.s32 $0xFFFFF086  }
0x25: {  	[simem:s6], [sflag:s4] =	dma.local [hbm:s3], $0xF7A  }
0x26: {  	[smem:$0x3F92] =	sst s1;
	(tag) =	ssettag s2;
	_ =	strace s9  }
0x27: {  	s1 =	sld [smem:$0x3FA2]  }
0x28: {  	s2 =	sld [smem:$0x3FA3]  }
0x29: {  	s4 =	sld [smem:$0x3FA5]  }
0x2a: {  	p0 =	seq.s32 s5, $0x0;
	s5 =	sld [smem:$0x3FA6]  }
0x2b: {  	s6 =	sld [smem:$0x3FA7]  }
0x2c: {  	s7 =	sld [smem:$0x3FA8]  }
0x2d: {  	s3 =	simm.s32 $0x108;
	s8 =	sld [smem:$0x3FA9]  }
0x2e: {  	s3 =	simm.s32 @!p0 $0x1082;
	s9 =	sld [smem:$0x3FAA]  }
0x2f: {  	lr =	sadd.s32 s0, s3;
	s0 =	sld [smem:$0x3FA1]  }
0x30: {  	s3 =	sld [smem:$0x3FA4]  }
0x31: {  	[smem:$0x3FAD] =	sst s10  }
0x32: {  	s10 =	sld [smem:$0x3FAB];
	_ =	sdelay $0x3  }
0x33: {  	p0 =	seq.s32 s10, $0x1;
	s10 =	sld [smem:$0x3FAD];
	_ =	sdelay $0x3  }
0x34: {  	[smem:$0x3FAD] =	sst s10  }
0x35: {  	s10 =	sld [smem:$0x3FAC];
	_ =	sdelay $0x3  }
0x36: {  	p1 =	seq.s32 s10, $0x1;
	s10 =	sld [smem:$0x3FAD];
	_ =	sdelay $0x3  }
0x37: {  	[smem:$0x3FAD] =	sst s10  }
0x38: {  	s10 =	sld [smem:$0x3FAE]  }
0x39: {  	_ = 	snop;
	(pc) =	sbr.ind lr, $3  }
0x3a: {  	_ = 	snop  }
0x3b: {  	_ = 	snop  }
0x3c: {  	p2 =	seq.s32 s10, $0x1;
	s10 =	sld [smem:$0x3FAD]  }
0x3d: {  	_ =	shalt  }
0x3e: {  	_ =	shalt  }
0x3f: {  	_ =	shalt  }
0x40: {  	_ =	shalt  }
0x41: {  	_ =	shalt  }
0x42: {  	_ =	shalt  }
0x43: {  	_ =	shalt  }
0x44: {  	_ =	shalt  }
0x45: {  	_ =	shalt  }
0x46: {  	_ =	shalt  }
0x47: {  	_ =	shalt  }
0x48: {  	_ =	shalt  }
0x49: {  	_ =	shalt  }
0x4a: {  	_ =	shalt  }
0x4b: {  	_ =	shalt  }
0x4c: {  	_ =	shalt  }
0x4d: {  	_ =	shalt  }
0x4e: {  	_ =	shalt  }
0x4f: {  	_ =	shalt  }
0x50: {  	_ =	shalt  }
0x51: {  	_ =	shalt  }
0x52: {  	_ =	shalt  }
0x53: {  	_ =	shalt  }
0x54: {  	_ =	shalt  }
0x55: {  	_ =	shalt  }
0x56: {  	_ =	shalt  }
0x57: {  	_ =	shalt  }
0x58: {  	_ =	shalt  }
0x59: {  	_ =	shalt  }
0x5a: {  	_ =	shalt  }
0x5b: {  	_ =	shalt  }
0x5c: {  	_ =	shalt  }
0x5d: {  	_ =	shalt  }
0x5e: {  	_ =	shalt  }
0x5f: {  	_ =	shalt  }
0x60: {  	_ =	shalt  }
0x61: {  	_ =	shalt  }
0x62: {  	_ =	shalt  }
0x63: {  	_ =	shalt  }
0x64: {  	_ =	shalt  }
0x65: {  	_ =	shalt  }
0x66: {  	_ =	shalt  }
0x67: {  	_ =	shalt  }
0x68: {  	_ =	shalt  }
0x69: {  	_ =	shalt  }
0x6a: {  	_ =	shalt  }
0x6b: {  	_ =	shalt  }
0x6c: {  	_ =	shalt  }
0x6d: {  	_ =	shalt  }
0x6e: {  	_ =	shalt  }
0x6f: {  	_ =	shalt  }
0x70: {  	_ =	shalt  }
0x71: {  	_ =	shalt  }
0x72: {  	_ =	shalt  }
0x73: {  	_ =	shalt  }
0x74: {  	_ =	shalt  }
0x75: {  	_ =	shalt  }
0x76: {  	_ =	shalt  }
0x77: {  	_ =	shalt  }
0x78: {  	_ =	shalt  }
0x79: {  	_ =	shalt  }
0x7a: {  	_ =	shalt  }
0x7b: {  	_ =	shalt  }
0x7c: {  	_ =	shalt  }
0x7d: {  	_ =	shalt  }
0x7e: {  	_ =	shalt  }
0x7f: {  	_ =	shalt  }
0x80: {  	_ =	shalt  }
0x81: {  	_ =	shalt  }
0x82: {  	_ =	shalt  }
0x83: {  	_ =	shalt  }
0x84: {  	_ =	shalt  }
0x85: {  	_ =	shalt  }
0x86: {  	_ =	shalt  }
0x87: {  	_ =	shalt  }
.Lfunc_end0:
.L_simem_size_0:
called_computation_lowered:
.L_overlay_start_0:
0x88: {  	s2 =	sld [smem:$0x3FD9]  }
0x89: {  	s3 =	sld [smem:$0x3FFE];
	_ =	sdelay $0x1  }
0x8a: {  	s1 =	srdreg.scid  }
0x8b: {  	s0 =	sand.u32 $0x1, s1  }
0x8c: {  	s16 =	sshll.u32 s0, $0xA;
	s2 =	sadd.s32 s3, s2  }
0x8d: {  	s2 =	sadd.s32 s2, s16  }
0x8e: {  	[smem:$0x3FB9] =	sst s2  }
0x8f: {  	_ = 	snop  }
0x90: {  	(tm) =	ssettm $0x1  }
0x91: {  	s17 =	sld [smem:$0x3FFB];
	_ =	sdelay $0x3  }
0x92: {  	_ =	strace s17  }
0x93: {  	s2 =	sld [smem:$0x3FFC];
	_ =	sdelay $0x3  }
0x94: {  	_ =	strace s2  }
0x95: {  	s2 =	sld [smem:$0x3FFD];
	_ =	sdelay $0x3  }
0x96: {  	_ =	strace s2  }
0x97: {  	_ =	strace $0x8FFFFFFF  }
0x98: {  	s18 =	sld [smem:$0x3FDB];
	_ =	sdelay $0x1  }
0x99: {  	s19 =	simm.s32 $_scs_section_size  }
0x9a: {  	s4 =	simm.s32 $_size__tile_overlayer_lowered;
	s5 =	simm.s32 $_tile_overlayer_lowered  }
0x9b: {  	s22 =	simm.s32 $0x1BFF;
	s21 =	sshll.u32 s5, $0x1;
	s2 =	sadd.s32 s19, s18  }
0x9c: {  	s6 =	simm.s32 $0x0;
	s20 =	sshll.u32 s4, $0x1;
	s4 =	sadd.s32 s21, s2  }
0x9d: {  	[timem:s6], [sflag:s22] =	dma.local [hbm:s4], s20  }
0x9e: {  	_ =	swait.ge [sflag:s22], s20  }
0x9f: {  	s3 =	ssub.s32 $0x0, s20;
	[sflag:s22] =	ssyncset.done $0x0  }
0xa0: {  	[sflag:s22] =	ssyncadd.s32 s3;
	_ =	sdelay $0x1  }
0xa1: {  	s23 =	simm.s32 $0x1B8B  }
0xa2: {  	_ =	swait.ge [sflag:s23], $0x1  }
0xa3: {  	[sflag:s23] =	ssyncset.done $0x0  }
0xa4: {  	s25 =	simm.s32 $0x1B8E;
	s24 =	sld [smem:$0x3FFE];
	[sflag:s23] =	ssyncadd.s32 $0xFFFFFFFF  }
0xa5: {  	s26 =	simm.s32 $execute0_lowered;
	[smem:$0x3FD2] =	sst s25  }
0xa6: {  	s4 =	sshll.u32 s26, $0x1;
	_ =	strace $0x80000046;
	[dreg:$0x1] =	wrdreg $0xFFFFFFFF  }
0xa7: {  	s28 =	simm.s32 $_size_execute0_lowered;
	s2 =	sadd.s32 s2, s4;
	[dreg:$0x0] =	wrdreg $0x0  }
0xa8: {  	s4 =	sshll.u32 s28, $0x1;
	[dreg:$0x2] =	wrdreg s2  }
0xa9: {  	[dreg:$0x3] =	wrdreg s4  }
0xaa: {  	[dreg:$0x4] =	wrdreg $0xC0  }
0xab: {  	_ =	task [dreg:s6], $0x5FFFF  }
0xac: {  	[dreg:$0x1] =	wrdreg $0xFFFFFFFF  }
0xad: {  	[dreg:$0x0] =	wrdreg $0x60  }
0xae: {  	[dreg:$0x2] =	wrdreg s24  }
0xaf: {  	[dreg:$0x3] =	wrdreg $0x9  }
0xb0: {  	_ =	task.clear_ibuf [dreg:s6], $0x4FFFF;
	_ =	strace $0x90000046  }
0xb1: {  	s29 =	simm.s32 $0x9;
	_ =	strace $0x80000048  }
0xb2: {  	_ =	swait.ge [sflag:s29], $0x1  }
0xb3: {  	[sflag:s29] =	ssyncadd.s32 $0xFFFFFFFF  }
0xb4: {  	_ =	strace $0x90000048  }
0xb5: {  	_ =	sfence  }
0xb6: {  	s30 =	sld [smem:$0x0];
	_ =	sdelay $0x2  }
0xb7: {  	s31 =	sshll.u32 s1, $0xD;
	s1 =	sshrl.u32 s1, $0x2  }
0xb8: {  	s3 =	sand.u32 $0x4000, s31;
	s1 =	sadd.s32 s1, s30  }
0xb9: {  	s0 =	sor.u32 s3, s0;
	s1 =	sshll.u32 s1, $0x11  }
0xba: {  	s0 =	sor.u32 s1, s0  }
0xbb: {  	s0 =	sadd.s32 $0x8F2B, s0  }
0xbc: {  	[sflag:s0] =	ssyncadd.remote.s32 $0x1  }
0xbd: {  	_ =	sfence.sel $0xFFFF  }
0xbe: {  	[dreg:$0x0] =	wrdreg $0xFFFFFFFF;
	(pc) =	sbr.abs _section_cstart, $3  }
0xbf: {  	[dreg:$0x1] =	wrdreg $0xFFFFFFFF  }
0xc0: {  	_ =	task.clear_ibuf [dreg:s6], $0x2FFFF;
	_ =	strace $0x9FFFFFFF  }
0xc1: {  	(tm) =	ssettm $0x7FFFFFFF  }
tec
execute0_lowered:
.L_overlay_start_1:
0x0: {  	(tag) =	ssettag $0x1  }
0x1: {  	s1 =	srdreg.scid;
	s0 =	stileid.u32  }
0x2: {  	s30 =	sand.u32 $0x1, s1;
	s23 =	sshll.u32 s0, $0x1  }
0x3: {  	s1 =	sor.u32 s30, s23  }
0x4: {  	s3 =	smul.u32 $0x500, s1  }
0x5: {  	s6 =	rddreg [dreg:$0x0];
	s2 =	simm.s32 $0x0;
	s4 =	smul.u32 $0xA0, s1  }
0x6: {  	[smem:$0x7FF] =	sst s2;
	s16 =	sadd.s32 $0x1DEC00, s6;
	s1 =	smul.u32 $0x28000, s1  }
0x7: {  	p0 =	slt.u32 s0, $0x8;
	_ =	strace $0x80000047;
	s3 =	sadd.s32 $0xFFFFB000, s3  }
0x8: {  	s5 =	sadd.s32 s4, s6;
	s1 =	sshrl.u32 s1, $0x3;
	s24 =	sshrl.u32 s3, $0x3  }
0x9: {  	s15 =	sshll.u32 s3, $0x4;
	s31 =	sadd.s32 s1, s6;
	s5 =	sadd.s32 $0x7800, s5  }
0xa: {  	s4 =	sadd.s32 s24, s6;
	s1 =	sadd.s32 s16, s15;
	s7 =	sadd.s32 $0x18EC00, s31  }
0xb: {  	s3 =	sadd.s32 $0x800, s1;
	s4 =	sadd.s32 $0x6E00, s4;
	s1 =	smov.u32 @p0 s7  }
0xc: {  	s4 =	smov.u32 @p0 s5;
	[dreg:$0x2] =	wrdreg s1;
	s5 =	simm.s32 $0x5  }
0xd: {  	[tilespmem:s2], [sflag:$0x5] =	stream.linear.gather [hbm4b:s4+s2], $0x500, $0x38;
	[tilespmem:$0x8500] =	vst v63  }
0xe: {  	_ =	swait.ge [sflag:s5], $0x500  }
0xf: {  	s8 =	simm.s32 $0x500;
	[sflag:s5] =	ssyncset.done $0x0  }
0x10: {  	s6 =	sadd.s32 $0x8200, s6;
	s7 =	simm.s32 $0x80;
	[sflag:s5] =	ssyncadd.s32 $0xFFFFFB00  }
0x11: {  	[tilespmem:s8], [sflag:$0x1] =	stream.indirect.gather [hbm4b:s6+s7], $0x80, s2, s7, $0xb8;
	[tilespmem:$0x8500] =	vst v63  }
0x12: {  	s9 =	simm.s32 $0x4500;
	s10 =	simm.s32 $0x1  }
0x13: {  	[tilespmem:s9], [sflag:$0x2] =	stream.indirect.gather [hbm4b:s6+s7], $0x80, s7, s7, $0xb8;
	[tilespmem:$0x8500] =	vst v63  }
0x14: {  	_ =	swait.ge [sflag:s10], $0x4000  }
0x15: {  	[sflag:s10] =	ssyncset.done $0x0  }
0x16: {  	s11 =	simm.s32 $0x3;
	s25 =	rddreg [dreg:$0x2];
	[sflag:s10] =	ssyncadd.s32 $0xFFFFC000  }
0x17: {  	[hbm4b:s25+s2] =	stream.linear.scatter [tilespmem:s8], [sflag:$0x3], $0x4000, $0x38;
	[tilespmem:$0x8500] =	vst v63  }
0x18: {  	_ =	swait.ge [sflag:s11], $0x4000  }
0x19: {  	[sflag:s11] =	ssyncset.done $0x0  }
0x1a: {  	s12 =	simm.s32 $0x100;
	s13 =	simm.s32 $0x2;
	[sflag:s11] =	ssyncadd.s32 $0xFFFFC000  }
0x1b: {  	[tilespmem:s8], [sflag:$0x1] =	stream.indirect.gather [hbm4b:s6+s7], $0x80, s12, s7, $0xb8;
	[tilespmem:$0x8500] =	vst v63  }
0x1c: {  	_ =	swait.ge [sflag:s13], $0x4000  }
0x1d: {  	s1 =	sadd.s32 $0x18F400, s31;
	[sflag:s13] =	ssyncset.done $0x0  }
0x1e: {  	s14 =	simm.s32 $0x4;
	s3 =	smov.u32 @p0 s1;
	[sflag:s13] =	ssyncadd.s32 $0xFFFFC000  }
0x1f: {  	[hbm4b:s3+s2] =	stream.linear.scatter [tilespmem:s9], [sflag:$0x4], $0x4000, $0x38;
	[tilespmem:$0x8500] =	vst v63  }
0x20: {  	_ =	swait.ge [sflag:s14], $0x4000  }
0x21: {  	[sflag:s14] =	ssyncset.done $0x0  }
0x22: {  	s26 =	sand.u32 $0x1FFFF000, s15;
	s15 =	simm.s32 $0x180;
	[sflag:s14] =	ssyncadd.s32 $0xFFFFC000  }
0x23: {  	[tilespmem:s9], [sflag:$0x2] =	stream.indirect.gather [hbm4b:s6+s7], $0x80, s15, s7, $0xb8;
	[tilespmem:$0x8500] =	vst v63  }
0x24: {  	s1 =	sadd.s32 s16, s26;
	_ =	swait.ge [sflag:s10], $0x4000  }
0x25: {  	s17 =	sadd.s32 $0x18FC00, s31;
	s16 =	sadd.s32 $0x1000, s1;
	[sflag:s10] =	ssyncset.done $0x0  }
0x26: {  	s16 =	smov.u32 @p0 s17;
	[sflag:s10] =	ssyncadd.s32 $0xFFFFC000  }
0x27: {  	[hbm4b:s16+s2] =	stream.linear.scatter [tilespmem:s8], [sflag:$0x3], $0x4000, $0x38;
	[tilespmem:$0x8500] =	vst v63  }
0x28: {  	_ =	swait.ge [sflag:s11], $0x4000  }
0x29: {  	[sflag:s11] =	ssyncset.done $0x0  }
0x2a: {  	s17 =	simm.s32 $0x200;
	[sflag:s11] =	ssyncadd.s32 $0xFFFFC000  }
0x2b: {  	[tilespmem:s8], [sflag:$0x1] =	stream.indirect.gather [hbm4b:s6+s7], $0x80, s17, s7, $0xb8;
	[tilespmem:$0x8500] =	vst v63  }
0x2c: {  	_ =	swait.ge [sflag:s13], $0x4000  }
0x2d: {  	s19 =	sadd.s32 $0x190400, s31;
	s18 =	sadd.s32 $0x1800, s1;
	[sflag:s13] =	ssyncset.done $0x0  }
0x2e: {  	s18 =	smov.u32 @p0 s19;
	[sflag:s13] =	ssyncadd.s32 $0xFFFFC000  }
0x2f: {  	[hbm4b:s18+s2] =	stream.linear.scatter [tilespmem:s9], [sflag:$0x4], $0x4000, $0x38;
	[tilespmem:$0x8500] =	vst v63  }
0x30: {  	_ =	swait.ge [sflag:s14], $0x4000  }
0x31: {  	[sflag:s14] =	ssyncset.done $0x0  }
0x32: {  	s19 =	simm.s32 $0x280;
	[sflag:s14] =	ssyncadd.s32 $0xFFFFC000  }
0x33: {  	[tilespmem:s9], [sflag:$0x2] =	stream.indirect.gather [hbm4b:s6+s7], $0x80, s19, s7, $0xb8;
	[tilespmem:$0x8500] =	vst v63  }
0x34: {  	_ =	swait.ge [sflag:s10], $0x4000  }
0x35: {  	s21 =	sadd.s32 $0x190C00, s31;
	s20 =	sadd.s32 $0x2000, s1;
	[sflag:s10] =	ssyncset.done $0x0  }
0x36: {  	s20 =	smov.u32 @p0 s21;
	[sflag:s10] =	ssyncadd.s32 $0xFFFFC000  }
0x37: {  	[hbm4b:s20+s2] =	stream.linear.scatter [tilespmem:s8], [sflag:$0x3], $0x4000, $0x38;
	[tilespmem:$0x8500] =	vst v63  }
0x38: {  	_ =	swait.ge [sflag:s11], $0x4000  }
0x39: {  	[sflag:s11] =	ssyncset.done $0x0  }
0x3a: {  	s21 =	simm.s32 $0x300;
	[sflag:s11] =	ssyncadd.s32 $0xFFFFC000  }
0x3b: {  	[tilespmem:s8], [sflag:$0x1] =	stream.indirect.gather [hbm4b:s6+s7], $0x80, s21, s7, $0xb8;
	[tilespmem:$0x8500] =	vst v63  }
0x3c: {  	_ =	swait.ge [sflag:s13], $0x4000  }
0x3d: {  	s23 =	sadd.s32 $0x191400, s31;
	s22 =	sadd.s32 $0x2800, s1;
	[sflag:s13] =	ssyncset.done $0x0  }
0x3e: {  	s22 =	smov.u32 @p0 s23;
	[sflag:s13] =	ssyncadd.s32 $0xFFFFC000  }
0x3f: {  	[hbm4b:s22+s2] =	stream.linear.scatter [tilespmem:s9], [sflag:$0x4], $0x4000, $0x38;
	[tilespmem:$0x8500] =	vst v63  }
0x40: {  	_ =	swait.ge [sflag:s14], $0x4000  }
0x41: {  	[sflag:s14] =	ssyncset.done $0x0  }
0x42: {  	s23 =	simm.s32 $0x380;
	[sflag:s14] =	ssyncadd.s32 $0xFFFFC000  }
0x43: {  	[tilespmem:s9], [sflag:$0x2] =	stream.indirect.gather [hbm4b:s6+s7], $0x80, s23, s7, $0xb8;
	[tilespmem:$0x8500] =	vst v63  }
0x44: {  	_ =	swait.ge [sflag:s10], $0x4000  }
0x45: {  	s24 =	sadd.s32 $0x3000, s1;
	s25 =	sadd.s32 $0x191C00, s31;
	[sflag:s10] =	ssyncset.done $0x0  }
0x46: {  	s24 =	smov.u32 @p0 s25;
	[sflag:s10] =	ssyncadd.s32 $0xFFFFC000  }
0x47: {  	[hbm4b:s24+s2] =	stream.linear.scatter [tilespmem:s8], [sflag:$0x3], $0x4000, $0x38;
	[tilespmem:$0x8500] =	vst v63  }
0x48: {  	_ =	swait.ge [sflag:s11], $0x4000  }
0x49: {  	[sflag:s11] =	ssyncset.done $0x0  }
0x4a: {  	s25 =	simm.s32 $0x400;
	[sflag:s11] =	ssyncadd.s32 $0xFFFFC000  }
0x4b: {  	[tilespmem:s8], [sflag:$0x1] =	stream.indirect.gather [hbm4b:s6+s7], $0x80, s25, s7, $0xb8;
	[tilespmem:$0x8500] =	vst v63  }
0x4c: {  	_ =	swait.ge [sflag:s13], $0x4000  }
0x4d: {  	s28 =	sadd.s32 $0x192400, s31;
	s26 =	sadd.s32 $0x3800, s1;
	[sflag:s13] =	ssyncset.done $0x0  }
0x4e: {  	s26 =	smov.u32 @p0 s28;
	[sflag:s13] =	ssyncadd.s32 $0xFFFFC000  }
0x4f: {  	[hbm4b:s26+s2] =	stream.linear.scatter [tilespmem:s9], [sflag:$0x4], $0x4000, $0x38;
	[tilespmem:$0x8500] =	vst v63  }
0x50: {  	_ =	swait.ge [sflag:s14], $0x4000  }
0x51: {  	[sflag:s14] =	ssyncset.done $0x0  }
0x52: {  	s28 =	simm.s32 $0x480;
	[sflag:s14] =	ssyncadd.s32 $0xFFFFC000  }
0x53: {  	[tilespmem:s9], [sflag:$0x2] =	stream.indirect.gather [hbm4b:s6+s7], $0x80, s28, s7, $0xb8;
	[tilespmem:$0x8500] =	vst v63  }
0x54: {  	_ =	swait.ge [sflag:s10], $0x4000  }
0x55: {  	s0 =	sadd.s32 $0x192C00, s31;
	s29 =	sadd.s32 $0x4000, s1;
	[sflag:s10] =	ssyncset.done $0x0  }
0x56: {  	s29 =	smov.u32 @p0 s0;
	s0 =	ssub.s32 $0x2, s30;
	[sflag:s10] =	ssyncadd.s32 $0xFFFFC000  }
0x57: {  	[hbm4b:s29+s2] =	stream.linear.scatter [tilespmem:s8], [sflag:$0x3], $0x4000, $0x38;
	[tilespmem:$0x8500] =	vst v63  }
0x58: {  	s30 =	sshrl.u32 s0, $0x1;
	_ =	swait.ge [sflag:s11], $0x4000  }
0x59: {  	s0 =	ssub.s32 s0, s30;
	s30 =	sadd.s32 $0x4800, s1;
	[sflag:s11] =	ssyncset.done $0x0  }
0x5a: {  	s1 =	sadd.s32 $0x193400, s31;
	s0 =	smax.u32 s0, $0x1;
	[sflag:s11] =	ssyncadd.s32 $0xFFFFC000  }
0x5b: {  	s30 =	smov.u32 @p0 s1;
	p0 =	sne.s32 s0, $0x1;
	_ =	swait.ge [sflag:s13], $0x4000  }
.Ltmp0:
0x5c: {  	[sflag:s13] =	ssyncset.done $0x0;
	(pc) =	sbr.rel @!p0 .LBB2_2-.Ltmp0, $4  }
0x5d: {  	[sflag:s13] =	ssyncadd.s32 $0xFFFFC000  }
0x5e: {  	[hbm4b:s30+s2] =	stream.linear.scatter [tilespmem:s9], [sflag:$0x4], $0x4000, $0x38;
	[tilespmem:$0x8500] =	vst v63  }
0x5f: {  	_ =	swait.ge [sflag:s14], $0x4000  }
0x60: {  	s31 =	sadd.s32 $0xFFFFFFFF, s0;
	[sflag:s14] =	ssyncset.done $0x0  }
.LBB2_1:
0x61: {  	[sflag:s14] =	ssyncadd.s32 $0xFFFFC000  }
0x62: {  	[tilespmem:s2], [sflag:$0x5] =	stream.linear.gather [hbm4b:s4+s2], $0x500, $0x38;
	[tilespmem:$0x8500] =	vst v63  }
0x63: {  	_ =	swait.ge [sflag:s5], $0x500  }
0x64: {  	[sflag:s5] =	ssyncset.done $0x0  }
0x65: {  	[sflag:s5] =	ssyncadd.s32 $0xFFFFFB00  }
0x66: {  	[tilespmem:s8], [sflag:$0x1] =	stream.indirect.gather [hbm4b:s6+s7], $0x80, s2, s7, $0xb8;
	[tilespmem:$0x8500] =	vst v63  }
0x67: {  	_ = 	snop  }
0x68: {  	[tilespmem:s9], [sflag:$0x2] =	stream.indirect.gather [hbm4b:s6+s7], $0x80, s7, s7, $0xb8;
	[tilespmem:$0x8500] =	vst v63  }
0x69: {  	_ =	swait.ge [sflag:s10], $0x4000  }
0x6a: {  	[sflag:s10] =	ssyncset.done $0x0  }
0x6b: {  	s0 =	rddreg [dreg:$0x2];
	[sflag:s10] =	ssyncadd.s32 $0xFFFFC000  }
0x6c: {  	[hbm4b:s0+s2] =	stream.linear.scatter [tilespmem:s8], [sflag:$0x3], $0x4000, $0x38;
	[tilespmem:$0x8500] =	vst v63  }
0x6d: {  	_ =	swait.ge [sflag:s11], $0x4000  }
0x6e: {  	[sflag:s11] =	ssyncset.done $0x0  }
0x6f: {  	[sflag:s11] =	ssyncadd.s32 $0xFFFFC000  }
0x70: {  	[tilespmem:s8], [sflag:$0x1] =	stream.indirect.gather [hbm4b:s6+s7], $0x80, s12, s7, $0xb8;
	[tilespmem:$0x8500] =	vst v63  }
0x71: {  	_ =	swait.ge [sflag:s13], $0x4000  }
0x72: {  	[sflag:s13] =	ssyncset.done $0x0  }
0x73: {  	[sflag:s13] =	ssyncadd.s32 $0xFFFFC000  }
0x74: {  	[hbm4b:s3+s2] =	stream.linear.scatter [tilespmem:s9], [sflag:$0x4], $0x4000, $0x38;
	[tilespmem:$0x8500] =	vst v63  }
0x75: {  	_ =	swait.ge [sflag:s14], $0x4000  }
0x76: {  	[sflag:s14] =	ssyncset.done $0x0  }
0x77: {  	[sflag:s14] =	ssyncadd.s32 $0xFFFFC000  }
0x78: {  	[tilespmem:s9], [sflag:$0x2] =	stream.indirect.gather [hbm4b:s6+s7], $0x80, s15, s7, $0xb8;
	[tilespmem:$0x8500] =	vst v63  }
0x79: {  	_ =	swait.ge [sflag:s10], $0x4000  }
0x7a: {  	[sflag:s10] =	ssyncset.done $0x0  }
0x7b: {  	[sflag:s10] =	ssyncadd.s32 $0xFFFFC000  }
0x7c: {  	[hbm4b:s16+s2] =	stream.linear.scatter [tilespmem:s8], [sflag:$0x3], $0x4000, $0x38;
	[tilespmem:$0x8500] =	vst v63  }
0x7d: {  	_ =	swait.ge [sflag:s11], $0x4000  }
0x7e: {  	[sflag:s11] =	ssyncset.done $0x0  }
0x7f: {  	[sflag:s11] =	ssyncadd.s32 $0xFFFFC000  }
0x80: {  	[tilespmem:s8], [sflag:$0x1] =	stream.indirect.gather [hbm4b:s6+s7], $0x80, s17, s7, $0xb8;
	[tilespmem:$0x8500] =	vst v63  }
0x81: {  	_ =	swait.ge [sflag:s13], $0x4000  }
0x82: {  	[sflag:s13] =	ssyncset.done $0x0  }
0x83: {  	[sflag:s13] =	ssyncadd.s32 $0xFFFFC000  }
0x84: {  	[hbm4b:s18+s2] =	stream.linear.scatter [tilespmem:s9], [sflag:$0x4], $0x4000, $0x38;
	[tilespmem:$0x8500] =	vst v63  }
0x85: {  	_ =	swait.ge [sflag:s14], $0x4000  }
0x86: {  	[sflag:s14] =	ssyncset.done $0x0  }
0x87: {  	[sflag:s14] =	ssyncadd.s32 $0xFFFFC000  }
0x88: {  	[tilespmem:s9], [sflag:$0x2] =	stream.indirect.gather [hbm4b:s6+s7], $0x80, s19, s7, $0xb8;
	[tilespmem:$0x8500] =	vst v63  }
0x89: {  	_ =	swait.ge [sflag:s10], $0x4000  }
0x8a: {  	[sflag:s10] =	ssyncset.done $0x0  }
0x8b: {  	[sflag:s10] =	ssyncadd.s32 $0xFFFFC000  }
0x8c: {  	[hbm4b:s20+s2] =	stream.linear.scatter [tilespmem:s8], [sflag:$0x3], $0x4000, $0x38;
	[tilespmem:$0x8500] =	vst v63  }
0x8d: {  	_ =	swait.ge [sflag:s11], $0x4000  }
0x8e: {  	[sflag:s11] =	ssyncset.done $0x0  }
0x8f: {  	[sflag:s11] =	ssyncadd.s32 $0xFFFFC000  }
0x90: {  	[tilespmem:s8], [sflag:$0x1] =	stream.indirect.gather [hbm4b:s6+s7], $0x80, s21, s7, $0xb8;
	[tilespmem:$0x8500] =	vst v63  }
0x91: {  	_ =	swait.ge [sflag:s13], $0x4000  }
0x92: {  	[sflag:s13] =	ssyncset.done $0x0  }
0x93: {  	[sflag:s13] =	ssyncadd.s32 $0xFFFFC000  }
0x94: {  	[hbm4b:s22+s2] =	stream.linear.scatter [tilespmem:s9], [sflag:$0x4], $0x4000, $0x38;
	[tilespmem:$0x8500] =	vst v63  }
0x95: {  	_ =	swait.ge [sflag:s14], $0x4000  }
0x96: {  	[sflag:s14] =	ssyncset.done $0x0  }
0x97: {  	[sflag:s14] =	ssyncadd.s32 $0xFFFFC000  }
0x98: {  	[tilespmem:s9], [sflag:$0x2] =	stream.indirect.gather [hbm4b:s6+s7], $0x80, s23, s7, $0xb8;
	[tilespmem:$0x8500] =	vst v63  }
0x99: {  	_ =	swait.ge [sflag:s10], $0x4000  }
0x9a: {  	[sflag:s10] =	ssyncset.done $0x0  }
0x9b: {  	[sflag:s10] =	ssyncadd.s32 $0xFFFFC000  }
0x9c: {  	[hbm4b:s24+s2] =	stream.linear.scatter [tilespmem:s8], [sflag:$0x3], $0x4000, $0x38;
	[tilespmem:$0x8500] =	vst v63  }
0x9d: {  	_ =	swait.ge [sflag:s11], $0x4000  }
0x9e: {  	[sflag:s11] =	ssyncset.done $0x0  }
0x9f: {  	[sflag:s11] =	ssyncadd.s32 $0xFFFFC000  }
0xa0: {  	[tilespmem:s8], [sflag:$0x1] =	stream.indirect.gather [hbm4b:s6+s7], $0x80, s25, s7, $0xb8;
	[tilespmem:$0x8500] =	vst v63  }
0xa1: {  	_ =	swait.ge [sflag:s13], $0x4000  }
0xa2: {  	[sflag:s13] =	ssyncset.done $0x0  }
0xa3: {  	[sflag:s13] =	ssyncadd.s32 $0xFFFFC000  }
0xa4: {  	[hbm4b:s26+s2] =	stream.linear.scatter [tilespmem:s9], [sflag:$0x4], $0x4000, $0x38;
	[tilespmem:$0x8500] =	vst v63  }
0xa5: {  	_ =	swait.ge [sflag:s14], $0x4000  }
0xa6: {  	[sflag:s14] =	ssyncset.done $0x0  }
0xa7: {  	[sflag:s14] =	ssyncadd.s32 $0xFFFFC000  }
0xa8: {  	[tilespmem:s9], [sflag:$0x2] =	stream.indirect.gather [hbm4b:s6+s7], $0x80, s28, s7, $0xb8;
	[tilespmem:$0x8500] =	vst v63  }
0xa9: {  	_ =	swait.ge [sflag:s10], $0x4000  }
0xaa: {  	[sflag:s10] =	ssyncset.done $0x0  }
0xab: {  	[sflag:s10] =	ssyncadd.s32 $0xFFFFC000  }
0xac: {  	[hbm4b:s29+s2] =	stream.linear.scatter [tilespmem:s8], [sflag:$0x3], $0x4000, $0x38;
	[tilespmem:$0x8500] =	vst v63  }
0xad: {  	_ =	swait.ge [sflag:s11], $0x4000  }
0xae: {  	[sflag:s11] =	ssyncset.done $0x0  }
0xaf: {  	[sflag:s11] =	ssyncadd.s32 $0xFFFFC000  }
0xb0: {  	p0 =	sne.s32 s31, $0x1;
	_ =	swait.ge [sflag:s13], $0x4000  }
.Ltmp1:
0xb1: {  	[sflag:s13] =	ssyncset.done $0x0;
	(pc) =	sbr.rel @p0 .LBB2_1-.Ltmp1, $4  }
0xb2: {  	[sflag:s13] =	ssyncadd.s32 $0xFFFFC000  }
0xb3: {  	[hbm4b:s30+s2] =	stream.linear.scatter [tilespmem:s9], [sflag:$0x4], $0x4000, $0x38;
	[tilespmem:$0x8500] =	vst v63  }
0xb4: {  	_ =	swait.ge [sflag:s14], $0x4000  }
0xb5: {  	s31 =	sadd.s32 $0xFFFFFFFF, s31;
	[sflag:s14] =	ssyncset.done $0x0  }
.LBB2_2:
0xb6: {  	[sflag:s14] =	ssyncadd.s32 $0xFFFFC000  }
0xb7: {  	_ =	sfence.sel $0x180000  }
0xb8: {  	[bflag:$0x0] =	sbarrier.arrive $0xFFFF  }
0xb9: {  	_ =	strace $0x90000047  }
0xba: {  	s0 =	stileid.u32;
	[bflag:$0x2] =	sbarrier.arrive $0xFFFF  }
0xbb: {  	p0 =	sne.s32 s0, $0x0;
	s0 =	rddreg [dreg:$0x1]  }
0xbc: {  	s0 =	sadd.s32 @!p0 $0x100000, s0  }
0xbd: {  	[sflag:s0] =	ssyncadd.tile.s32 @!p0 $0x1;
	_ =	shalt  }
.Lfunc_end2:
_tile_overlayer_lowered:
.L_overlay_start_2:
0xbe: {  	(tag) =	ssettag $0x2  }
0xbf: {  	s0 =	rddreg [dreg:$0x0];
	s2 =	stileid.u32  }
0xc0: {  	s1 =	rddreg [dreg:$0x1];
	p0 =	sne.s32 s2, $0x0  }
0xc1: {  	s3 =	rddreg [dreg:$0x2];
	[bflag:$0x3] =	sbarrier.arrive $0xFFFF;
	s2 =	simm.s32 @!p0 $0x1C05  }
0xc2: {  	[timem:s3], [sflag:s2] =	dma.local @!p0 [hbm:s0], s1  }
0xc3: {  	s0 =	simm.s32 @!p0 $0x5  }
0xc4: {  	_ =	swait.ge @!p0 [sflag:s0], s1  }
0xc5: {  	s1 =	ssub.s32 @!p0 $0x0, s1;
	[sflag:s0] =	ssyncset.done @!p0 $0x0  }
0xc6: {  	[sflag:s0] =	ssyncadd.s32 @!p0 s1  }
0xc7: {  	[bflag:$0x3] =	sbarrier.arrive $0xFFFF  }
0xc8: {  	_ =	shalt  }

// kernel: kernel.15.cloned.1.call-start
scs
__scs_entry_jumppad:
0x0: {  	(pc) =	sbr.rel $0x88, $3  }
0x1: {  	(tag) =	ssettag $0x0;
	lr =	simm.s32 $0x1  }
0x2: {  	[smem:$0x3F92] =	sst lr;
	_ =	strace $0xD0000000  }
0x3: {  	_ = 	snop  }
0x4: {  	_ = 	snop  }
0x5: {  	_ = 	snop  }
0x6: {  	_ = 	snop  }
0x7: {  	_ = 	snop  }
__scs_overlays_trampoline_lowered:
0x8: {  	[smem:$0x3FA1] =	sst s0  }
0x9: {  	[smem:$0x3FA2] =	sst s1  }
0xa: {  	[smem:$0x3FA3] =	sst s2  }
0xb: {  	[smem:$0x3FA4] =	sst s3  }
0xc: {  	[smem:$0x3FA5] =	sst s4  }
0xd: {  	[smem:$0x3FA6] =	sst s5  }
0xe: {  	[smem:$0x3FA7] =	sst s6  }
0xf: {  	[smem:$0x3FA8] =	sst s7  }
0x10: {  	[smem:$0x3FA9] =	sst s8  }
0x11: {  	[smem:$0x3FAA] =	sst s9;
	s0 =	simm.s32 @!p0 $0x0  }
0x12: {  	s1 =	sld [smem:$0x3F90];
	s0 =	simm.s32 @p0 $0x1  }
0x13: {  	[smem:$0x3FAB] =	sst s0;
	s0 =	simm.s32 @!p1 $0x0  }
0x14: {  	s2 =	sld [smem:$0x3F8F];
	s0 =	simm.s32 @p1 $0x1  }
0x15: {  	[smem:$0x3FAC] =	sst s0;
	s0 =	simm.s32 @!p2 $0x0  }
0x16: {  	s3 =	sld [smem:$0x3FDB];
	s0 =	simm.s32 @p2 $0x1  }
0x17: {  	s4 =	simm.s32 $0x1BF5;
	[smem:$0x3FAE] =	sst s0  }
0x18: {  	s0 =	sld [smem:$0x3F91];
	_ =	swait.ge [sflag:s4], $0x0  }
0x19: {  	s7 =	sld [smem:$0x3F92]  }
0x1a: {  	s8 =	sadd.s32 $0xFFFFE003, lr  }
0x1b: {  	s9 =	sadd.s32 $0xFFFFFEF7, lr;
	s5 =	simm.s32 $0xFFFFFFFF;
	p2 =	slt.u32 s8, $0xFFFFF086  }
0x1c: {  	p1 =	slt.u32 s9, $0xF7A;
	s5 =	simm.s32 @!p2 $0x0  }
0x1d: {  	s5 =	simm.s32 @p1 $0x1;
	p0 =	seq.s32 s7, s2  }
0x1e: {  	s7 =	smul.u32 @!p0 $0xF7A, s2;
	p2 =	seq.s32 @!p0 s5, $0x0  }
0x1f: {  	s9 =	smul.u32 $0xF7A, s1;
	s8 =	simm.s32 @!p0 $0x1BF5;
	p2 =	por !p2, p0  }
0x20: {  	[sflag:s8] =	ssyncset.s32 @!p0 $0xFFFFF086;
	s6 =	sadd.s32 @!p0 s3, s7;
	s7 =	simm.s32 @!p0 $0x108  }
0x21: {  	s3 =	sadd.s32 s3, s9;
	s6 =	sadd.s32 @!p0 $0x88, s6;
	s7 =	simm.s32 @p2 $0x1082  }
0x22: {  	[simem:s7], [sflag:s8] =	dma.local @!p0 [hbm:s6], $0xF7A  }
0x23: {  	s9 =	sor.u32 $0xD0000000, s2;
	s6 =	simm.s32 $0x108;
	_ =	swait.ge @!p0 [sflag:s8], $0x0  }
0x24: {  	s3 =	sadd.s32 $0x88, s3;
	s6 =	simm.s32 @!p1 $0x1082;
	[sflag:s4] =	ssyncset.s32 $0xFFFFF086  }
0x25: {  	[simem:s6], [sflag:s4] =	dma.local [hbm:s3], $0xF7A  }
0x26: {  	[smem:$0x3F92] =	sst s1;
	(tag) =	ssettag s2;
	_ =	strace s9  }
0x27: {  	s1 =	sld [smem:$0x3FA2]  }
0x28: {  	s2 =	sld [smem:$0x3FA3]  }
0x29: {  	s4 =	sld [smem:$0x3FA5]  }
0x2a: {  	p0 =	seq.s32 s5, $0x0;
	s5 =	sld [smem:$0x3FA6]  }
0x2b: {  	s6 =	sld [smem:$0x3FA7]  }
0x2c: {  	s7 =	sld [smem:$0x3FA8]  }
0x2d: {  	s3 =	simm.s32 $0x108;
	s8 =	sld [smem:$0x3FA9]  }
0x2e: {  	s3 =	simm.s32 @!p0 $0x1082;
	s9 =	sld [smem:$0x3FAA]  }
0x2f: {  	lr =	sadd.s32 s0, s3;
	s0 =	sld [smem:$0x3FA1]  }
0x30: {  	s3 =	sld [smem:$0x3FA4]  }
0x31: {  	[smem:$0x3FAD] =	sst s10  }
0x32: {  	s10 =	sld [smem:$0x3FAB];
	_ =	sdelay $0x3  }
0x33: {  	p0 =	seq.s32 s10, $0x1;
	s10 =	sld [smem:$0x3FAD];
	_ =	sdelay $0x3  }
0x34: {  	[smem:$0x3FAD] =	sst s10  }
0x35: {  	s10 =	sld [smem:$0x3FAC];
	_ =	sdelay $0x3  }
0x36: {  	p1 =	seq.s32 s10, $0x1;
	s10 =	sld [smem:$0x3FAD];
	_ =	sdelay $0x3  }
0x37: {  	[smem:$0x3FAD] =	sst s10  }
0x38: {  	s10 =	sld [smem:$0x3FAE]  }
0x39: {  	_ = 	snop;
	(pc) =	sbr.ind lr, $3  }
0x3a: {  	_ = 	snop  }
0x3b: {  	_ = 	snop  }
0x3c: {  	p2 =	seq.s32 s10, $0x1;
	s10 =	sld [smem:$0x3FAD]  }
0x3d: {  	_ =	shalt  }
0x3e: {  	_ =	shalt  }
0x3f: {  	_ =	shalt  }
0x40: {  	_ =	shalt  }
0x41: {  	_ =	shalt  }
0x42: {  	_ =	shalt  }
0x43: {  	_ =	shalt  }
0x44: {  	_ =	shalt  }
0x45: {  	_ =	shalt  }
0x46: {  	_ =	shalt  }
0x47: {  	_ =	shalt  }
0x48: {  	_ =	shalt  }
0x49: {  	_ =	shalt  }
0x4a: {  	_ =	shalt  }
0x4b: {  	_ =	shalt  }
0x4c: {  	_ =	shalt  }
0x4d: {  	_ =	shalt  }
0x4e: {  	_ =	shalt  }
0x4f: {  	_ =	shalt  }
0x50: {  	_ =	shalt  }
0x51: {  	_ =	shalt  }
0x52: {  	_ =	shalt  }
0x53: {  	_ =	shalt  }
0x54: {  	_ =	shalt  }
0x55: {  	_ =	shalt  }
0x56: {  	_ =	shalt  }
0x57: {  	_ =	shalt  }
0x58: {  	_ =	shalt  }
0x59: {  	_ =	shalt  }
0x5a: {  	_ =	shalt  }
0x5b: {  	_ =	shalt  }
0x5c: {  	_ =	shalt  }
0x5d: {  	_ =	shalt  }
0x5e: {  	_ =	shalt  }
0x5f: {  	_ =	shalt  }
0x60: {  	_ =	shalt  }
0x61: {  	_ =	shalt  }
0x62: {  	_ =	shalt  }
0x63: {  	_ =	shalt  }
0x64: {  	_ =	shalt  }
0x65: {  	_ =	shalt  }
0x66: {  	_ =	shalt  }
0x67: {  	_ =	shalt  }
0x68: {  	_ =	shalt  }
0x69: {  	_ =	shalt  }
0x6a: {  	_ =	shalt  }
0x6b: {  	_ =	shalt  }
0x6c: {  	_ =	shalt  }
0x6d: {  	_ =	shalt  }
0x6e: {  	_ =	shalt  }
0x6f: {  	_ =	shalt  }
0x70: {  	_ =	shalt  }
0x71: {  	_ =	shalt  }
0x72: {  	_ =	shalt  }
0x73: {  	_ =	shalt  }
0x74: {  	_ =	shalt  }
0x75: {  	_ =	shalt  }
0x76: {  	_ =	shalt  }
0x77: {  	_ =	shalt  }
0x78: {  	_ =	shalt  }
0x79: {  	_ =	shalt  }
0x7a: {  	_ =	shalt  }
0x7b: {  	_ =	shalt  }
0x7c: {  	_ =	shalt  }
0x7d: {  	_ =	shalt  }
0x7e: {  	_ =	shalt  }
0x7f: {  	_ =	shalt  }
0x80: {  	_ =	shalt  }
0x81: {  	_ =	shalt  }
0x82: {  	_ =	shalt  }
0x83: {  	_ =	shalt  }
0x84: {  	_ =	shalt  }
0x85: {  	_ =	shalt  }
0x86: {  	_ =	shalt  }
0x87: {  	_ =	shalt  }
.Lfunc_end0:
.L_simem_size_0:
called_computation.1_lowered:
.L_overlay_start_0:
0x88: {  	s2 =	sld [smem:$0x3FD9]  }
0x89: {  	s3 =	sld [smem:$0x3FFE];
	_ =	sdelay $0x1  }
0x8a: {  	s1 =	srdreg.scid  }
0x8b: {  	s0 =	sand.u32 $0x1, s1  }
0x8c: {  	s17 =	sshll.u32 s0, $0xA;
	s2 =	sadd.s32 s3, s2  }
0x8d: {  	s2 =	sadd.s32 s2, s17  }
0x8e: {  	[smem:$0x3FB9] =	sst s2  }
0x8f: {  	_ = 	snop  }
0x90: {  	(tm) =	ssettm $0x1  }
0x91: {  	s18 =	sld [smem:$0x3FFB];
	_ =	sdelay $0x3  }
0x92: {  	_ =	strace s18  }
0x93: {  	s2 =	sld [smem:$0x3FFC];
	_ =	sdelay $0x3  }
0x94: {  	_ =	strace s2  }
0x95: {  	s2 =	sld [smem:$0x3FFD];
	_ =	sdelay $0x3  }
0x96: {  	_ =	strace s2  }
0x97: {  	_ =	strace $0x8FFFFFFF  }
0x98: {  	s19 =	sld [smem:$0x3FDB];
	_ =	sdelay $0x1  }
0x99: {  	s20 =	simm.s32 $_scs_section_size  }
0x9a: {  	s4 =	simm.s32 $_size__tile_overlayer_lowered;
	s5 =	simm.s32 $_tile_overlayer_lowered  }
0x9b: {  	s6 =	simm.s32 $0x1BFF;
	s21 =	sshll.u32 s5, $0x1;
	s3 =	sadd.s32 s20, s19  }
0x9c: {  	s22 =	simm.s32 $0x0;
	s4 =	sshll.u32 s4, $0x1;
	s5 =	sadd.s32 s21, s3  }
0x9d: {  	[timem:s22], [sflag:s6] =	dma.local [hbm:s5], s4  }
0x9e: {  	_ =	swait.ge [sflag:s6], s4  }
0x9f: {  	s4 =	ssub.s32 $0x0, s4;
	[sflag:s6] =	ssyncset.done $0x0  }
0xa0: {  	[sflag:s6] =	ssyncadd.s32 s4;
	_ =	sdelay $0x1  }
0xa1: {  	s23 =	simm.s32 $0x1B8B  }
0xa2: {  	_ =	swait.ge [sflag:s23], $0x1  }
0xa3: {  	[sflag:s23] =	ssyncset.done $0x0  }
0xa4: {  	[sflag:s23] =	ssyncadd.s32 $0xFFFFFFFF  }
0xa5: {  	s4 =	sld [smem:$0x0]  }
0xa6: {  	s5 =	sand.u32 $0xFFFFFFFE, s1  }
0xa7: {  	p0 =	sne.s32 s1, s5  }
0xa8: {  	s5 =	sshll.u32 @p0 s5, $0xE  }
0xa9: {  	s5 =	sadd.s32 @p0 $0x11B8D, s5;
	s6 =	sshll.u32 @p0 s4, $0x11  }
0xaa: {  	s5 =	sor.u32 @p0 s6, s5  }
0xab: {  	[sflag:s5] =	ssyncadd.remote.s32 @p0 $0x1;
	_ =	sdelay $0x1  }
0xac: {  	s5 =	simm.s32 @p0 $0x1B8D  }
0xad: {  	_ =	swait.eq @p0 [sflag:s5], $0x1  }
0xae: {  	[sflag:s5] =	ssyncadd.s32 @p0 $0xFFFFFFFF  }
0xaf: {  	s6 =	sshll.u32 @!p0 s1, $0xE  }
0xb0: {  	s6 =	sor.u32 @!p0 $0x4000, s6;
	s5 =	simm.s32 @!p0 $0x1B8D  }
0xb1: {  	s4 =	sshll.u32 @!p0 s4, $0x11;
	s6 =	sadd.s32 @!p0 $0x11B8D, s6;
	_ =	swait.eq @!p0 [sflag:s5], $0x1  }
0xb2: {  	s4 =	sor.u32 @!p0 s4, s6;
	[sflag:s5] =	ssyncadd.s32 @!p0 $0xFFFFFFFF  }
0xb3: {  	s25 =	simm.s32 $0x1B8E;
	s24 =	sld [smem:$0x3FFE];
	[sflag:s4] =	ssyncadd.remote.s32 @!p0 $0x1  }
0xb4: {  	s26 =	simm.s32 $execute0_lowered;
	[smem:$0x3FD2] =	sst s25  }
0xb5: {  	s5 =	sshll.u32 s26, $0x1;
	_ =	strace $0x80000049;
	[dreg:$0x1] =	wrdreg $0xFFFFFFFF  }
0xb6: {  	s28 =	simm.s32 $_size_execute0_lowered;
	s3 =	sadd.s32 s3, s5;
	[dreg:$0x0] =	wrdreg $0x0  }
0xb7: {  	s5 =	sshll.u32 s28, $0x1;
	[dreg:$0x2] =	wrdreg s3  }
0xb8: {  	[dreg:$0x3] =	wrdreg s5  }
0xb9: {  	[dreg:$0x4] =	wrdreg $0xC0  }
0xba: {  	_ =	task [dreg:s22], $0x5FFFF  }
0xbb: {  	[dreg:$0x1] =	wrdreg $0xFFFFFFFF  }
0xbc: {  	[dreg:$0x0] =	wrdreg $0x60  }
0xbd: {  	[dreg:$0x2] =	wrdreg s24  }
0xbe: {  	[dreg:$0x3] =	wrdreg $0xA  }
0xbf: {  	_ =	task.clear_ibuf [dreg:s22], $0x4FFFF;
	_ =	strace $0x90000049  }
0xc0: {  	s29 =	simm.s32 $0xA;
	_ =	strace $0x8000004B  }
0xc1: {  	_ =	swait.ge [sflag:s29], $0x1  }
0xc2: {  	[sflag:s29] =	ssyncadd.s32 $0xFFFFFFFF  }
0xc3: {  	_ =	strace $0x9000004B  }
0xc4: {  	_ =	sfence  }
0xc5: {  	s30 =	sld [smem:$0x0];
	_ =	sdelay $0x2  }
0xc6: {  	s31 =	sshll.u32 s1, $0xD;
	s1 =	sshrl.u32 s1, $0x2  }
0xc7: {  	s4 =	sand.u32 $0x4000, s31;
	s1 =	sadd.s32 s1, s30  }
0xc8: {  	s0 =	sor.u32 s4, s0;
	s1 =	sshll.u32 s1, $0x11  }
0xc9: {  	s0 =	sor.u32 s1, s0  }
0xca: {  	s0 =	sadd.s32 $0x8F2B, s0  }
0xcb: {  	[sflag:s0] =	ssyncadd.remote.s32 $0x1  }
0xcc: {  	_ =	sfence.sel $0xFFFF  }
0xcd: {  	[dreg:$0x0] =	wrdreg $0xFFFFFFFF;
	(pc) =	sbr.abs _section_cstart, $3  }
0xce: {  	[dreg:$0x1] =	wrdreg $0xFFFFFFFF  }
0xcf: {  	_ =	task.clear_ibuf [dreg:s22], $0x2FFFF;
	_ =	strace $0x9FFFFFFF  }
0xd0: {  	(tm) =	ssettm $0x7FFFFFFF  }
0xd1: {  	_ =	shalt  }
tec
execute0_lowered:
.L_overlay_start_1:
0x0: {  	(tag) =	ssettag $0x1  }
0x1: {  	s1 =	srdreg.scid;
	s0 =	stileid.u32  }
0x2: {  	s30 =	sand.u32 $0x1, s1;
	s23 =	sshll.u32 s0, $0x1  }
0x3: {  	s1 =	sor.u32 s30, s23  }
0x4: {  	s3 =	smul.u32 $0x500, s1  }
0x5: {  	s6 =	rddreg [dreg:$0x0];
	s2 =	simm.s32 $0x0;
	s4 =	smul.u32 $0xA0, s1  }
0x6: {  	[smem:$0x7FF] =	sst s2;
	s16 =	sadd.s32 $0x283C00, s6;
	s1 =	smul.u32 $0x28000, s1  }
0x7: {  	p0 =	slt.u32 s0, $0x8;
	_ =	strace $0x8000004A;
	s3 =	sadd.s32 $0xFFFFB000, s3  }
0x8: {  	s5 =	sadd.s32 s4, s6;
	s1 =	sshrl.u32 s1, $0x3;
	s24 =	sshrl.u32 s3, $0x3  }
0x9: {  	s15 =	sshll.u32 s3, $0x4;
	s31 =	sadd.s32 s1, s6;
	s5 =	sadd.s32 $0x22F600, s5  }
0xa: {  	s4 =	sadd.s32 s24, s6;
	s1 =	sadd.s32 s16, s15;
	s7 =	sadd.s32 $0x233C00, s31  }
0xb: {  	s3 =	sadd.s32 $0x800, s1;
	s4 =	sadd.s32 $0x22EC00, s4;
	s1 =	smov.u32 @p0 s7  }
0xc: {  	s4 =	smov.u32 @p0 s5;
	[dreg:$0x2] =	wrdreg s1;
	s5 =	simm.s32 $0x5  }
0xd: {  	[tilespmem:s2], [sflag:$0x5] =	stream.linear.gather [hbm4b:s4+s2], $0x500, $0x38;
	[tilespmem:$0x8500] =	vst v63  }
0xe: {  	_ =	swait.ge [sflag:s5], $0x500  }
0xf: {  	s8 =	simm.s32 $0x500;
	[sflag:s5] =	ssyncset.done $0x0  }
0x10: {  	s6 =	sadd.s32 $0x8200, s6;
	s7 =	simm.s32 $0x80;
	[sflag:s5] =	ssyncadd.s32 $0xFFFFFB00  }
0x11: {  	[tilespmem:s8], [sflag:$0x1] =	stream.indirect.gather [hbm4b:s6+s7], $0x80, s2, s7, $0xb8;
	[tilespmem:$0x8500] =	vst v63  }
0x12: {  	s9 =	simm.s32 $0x4500;
	s10 =	simm.s32 $0x1  }
0x13: {  	[tilespmem:s9], [sflag:$0x2] =	stream.indirect.gather [hbm4b:s6+s7], $0x80, s7, s7, $0xb8;
	[tilespmem:$0x8500] =	vst v63  }
0x14: {  	_ =	swait.ge [sflag:s10], $0x4000  }
0x15: {  	[sflag:s10] =	ssyncset.done $0x0  }
0x16: {  	s11 =	simm.s32 $0x3;
	s25 =	rddreg [dreg:$0x2];
	[sflag:s10] =	ssyncadd.s32 $0xFFFFC000  }
0x17: {  	[hbm4b:s25+s2] =	stream.linear.scatter [tilespmem:s8], [sflag:$0x3], $0x4000, $0x38;
	[tilespmem:$0x8500] =	vst v63  }
0x18: {  	_ =	swait.ge [sflag:s11], $0x4000  }
0x19: {  	[sflag:s11] =	ssyncset.done $0x0  }
0x1a: {  	s12 =	simm.s32 $0x100;
	s13 =	simm.s32 $0x2;
	[sflag:s11] =	ssyncadd.s32 $0xFFFFC000  }
0x1b: {  	[tilespmem:s8], [sflag:$0x1] =	stream.indirect.gather [hbm4b:s6+s7], $0x80, s12, s7, $0xb8;
	[tilespmem:$0x8500] =	vst v63  }
0x1c: {  	_ =	swait.ge [sflag:s13], $0x4000  }
0x1d: {  	s1 =	sadd.s32 $0x234400, s31;
	[sflag:s13] =	ssyncset.done $0x0  }
0x1e: {  	s14 =	simm.s32 $0x4;
	s3 =	smov.u32 @p0 s1;
	[sflag:s13] =	ssyncadd.s32 $0xFFFFC000  }
0x1f: {  	[hbm4b:s3+s2] =	stream.linear.scatter [tilespmem:s9], [sflag:$0x4], $0x4000, $0x38;
	[tilespmem:$0x8500] =	vst v63  }
0x20: {  	_ =	swait.ge [sflag:s14], $0x4000  }
0x21: {  	[sflag:s14] =	ssyncset.done $0x0  }
0x22: {  	s26 =	sand.u32 $0x1FFFF000, s15;
	s15 =	simm.s32 $0x180;
	[sflag:s14] =	ssyncadd.s32 $0xFFFFC000  }
0x23: {  	[tilespmem:s9], [sflag:$0x2] =	stream.indirect.gather [hbm4b:s6+s7], $0x80, s15, s7, $0xb8;
	[tilespmem:$0x8500] =	vst v63  }
0x24: {  	s1 =	sadd.s32 s16, s26;
	_ =	swait.ge [sflag:s10], $0x4000  }
0x25: {  	s17 =	sadd.s32 $0x234C00, s31;
	s16 =	sadd.s32 $0x1000, s1;
	[sflag:s10] =	ssyncset.done $0x0  }
0x26: {  	s16 =	smov.u32 @p0 s17;
	[sflag:s10] =	ssyncadd.s32 $0xFFFFC000  }
0x27: {  	[hbm4b:s16+s2] =	stream.linear.scatter [tilespmem:s8], [sflag:$0x3], $0x4000, $0x38;
	[tilespmem:$0x8500] =	vst v63  }
0x28: {  	_ =	swait.ge [sflag:s11], $0x4000  }
0x29: {  	[sflag:s11] =	ssyncset.done $0x0  }
0x2a: {  	s17 =	simm.s32 $0x200;
	[sflag:s11] =	ssyncadd.s32 $0xFFFFC000  }
0x2b: {  	[tilespmem:s8], [sflag:$0x1] =	stream.indirect.gather [hbm4b:s6+s7], $0x80, s17, s7, $0xb8;
	[tilespmem:$0x8500] =	vst v63  }
0x2c: {  	_ =	swait.ge [sflag:s13], $0x4000  }
0x2d: {  	s19 =	sadd.s32 $0x235400, s31;
	s18 =	sadd.s32 $0x1800, s1;
	[sflag:s13] =	ssyncset.done $0x0  }
0x2e: {  	s18 =	smov.u32 @p0 s19;
	[sflag:s13] =	ssyncadd.s32 $0xFFFFC000  }
0x2f: {  	[hbm4b:s18+s2] =	stream.linear.scatter [tilespmem:s9], [sflag:$0x4], $0x4000, $0x38;
	[tilespmem:$0x8500] =	vst v63  }
0x30: {  	_ =	swait.ge [sflag:s14], $0x4000  }
0x31: {  	[sflag:s14] =	ssyncset.done $0x0  }
0x32: {  	s19 =	simm.s32 $0x280;
	[sflag:s14] =	ssyncadd.s32 $0xFFFFC000  }
0x33: {  	[tilespmem:s9], [sflag:$0x2] =	stream.indirect.gather [hbm4b:s6+s7], $0x80, s19, s7, $0xb8;
	[tilespmem:$0x8500] =	vst v63  }
0x34: {  	_ =	swait.ge [sflag:s10], $0x4000  }
0x35: {  	s21 =	sadd.s32 $0x235C00, s31;
	s20 =	sadd.s32 $0x2000, s1;
	[sflag:s10] =	ssyncset.done $0x0  }
0x36: {  	s20 =	smov.u32 @p0 s21;
	[sflag:s10] =	ssyncadd.s32 $0xFFFFC000  }
0x37: {  	[hbm4b:s20+s2] =	stream.linear.scatter [tilespmem:s8], [sflag:$0x3], $0x4000, $0x38;
	[tilespmem:$0x8500] =	vst v63  }
0x38: {  	_ =	swait.ge [sflag:s11], $0x4000  }
0x39: {  	[sflag:s11] =	ssyncset.done $0x0  }
0x3a: {  	s21 =	simm.s32 $0x300;
	[sflag:s11] =	ssyncadd.s32 $0xFFFFC000  }
0x3b: {  	[tilespmem:s8], [sflag:$0x1] =	stream.indirect.gather [hbm4b:s6+s7], $0x80, s21, s7, $0xb8;
	[tilespmem:$0x8500] =	vst v63  }
0x3c: {  	_ =	swait.ge [sflag:s13], $0x4000  }
0x3d: {  	s23 =	sadd.s32 $0x236400, s31;
	s22 =	sadd.s32 $0x2800, s1;
	[sflag:s13] =	ssyncset.done $0x0  }
0x3e: {  	s22 =	smov.u32 @p0 s23;
	[sflag:s13] =	ssyncadd.s32 $0xFFFFC000  }
0x3f: {  	[hbm4b:s22+s2] =	stream.linear.scatter [tilespmem:s9], [sflag:$0x4], $0x4000, $0x38;
	[tilespmem:$0x8500] =	vst v63  }
0x40: {  	_ =	swait.ge [sflag:s14], $0x4000  }
0x41: {  	[sflag:s14] =	ssyncset.done $0x0  }
0x42: {  	s23 =	simm.s32 $0x380;
	[sflag:s14] =	ssyncadd.s32 $0xFFFFC000  }
0x43: {  	[tilespmem:s9], [sflag:$0x2] =	stream.indirect.gather [hbm4b:s6+s7], $0x80, s23, s7, $0xb8;
	[tilespmem:$0x8500] =	vst v63  }
0x44: {  	_ =	swait.ge [sflag:s10], $0x4000  }
0x45: {  	s24 =	sadd.s32 $0x3000, s1;
	s25 =	sadd.s32 $0x236C00, s31;
	[sflag:s10] =	ssyncset.done $0x0  }
0x46: {  	s24 =	smov.u32 @p0 s25;
	[sflag:s10] =	ssyncadd.s32 $0xFFFFC000  }
0x47: {  	[hbm4b:s24+s2] =	stream.linear.scatter [tilespmem:s8], [sflag:$0x3], $0x4000, $0x38;
	[tilespmem:$0x8500] =	vst v63  }
0x48: {  	_ =	swait.ge [sflag:s11], $0x4000  }
0x49: {  	[sflag:s11] =	ssyncset.done $0x0  }
0x4a: {  	s25 =	simm.s32 $0x400;
	[sflag:s11] =	ssyncadd.s32 $0xFFFFC000  }
0x4b: {  	[tilespmem:s8], [sflag:$0x1] =	stream.indirect.gather [hbm4b:s6+s7], $0x80, s25, s7, $0xb8;
	[tilespmem:$0x8500] =	vst v63  }
0x4c: {  	_ =	swait.ge [sflag:s13], $0x4000  }
0x4d: {  	s28 =	sadd.s32 $0x237400, s31;
	s26 =	sadd.s32 $0x3800, s1;
	[sflag:s13] =	ssyncset.done $0x0  }
0x4e: {  	s26 =	smov.u32 @p0 s28;
	[sflag:s13] =	ssyncadd.s32 $0xFFFFC000  }
0x4f: {  	[hbm4b:s26+s2] =	stream.linear.scatter [tilespmem:s9], [sflag:$0x4], $0x4000, $0x38;
	[tilespmem:$0x8500] =	vst v63  }
0x50: {  	_ =	swait.ge [sflag:s14], $0x4000  }
0x51: {  	[sflag:s14] =	ssyncset.done $0x0  }
0x52: {  	s28 =	simm.s32 $0x480;
	[sflag:s14] =	ssyncadd.s32 $0xFFFFC000  }
0x53: {  	[tilespmem:s9], [sflag:$0x2] =	stream.indirect.gather [hbm4b:s6+s7], $0x80, s28, s7, $0xb8;
	[tilespmem:$0x8500] =	vst v63  }
0x54: {  	_ =	swait.ge [sflag:s10], $0x4000  }
0x55: {  	s0 =	sadd.s32 $0x237C00, s31;
	s29 =	sadd.s32 $0x4000, s1;
	[sflag:s10] =	ssyncset.done $0x0  }
0x56: {  	s29 =	smov.u32 @p0 s0;
	s0 =	ssub.s32 $0x2, s30;
	[sflag:s10] =	ssyncadd.s32 $0xFFFFC000  }
0x57: {  	[hbm4b:s29+s2] =	stream.linear.scatter [tilespmem:s8], [sflag:$0x3], $0x4000, $0x38;
	[tilespmem:$0x8500] =	vst v63  }
0x58: {  	s30 =	sshrl.u32 s0, $0x1;
	_ =	swait.ge [sflag:s11], $0x4000  }
0x59: {  	s0 =	ssub.s32 s0, s30;
	s30 =	sadd.s32 $0x4800, s1;
	[sflag:s11] =	ssyncset.done $0x0  }
0x5a: {  	s1 =	sadd.s32 $0x238400, s31;
	s0 =	smax.u32 s0, $0x1;
	[sflag:s11] =	ssyncadd.s32 $0xFFFFC000  }
0x5b: {  	s30 =	smov.u32 @p0 s1;
	p0 =	sne.s32 s0, $0x1;
	_ =	swait.ge [sflag:s13], $0x4000  }
.Ltmp0:
0x5c: {  	[sflag:s13] =	ssyncset.done $0x0;
	(pc) =	sbr.rel @!p0 .LBB2_2-.Ltmp0, $4  }
0x5d: {  	[sflag:s13] =	ssyncadd.s32 $0xFFFFC000  }
0x5e: {  	[hbm4b:s30+s2] =	stream.linear.scatter [tilespmem:s9], [sflag:$0x4], $0x4000, $0x38;
	[tilespmem:$0x8500] =	vst v63  }
0x5f: {  	_ =	swait.ge [sflag:s14], $0x4000  }
0x60: {  	s31 =	sadd.s32 $0xFFFFFFFF, s0;
	[sflag:s14] =	ssyncset.done $0x0  }
.LBB2_1:
0x61: {  	[sflag:s14] =	ssyncadd.s32 $0xFFFFC000  }
0x62: {  	[tilespmem:s2], [sflag:$0x5] =	stream.linear.gather [hbm4b:s4+s2], $0x500, $0x38;
	[tilespmem:$0x8500] =	vst v63  }
0x63: {  	_ =	swait.ge [sflag:s5], $0x500  }
0x64: {  	[sflag:s5] =	ssyncset.done $0x0  }
0x65: {  	[sflag:s5] =	ssyncadd.s32 $0xFFFFFB00  }
0x66: {  	[tilespmem:s8], [sflag:$0x1] =	stream.indirect.gather [hbm4b:s6+s7], $0x80, s2, s7, $0xb8;
	[tilespmem:$0x8500] =	vst v63  }
0x67: {  	_ = 	snop  }
0x68: {  	[tilespmem:s9], [sflag:$0x2] =	stream.indirect.gather [hbm4b:s6+s7], $0x80, s7, s7, $0xb8;
	[tilespmem:$0x8500] =	vst v63  }
0x69: {  	_ =	swait.ge [sflag:s10], $0x4000  }
0x6a: {  	[sflag:s10] =	ssyncset.done $0x0  }
0x6b: {  	s0 =	rddreg [dreg:$0x2];
	[sflag:s10] =	ssyncadd.s32 $0xFFFFC000  }
0x6c: {  	[hbm4b:s0+s2] =	stream.linear.scatter [tilespmem:s8], [sflag:$0x3], $0x4000, $0x38;
	[tilespmem:$0x8500] =	vst v63  }
0x6d: {  	_ =	swait.ge [sflag:s11], $0x4000  }
0x6e: {  	[sflag:s11] =	ssyncset.done $0x0  }
0x6f: {  	[sflag:s11] =	ssyncadd.s32 $0xFFFFC000  }
0x70: {  	[tilespmem:s8], [sflag:$0x1] =	stream.indirect.gather [hbm4b:s6+s7], $0x80, s12, s7, $0xb8;
	[tilespmem:$0x8500] =	vst v63  }
0x71: {  	_ =	swait.ge [sflag:s13], $0x4000  }
0x72: {  	[sflag:s13] =	ssyncset.done $0x0  }
0x73: {  	[sflag:s13] =	ssyncadd.s32 $0xFFFFC000  }
0x74: {  	[hbm4b:s3+s2] =	stream.linear.scatter [tilespmem:s9], [sflag:$0x4], $0x4000, $0x38;
	[tilespmem:$0x8500] =	vst v63  }
0x75: {  	_ =	swait.ge [sflag:s14], $0x4000  }
0x76: {  	[sflag:s14] =	ssyncset.done $0x0  }
0x77: {  	[sflag:s14] =	ssyncadd.s32 $0xFFFFC000  }
0x78: {  	[tilespmem:s9], [sflag:$0x2] =	stream.indirect.gather [hbm4b:s6+s7], $0x80, s15, s7, $0xb8;
	[tilespmem:$0x8500] =	vst v63  }
0x79: {  	_ =	swait.ge [sflag:s10], $0x4000  }
0x7a: {  	[sflag:s10] =	ssyncset.done $0x0  }
0x7b: {  	[sflag:s10] =	ssyncadd.s32 $0xFFFFC000  }
0x7c: {  	[hbm4b:s16+s2] =	stream.linear.scatter [tilespmem:s8], [sflag:$0x3], $0x4000, $0x38;
	[tilespmem:$0x8500] =	vst v63  }
0x7d: {  	_ =	swait.ge [sflag:s11], $0x4000  }
0x7e: {  	[sflag:s11] =	ssyncset.done $0x0  }
0x7f: {  	[sflag:s11] =	ssyncadd.s32 $0xFFFFC000  }
0x80: {  	[tilespmem:s8], [sflag:$0x1] =	stream.indirect.gather [hbm4b:s6+s7], $0x80, s17, s7, $0xb8;
	[tilespmem:$0x8500] =	vst v63  }
0x81: {  	_ =	swait.ge [sflag:s13], $0x4000  }
0x82: {  	[sflag:s13] =	ssyncset.done $0x0  }
0x83: {  	[sflag:s13] =	ssyncadd.s32 $0xFFFFC000  }
0x84: {  	[hbm4b:s18+s2] =	stream.linear.scatter [tilespmem:s9], [sflag:$0x4], $0x4000, $0x38;
	[tilespmem:$0x8500] =	vst v63  }
0x85: {  	_ =	swait.ge [sflag:s14], $0x4000  }
0x86: {  	[sflag:s14] =	ssyncset.done $0x0  }
0x87: {  	[sflag:s14] =	ssyncadd.s32 $0xFFFFC000  }
0x88: {  	[tilespmem:s9], [sflag:$0x2] =	stream.indirect.gather [hbm4b:s6+s7], $0x80, s19, s7, $0xb8;
	[tilespmem:$0x8500] =	vst v63  }
0x89: {  	_ =	swait.ge [sflag:s10], $0x4000  }
0x8a: {  	[sflag:s10] =	ssyncset.done $0x0  }
0x8b: {  	[sflag:s10] =	ssyncadd.s32 $0xFFFFC000  }
0x8c: {  	[hbm4b:s20+s2] =	stream.linear.scatter [tilespmem:s8], [sflag:$0x3], $0x4000, $0x38;
	[tilespmem:$0x8500] =	vst v63  }
0x8d: {  	_ =	swait.ge [sflag:s11], $0x4000  }
0x8e: {  	[sflag:s11] =	ssyncset.done $0x0  }
0x8f: {  	[sflag:s11] =	ssyncadd.s32 $0xFFFFC000  }
0x90: {  	[tilespmem:s8], [sflag:$0x1] =	stream.indirect.gather [hbm4b:s6+s7], $0x80, s21, s7, $0xb8;
	[tilespmem:$0x8500] =	vst v63  }
0x91: {  	_ =	swait.ge [sflag:s13], $0x4000  }
0x92: {  	[sflag:s13] =	ssyncset.done $0x0  }
0x93: {  	[sflag:s13] =	ssyncadd.s32 $0xFFFFC000  }
0x94: {  	[hbm4b:s22+s2] =	stream.linear.scatter [tilespmem:s9], [sflag:$0x4], $0x4000, $0x38;
	[tilespmem:$0x8500] =	vst v63  }
0x95: {  	_ =	swait.ge [sflag:s14], $0x4000  }
0x96: {  	[sflag:s14] =	ssyncset.done $0x0  }
0x97: {  	[sflag:s14] =	ssyncadd.s32 $0xFFFFC000  }
0x98: {  	[tilespmem:s9], [sflag:$0x2] =	stream.indirect.gather [hbm4b:s6+s7], $0x80, s23, s7, $0xb8;
	[tilespmem:$0x8500] =	vst v63  }
0x99: {  	_ =	swait.ge [sflag:s10], $0x4000  }
0x9a: {  	[sflag:s10] =	ssyncset.done $0x0  }
0x9b: {  	[sflag:s10] =	ssyncadd.s32 $0xFFFFC000  }
0x9c: {  	[hbm4b:s24+s2] =	stream.linear.scatter [tilespmem:s8], [sflag:$0x3], $0x4000, $0x38;
	[tilespmem:$0x8500] =	vst v63  }
0x9d: {  	_ =	swait.ge [sflag:s11], $0x4000  }
0x9e: {  	[sflag:s11] =	ssyncset.done $0x0  }
0x9f: {  	[sflag:s11] =	ssyncadd.s32 $0xFFFFC000  }
0xa0: {  	[tilespmem:s8], [sflag:$0x1] =	stream.indirect.gather [hbm4b:s6+s7], $0x80, s25, s7, $0xb8;
	[tilespmem:$0x8500] =	vst v63  }
0xa1: {  	_ =	swait.ge [sflag:s13], $0x4000  }
0xa2: {  	[sflag:s13] =	ssyncset.done $0x0  }
0xa3: {  	[sflag:s13] =	ssyncadd.s32 $0xFFFFC000  }
0xa4: {  	[hbm4b:s26+s2] =	stream.linear.scatter [tilespmem:s9], [sflag:$0x4], $0x4000, $0x38;
	[tilespmem:$0x8500] =	vst v63  }
0xa5: {  	_ =	swait.ge [sflag:s14], $0x4000  }
0xa6: {  	[sflag:s14] =	ssyncset.done $0x0  }
0xa7: {  	[sflag:s14] =	ssyncadd.s32 $0xFFFFC000  }
0xa8: {  	[tilespmem:s9], [sflag:$0x2] =	stream.indirect.gather [hbm4b:s6+s7], $0x80, s28, s7, $0xb8;
	[tilespmem:$0x8500] =	vst v63  }
0xa9: {  	_ =	swait.ge [sflag:s10], $0x4000  }
0xaa: {  	[sflag:s10] =	ssyncset.done $0x0  }
0xab: {  	[sflag:s10] =	ssyncadd.s32 $0xFFFFC000  }
0xac: {  	[hbm4b:s29+s2] =	stream.linear.scatter [tilespmem:s8], [sflag:$0x3], $0x4000, $0x38;
	[tilespmem:$0x8500] =	vst v63  }
0xad: {  	_ =	swait.ge [sflag:s11], $0x4000  }
0xae: {  	[sflag:s11] =	ssyncset.done $0x0  }
0xaf: {  	[sflag:s11] =	ssyncadd.s32 $0xFFFFC000  }
0xb0: {  	p0 =	sne.s32 s31, $0x1;
	_ =	swait.ge [sflag:s13], $0x4000  }
.Ltmp1:
0xb1: {  	[sflag:s13] =	ssyncset.done $0x0;
	(pc) =	sbr.rel @p0 .LBB2_1-.Ltmp1, $4  }
0xb2: {  	[sflag:s13] =	ssyncadd.s32 $0xFFFFC000  }
0xb3: {  	[hbm4b:s30+s2] =	stream.linear.scatter [tilespmem:s9], [sflag:$0x4], $0x4000, $0x38;
	[tilespmem:$0x8500] =	vst v63  }
0xb4: {  	_ =	swait.ge [sflag:s14], $0x4000  }
0xb5: {  	s31 =	sadd.s32 $0xFFFFFFFF, s31;
	[sflag:s14] =	ssyncset.done $0x0  }
.LBB2_2:
0xb6: {  	[sflag:s14] =	ssyncadd.s32 $0xFFFFC000  }
0xb7: {  	_ =	sfence.sel $0x180000  }
0xb8: {  	[bflag:$0x0] =	sbarrier.arrive $0xFFFF  }
0xb9: {  	_ =	strace $0x9000004A  }
0xba: {  	s0 =	stileid.u32;
	[bflag:$0x2] =	sbarrier.arrive $0xFFFF  }
0xbb: {  	p0 =	sne.s32 s0, $0x0;
	s0 =	rddreg [dreg:$0x1]  }
0xbc: {  	s0 =	sadd.s32 @!p0 $0x100000, s0  }
0xbd: {  	[sflag:s0] =	ssyncadd.tile.s32 @!p0 $0x1;
	_ =	shalt  }
.Lfunc_end2:
_tile_overlayer_lowered:
.L_overlay_start_2:
0xbe: {  	(tag) =	ssettag $0x2  }
0xbf: {  	s0 =	rddreg [dreg:$0x0];
	s2 =	stileid.u32  }
0xc0: {  	s1 =	rddreg [dreg:$0x1];
	p0 =	sne.s32 s2, $0x0  }
0xc1: {  	s3 =	rddreg [dreg:$0x2];
	[bflag:$0x3] =	sbarrier.arrive $0xFFFF;
	s2 =	simm.s32 @!p0 $0x1C05  }
0xc2: {  	[timem:s3], [sflag:s2] =	dma.local @!p0 [hbm:s0], s1  }
0xc3: {  	s0 =	simm.s32 @!p0 $0x5  }
0xc4: {  	_ =	swait.ge @!p0 [sflag:s0], s1  }
0xc5: {  	s1 =	ssub.s32 @!p0 $0x0, s1;
	[sflag:s0] =	ssyncset.done @!p0 $0x0  }
0xc6: {  	[sflag:s0] =	ssyncadd.s32 @!p0 s1  }
0xc7: {  	[bflag:$0x3] =	sbarrier.arrive $0xFFFF  }
0xc8: {  	_ =	shalt  }

// kernel: kernel.18.cloned.1.call-start
scs
__scs_entry_jumppad:
0x0: {  	(pc) =	sbr.rel $0x88, $3  }
0x1: {  	(tag) =	ssettag $0x0;
	lr =	simm.s32 $0x1  }
0x2: {  	[smem:$0x3F92] =	sst lr;
	_ =	strace $0xD0000000  }
0x3: {  	_ = 	snop  }
0x4: {  	_ = 	snop  }
0x5: {  	_ = 	snop  }
0x6: {  	_ = 	snop  }
0x7: {  	_ = 	snop  }
__scs_overlays_trampoline_lowered:
0x8: {  	[smem:$0x3FA1] =	sst s0  }
0x9: {  	[smem:$0x3FA2] =	sst s1  }
0xa: {  	[smem:$0x3FA3] =	sst s2  }
0xb: {  	[smem:$0x3FA4] =	sst s3  }
0xc: {  	[smem:$0x3FA5] =	sst s4  }
0xd: {  	[smem:$0x3FA6] =	sst s5  }
0xe: {  	[smem:$0x3FA7] =	sst s6  }
0xf: {  	[smem:$0x3FA8] =	sst s7  }
0x10: {  	[smem:$0x3FA9] =	sst s8  }
0x11: {  	[smem:$0x3FAA] =	sst s9;
	s0 =	simm.s32 @!p0 $0x0  }
0x12: {  	s1 =	sld [smem:$0x3F90];
	s0 =	simm.s32 @p0 $0x1  }
0x13: {  	[smem:$0x3FAB] =	sst s0;
	s0 =	simm.s32 @!p1 $0x0  }
0x14: {  	s2 =	sld [smem:$0x3F8F];
	s0 =	simm.s32 @p1 $0x1  }
0x15: {  	[smem:$0x3FAC] =	sst s0;
	s0 =	simm.s32 @!p2 $0x0  }
0x16: {  	s3 =	sld [smem:$0x3FDB];
	s0 =	simm.s32 @p2 $0x1  }
0x17: {  	s4 =	simm.s32 $0x1BF5;
	[smem:$0x3FAE] =	sst s0  }
0x18: {  	s0 =	sld [smem:$0x3F91];
	_ =	swait.ge [sflag:s4], $0x0  }
0x19: {  	s7 =	sld [smem:$0x3F92]  }
0x1a: {  	s8 =	sadd.s32 $0xFFFFE003, lr  }
0x1b: {  	s9 =	sadd.s32 $0xFFFFFEF7, lr;
	s5 =	simm.s32 $0xFFFFFFFF;
	p2 =	slt.u32 s8, $0xFFFFF086  }
0x1c: {  	p1 =	slt.u32 s9, $0xF7A;
	s5 =	simm.s32 @!p2 $0x0  }
0x1d: {  	s5 =	simm.s32 @p1 $0x1;
	p0 =	seq.s32 s7, s2  }
0x1e: {  	s7 =	smul.u32 @!p0 $0xF7A, s2;
	p2 =	seq.s32 @!p0 s5, $0x0  }
0x1f: {  	s9 =	smul.u32 $0xF7A, s1;
	s8 =	simm.s32 @!p0 $0x1BF5;
	p2 =	por !p2, p0  }
0x20: {  	[sflag:s8] =	ssyncset.s32 @!p0 $0xFFFFF086;
	s6 =	sadd.s32 @!p0 s3, s7;
	s7 =	simm.s32 @!p0 $0x108  }
0x21: {  	s3 =	sadd.s32 s3, s9;
	s6 =	sadd.s32 @!p0 $0x88, s6;
	s7 =	simm.s32 @p2 $0x1082  }
0x22: {  	[simem:s7], [sflag:s8] =	dma.local @!p0 [hbm:s6], $0xF7A  }
0x23: {  	s9 =	sor.u32 $0xD0000000, s2;
	s6 =	simm.s32 $0x108;
	_ =	swait.ge @!p0 [sflag:s8], $0x0  }
0x24: {  	s3 =	sadd.s32 $0x88, s3;
	s6 =	simm.s32 @!p1 $0x1082;
	[sflag:s4] =	ssyncset.s32 $0xFFFFF086  }
0x25: {  	[simem:s6], [sflag:s4] =	dma.local [hbm:s3], $0xF7A  }
0x26: {  	[smem:$0x3F92] =	sst s1;
	(tag) =	ssettag s2;
	_ =	strace s9  }
0x27: {  	s1 =	sld [smem:$0x3FA2]  }
0x28: {  	s2 =	sld [smem:$0x3FA3]  }
0x29: {  	s4 =	sld [smem:$0x3FA5]  }
0x2a: {  	p0 =	seq.s32 s5, $0x0;
	s5 =	sld [smem:$0x3FA6]  }
0x2b: {  	s6 =	sld [smem:$0x3FA7]  }
0x2c: {  	s7 =	sld [smem:$0x3FA8]  }
0x2d: {  	s3 =	simm.s32 $0x108;
	s8 =	sld [smem:$0x3FA9]  }
0x2e: {  	s3 =	simm.s32 @!p0 $0x1082;
	s9 =	sld [smem:$0x3FAA]  }
0x2f: {  	lr =	sadd.s32 s0, s3;
	s0 =	sld [smem:$0x3FA1]  }
0x30: {  	s3 =	sld [smem:$0x3FA4]  }
0x31: {  	[smem:$0x3FAD] =	sst s10  }
0x32: {  	s10 =	sld [smem:$0x3FAB];
	_ =	sdelay $0x3  }
0x33: {  	p0 =	seq.s32 s10, $0x1;
	s10 =	sld [smem:$0x3FAD];
	_ =	sdelay $0x3  }
0x34: {  	[smem:$0x3FAD] =	sst s10  }
0x35: {  	s10 =	sld [smem:$0x3FAC];
	_ =	sdelay $0x3  }
0x36: {  	p1 =	seq.s32 s10, $0x1;
	s10 =	sld [smem:$0x3FAD];
	_ =	sdelay $0x3  }
0x37: {  	[smem:$0x3FAD] =	sst s10  }
0x38: {  	s10 =	sld [smem:$0x3FAE]  }
0x39: {  	_ = 	snop;
	(pc) =	sbr.ind lr, $3  }
0x3a: {  	_ = 	snop  }
0x3b: {  	_ = 	snop  }
0x3c: {  	p2 =	seq.s32 s10, $0x1;
	s10 =	sld [smem:$0x3FAD]  }
0x3d: {  	_ =	shalt  }
0x3e: {  	_ =	shalt  }
0x3f: {  	_ =	shalt  }
0x40: {  	_ =	shalt  }
0x41: {  	_ =	shalt  }
0x42: {  	_ =	shalt  }
0x43: {  	_ =	shalt  }
0x44: {  	_ =	shalt  }
0x45: {  	_ =	shalt  }
0x46: {  	_ =	shalt  }
0x47: {  	_ =	shalt  }
0x48: {  	_ =	shalt  }
0x49: {  	_ =	shalt  }
0x4a: {  	_ =	shalt  }
0x4b: {  	_ =	shalt  }
0x4c: {  	_ =	shalt  }
0x4d: {  	_ =	shalt  }
0x4e: {  	_ =	shalt  }
0x4f: {  	_ =	shalt  }
0x50: {  	_ =	shalt  }
0x51: {  	_ =	shalt  }
0x52: {  	_ =	shalt  }
0x53: {  	_ =	shalt  }
0x54: {  	_ =	shalt  }
0x55: {  	_ =	shalt  }
0x56: {  	_ =	shalt  }
0x57: {  	_ =	shalt  }
0x58: {  	_ =	shalt  }
0x59: {  	_ =	shalt  }
0x5a: {  	_ =	shalt  }
0x5b: {  	_ =	shalt  }
0x5c: {  	_ =	shalt  }
0x5d: {  	_ =	shalt  }
0x5e: {  	_ =	shalt  }
0x5f: {  	_ =	shalt  }
0x60: {  	_ =	shalt  }
0x61: {  	_ =	shalt  }
0x62: {  	_ =	shalt  }
0x63: {  	_ =	shalt  }
0x64: {  	_ =	shalt  }
0x65: {  	_ =	shalt  }
0x66: {  	_ =	shalt  }
0x67: {  	_ =	shalt  }
0x68: {  	_ =	shalt  }
0x69: {  	_ =	shalt  }
0x6a: {  	_ =	shalt  }
0x6b: {  	_ =	shalt  }
0x6c: {  	_ =	shalt  }
0x6d: {  	_ =	shalt  }
0x6e: {  	_ =	shalt  }
0x6f: {  	_ =	shalt  }
0x70: {  	_ =	shalt  }
0x71: {  	_ =	shalt  }
0x72: {  	_ =	shalt  }
0x73: {  	_ =	shalt  }
0x74: {  	_ =	shalt  }
0x75: {  	_ =	shalt  }
0x76: {  	_ =	shalt  }
0x77: {  	_ =	shalt  }
0x78: {  	_ =	shalt  }
0x79: {  	_ =	shalt  }
0x7a: {  	_ =	shalt  }
0x7b: {  	_ =	shalt  }
0x7c: {  	_ =	shalt  }
0x7d: {  	_ =	shalt  }
0x7e: {  	_ =	shalt  }
0x7f: {  	_ =	shalt  }
0x80: {  	_ =	shalt  }
0x81: {  	_ =	shalt  }
0x82: {  	_ =	shalt  }
0x83: {  	_ =	shalt  }
0x84: {  	_ =	shalt  }
0x85: {  	_ =	shalt  }
0x86: {  	_ =	shalt  }
0x87: {  	_ =	shalt  }
.Lfunc_end0:
.L_simem_size_0:
called_computation.2_lowered:
.L_overlay_start_0:
0x88: {  	s2 =	sld [smem:$0x3FD9]  }
0x89: {  	s3 =	sld [smem:$0x3FFE];
	_ =	sdelay $0x1  }
0x8a: {  	s1 =	srdreg.scid  }
0x8b: {  	s0 =	sand.u32 $0x1, s1  }
0x8c: {  	s17 =	sshll.u32 s0, $0xA;
	s2 =	sadd.s32 s3, s2  }
0x8d: {  	s2 =	sadd.s32 s2, s17  }
0x8e: {  	[smem:$0x3FB9] =	sst s2  }
0x8f: {  	_ = 	snop  }
0x90: {  	(tm) =	ssettm $0x1  }
0x91: {  	s18 =	sld [smem:$0x3FFB];
	_ =	sdelay $0x3  }
0x92: {  	_ =	strace s18  }
0x93: {  	s2 =	sld [smem:$0x3FFC];
	_ =	sdelay $0x3  }
0x94: {  	_ =	strace s2  }
0x95: {  	s2 =	sld [smem:$0x3FFD];
	_ =	sdelay $0x3  }
0x96: {  	_ =	strace s2  }
0x97: {  	_ =	strace $0x8FFFFFFF  }
0x98: {  	s19 =	sld [smem:$0x3FDB];
	_ =	sdelay $0x1  }
0x99: {  	s20 =	simm.s32 $_scs_section_size  }
0x9a: {  	s4 =	simm.s32 $_size__tile_overlayer_lowered;
	s5 =	simm.s32 $_tile_overlayer_lowered  }
0x9b: {  	s6 =	simm.s32 $0x1BFF;
	s21 =	sshll.u32 s5, $0x1;
	s3 =	sadd.s32 s20, s19  }
0x9c: {  	s22 =	simm.s32 $0x0;
	s4 =	sshll.u32 s4, $0x1;
	s5 =	sadd.s32 s21, s3  }
0x9d: {  	[timem:s22], [sflag:s6] =	dma.local [hbm:s5], s4  }
0x9e: {  	_ =	swait.ge [sflag:s6], s4  }
0x9f: {  	s4 =	ssub.s32 $0x0, s4;
	[sflag:s6] =	ssyncset.done $0x0  }
0xa0: {  	[sflag:s6] =	ssyncadd.s32 s4;
	_ =	sdelay $0x1  }
0xa1: {  	s23 =	simm.s32 $0x1B8B  }
0xa2: {  	_ =	swait.ge [sflag:s23], $0x1  }
0xa3: {  	[sflag:s23] =	ssyncset.done $0x0  }
0xa4: {  	[sflag:s23] =	ssyncadd.s32 $0xFFFFFFFF  }
0xa5: {  	s4 =	sld [smem:$0x0]  }
0xa6: {  	s5 =	sand.u32 $0xFFFFFFFE, s1  }
0xa7: {  	p0 =	sne.s32 s1, s5  }
0xa8: {  	s5 =	sshll.u32 @p0 s5, $0xE  }
0xa9: {  	s5 =	sadd.s32 @p0 $0x11B8D, s5;
	s6 =	sshll.u32 @p0 s4, $0x11  }
0xaa: {  	s5 =	sor.u32 @p0 s6, s5  }
0xab: {  	[sflag:s5] =	ssyncadd.remote.s32 @p0 $0x1;
	_ =	sdelay $0x1  }
0xac: {  	s5 =	simm.s32 @p0 $0x1B8D  }
0xad: {  	_ =	swait.eq @p0 [sflag:s5], $0x1  }
0xae: {  	[sflag:s5] =	ssyncadd.s32 @p0 $0xFFFFFFFF  }
0xaf: {  	s6 =	sshll.u32 @!p0 s1, $0xE  }
0xb0: {  	s6 =	sor.u32 @!p0 $0x4000, s6;
	s5 =	simm.s32 @!p0 $0x1B8D  }
0xb1: {  	s4 =	sshll.u32 @!p0 s4, $0x11;
	s6 =	sadd.s32 @!p0 $0x11B8D, s6;
	_ =	swait.eq @!p0 [sflag:s5], $0x1  }
0xb2: {  	s4 =	sor.u32 @!p0 s4, s6;
	[sflag:s5] =	ssyncadd.s32 @!p0 $0xFFFFFFFF  }
0xb3: {  	s25 =	simm.s32 $0x1B8E;
	s24 =	sld [smem:$0x3FFE];
	[sflag:s4] =	ssyncadd.remote.s32 @!p0 $0x1  }
0xb4: {  	s26 =	simm.s32 $execute0_lowered;
	[smem:$0x3FD2] =	sst s25  }
0xb5: {  	s5 =	sshll.u32 s26, $0x1;
	_ =	strace $0x8000004C;
	[dreg:$0x1] =	wrdreg $0xFFFFFFFF  }
0xb6: {  	s28 =	simm.s32 $_size_execute0_lowered;
	s3 =	sadd.s32 s3, s5;
	[dreg:$0x0] =	wrdreg $0x0  }
0xb7: {  	s5 =	sshll.u32 s28, $0x1;
	[dreg:$0x2] =	wrdreg s3  }
0xb8: {  	[dreg:$0x3] =	wrdreg s5  }
0xb9: {  	[dreg:$0x4] =	wrdreg $0xC0  }
0xba: {  	_ =	task [dreg:s22], $0x5FFFF  }
0xbb: {  	[dreg:$0x1] =	wrdreg $0xFFFFFFFF  }
0xbc: {  	[dreg:$0x0] =	wrdreg $0x60  }
0xbd: {  	[dreg:$0x2] =	wrdreg s24  }
0xbe: {  	[dreg:$0x3] =	wrdreg $0xB  }
0xbf: {  	_ =	task.clear_ibuf [dreg:s22], $0x4FFFF;
	_ =	strace $0x9000004C  }
0xc0: {  	s29 =	simm.s32 $0xB;
	_ =	strace $0x8000004E  }
0xc1: {  	_ =	swait.ge [sflag:s29], $0x1  }
0xc2: {  	[sflag:s29] =	ssyncadd.s32 $0xFFFFFFFF  }
0xc3: {  	_ =	strace $0x9000004E  }
0xc4: {  	_ =	sfence  }
0xc5: {  	s30 =	sld [smem:$0x0];
	_ =	sdelay $0x2  }
0xc6: {  	s31 =	sshll.u32 s1, $0xD;
	s1 =	sshrl.u32 s1, $0x2  }
0xc7: {  	s4 =	sand.u32 $0x4000, s31;
	s1 =	sadd.s32 s1, s30  }
0xc8: {  	s0 =	sor.u32 s4, s0;
	s1 =	sshll.u32 s1, $0x11  }
0xc9: {  	s0 =	sor.u32 s1, s0  }
0xca: {  	s0 =	sadd.s32 $0x8F2B, s0  }
0xcb: {  	[sflag:s0] =	ssyncadd.remote.s32 $0x1  }
0xcc: {  	_ =	sfence.sel $0xFFFF  }
0xcd: {  	[dreg:$0x0] =	wrdreg $0xFFFFFFFF;
	(pc) =	sbr.abs _section_cstart, $3  }
0xce: {  	[dreg:$0x1] =	wrdreg $0xFFFFFFFF  }
0xcf: {  	_ =	task.clear_ibuf [dreg:s22], $0x2FFFF;
	_ =	strace $0x9FFFFFFF  }
0xd0: {  	(tm) =	ssettm $0x7FFFFFFF  }
0xd1: {  	_ =	shalt  }
tec
execute0_lowered:
.L_overlay_start_1:
0x0: {  	(tag) =	ssettag $0x1  }
0x1: {  	s1 =	srdreg.scid;
	s0 =	stileid.u32  }
0x2: {  	s30 =	sand.u32 $0x1, s1;
	s23 =	sshll.u32 s0, $0x1  }
0x3: {  	s1 =	sor.u32 s30, s23  }
0x4: {  	s3 =	smul.u32 $0x500, s1  }
0x5: {  	s6 =	rddreg [dreg:$0x0];
	s2 =	simm.s32 $0x0;
	s4 =	smul.u32 $0xA0, s1  }
0x6: {  	[smem:$0x7FF] =	sst s2;
	s16 =	sadd.s32 $0x323C00, s6;
	s1 =	smul.u32 $0x28000, s1  }
0x7: {  	p0 =	slt.u32 s0, $0x8;
	_ =	strace $0x8000004D;
	s3 =	sadd.s32 $0xFFFFB000, s3  }
0x8: {  	s5 =	sadd.s32 s4, s6;
	s1 =	sshrl.u32 s1, $0x3;
	s24 =	sshrl.u32 s3, $0x3  }
0x9: {  	s15 =	sshll.u32 s3, $0x4;
	s31 =	sadd.s32 s1, s6;
	s5 =	sadd.s32 $0x230A00, s5  }
0xa: {  	s4 =	sadd.s32 s24, s6;
	s1 =	sadd.s32 s16, s15;
	s7 =	sadd.s32 $0x2D3C00, s31  }
0xb: {  	s3 =	sadd.s32 $0x800, s1;
	s4 =	sadd.s32 $0x230000, s4;
	s1 =	smov.u32 @p0 s7  }
0xc: {  	s4 =	smov.u32 @p0 s5;
	[dreg:$0x2] =	wrdreg s1;
	s5 =	simm.s32 $0x5  }
0xd: {  	[tilespmem:s2], [sflag:$0x5] =	stream.linear.gather [hbm4b:s4+s2], $0x500, $0x38;
	[tilespmem:$0x8500] =	vst v63  }
0xe: {  	_ =	swait.ge [sflag:s5], $0x500  }
0xf: {  	s8 =	simm.s32 $0x500;
	[sflag:s5] =	ssyncset.done $0x0  }
0x10: {  	s6 =	sadd.s32 $0x8200, s6;
	s7 =	simm.s32 $0x80;
	[sflag:s5] =	ssyncadd.s32 $0xFFFFFB00  }
0x11: {  	[tilespmem:s8], [sflag:$0x1] =	stream.indirect.gather [hbm4b:s6+s7], $0x80, s2, s7, $0xb8;
	[tilespmem:$0x8500] =	vst v63  }
0x12: {  	s9 =	simm.s32 $0x4500;
	s10 =	simm.s32 $0x1  }
0x13: {  	[tilespmem:s9], [sflag:$0x2] =	stream.indirect.gather [hbm4b:s6+s7], $0x80, s7, s7, $0xb8;
	[tilespmem:$0x8500] =	vst v63  }
0x14: {  	_ =	swait.ge [sflag:s10], $0x4000  }
0x15: {  	[sflag:s10] =	ssyncset.done $0x0  }
0x16: {  	s11 =	simm.s32 $0x3;
	s25 =	rddreg [dreg:$0x2];
	[sflag:s10] =	ssyncadd.s32 $0xFFFFC000  }
0x17: {  	[hbm4b:s25+s2] =	stream.linear.scatter [tilespmem:s8], [sflag:$0x3], $0x4000, $0x38;
	[tilespmem:$0x8500] =	vst v63  }
0x18: {  	_ =	swait.ge [sflag:s11], $0x4000  }
0x19: {  	[sflag:s11] =	ssyncset.done $0x0  }
0x1a: {  	s12 =	simm.s32 $0x100;
	s13 =	simm.s32 $0x2;
	[sflag:s11] =	ssyncadd.s32 $0xFFFFC000  }
0x1b: {  	[tilespmem:s8], [sflag:$0x1] =	stream.indirect.gather [hbm4b:s6+s7], $0x80, s12, s7, $0xb8;
	[tilespmem:$0x8500] =	vst v63  }
0x1c: {  	_ =	swait.ge [sflag:s13], $0x4000  }
0x1d: {  	s1 =	sadd.s32 $0x2D4400, s31;
	[sflag:s13] =	ssyncset.done $0x0  }
0x1e: {  	s14 =	simm.s32 $0x4;
	s3 =	smov.u32 @p0 s1;
	[sflag:s13] =	ssyncadd.s32 $0xFFFFC000  }
0x1f: {  	[hbm4b:s3+s2] =	stream.linear.scatter [tilespmem:s9], [sflag:$0x4], $0x4000, $0x38;
	[tilespmem:$0x8500] =	vst v63  }
0x20: {  	_ =	swait.ge [sflag:s14], $0x4000  }
0x21: {  	[sflag:s14] =	ssyncset.done $0x0  }
0x22: {  	s26 =	sand.u32 $0x1FFFF000, s15;
	s15 =	simm.s32 $0x180;
	[sflag:s14] =	ssyncadd.s32 $0xFFFFC000  }
0x23: {  	[tilespmem:s9], [sflag:$0x2] =	stream.indirect.gather [hbm4b:s6+s7], $0x80, s15, s7, $0xb8;
	[tilespmem:$0x8500] =	vst v63  }
0x24: {  	s1 =	sadd.s32 s16, s26;
	_ =	swait.ge [sflag:s10], $0x4000  }
0x25: {  	s17 =	sadd.s32 $0x2D4C00, s31;
	s16 =	sadd.s32 $0x1000, s1;
	[sflag:s10] =	ssyncset.done $0x0  }
0x26: {  	s16 =	smov.u32 @p0 s17;
	[sflag:s10] =	ssyncadd.s32 $0xFFFFC000  }
0x27: {  	[hbm4b:s16+s2] =	stream.linear.scatter [tilespmem:s8], [sflag:$0x3], $0x4000, $0x38;
	[tilespmem:$0x8500] =	vst v63  }
0x28: {  	_ =	swait.ge [sflag:s11], $0x4000  }
0x29: {  	[sflag:s11] =	ssyncset.done $0x0  }
0x2a: {  	s17 =	simm.s32 $0x200;
	[sflag:s11] =	ssyncadd.s32 $0xFFFFC000  }
0x2b: {  	[tilespmem:s8], [sflag:$0x1] =	stream.indirect.gather [hbm4b:s6+s7], $0x80, s17, s7, $0xb8;
	[tilespmem:$0x8500] =	vst v63  }
0x2c: {  	_ =	swait.ge [sflag:s13], $0x4000  }
0x2d: {  	s19 =	sadd.s32 $0x2D5400, s31;
	s18 =	sadd.s32 $0x1800, s1;
	[sflag:s13] =	ssyncset.done $0x0  }
0x2e: {  	s18 =	smov.u32 @p0 s19;
	[sflag:s13] =	ssyncadd.s32 $0xFFFFC000  }
0x2f: {  	[hbm4b:s18+s2] =	stream.linear.scatter [tilespmem:s9], [sflag:$0x4], $0x4000, $0x38;
	[tilespmem:$0x8500] =	vst v63  }
0x30: {  	_ =	swait.ge [sflag:s14], $0x4000  }
0x31: {  	[sflag:s14] =	ssyncset.done $0x0  }
0x32: {  	s19 =	simm.s32 $0x280;
	[sflag:s14] =	ssyncadd.s32 $0xFFFFC000  }
0x33: {  	[tilespmem:s9], [sflag:$0x2] =	stream.indirect.gather [hbm4b:s6+s7], $0x80, s19, s7, $0xb8;
	[tilespmem:$0x8500] =	vst v63  }
0x34: {  	_ =	swait.ge [sflag:s10], $0x4000  }
0x35: {  	s21 =	sadd.s32 $0x2D5C00, s31;
	s20 =	sadd.s32 $0x2000, s1;
	[sflag:s10] =	ssyncset.done $0x0  }
0x36: {  	s20 =	smov.u32 @p0 s21;
	[sflag:s10] =	ssyncadd.s32 $0xFFFFC000  }
0x37: {  	[hbm4b:s20+s2] =	stream.linear.scatter [tilespmem:s8], [sflag:$0x3], $0x4000, $0x38;
	[tilespmem:$0x8500] =	vst v63  }
0x38: {  	_ =	swait.ge [sflag:s11], $0x4000  }
0x39: {  	[sflag:s11] =	ssyncset.done $0x0  }
0x3a: {  	s21 =	simm.s32 $0x300;
	[sflag:s11] =	ssyncadd.s32 $0xFFFFC000  }
0x3b: {  	[tilespmem:s8], [sflag:$0x1] =	stream.indirect.gather [hbm4b:s6+s7], $0x80, s21, s7, $0xb8;
	[tilespmem:$0x8500] =	vst v63  }
0x3c: {  	_ =	swait.ge [sflag:s13], $0x4000  }
0x3d: {  	s23 =	sadd.s32 $0x2D6400, s31;
	s22 =	sadd.s32 $0x2800, s1;
	[sflag:s13] =	ssyncset.done $0x0  }
0x3e: {  	s22 =	smov.u32 @p0 s23;
	[sflag:s13] =	ssyncadd.s32 $0xFFFFC000  }
0x3f: {  	[hbm4b:s22+s2] =	stream.linear.scatter [tilespmem:s9], [sflag:$0x4], $0x4000, $0x38;
	[tilespmem:$0x8500] =	vst v63  }
0x40: {  	_ =	swait.ge [sflag:s14], $0x4000  }
0x41: {  	[sflag:s14] =	ssyncset.done $0x0  }
0x42: {  	s23 =	simm.s32 $0x380;
	[sflag:s14] =	ssyncadd.s32 $0xFFFFC000  }
0x43: {  	[tilespmem:s9], [sflag:$0x2] =	stream.indirect.gather [hbm4b:s6+s7], $0x80, s23, s7, $0xb8;
	[tilespmem:$0x8500] =	vst v63  }
0x44: {  	_ =	swait.ge [sflag:s10], $0x4000  }
0x45: {  	s24 =	sadd.s32 $0x3000, s1;
	s25 =	sadd.s32 $0x2D6C00, s31;
	[sflag:s10] =	ssyncset.done $0x0  }
0x46: {  	s24 =	smov.u32 @p0 s25;
	[sflag:s10] =	ssyncadd.s32 $0xFFFFC000  }
0x47: {  	[hbm4b:s24+s2] =	stream.linear.scatter [tilespmem:s8], [sflag:$0x3], $0x4000, $0x38;
	[tilespmem:$0x8500] =	vst v63  }
0x48: {  	_ =	swait.ge [sflag:s11], $0x4000  }
0x49: {  	[sflag:s11] =	ssyncset.done $0x0  }
0x4a: {  	s25 =	simm.s32 $0x400;
	[sflag:s11] =	ssyncadd.s32 $0xFFFFC000  }
0x4b: {  	[tilespmem:s8], [sflag:$0x1] =	stream.indirect.gather [hbm4b:s6+s7], $0x80, s25, s7, $0xb8;
	[tilespmem:$0x8500] =	vst v63  }
0x4c: {  	_ =	swait.ge [sflag:s13], $0x4000  }
0x4d: {  	s28 =	sadd.s32 $0x2D7400, s31;
	s26 =	sadd.s32 $0x3800, s1;
	[sflag:s13] =	ssyncset.done $0x0  }
0x4e: {  	s26 =	smov.u32 @p0 s28;
	[sflag:s13] =	ssyncadd.s32 $0xFFFFC000  }
0x4f: {  	[hbm4b:s26+s2] =	stream.linear.scatter [tilespmem:s9], [sflag:$0x4], $0x4000, $0x38;
	[tilespmem:$0x8500] =	vst v63  }
0x50: {  	_ =	swait.ge [sflag:s14], $0x4000  }
0x51: {  	[sflag:s14] =	ssyncset.done $0x0  }
0x52: {  	s28 =	simm.s32 $0x480;
	[sflag:s14] =	ssyncadd.s32 $0xFFFFC000  }
0x53: {  	[tilespmem:s9], [sflag:$0x2] =	stream.indirect.gather [hbm4b:s6+s7], $0x80, s28, s7, $0xb8;
	[tilespmem:$0x8500] =	vst v63  }
0x54: {  	_ =	swait.ge [sflag:s10], $0x4000  }
0x55: {  	s0 =	sadd.s32 $0x2D7C00, s31;
	s29 =	sadd.s32 $0x4000, s1;
	[sflag:s10] =	ssyncset.done $0x0  }
0x56: {  	s29 =	smov.u32 @p0 s0;
	s0 =	ssub.s32 $0x2, s30;
	[sflag:s10] =	ssyncadd.s32 $0xFFFFC000  }
0x57: {  	[hbm4b:s29+s2] =	stream.linear.scatter [tilespmem:s8], [sflag:$0x3], $0x4000, $0x38;
	[tilespmem:$0x8500] =	vst v63  }
0x58: {  	s30 =	sshrl.u32 s0, $0x1;
	_ =	swait.ge [sflag:s11], $0x4000  }
0x59: {  	s0 =	ssub.s32 s0, s30;
	s30 =	sadd.s32 $0x4800, s1;
	[sflag:s11] =	ssyncset.done $0x0  }
0x5a: {  	s1 =	sadd.s32 $0x2D8400, s31;
	s0 =	smax.u32 s0, $0x1;
	[sflag:s11] =	ssyncadd.s32 $0xFFFFC000  }
0x5b: {  	s30 =	smov.u32 @p0 s1;
	p0 =	sne.s32 s0, $0x1;
	_ =	swait.ge [sflag:s13], $0x4000  }
.Ltmp0:
0x5c: {  	[sflag:s13] =	ssyncset.done $0x0;
	(pc) =	sbr.rel @!p0 .LBB2_2-.Ltmp0, $4  }
0x5d: {  	[sflag:s13] =	ssyncadd.s32 $0xFFFFC000  }
0x5e: {  	[hbm4b:s30+s2] =	stream.linear.scatter [tilespmem:s9], [sflag:$0x4], $0x4000, $0x38;
	[tilespmem:$0x8500] =	vst v63  }
0x5f: {  	_ =	swait.ge [sflag:s14], $0x4000  }
0x60: {  	s31 =	sadd.s32 $0xFFFFFFFF, s0;
	[sflag:s14] =	ssyncset.done $0x0  }
.LBB2_1:
0x61: {  	[sflag:s14] =	ssyncadd.s32 $0xFFFFC000  }
0x62: {  	[tilespmem:s2], [sflag:$0x5] =	stream.linear.gather [hbm4b:s4+s2], $0x500, $0x38;
	[tilespmem:$0x8500] =	vst v63  }
0x63: {  	_ =	swait.ge [sflag:s5], $0x500  }
0x64: {  	[sflag:s5] =	ssyncset.done $0x0  }
0x65: {  	[sflag:s5] =	ssyncadd.s32 $0xFFFFFB00  }
0x66: {  	[tilespmem:s8], [sflag:$0x1] =	stream.indirect.gather [hbm4b:s6+s7], $0x80, s2, s7, $0xb8;
	[tilespmem:$0x8500] =	vst v63  }
0x67: {  	_ = 	snop  }
0x68: {  	[tilespmem:s9], [sflag:$0x2] =	stream.indirect.gather [hbm4b:s6+s7], $0x80, s7, s7, $0xb8;
	[tilespmem:$0x8500] =	vst v63  }
0x69: {  	_ =	swait.ge [sflag:s10], $0x4000  }
0x6a: {  	[sflag:s10] =	ssyncset.done $0x0  }
0x6b: {  	s0 =	rddreg [dreg:$0x2];
	[sflag:s10] =	ssyncadd.s32 $0xFFFFC000  }
0x6c: {  	[hbm4b:s0+s2] =	stream.linear.scatter [tilespmem:s8], [sflag:$0x3], $0x4000, $0x38;
	[tilespmem:$0x8500] =	vst v63  }
0x6d: {  	_ =	swait.ge [sflag:s11], $0x4000  }
0x6e: {  	[sflag:s11] =	ssyncset.done $0x0  }
0x6f: {  	[sflag:s11] =	ssyncadd.s32 $0xFFFFC000  }
0x70: {  	[tilespmem:s8], [sflag:$0x1] =	stream.indirect.gather [hbm4b:s6+s7], $0x80, s12, s7, $0xb8;
	[tilespmem:$0x8500] =	vst v63  }
0x71: {  	_ =	swait.ge [sflag:s13], $0x4000  }
0x72: {  	[sflag:s13] =	ssyncset.done $0x0  }
0x73: {  	[sflag:s13] =	ssyncadd.s32 $0xFFFFC000  }
0x74: {  	[hbm4b:s3+s2] =	stream.linear.scatter [tilespmem:s9], [sflag:$0x4], $0x4000, $0x38;
	[tilespmem:$0x8500] =	vst v63  }
0x75: {  	_ =	swait.ge [sflag:s14], $0x4000  }
0x76: {  	[sflag:s14] =	ssyncset.done $0x0  }
0x77: {  	[sflag:s14] =	ssyncadd.s32 $0xFFFFC000  }
0x78: {  	[tilespmem:s9], [sflag:$0x2] =	stream.indirect.gather [hbm4b:s6+s7], $0x80, s15, s7, $0xb8;
	[tilespmem:$0x8500] =	vst v63  }
0x79: {  	_ =	swait.ge [sflag:s10], $0x4000  }
0x7a: {  	[sflag:s10] =	ssyncset.done $0x0  }
0x7b: {  	[sflag:s10] =	ssyncadd.s32 $0xFFFFC000  }
0x7c: {  	[hbm4b:s16+s2] =	stream.linear.scatter [tilespmem:s8], [sflag:$0x3], $0x4000, $0x38;
	[tilespmem:$0x8500] =	vst v63  }
0x7d: {  	_ =	swait.ge [sflag:s11], $0x4000  }
0x7e: {  	[sflag:s11] =	ssyncset.done $0x0  }
0x7f: {  	[sflag:s11] =	ssyncadd.s32 $0xFFFFC000  }
0x80: {  	[tilespmem:s8], [sflag:$0x1] =	stream.indirect.gather [hbm4b:s6+s7], $0x80, s17, s7, $0xb8;
	[tilespmem:$0x8500] =	vst v63  }
0x81: {  	_ =	swait.ge [sflag:s13], $0x4000  }
0x82: {  	[sflag:s13] =	ssyncset.done $0x0  }
0x83: {  	[sflag:s13] =	ssyncadd.s32 $0xFFFFC000  }
0x84: {  	[hbm4b:s18+s2] =	stream.linear.scatter [tilespmem:s9], [sflag:$0x4], $0x4000, $0x38;
	[tilespmem:$0x8500] =	vst v63  }
0x85: {  	_ =	swait.ge [sflag:s14], $0x4000  }
0x86: {  	[sflag:s14] =	ssyncset.done $0x0  }
0x87: {  	[sflag:s14] =	ssyncadd.s32 $0xFFFFC000  }
0x88: {  	[tilespmem:s9], [sflag:$0x2] =	stream.indirect.gather [hbm4b:s6+s7], $0x80, s19, s7, $0xb8;
	[tilespmem:$0x8500] =	vst v63  }
0x89: {  	_ =	swait.ge [sflag:s10], $0x4000  }
0x8a: {  	[sflag:s10] =	ssyncset.done $0x0  }
0x8b: {  	[sflag:s10] =	ssyncadd.s32 $0xFFFFC000  }
0x8c: {  	[hbm4b:s20+s2] =	stream.linear.scatter [tilespmem:s8], [sflag:$0x3], $0x4000, $0x38;
	[tilespmem:$0x8500] =	vst v63  }
0x8d: {  	_ =	swait.ge [sflag:s11], $0x4000  }
0x8e: {  	[sflag:s11] =	ssyncset.done $0x0  }
0x8f: {  	[sflag:s11] =	ssyncadd.s32 $0xFFFFC000  }
0x90: {  	[tilespmem:s8], [sflag:$0x1] =	stream.indirect.gather [hbm4b:s6+s7], $0x80, s21, s7, $0xb8;
	[tilespmem:$0x8500] =	vst v63  }
0x91: {  	_ =	swait.ge [sflag:s13], $0x4000  }
0x92: {  	[sflag:s13] =	ssyncset.done $0x0  }
0x93: {  	[sflag:s13] =	ssyncadd.s32 $0xFFFFC000  }
0x94: {  	[hbm4b:s22+s2] =	stream.linear.scatter [tilespmem:s9], [sflag:$0x4], $0x4000, $0x38;
	[tilespmem:$0x8500] =	vst v63  }
0x95: {  	_ =	swait.ge [sflag:s14], $0x4000  }
0x96: {  	[sflag:s14] =	ssyncset.done $0x0  }
0x97: {  	[sflag:s14] =	ssyncadd.s32 $0xFFFFC000  }
0x98: {  	[tilespmem:s9], [sflag:$0x2] =	stream.indirect.gather [hbm4b:s6+s7], $0x80, s23, s7, $0xb8;
	[tilespmem:$0x8500] =	vst v63  }
0x99: {  	_ =	swait.ge [sflag:s10], $0x4000  }
0x9a: {  	[sflag:s10] =	ssyncset.done $0x0  }
0x9b: {  	[sflag:s10] =	ssyncadd.s32 $0xFFFFC000  }
0x9c: {  	[hbm4b:s24+s2] =	stream.linear.scatter [tilespmem:s8], [sflag:$0x3], $0x4000, $0x38;
	[tilespmem:$0x8500] =	vst v63  }
0x9d: {  	_ =	swait.ge [sflag:s11], $0x4000  }
0x9e: {  	[sflag:s11] =	ssyncset.done $0x0  }
0x9f: {  	[sflag:s11] =	ssyncadd.s32 $0xFFFFC000  }
0xa0: {  	[tilespmem:s8], [sflag:$0x1] =	stream.indirect.gather [hbm4b:s6+s7], $0x80, s25, s7, $0xb8;
	[tilespmem:$0x8500] =	vst v63  }
0xa1: {  	_ =	swait.ge [sflag:s13], $0x4000  }
0xa2: {  	[sflag:s13] =	ssyncset.done $0x0  }
0xa3: {  	[sflag:s13] =	ssyncadd.s32 $0xFFFFC000  }
0xa4: {  	[hbm4b:s26+s2] =	stream.linear.scatter [tilespmem:s9], [sflag:$0x4], $0x4000, $0x38;
	[tilespmem:$0x8500] =	vst v63  }
0xa5: {  	_ =	swait.ge [sflag:s14], $0x4000  }
0xa6: {  	[sflag:s14] =	ssyncset.done $0x0  }
0xa7: {  	[sflag:s14] =	ssyncadd.s32 $0xFFFFC000  }
0xa8: {  	[tilespmem:s9], [sflag:$0x2] =	stream.indirect.gather [hbm4b:s6+s7], $0x80, s28, s7, $0xb8;
	[tilespmem:$0x8500] =	vst v63  }
0xa9: {  	_ =	swait.ge [sflag:s10], $0x4000  }
0xaa: {  	[sflag:s10] =	ssyncset.done $0x0  }
0xab: {  	[sflag:s10] =	ssyncadd.s32 $0xFFFFC000  }
0xac: {  	[hbm4b:s29+s2] =	stream.linear.scatter [tilespmem:s8], [sflag:$0x3], $0x4000, $0x38;
	[tilespmem:$0x8500] =	vst v63  }
0xad: {  	_ =	swait.ge [sflag:s11], $0x4000  }
0xae: {  	[sflag:s11] =	ssyncset.done $0x0  }
0xaf: {  	[sflag:s11] =	ssyncadd.s32 $0xFFFFC000  }
0xb0: {  	p0 =	sne.s32 s31, $0x1;
	_ =	swait.ge [sflag:s13], $0x4000  }
.Ltmp1:
0xb1: {  	[sflag:s13] =	ssyncset.done $0x0;
	(pc) =	sbr.rel @p0 .LBB2_1-.Ltmp1, $4  }
0xb2: {  	[sflag:s13] =	ssyncadd.s32 $0xFFFFC000  }
0xb3: {  	[hbm4b:s30+s2] =	stream.linear.scatter [tilespmem:s9], [sflag:$0x4], $0x4000, $0x38;
	[tilespmem:$0x8500] =	vst v63  }
0xb4: {  	_ =	swait.ge [sflag:s14], $0x4000  }
0xb5: {  	s31 =	sadd.s32 $0xFFFFFFFF, s31;
	[sflag:s14] =	ssyncset.done $0x0  }
.LBB2_2:
0xb6: {  	[sflag:s14] =	ssyncadd.s32 $0xFFFFC000  }
0xb7: {  	_ =	sfence.sel $0x180000  }
0xb8: {  	[bflag:$0x0] =	sbarrier.arrive $0xFFFF  }
0xb9: {  	_ =	strace $0x9000004D  }
0xba: {  	s0 =	stileid.u32;
	[bflag:$0x2] =	sbarrier.arrive $0xFFFF  }
0xbb: {  	p0 =	sne.s32 s0, $0x0;
	s0 =	rddreg [dreg:$0x1]  }
0xbc: {  	s0 =	sadd.s32 @!p0 $0x100000, s0  }
0xbd: {  	[sflag:s0] =	ssyncadd.tile.s32 @!p0 $0x1;
	_ =	shalt  }
.Lfunc_end2:
_tile_overlayer_lowered:
.L_overlay_start_2:
0xbe: {  	(tag) =	ssettag $0x2  }
0xbf: {  	s0 =	rddreg [dreg:$0x0];
	s2 =	stileid.u32  }
0xc0: {  	s1 =	rddreg [dreg:$0x1];
	p0 =	sne.s32 s2, $0x0  }
0xc1: {  	s3 =	rddreg [dreg:$0x2];
	[bflag:$0x3] =	sbarrier.arrive $0xFFFF;
	s2 =	simm.s32 @!p0 $0x1C05  }
0xc2: {  	[timem:s3], [sflag:s2] =	dma.local @!p0 [hbm:s0], s1  }
0xc3: {  	s0 =	simm.s32 @!p0 $0x5  }
0xc4: {  	_ =	swait.ge @!p0 [sflag:s0], s1  }
0xc5: {  	s1 =	ssub.s32 @!p0 $0x0, s1;
	[sflag:s0] =	ssyncset.done @!p0 $0x0  }
0xc6: {  	[sflag:s0] =	ssyncadd.s32 @!p0 s1  }
0xc7: {  	[bflag:$0x3] =	sbarrier.arrive $0xFFFF  }
0xc8: {  	_ =	shalt  }

// kernel: kernel.21.cloned.1.call-start
scs
__scs_entry_jumppad:
0x0: {  	(pc) =	sbr.rel $0x88, $3  }
0x1: {  	(tag) =	ssettag $0x0;
	lr =	simm.s32 $0x1  }
0x2: {  	[smem:$0x3F92] =	sst lr;
	_ =	strace $0xD0000000  }
0x3: {  	_ = 	snop  }
0x4: {  	_ = 	snop  }
0x5: {  	_ = 	snop  }
0x6: {  	_ = 	snop  }
0x7: {  	_ = 	snop  }
__scs_overlays_trampoline_lowered:
0x8: {  	[smem:$0x3FA1] =	sst s0  }
0x9: {  	[smem:$0x3FA2] =	sst s1  }
0xa: {  	[smem:$0x3FA3] =	sst s2  }
0xb: {  	[smem:$0x3FA4] =	sst s3  }
0xc: {  	[smem:$0x3FA5] =	sst s4  }
0xd: {  	[smem:$0x3FA6] =	sst s5  }
0xe: {  	[smem:$0x3FA7] =	sst s6  }
0xf: {  	[smem:$0x3FA8] =	sst s7  }
0x10: {  	[smem:$0x3FA9] =	sst s8  }
0x11: {  	[smem:$0x3FAA] =	sst s9;
	s0 =	simm.s32 @!p0 $0x0  }
0x12: {  	s1 =	sld [smem:$0x3F90];
	s0 =	simm.s32 @p0 $0x1  }
0x13: {  	[smem:$0x3FAB] =	sst s0;
	s0 =	simm.s32 @!p1 $0x0  }
0x14: {  	s2 =	sld [smem:$0x3F8F];
	s0 =	simm.s32 @p1 $0x1  }
0x15: {  	[smem:$0x3FAC] =	sst s0;
	s0 =	simm.s32 @!p2 $0x0  }
0x16: {  	s3 =	sld [smem:$0x3FDB];
	s0 =	simm.s32 @p2 $0x1  }
0x17: {  	s4 =	simm.s32 $0x1BF5;
	[smem:$0x3FAE] =	sst s0  }
0x18: {  	s0 =	sld [smem:$0x3F91];
	_ =	swait.ge [sflag:s4], $0x0  }
0x19: {  	s7 =	sld [smem:$0x3F92]  }
0x1a: {  	s8 =	sadd.s32 $0xFFFFE003, lr  }
0x1b: {  	s9 =	sadd.s32 $0xFFFFFEF7, lr;
	s5 =	simm.s32 $0xFFFFFFFF;
	p2 =	slt.u32 s8, $0xFFFFF086  }
0x1c: {  	p1 =	slt.u32 s9, $0xF7A;
	s5 =	simm.s32 @!p2 $0x0  }
0x1d: {  	s5 =	simm.s32 @p1 $0x1;
	p0 =	seq.s32 s7, s2  }
0x1e: {  	s7 =	smul.u32 @!p0 $0xF7A, s2;
	p2 =	seq.s32 @!p0 s5, $0x0  }
0x1f: {  	s9 =	smul.u32 $0xF7A, s1;
	s8 =	simm.s32 @!p0 $0x1BF5;
	p2 =	por !p2, p0  }
0x20: {  	[sflag:s8] =	ssyncset.s32 @!p0 $0xFFFFF086;
	s6 =	sadd.s32 @!p0 s3, s7;
	s7 =	simm.s32 @!p0 $0x108  }
0x21: {  	s3 =	sadd.s32 s3, s9;
	s6 =	sadd.s32 @!p0 $0x88, s6;
	s7 =	simm.s32 @p2 $0x1082  }
0x22: {  	[simem:s7], [sflag:s8] =	dma.local @!p0 [hbm:s6], $0xF7A  }
0x23: {  	s9 =	sor.u32 $0xD0000000, s2;
	s6 =	simm.s32 $0x108;
	_ =	swait.ge @!p0 [sflag:s8], $0x0  }
0x24: {  	s3 =	sadd.s32 $0x88, s3;
	s6 =	simm.s32 @!p1 $0x1082;
	[sflag:s4] =	ssyncset.s32 $0xFFFFF086  }
0x25: {  	[simem:s6], [sflag:s4] =	dma.local [hbm:s3], $0xF7A  }
0x26: {  	[smem:$0x3F92] =	sst s1;
	(tag) =	ssettag s2;
	_ =	strace s9  }
0x27: {  	s1 =	sld [smem:$0x3FA2]  }
0x28: {  	s2 =	sld [smem:$0x3FA3]  }
0x29: {  	s4 =	sld [smem:$0x3FA5]  }
0x2a: {  	p0 =	seq.s32 s5, $0x0;
	s5 =	sld [smem:$0x3FA6]  }
0x2b: {  	s6 =	sld [smem:$0x3FA7]  }
0x2c: {  	s7 =	sld [smem:$0x3FA8]  }
0x2d: {  	s3 =	simm.s32 $0x108;
	s8 =	sld [smem:$0x3FA9]  }
0x2e: {  	s3 =	simm.s32 @!p0 $0x1082;
	s9 =	sld [smem:$0x3FAA]  }
0x2f: {  	lr =	sadd.s32 s0, s3;
	s0 =	sld [smem:$0x3FA1]  }
0x30: {  	s3 =	sld [smem:$0x3FA4]  }
0x31: {  	[smem:$0x3FAD] =	sst s10  }
0x32: {  	s10 =	sld [smem:$0x3FAB];
	_ =	sdelay $0x3  }
0x33: {  	p0 =	seq.s32 s10, $0x1;
	s10 =	sld [smem:$0x3FAD];
	_ =	sdelay $0x3  }
0x34: {  	[smem:$0x3FAD] =	sst s10  }
0x35: {  	s10 =	sld [smem:$0x3FAC];
	_ =	sdelay $0x3  }
0x36: {  	p1 =	seq.s32 s10, $0x1;
	s10 =	sld [smem:$0x3FAD];
	_ =	sdelay $0x3  }
0x37: {  	[smem:$0x3FAD] =	sst s10  }
0x38: {  	s10 =	sld [smem:$0x3FAE]  }
0x39: {  	_ = 	snop;
	(pc) =	sbr.ind lr, $3  }
0x3a: {  	_ = 	snop  }
0x3b: {  	_ = 	snop  }
0x3c: {  	p2 =	seq.s32 s10, $0x1;
	s10 =	sld [smem:$0x3FAD]  }
0x3d: {  	_ =	shalt  }
0x3e: {  	_ =	shalt  }
0x3f: {  	_ =	shalt  }
0x40: {  	_ =	shalt  }
0x41: {  	_ =	shalt  }
0x42: {  	_ =	shalt  }
0x43: {  	_ =	shalt  }
0x44: {  	_ =	shalt  }
0x45: {  	_ =	shalt  }
0x46: {  	_ =	shalt  }
0x47: {  	_ =	shalt  }
0x48: {  	_ =	shalt  }
0x49: {  	_ =	shalt  }
0x4a: {  	_ =	shalt  }
0x4b: {  	_ =	shalt  }
0x4c: {  	_ =	shalt  }
0x4d: {  	_ =	shalt  }
0x4e: {  	_ =	shalt  }
0x4f: {  	_ =	shalt  }
0x50: {  	_ =	shalt  }
0x51: {  	_ =	shalt  }
0x52: {  	_ =	shalt  }
0x53: {  	_ =	shalt  }
0x54: {  	_ =	shalt  }
0x55: {  	_ =	shalt  }
0x56: {  	_ =	shalt  }
0x57: {  	_ =	shalt  }
0x58: {  	_ =	shalt  }
0x59: {  	_ =	shalt  }
0x5a: {  	_ =	shalt  }
0x5b: {  	_ =	shalt  }
0x5c: {  	_ =	shalt  }
0x5d: {  	_ =	shalt  }
0x5e: {  	_ =	shalt  }
0x5f: {  	_ =	shalt  }
0x60: {  	_ =	shalt  }
0x61: {  	_ =	shalt  }
0x62: {  	_ =	shalt  }
0x63: {  	_ =	shalt  }
0x64: {  	_ =	shalt  }
0x65: {  	_ =	shalt  }
0x66: {  	_ =	shalt  }
0x67: {  	_ =	shalt  }
0x68: {  	_ =	shalt  }
0x69: {  	_ =	shalt  }
0x6a: {  	_ =	shalt  }
0x6b: {  	_ =	shalt  }
0x6c: {  	_ =	shalt  }
0x6d: {  	_ =	shalt  }
0x6e: {  	_ =	shalt  }
0x6f: {  	_ =	shalt  }
0x70: {  	_ =	shalt  }
0x71: {  	_ =	shalt  }
0x72: {  	_ =	shalt  }
0x73: {  	_ =	shalt  }
0x74: {  	_ =	shalt  }
0x75: {  	_ =	shalt  }
0x76: {  	_ =	shalt  }
0x77: {  	_ =	shalt  }
0x78: {  	_ =	shalt  }
0x79: {  	_ =	shalt  }
0x7a: {  	_ =	shalt  }
0x7b: {  	_ =	shalt  }
0x7c: {  	_ =	shalt  }
0x7d: {  	_ =	shalt  }
0x7e: {  	_ =	shalt  }
0x7f: {  	_ =	shalt  }
0x80: {  	_ =	shalt  }
0x81: {  	_ =	shalt  }
0x82: {  	_ =	shalt  }
0x83: {  	_ =	shalt  }
0x84: {  	_ =	shalt  }
0x85: {  	_ =	shalt  }
0x86: {  	_ =	shalt  }
0x87: {  	_ =	shalt  }
.Lfunc_end0:
.L_simem_size_0:
called_computation.3_lowered:
.L_overlay_start_0:
0x88: {  	s2 =	sld [smem:$0x3FD9]  }
0x89: {  	s3 =	sld [smem:$0x3FFE];
	_ =	sdelay $0x1  }
0x8a: {  	s1 =	srdreg.scid  }
0x8b: {  	s0 =	sand.u32 $0x1, s1  }
0x8c: {  	s17 =	sshll.u32 s0, $0xA;
	s2 =	sadd.s32 s3, s2  }
0x8d: {  	s2 =	sadd.s32 s2, s17  }
0x8e: {  	[smem:$0x3FB9] =	sst s2  }
0x8f: {  	_ = 	snop  }
0x90: {  	(tm) =	ssettm $0x1  }
0x91: {  	s18 =	sld [smem:$0x3FFB];
	_ =	sdelay $0x3  }
0x92: {  	_ =	strace s18  }
0x93: {  	s2 =	sld [smem:$0x3FFC];
	_ =	sdelay $0x3  }
0x94: {  	_ =	strace s2  }
0x95: {  	s2 =	sld [smem:$0x3FFD];
	_ =	sdelay $0x3  }
0x96: {  	_ =	strace s2  }
0x97: {  	_ =	strace $0x8FFFFFFF  }
0x98: {  	s19 =	sld [smem:$0x3FDB];
	_ =	sdelay $0x1  }
0x99: {  	s20 =	simm.s32 $_scs_section_size  }
0x9a: {  	s4 =	simm.s32 $_size__tile_overlayer_lowered;
	s5 =	simm.s32 $_tile_overlayer_lowered  }
0x9b: {  	s6 =	simm.s32 $0x1BFF;
	s21 =	sshll.u32 s5, $0x1;
	s3 =	sadd.s32 s20, s19  }
0x9c: {  	s22 =	simm.s32 $0x0;
	s4 =	sshll.u32 s4, $0x1;
	s5 =	sadd.s32 s21, s3  }
0x9d: {  	[timem:s22], [sflag:s6] =	dma.local [hbm:s5], s4  }
0x9e: {  	_ =	swait.ge [sflag:s6], s4  }
0x9f: {  	s4 =	ssub.s32 $0x0, s4;
	[sflag:s6] =	ssyncset.done $0x0  }
0xa0: {  	[sflag:s6] =	ssyncadd.s32 s4;
	_ =	sdelay $0x1  }
0xa1: {  	s23 =	simm.s32 $0x1B8B  }
0xa2: {  	_ =	swait.ge [sflag:s23], $0x1  }
0xa3: {  	[sflag:s23] =	ssyncset.done $0x0  }
0xa4: {  	[sflag:s23] =	ssyncadd.s32 $0xFFFFFFFF  }
0xa5: {  	s4 =	sld [smem:$0x0]  }
0xa6: {  	s5 =	sand.u32 $0xFFFFFFFE, s1  }
0xa7: {  	p0 =	sne.s32 s1, s5  }
0xa8: {  	s5 =	sshll.u32 @p0 s5, $0xE  }
0xa9: {  	s5 =	sadd.s32 @p0 $0x11B8D, s5;
	s6 =	sshll.u32 @p0 s4, $0x11  }
0xaa: {  	s5 =	sor.u32 @p0 s6, s5  }
0xab: {  	[sflag:s5] =	ssyncadd.remote.s32 @p0 $0x1;
	_ =	sdelay $0x1  }
0xac: {  	s5 =	simm.s32 @p0 $0x1B8D  }
0xad: {  	_ =	swait.eq @p0 [sflag:s5], $0x1  }
0xae: {  	[sflag:s5] =	ssyncadd.s32 @p0 $0xFFFFFFFF  }
0xaf: {  	s6 =	sshll.u32 @!p0 s1, $0xE  }
0xb0: {  	s6 =	sor.u32 @!p0 $0x4000, s6;
	s5 =	simm.s32 @!p0 $0x1B8D  }
0xb1: {  	s4 =	sshll.u32 @!p0 s4, $0x11;
	s6 =	sadd.s32 @!p0 $0x11B8D, s6;
	_ =	swait.eq @!p0 [sflag:s5], $0x1  }
0xb2: {  	s4 =	sor.u32 @!p0 s4, s6;
	[sflag:s5] =	ssyncadd.s32 @!p0 $0xFFFFFFFF  }
0xb3: {  	s25 =	simm.s32 $0x1B8E;
	s24 =	sld [smem:$0x3FFE];
	[sflag:s4] =	ssyncadd.remote.s32 @!p0 $0x1  }
0xb4: {  	s26 =	simm.s32 $execute0_lowered;
	[smem:$0x3FD2] =	sst s25  }
0xb5: {  	s5 =	sshll.u32 s26, $0x1;
	_ =	strace $0x8000004F;
	[dreg:$0x1] =	wrdreg $0xFFFFFFFF  }
0xb6: {  	s28 =	simm.s32 $_size_execute0_lowered;
	s3 =	sadd.s32 s3, s5;
	[dreg:$0x0] =	wrdreg $0x0  }
0xb7: {  	s5 =	sshll.u32 s28, $0x1;
	[dreg:$0x2] =	wrdreg s3  }
0xb8: {  	[dreg:$0x3] =	wrdreg s5  }
0xb9: {  	[dreg:$0x4] =	wrdreg $0xC0  }
0xba: {  	_ =	task [dreg:s22], $0x5FFFF  }
0xbb: {  	[dreg:$0x1] =	wrdreg $0xFFFFFFFF  }
0xbc: {  	[dreg:$0x0] =	wrdreg $0x60  }
0xbd: {  	[dreg:$0x2] =	wrdreg s24  }
0xbe: {  	[dreg:$0x3] =	wrdreg $0xC  }
0xbf: {  	_ =	task.clear_ibuf [dreg:s22], $0x4FFFF;
	_ =	strace $0x9000004F  }
0xc0: {  	s29 =	simm.s32 $0xC;
	_ =	strace $0x80000051  }
0xc1: {  	_ =	swait.ge [sflag:s29], $0x1  }
0xc2: {  	[sflag:s29] =	ssyncadd.s32 $0xFFFFFFFF  }
0xc3: {  	_ =	strace $0x90000051  }
0xc4: {  	_ =	sfence  }
0xc5: {  	s30 =	sld [smem:$0x0];
	_ =	sdelay $0x2  }
0xc6: {  	s31 =	sshll.u32 s1, $0xD;
	s1 =	sshrl.u32 s1, $0x2  }
0xc7: {  	s4 =	sand.u32 $0x4000, s31;
	s1 =	sadd.s32 s1, s30  }
0xc8: {  	s0 =	sor.u32 s4, s0;
	s1 =	sshll.u32 s1, $0x11  }
0xc9: {  	s0 =	sor.u32 s1, s0  }
0xca: {  	s0 =	sadd.s32 $0x8F2B, s0  }
0xcb: {  	[sflag:s0] =	ssyncadd.remote.s32 $0x1  }
0xcc: {  	_ =	sfence.sel $0xFFFF  }
0xcd: {  	[dreg:$0x0] =	wrdreg $0xFFFFFFFF;
	(pc) =	sbr.abs _section_cstart, $3  }
0xce: {  	[dreg:$0x1] =	wrdreg $0xFFFFFFFF  }
0xcf: {  	_ =	task.clear_ibuf [dreg:s22], $0x2FFFF;
	_ =	strace $0x9FFFFFFF  }
0xd0: {  	(tm) =	ssettm $0x7FFFFFFF  }
0xd1: {  	_ =	shalt  }
tec
execute0_lowered:
.L_overlay_start_1:
0x0: {  	(tag) =	ssettag $0x1  }
0x1: {  	s1 =	srdreg.scid;
	s0 =	stileid.u32  }
0x2: {  	s30 =	sand.u32 $0x1, s1;
	s23 =	sshll.u32 s0, $0x1  }
0x3: {  	s1 =	sor.u32 s30, s23  }
0x4: {  	s3 =	smul.u32 $0x500, s1  }
0x5: {  	s6 =	rddreg [dreg:$0x0];
	s2 =	simm.s32 $0x0;
	s4 =	smul.u32 $0xA0, s1  }
0x6: {  	[smem:$0x7FF] =	sst s2;
	s16 =	sadd.s32 $0x3C3C00, s6;
	s1 =	smul.u32 $0x28000, s1  }
0x7: {  	p0 =	slt.u32 s0, $0x8;
	_ =	strace $0x80000050;
	s3 =	sadd.s32 $0xFFFFB000, s3  }
0x8: {  	s5 =	sadd.s32 s4, s6;
	s1 =	sshrl.u32 s1, $0x3;
	s24 =	sshrl.u32 s3, $0x3  }
0x9: {  	s15 =	sshll.u32 s3, $0x4;
	s31 =	sadd.s32 s1, s6;
	s5 =	sadd.s32 $0x231E00, s5  }
0xa: {  	s4 =	sadd.s32 s24, s6;
	s1 =	sadd.s32 s16, s15;
	s7 =	sadd.s32 $0x373C00, s31  }
0xb: {  	s3 =	sadd.s32 $0x800, s1;
	s4 =	sadd.s32 $0x231400, s4;
	s1 =	smov.u32 @p0 s7  }
0xc: {  	s4 =	smov.u32 @p0 s5;
	[dreg:$0x2] =	wrdreg s1;
	s5 =	simm.s32 $0x5  }
0xd: {  	[tilespmem:s2], [sflag:$0x5] =	stream.linear.gather [hbm4b:s4+s2], $0x500, $0x38;
	[tilespmem:$0x8500] =	vst v63  }
0xe: {  	_ =	swait.ge [sflag:s5], $0x500  }
0xf: {  	s8 =	simm.s32 $0x500;
	[sflag:s5] =	ssyncset.done $0x0  }
0x10: {  	s6 =	sadd.s32 $0x8200, s6;
	s7 =	simm.s32 $0x80;
	[sflag:s5] =	ssyncadd.s32 $0xFFFFFB00  }
0x11: {  	[tilespmem:s8], [sflag:$0x1] =	stream.indirect.gather [hbm4b:s6+s7], $0x80, s2, s7, $0xb8;
	[tilespmem:$0x8500] =	vst v63  }
0x12: {  	s9 =	simm.s32 $0x4500;
	s10 =	simm.s32 $0x1  }
0x13: {  	[tilespmem:s9], [sflag:$0x2] =	stream.indirect.gather [hbm4b:s6+s7], $0x80, s7, s7, $0xb8;
	[tilespmem:$0x8500] =	vst v63  }
0x14: {  	_ =	swait.ge [sflag:s10], $0x4000  }
0x15: {  	[sflag:s10] =	ssyncset.done $0x0  }
0x16: {  	s11 =	simm.s32 $0x3;
	s25 =	rddreg [dreg:$0x2];
	[sflag:s10] =	ssyncadd.s32 $0xFFFFC000  }
0x17: {  	[hbm4b:s25+s2] =	stream.linear.scatter [tilespmem:s8], [sflag:$0x3], $0x4000, $0x38;
	[tilespmem:$0x8500] =	vst v63  }
0x18: {  	_ =	swait.ge [sflag:s11], $0x4000  }
0x19: {  	[sflag:s11] =	ssyncset.done $0x0  }
0x1a: {  	s12 =	simm.s32 $0x100;
	s13 =	simm.s32 $0x2;
	[sflag:s11] =	ssyncadd.s32 $0xFFFFC000  }
0x1b: {  	[tilespmem:s8], [sflag:$0x1] =	stream.indirect.gather [hbm4b:s6+s7], $0x80, s12, s7, $0xb8;
	[tilespmem:$0x8500] =	vst v63  }
0x1c: {  	_ =	swait.ge [sflag:s13], $0x4000  }
0x1d: {  	s1 =	sadd.s32 $0x374400, s31;
	[sflag:s13] =	ssyncset.done $0x0  }
0x1e: {  	s14 =	simm.s32 $0x4;
	s3 =	smov.u32 @p0 s1;
	[sflag:s13] =	ssyncadd.s32 $0xFFFFC000  }
0x1f: {  	[hbm4b:s3+s2] =	stream.linear.scatter [tilespmem:s9], [sflag:$0x4], $0x4000, $0x38;
	[tilespmem:$0x8500] =	vst v63  }
0x20: {  	_ =	swait.ge [sflag:s14], $0x4000  }
0x21: {  	[sflag:s14] =	ssyncset.done $0x0  }
0x22: {  	s26 =	sand.u32 $0x1FFFF000, s15;
	s15 =	simm.s32 $0x180;
	[sflag:s14] =	ssyncadd.s32 $0xFFFFC000  }
0x23: {  	[tilespmem:s9], [sflag:$0x2] =	stream.indirect.gather [hbm4b:s6+s7], $0x80, s15, s7, $0xb8;
	[tilespmem:$0x8500] =	vst v63  }
0x24: {  	s1 =	sadd.s32 s16, s26;
	_ =	swait.ge [sflag:s10], $0x4000  }
0x25: {  	s17 =	sadd.s32 $0x374C00, s31;
	s16 =	sadd.s32 $0x1000, s1;
	[sflag:s10] =	ssyncset.done $0x0  }
0x26: {  	s16 =	smov.u32 @p0 s17;
	[sflag:s10] =	ssyncadd.s32 $0xFFFFC000  }
0x27: {  	[hbm4b:s16+s2] =	stream.linear.scatter [tilespmem:s8], [sflag:$0x3], $0x4000, $0x38;
	[tilespmem:$0x8500] =	vst v63  }
0x28: {  	_ =	swait.ge [sflag:s11], $0x4000  }
0x29: {  	[sflag:s11] =	ssyncset.done $0x0  }
0x2a: {  	s17 =	simm.s32 $0x200;
	[sflag:s11] =	ssyncadd.s32 $0xFFFFC000  }
0x2b: {  	[tilespmem:s8], [sflag:$0x1] =	stream.indirect.gather [hbm4b:s6+s7], $0x80, s17, s7, $0xb8;
	[tilespmem:$0x8500] =	vst v63  }
0x2c: {  	_ =	swait.ge [sflag:s13], $0x4000  }
0x2d: {  	s19 =	sadd.s32 $0x375400, s31;
	s18 =	sadd.s32 $0x1800, s1;
	[sflag:s13] =	ssyncset.done $0x0  }
0x2e: {  	s18 =	smov.u32 @p0 s19;
	[sflag:s13] =	ssyncadd.s32 $0xFFFFC000  }
0x2f: {  	[hbm4b:s18+s2] =	stream.linear.scatter [tilespmem:s9], [sflag:$0x4], $0x4000, $0x38;
	[tilespmem:$0x8500] =	vst v63  }
0x30: {  	_ =	swait.ge [sflag:s14], $0x4000  }
0x31: {  	[sflag:s14] =	ssyncset.done $0x0  }
0x32: {  	s19 =	simm.s32 $0x280;
	[sflag:s14] =	ssyncadd.s32 $0xFFFFC000  }
0x33: {  	[tilespmem:s9], [sflag:$0x2] =	stream.indirect.gather [hbm4b:s6+s7], $0x80, s19, s7, $0xb8;
	[tilespmem:$0x8500] =	vst v63  }
0x34: {  	_ =	swait.ge [sflag:s10], $0x4000  }
0x35: {  	s21 =	sadd.s32 $0x375C00, s31;
	s20 =	sadd.s32 $0x2000, s1;
	[sflag:s10] =	ssyncset.done $0x0  }
0x36: {  	s20 =	smov.u32 @p0 s21;
	[sflag:s10] =	ssyncadd.s32 $0xFFFFC000  }
0x37: {  	[hbm4b:s20+s2] =	stream.linear.scatter [tilespmem:s8], [sflag:$0x3], $0x4000, $0x38;
	[tilespmem:$0x8500] =	vst v63  }
0x38: {  	_ =	swait.ge [sflag:s11], $0x4000  }
0x39: {  	[sflag:s11] =	ssyncset.done $0x0  }
0x3a: {  	s21 =	simm.s32 $0x300;
	[sflag:s11] =	ssyncadd.s32 $0xFFFFC000  }
0x3b: {  	[tilespmem:s8], [sflag:$0x1] =	stream.indirect.gather [hbm4b:s6+s7], $0x80, s21, s7, $0xb8;
	[tilespmem:$0x8500] =	vst v63  }
0x3c: {  	_ =	swait.ge [sflag:s13], $0x4000  }
0x3d: {  	s23 =	sadd.s32 $0x376400, s31;
	s22 =	sadd.s32 $0x2800, s1;
	[sflag:s13] =	ssyncset.done $0x0  }
0x3e: {  	s22 =	smov.u32 @p0 s23;
	[sflag:s13] =	ssyncadd.s32 $0xFFFFC000  }
0x3f: {  	[hbm4b:s22+s2] =	stream.linear.scatter [tilespmem:s9], [sflag:$0x4], $0x4000, $0x38;
	[tilespmem:$0x8500] =	vst v63  }
0x40: {  	_ =	swait.ge [sflag:s14], $0x4000  }
0x41: {  	[sflag:s14] =	ssyncset.done $0x0  }
0x42: {  	s23 =	simm.s32 $0x380;
	[sflag:s14] =	ssyncadd.s32 $0xFFFFC000  }
0x43: {  	[tilespmem:s9], [sflag:$0x2] =	stream.indirect.gather [hbm4b:s6+s7], $0x80, s23, s7, $0xb8;
	[tilespmem:$0x8500] =	vst v63  }
0x44: {  	_ =	swait.ge [sflag:s10], $0x4000  }
0x45: {  	s24 =	sadd.s32 $0x3000, s1;
	s25 =	sadd.s32 $0x376C00, s31;
	[sflag:s10] =	ssyncset.done $0x0  }
0x46: {  	s24 =	smov.u32 @p0 s25;
	[sflag:s10] =	ssyncadd.s32 $0xFFFFC000  }
0x47: {  	[hbm4b:s24+s2] =	stream.linear.scatter [tilespmem:s8], [sflag:$0x3], $0x4000, $0x38;
	[tilespmem:$0x8500] =	vst v63  }
0x48: {  	_ =	swait.ge [sflag:s11], $0x4000  }
0x49: {  	[sflag:s11] =	ssyncset.done $0x0  }
0x4a: {  	s25 =	simm.s32 $0x400;
	[sflag:s11] =	ssyncadd.s32 $0xFFFFC000  }
0x4b: {  	[tilespmem:s8], [sflag:$0x1] =	stream.indirect.gather [hbm4b:s6+s7], $0x80, s25, s7, $0xb8;
	[tilespmem:$0x8500] =	vst v63  }
0x4c: {  	_ =	swait.ge [sflag:s13], $0x4000  }
0x4d: {  	s28 =	sadd.s32 $0x377400, s31;
	s26 =	sadd.s32 $0x3800, s1;
	[sflag:s13] =	ssyncset.done $0x0  }
0x4e: {  	s26 =	smov.u32 @p0 s28;
	[sflag:s13] =	ssyncadd.s32 $0xFFFFC000  }
0x4f: {  	[hbm4b:s26+s2] =	stream.linear.scatter [tilespmem:s9], [sflag:$0x4], $0x4000, $0x38;
	[tilespmem:$0x8500] =	vst v63  }
0x50: {  	_ =	swait.ge [sflag:s14], $0x4000  }
0x51: {  	[sflag:s14] =	ssyncset.done $0x0  }
0x52: {  	s28 =	simm.s32 $0x480;
	[sflag:s14] =	ssyncadd.s32 $0xFFFFC000  }
0x53: {  	[tilespmem:s9], [sflag:$0x2] =	stream.indirect.gather [hbm4b:s6+s7], $0x80, s28, s7, $0xb8;
	[tilespmem:$0x8500] =	vst v63  }
0x54: {  	_ =	swait.ge [sflag:s10], $0x4000  }
0x55: {  	s0 =	sadd.s32 $0x377C00, s31;
	s29 =	sadd.s32 $0x4000, s1;
	[sflag:s10] =	ssyncset.done $0x0  }
0x56: {  	s29 =	smov.u32 @p0 s0;
	s0 =	ssub.s32 $0x2, s30;
	[sflag:s10] =	ssyncadd.s32 $0xFFFFC000  }
0x57: {  	[hbm4b:s29+s2] =	stream.linear.scatter [tilespmem:s8], [sflag:$0x3], $0x4000, $0x38;
	[tilespmem:$0x8500] =	vst v63  }
0x58: {  	s30 =	sshrl.u32 s0, $0x1;
	_ =	swait.ge [sflag:s11], $0x4000  }
0x59: {  	s0 =	ssub.s32 s0, s30;
	s30 =	sadd.s32 $0x4800, s1;
	[sflag:s11] =	ssyncset.done $0x0  }
0x5a: {  	s1 =	sadd.s32 $0x378400, s31;
	s0 =	smax.u32 s0, $0x1;
	[sflag:s11] =	ssyncadd.s32 $0xFFFFC000  }
0x5b: {  	s30 =	smov.u32 @p0 s1;
	p0 =	sne.s32 s0, $0x1;
	_ =	swait.ge [sflag:s13], $0x4000  }
.Ltmp0:
0x5c: {  	[sflag:s13] =	ssyncset.done $0x0;
	(pc) =	sbr.rel @!p0 .LBB2_2-.Ltmp0, $4  }
0x5d: {  	[sflag:s13] =	ssyncadd.s32 $0xFFFFC000  }
0x5e: {  	[hbm4b:s30+s2] =	stream.linear.scatter [tilespmem:s9], [sflag:$0x4], $0x4000, $0x38;
	[tilespmem:$0x8500] =	vst v63  }
0x5f: {  	_ =	swait.ge [sflag:s14], $0x4000  }
0x60: {  	s31 =	sadd.s32 $0xFFFFFFFF, s0;
	[sflag:s14] =	ssyncset.done $0x0  }
.LBB2_1:
0x61: {  	[sflag:s14] =	ssyncadd.s32 $0xFFFFC000  }
0x62: {  	[tilespmem:s2], [sflag:$0x5] =	stream.linear.gather [hbm4b:s4+s2], $0x500, $0x38;
	[tilespmem:$0x8500] =	vst v63  }
0x63: {  	_ =	swait.ge [sflag:s5], $0x500  }
0x64: {  	[sflag:s5] =	ssyncset.done $0x0  }
0x65: {  	[sflag:s5] =	ssyncadd.s32 $0xFFFFFB00  }
0x66: {  	[tilespmem:s8], [sflag:$0x1] =	stream.indirect.gather [hbm4b:s6+s7], $0x80, s2, s7, $0xb8;
	[tilespmem:$0x8500] =	vst v63  }
0x67: {  	_ = 	snop  }
0x68: {  	[tilespmem:s9], [sflag:$0x2] =	stream.indirect.gather [hbm4b:s6+s7], $0x80, s7, s7, $0xb8;
	[tilespmem:$0x8500] =	vst v63  }
0x69: {  	_ =	swait.ge [sflag:s10], $0x4000  }
0x6a: {  	[sflag:s10] =	ssyncset.done $0x0  }
0x6b: {  	s0 =	rddreg [dreg:$0x2];
	[sflag:s10] =	ssyncadd.s32 $0xFFFFC000  }
0x6c: {  	[hbm4b:s0+s2] =	stream.linear.scatter [tilespmem:s8], [sflag:$0x3], $0x4000, $0x38;
	[tilespmem:$0x8500] =	vst v63  }
0x6d: {  	_ =	swait.ge [sflag:s11], $0x4000  }
0x6e: {  	[sflag:s11] =	ssyncset.done $0x0  }
0x6f: {  	[sflag:s11] =	ssyncadd.s32 $0xFFFFC000  }
0x70: {  	[tilespmem:s8], [sflag:$0x1] =	stream.indirect.gather [hbm4b:s6+s7], $0x80, s12, s7, $0xb8;
	[tilespmem:$0x8500] =	vst v63  }
0x71: {  	_ =	swait.ge [sflag:s13], $0x4000  }
0x72: {  	[sflag:s13] =	ssyncset.done $0x0  }
0x73: {  	[sflag:s13] =	ssyncadd.s32 $0xFFFFC000  }
0x74: {  	[hbm4b:s3+s2] =	stream.linear.scatter [tilespmem:s9], [sflag:$0x4], $0x4000, $0x38;
	[tilespmem:$0x8500] =	vst v63  }
0x75: {  	_ =	swait.ge [sflag:s14], $0x4000  }
0x76: {  	[sflag:s14] =	ssyncset.done $0x0  }
0x77: {  	[sflag:s14] =	ssyncadd.s32 $0xFFFFC000  }
0x78: {  	[tilespmem:s9], [sflag:$0x2] =	stream.indirect.gather [hbm4b:s6+s7], $0x80, s15, s7, $0xb8;
	[tilespmem:$0x8500] =	vst v63  }
0x79: {  	_ =	swait.ge [sflag:s10], $0x4000  }
0x7a: {  	[sflag:s10] =	ssyncset.done $0x0  }
0x7b: {  	[sflag:s10] =	ssyncadd.s32 $0xFFFFC000  }
0x7c: {  	[hbm4b:s16+s2] =	stream.linear.scatter [tilespmem:s8], [sflag:$0x3], $0x4000, $0x38;
	[tilespmem:$0x8500] =	vst v63  }
0x7d: {  	_ =	swait.ge [sflag:s11], $0x4000  }
0x7e: {  	[sflag:s11] =	ssyncset.done $0x0  }
0x7f: {  	[sflag:s11] =	ssyncadd.s32 $0xFFFFC000  }
0x80: {  	[tilespmem:s8], [sflag:$0x1] =	stream.indirect.gather [hbm4b:s6+s7], $0x80, s17, s7, $0xb8;
	[tilespmem:$0x8500] =	vst v63  }
0x81: {  	_ =	swait.ge [sflag:s13], $0x4000  }
0x82: {  	[sflag:s13] =	ssyncset.done $0x0  }
0x83: {  	[sflag:s13] =	ssyncadd.s32 $0xFFFFC000  }
0x84: {  	[hbm4b:s18+s2] =	stream.linear.scatter [tilespmem:s9], [sflag:$0x4], $0x4000, $0x38;
	[tilespmem:$0x8500] =	vst v63  }
0x85: {  	_ =	swait.ge [sflag:s14], $0x4000  }
0x86: {  	[sflag:s14] =	ssyncset.done $0x0  }
0x87: {  	[sflag:s14] =	ssyncadd.s32 $0xFFFFC000  }
0x88: {  	[tilespmem:s9], [sflag:$0x2] =	stream.indirect.gather [hbm4b:s6+s7], $0x80, s19, s7, $0xb8;
	[tilespmem:$0x8500] =	vst v63  }
0x89: {  	_ =	swait.ge [sflag:s10], $0x4000  }
0x8a: {  	[sflag:s10] =	ssyncset.done $0x0  }
0x8b: {  	[sflag:s10] =	ssyncadd.s32 $0xFFFFC000  }
0x8c: {  	[hbm4b:s20+s2] =	stream.linear.scatter [tilespmem:s8], [sflag:$0x3], $0x4000, $0x38;
	[tilespmem:$0x8500] =	vst v63  }
0x8d: {  	_ =	swait.ge [sflag:s11], $0x4000  }
0x8e: {  	[sflag:s11] =	ssyncset.done $0x0  }
0x8f: {  	[sflag:s11] =	ssyncadd.s32 $0xFFFFC000  }
0x90: {  	[tilespmem:s8], [sflag:$0x1] =	stream.indirect.gather [hbm4b:s6+s7], $0x80, s21, s7, $0xb8;
	[tilespmem:$0x8500] =	vst v63  }
0x91: {  	_ =	swait.ge [sflag:s13], $0x4000  }
0x92: {  	[sflag:s13] =	ssyncset.done $0x0  }
0x93: {  	[sflag:s13] =	ssyncadd.s32 $0xFFFFC000  }
0x94: {  	[hbm4b:s22+s2] =	stream.linear.scatter [tilespmem:s9], [sflag:$0x4], $0x4000, $0x38;
	[tilespmem:$0x8500] =	vst v63  }
0x95: {  	_ =	swait.ge [sflag:s14], $0x4000  }
0x96: {  	[sflag:s14] =	ssyncset.done $0x0  }
0x97: {  	[sflag:s14] =	ssyncadd.s32 $0xFFFFC000  }
0x98: {  	[tilespmem:s9], [sflag:$0x2] =	stream.indirect.gather [hbm4b:s6+s7], $0x80, s23, s7, $0xb8;
	[tilespmem:$0x8500] =	vst v63  }
0x99: {  	_ =	swait.ge [sflag:s10], $0x4000  }
0x9a: {  	[sflag:s10] =	ssyncset.done $0x0  }
0x9b: {  	[sflag:s10] =	ssyncadd.s32 $0xFFFFC000  }
0x9c: {  	[hbm4b:s24+s2] =	stream.linear.scatter [tilespmem:s8], [sflag:$0x3], $0x4000, $0x38;
	[tilespmem:$0x8500] =	vst v63  }
0x9d: {  	_ =	swait.ge [sflag:s11], $0x4000  }
0x9e: {  	[sflag:s11] =	ssyncset.done $0x0  }
0x9f: {  	[sflag:s11] =	ssyncadd.s32 $0xFFFFC000  }
0xa0: {  	[tilespmem:s8], [sflag:$0x1] =	stream.indirect.gather [hbm4b:s6+s7], $0x80, s25, s7, $0xb8;
	[tilespmem:$0x8500] =	vst v63  }
0xa1: {  	_ =	swait.ge [sflag:s13], $0x4000  }
0xa2: {  	[sflag:s13] =	ssyncset.done $0x0  }
0xa3: {  	[sflag:s13] =	ssyncadd.s32 $0xFFFFC000  }
0xa4: {  	[hbm4b:s26+s2] =	stream.linear.scatter [tilespmem:s9], [sflag:$0x4], $0x4000, $0x38;
	[tilespmem:$0x8500] =	vst v63  }
0xa5: {  	_ =	swait.ge [sflag:s14], $0x4000  }
0xa6: {  	[sflag:s14] =	ssyncset.done $0x0  }
0xa7: {  	[sflag:s14] =	ssyncadd.s32 $0xFFFFC000  }
0xa8: {  	[tilespmem:s9], [sflag:$0x2] =	stream.indirect.gather [hbm4b:s6+s7], $0x80, s28, s7, $0xb8;
	[tilespmem:$0x8500] =	vst v63  }
0xa9: {  	_ =	swait.ge [sflag:s10], $0x4000  }
0xaa: {  	[sflag:s10] =	ssyncset.done $0x0  }
0xab: {  	[sflag:s10] =	ssyncadd.s32 $0xFFFFC000  }
0xac: {  	[hbm4b:s29+s2] =	stream.linear.scatter [tilespmem:s8], [sflag:$0x3], $0x4000, $0x38;
	[tilespmem:$0x8500] =	vst v63  }
0xad: {  	_ =	swait.ge [sflag:s11], $0x4000  }
0xae: {  	[sflag:s11] =	ssyncset.done $0x0  }
0xaf: {  	[sflag:s11] =	ssyncadd.s32 $0xFFFFC000  }
0xb0: {  	p0 =	sne.s32 s31, $0x1;
	_ =	swait.ge [sflag:s13], $0x4000  }
.Ltmp1:
0xb1: {  	[sflag:s13] =	ssyncset.done $0x0;
	(pc) =	sbr.rel @p0 .LBB2_1-.Ltmp1, $4  }
0xb2: {  	[sflag:s13] =	ssyncadd.s32 $0xFFFFC000  }
0xb3: {  	[hbm4b:s30+s2] =	stream.linear.scatter [tilespmem:s9], [sflag:$0x4], $0x4000, $0x38;
	[tilespmem:$0x8500] =	vst v63  }
0xb4: {  	_ =	swait.ge [sflag:s14], $0x4000  }
0xb5: {  	s31 =	sadd.s32 $0xFFFFFFFF, s31;
	[sflag:s14] =	ssyncset.done $0x0  }
.LBB2_2:
0xb6: {  	[sflag:s14] =	ssyncadd.s32 $0xFFFFC000  }
0xb7: {  	_ =	sfence.sel $0x180000  }
0xb8: {  	[bflag:$0x0] =	sbarrier.arrive $0xFFFF  }
0xb9: {  	_ =	strace $0x90000050  }
0xba: {  	s0 =	stileid.u32;
	[bflag:$0x2] =	sbarrier.arrive $0xFFFF  }
0xbb: {  	p0 =	sne.s32 s0, $0x0;
	s0 =	rddreg [dreg:$0x1]  }
0xbc: {  	s0 =	sadd.s32 @!p0 $0x100000, s0  }
0xbd: {  	[sflag:s0] =	ssyncadd.tile.s32 @!p0 $0x1;
	_ =	shalt  }
.Lfunc_end2:
_tile_overlayer_lowered:
.L_overlay_start_2:
0xbe: {  	(tag) =	ssettag $0x2  }
0xbf: {  	s0 =	rddreg [dreg:$0x0];
	s2 =	stileid.u32  }
0xc0: {  	s1 =	rddreg [dreg:$0x1];
	p0 =	sne.s32 s2, $0x0  }
0xc1: {  	s3 =	rddreg [dreg:$0x2];
	[bflag:$0x3] =	sbarrier.arrive $0xFFFF;
	s2 =	simm.s32 @!p0 $0x1C05  }
0xc2: {  	[timem:s3], [sflag:s2] =	dma.local @!p0 [hbm:s0], s1  }
0xc3: {  	s0 =	simm.s32 @!p0 $0x5  }
0xc4: {  	_ =	swait.ge @!p0 [sflag:s0], s1  }
0xc5: {  	s1 =	ssub.s32 @!p0 $0x0, s1;
	[sflag:s0] =	ssyncset.done @!p0 $0x0  }
0xc6: {  	[sflag:s0] =	ssyncadd.s32 @!p0 s1  }
0xc7: {  	[bflag:$0x3] =	sbarrier.arrive $0xFFFF  }
0xc8: {  	_ =	shalt  }

// kernel: kernel.24.cloned.1.call-start
scs
__scs_entry_jumppad:
0x0: {  	(pc) =	sbr.rel $0x88, $3  }
0x1: {  	(tag) =	ssettag $0x0;
	lr =	simm.s32 $0x1  }
0x2: {  	[smem:$0x3F92] =	sst lr;
	_ =	strace $0xD0000000  }
0x3: {  	_ = 	snop  }
0x4: {  	_ = 	snop  }
0x5: {  	_ = 	snop  }
0x6: {  	_ = 	snop  }
0x7: {  	_ = 	snop  }
__scs_overlays_trampoline_lowered:
0x8: {  	[smem:$0x3FA1] =	sst s0  }
0x9: {  	[smem:$0x3FA2] =	sst s1  }
0xa: {  	[smem:$0x3FA3] =	sst s2  }
0xb: {  	[smem:$0x3FA4] =	sst s3  }
0xc: {  	[smem:$0x3FA5] =	sst s4  }
0xd: {  	[smem:$0x3FA6] =	sst s5  }
0xe: {  	[smem:$0x3FA7] =	sst s6  }
0xf: {  	[smem:$0x3FA8] =	sst s7  }
0x10: {  	[smem:$0x3FA9] =	sst s8  }
0x11: {  	[smem:$0x3FAA] =	sst s9;
	s0 =	simm.s32 @!p0 $0x0  }
0x12: {  	s1 =	sld [smem:$0x3F90];
	s0 =	simm.s32 @p0 $0x1  }
0x13: {  	[smem:$0x3FAB] =	sst s0;
	s0 =	simm.s32 @!p1 $0x0  }
0x14: {  	s2 =	sld [smem:$0x3F8F];
	s0 =	simm.s32 @p1 $0x1  }
0x15: {  	[smem:$0x3FAC] =	sst s0;
	s0 =	simm.s32 @!p2 $0x0  }
0x16: {  	s3 =	sld [smem:$0x3FDB];
	s0 =	simm.s32 @p2 $0x1  }
0x17: {  	s4 =	simm.s32 $0x1BF5;
	[smem:$0x3FAE] =	sst s0  }
0x18: {  	s0 =	sld [smem:$0x3F91];
	_ =	swait.ge [sflag:s4], $0x0  }
0x19: {  	s7 =	sld [smem:$0x3F92]  }
0x1a: {  	s8 =	sadd.s32 $0xFFFFE003, lr  }
0x1b: {  	s9 =	sadd.s32 $0xFFFFFEF7, lr;
	s5 =	simm.s32 $0xFFFFFFFF;
	p2 =	slt.u32 s8, $0xFFFFF086  }
0x1c: {  	p1 =	slt.u32 s9, $0xF7A;
	s5 =	simm.s32 @!p2 $0x0  }
0x1d: {  	s5 =	simm.s32 @p1 $0x1;
	p0 =	seq.s32 s7, s2  }
0x1e: {  	s7 =	smul.u32 @!p0 $0xF7A, s2;
	p2 =	seq.s32 @!p0 s5, $0x0  }
0x1f: {  	s9 =	smul.u32 $0xF7A, s1;
	s8 =	simm.s32 @!p0 $0x1BF5;
	p2 =	por !p2, p0  }
0x20: {  	[sflag:s8] =	ssyncset.s32 @!p0 $0xFFFFF086;
	s6 =	sadd.s32 @!p0 s3, s7;
	s7 =	simm.s32 @!p0 $0x108  }
0x21: {  	s3 =	sadd.s32 s3, s9;
	s6 =	sadd.s32 @!p0 $0x88, s6;
	s7 =	simm.s32 @p2 $0x1082  }
0x22: {  	[simem:s7], [sflag:s8] =	dma.local @!p0 [hbm:s6], $0xF7A  }
0x23: {  	s9 =	sor.u32 $0xD0000000, s2;
	s6 =	simm.s32 $0x108;
	_ =	swait.ge @!p0 [sflag:s8], $0x0  }
0x24: {  	s3 =	sadd.s32 $0x88, s3;
	s6 =	simm.s32 @!p1 $0x1082;
	[sflag:s4] =	ssyncset.s32 $0xFFFFF086  }
0x25: {  	[simem:s6], [sflag:s4] =	dma.local [hbm:s3], $0xF7A  }
0x26: {  	[smem:$0x3F92] =	sst s1;
	(tag) =	ssettag s2;
	_ =	strace s9  }
0x27: {  	s1 =	sld [smem:$0x3FA2]  }
0x28: {  	s2 =	sld [smem:$0x3FA3]  }
0x29: {  	s4 =	sld [smem:$0x3FA5]  }
0x2a: {  	p0 =	seq.s32 s5, $0x0;
	s5 =	sld [smem:$0x3FA6]  }
0x2b: {  	s6 =	sld [smem:$0x3FA7]  }
0x2c: {  	s7 =	sld [smem:$0x3FA8]  }
0x2d: {  	s3 =	simm.s32 $0x108;
	s8 =	sld [smem:$0x3FA9]  }
0x2e: {  	s3 =	simm.s32 @!p0 $0x1082;
	s9 =	sld [smem:$0x3FAA]  }
0x2f: {  	lr =	sadd.s32 s0, s3;
	s0 =	sld [smem:$0x3FA1]  }
0x30: {  	s3 =	sld [smem:$0x3FA4]  }
0x31: {  	[smem:$0x3FAD] =	sst s10  }
0x32: {  	s10 =	sld [smem:$0x3FAB];
	_ =	sdelay $0x3  }
0x33: {  	p0 =	seq.s32 s10, $0x1;
	s10 =	sld [smem:$0x3FAD];
	_ =	sdelay $0x3  }
0x34: {  	[smem:$0x3FAD] =	sst s10  }
0x35: {  	s10 =	sld [smem:$0x3FAC];
	_ =	sdelay $0x3  }
0x36: {  	p1 =	seq.s32 s10, $0x1;
	s10 =	sld [smem:$0x3FAD];
	_ =	sdelay $0x3  }
0x37: {  	[smem:$0x3FAD] =	sst s10  }
0x38: {  	s10 =	sld [smem:$0x3FAE]  }
0x39: {  	_ = 	snop;
	(pc) =	sbr.ind lr, $3  }
0x3a: {  	_ = 	snop  }
0x3b: {  	_ = 	snop  }
0x3c: {  	p2 =	seq.s32 s10, $0x1;
	s10 =	sld [smem:$0x3FAD]  }
0x3d: {  	_ =	shalt  }
0x3e: {  	_ =	shalt  }
0x3f: {  	_ =	shalt  }
0x40: {  	_ =	shalt  }
0x41: {  	_ =	shalt  }
0x42: {  	_ =	shalt  }
0x43: {  	_ =	shalt  }
0x44: {  	_ =	shalt  }
0x45: {  	_ =	shalt  }
0x46: {  	_ =	shalt  }
0x47: {  	_ =	shalt  }
0x48: {  	_ =	shalt  }
0x49: {  	_ =	shalt  }
0x4a: {  	_ =	shalt  }
0x4b: {  	_ =	shalt  }
0x4c: {  	_ =	shalt  }
0x4d: {  	_ =	shalt  }
0x4e: {  	_ =	shalt  }
0x4f: {  	_ =	shalt  }
0x50: {  	_ =	shalt  }
0x51: {  	_ =	shalt  }
0x52: {  	_ =	shalt  }
0x53: {  	_ =	shalt  }
0x54: {  	_ =	shalt  }
0x55: {  	_ =	shalt  }
0x56: {  	_ =	shalt  }
0x57: {  	_ =	shalt  }
0x58: {  	_ =	shalt  }
0x59: {  	_ =	shalt  }
0x5a: {  	_ =	shalt  }
0x5b: {  	_ =	shalt  }
0x5c: {  	_ =	shalt  }
0x5d: {  	_ =	shalt  }
0x5e: {  	_ =	shalt  }
0x5f: {  	_ =	shalt  }
0x60: {  	_ =	shalt  }
0x61: {  	_ =	shalt  }
0x62: {  	_ =	shalt  }
0x63: {  	_ =	shalt  }
0x64: {  	_ =	shalt  }
0x65: {  	_ =	shalt  }
0x66: {  	_ =	shalt  }
0x67: {  	_ =	shalt  }
0x68: {  	_ =	shalt  }
0x69: {  	_ =	shalt  }
0x6a: {  	_ =	shalt  }
0x6b: {  	_ =	shalt  }
0x6c: {  	_ =	shalt  }
0x6d: {  	_ =	shalt  }
0x6e: {  	_ =	shalt  }
0x6f: {  	_ =	shalt  }
0x70: {  	_ =	shalt  }
0x71: {  	_ =	shalt  }
0x72: {  	_ =	shalt  }
0x73: {  	_ =	shalt  }
0x74: {  	_ =	shalt  }
0x75: {  	_ =	shalt  }
0x76: {  	_ =	shalt  }
0x77: {  	_ =	shalt  }
0x78: {  	_ =	shalt  }
0x79: {  	_ =	shalt  }
0x7a: {  	_ =	shalt  }
0x7b: {  	_ =	shalt  }
0x7c: {  	_ =	shalt  }
0x7d: {  	_ =	shalt  }
0x7e: {  	_ =	shalt  }
0x7f: {  	_ =	shalt  }
0x80: {  	_ =	shalt  }
0x81: {  	_ =	shalt  }
0x82: {  	_ =	shalt  }
0x83: {  	_ =	shalt  }
0x84: {  	_ =	shalt  }
0x85: {  	_ =	shalt  }
0x86: {  	_ =	shalt  }
0x87: {  	_ =	shalt  }
.Lfunc_end0:
.L_simem_size_0:
called_computation.4_lowered:
.L_overlay_start_0:
0x88: {  	s2 =	sld [smem:$0x3FD9]  }
0x89: {  	s3 =	sld [smem:$0x3FFE];
	_ =	sdelay $0x1  }
0x8a: {  	s1 =	srdreg.scid  }
0x8b: {  	s0 =	sand.u32 $0x1, s1  }
0x8c: {  	s17 =	sshll.u32 s0, $0xA;
	s2 =	sadd.s32 s3, s2  }
0x8d: {  	s2 =	sadd.s32 s2, s17  }
0x8e: {  	[smem:$0x3FB9] =	sst s2  }
0x8f: {  	_ = 	snop  }
0x90: {  	(tm) =	ssettm $0x1  }
0x91: {  	s18 =	sld [smem:$0x3FFB];
	_ =	sdelay $0x3  }
0x92: {  	_ =	strace s18  }
0x93: {  	s2 =	sld [smem:$0x3FFC];
	_ =	sdelay $0x3  }
0x94: {  	_ =	strace s2  }
0x95: {  	s2 =	sld [smem:$0x3FFD];
	_ =	sdelay $0x3  }
0x96: {  	_ =	strace s2  }
0x97: {  	_ =	strace $0x8FFFFFFF  }
0x98: {  	s19 =	sld [smem:$0x3FDB];
	_ =	sdelay $0x1  }
0x99: {  	s20 =	simm.s32 $_scs_section_size  }
0x9a: {  	s4 =	simm.s32 $_size__tile_overlayer_lowered;
	s5 =	simm.s32 $_tile_overlayer_lowered  }
0x9b: {  	s6 =	simm.s32 $0x1BFF;
	s21 =	sshll.u32 s5, $0x1;
	s3 =	sadd.s32 s20, s19  }
0x9c: {  	s22 =	simm.s32 $0x0;
	s4 =	sshll.u32 s4, $0x1;
	s5 =	sadd.s32 s21, s3  }
0x9d: {  	[timem:s22], [sflag:s6] =	dma.local [hbm:s5], s4  }
0x9e: {  	_ =	swait.ge [sflag:s6], s4  }
0x9f: {  	s4 =	ssub.s32 $0x0, s4;
	[sflag:s6] =	ssyncset.done $0x0  }
0xa0: {  	[sflag:s6] =	ssyncadd.s32 s4;
	_ =	sdelay $0x1  }
0xa1: {  	s23 =	simm.s32 $0x1B8B  }
0xa2: {  	_ =	swait.ge [sflag:s23], $0x1  }
0xa3: {  	[sflag:s23] =	ssyncset.done $0x0  }
0xa4: {  	[sflag:s23] =	ssyncadd.s32 $0xFFFFFFFF  }
0xa5: {  	s4 =	sld [smem:$0x0]  }
0xa6: {  	s5 =	sand.u32 $0xFFFFFFFE, s1  }
0xa7: {  	p0 =	sne.s32 s1, s5  }
0xa8: {  	s5 =	sshll.u32 @p0 s5, $0xE  }
0xa9: {  	s5 =	sadd.s32 @p0 $0x11B8D, s5;
	s6 =	sshll.u32 @p0 s4, $0x11  }
0xaa: {  	s5 =	sor.u32 @p0 s6, s5  }
0xab: {  	[sflag:s5] =	ssyncadd.remote.s32 @p0 $0x1;
	_ =	sdelay $0x1  }
0xac: {  	s5 =	simm.s32 @p0 $0x1B8D  }
0xad: {  	_ =	swait.eq @p0 [sflag:s5], $0x1  }
0xae: {  	[sflag:s5] =	ssyncadd.s32 @p0 $0xFFFFFFFF  }
0xaf: {  	s6 =	sshll.u32 @!p0 s1, $0xE  }
0xb0: {  	s6 =	sor.u32 @!p0 $0x4000, s6;
	s5 =	simm.s32 @!p0 $0x1B8D  }
0xb1: {  	s4 =	sshll.u32 @!p0 s4, $0x11;
	s6 =	sadd.s32 @!p0 $0x11B8D, s6;
	_ =	swait.eq @!p0 [sflag:s5], $0x1  }
0xb2: {  	s4 =	sor.u32 @!p0 s4, s6;
	[sflag:s5] =	ssyncadd.s32 @!p0 $0xFFFFFFFF  }
0xb3: {  	s25 =	simm.s32 $0x1B8E;
	s24 =	sld [smem:$0x3FFE];
	[sflag:s4] =	ssyncadd.remote.s32 @!p0 $0x1  }
0xb4: {  	s26 =	simm.s32 $execute0_lowered;
	[smem:$0x3FD2] =	sst s25  }
0xb5: {  	s5 =	sshll.u32 s26, $0x1;
	_ =	strace $0x80000052;
	[dreg:$0x1] =	wrdreg $0xFFFFFFFF  }
0xb6: {  	s28 =	simm.s32 $_size_execute0_lowered;
	s3 =	sadd.s32 s3, s5;
	[dreg:$0x0] =	wrdreg $0x0  }
0xb7: {  	s5 =	sshll.u32 s28, $0x1;
	[dreg:$0x2] =	wrdreg s3  }
0xb8: {  	[dreg:$0x3] =	wrdreg s5  }
0xb9: {  	[dreg:$0x4] =	wrdreg $0xC0  }
0xba: {  	_ =	task [dreg:s22], $0x5FFFF  }
0xbb: {  	[dreg:$0x1] =	wrdreg $0xFFFFFFFF  }
0xbc: {  	[dreg:$0x0] =	wrdreg $0x60  }
0xbd: {  	[dreg:$0x2] =	wrdreg s24  }
0xbe: {  	[dreg:$0x3] =	wrdreg $0xD  }
0xbf: {  	_ =	task.clear_ibuf [dreg:s22], $0x4FFFF;
	_ =	strace $0x90000052  }
0xc0: {  	s29 =	simm.s32 $0xD;
	_ =	strace $0x80000054  }
0xc1: {  	_ =	swait.ge [sflag:s29], $0x1  }
0xc2: {  	[sflag:s29] =	ssyncadd.s32 $0xFFFFFFFF  }
0xc3: {  	_ =	strace $0x90000054  }
0xc4: {  	_ =	sfence  }
0xc5: {  	s30 =	sld [smem:$0x0];
	_ =	sdelay $0x2  }
0xc6: {  	s31 =	sshll.u32 s1, $0xD;
	s1 =	sshrl.u32 s1, $0x2  }
0xc7: {  	s4 =	sand.u32 $0x4000, s31;
	s1 =	sadd.s32 s1, s30  }
0xc8: {  	s0 =	sor.u32 s4, s0;
	s1 =	sshll.u32 s1, $0x11  }
0xc9: {  	s0 =	sor.u32 s1, s0  }
0xca: {  	s0 =	sadd.s32 $0x8F2B, s0  }
0xcb: {  	[sflag:s0] =	ssyncadd.remote.s32 $0x1  }
0xcc: {  	_ =	sfence.sel $0xFFFF  }
0xcd: {  	[dreg:$0x0] =	wrdreg $0xFFFFFFFF;
	(pc) =	sbr.abs _section_cstart, $3  }
0xce: {  	[dreg:$0x1] =	wrdreg $0xFFFFFFFF  }
0xcf: {  	_ =	task.clear_ibuf [dreg:s22], $0x2FFFF;
	_ =	strace $0x9FFFFFFF  }
0xd0: {  	(tm) =	ssettm $0x7FFFFFFF  }
0xd1: {  	_ =	shalt  }
tec
execute0_lowered:
.L_overlay_start_1:
0x0: {  	(tag) =	ssettag $0x1  }
0x1: {  	s1 =	srdreg.scid;
	s0 =	stileid.u32  }
0x2: {  	s30 =	sand.u32 $0x1, s1;
	s23 =	sshll.u32 s0, $0x1  }
0x3: {  	s1 =	sor.u32 s30, s23  }
0x4: {  	s3 =	smul.u32 $0x500, s1  }
0x5: {  	s6 =	rddreg [dreg:$0x0];
	s2 =	simm.s32 $0x0;
	s4 =	smul.u32 $0xA0, s1  }
0x6: {  	[smem:$0x7FF] =	sst s2;
	s16 =	sadd.s32 $0x463C00, s6;
	s1 =	smul.u32 $0x28000, s1  }
0x7: {  	p0 =	slt.u32 s0, $0x8;
	_ =	strace $0x80000053;
	s3 =	sadd.s32 $0xFFFFB000, s3  }
0x8: {  	s5 =	sadd.s32 s4, s6;
	s1 =	sshrl.u32 s1, $0x3;
	s24 =	sshrl.u32 s3, $0x3  }
0x9: {  	s15 =	sshll.u32 s3, $0x4;
	s31 =	sadd.s32 s1, s6;
	s5 =	sadd.s32 $0x233200, s5  }
0xa: {  	s4 =	sadd.s32 s24, s6;
	s1 =	sadd.s32 s16, s15;
	s7 =	sadd.s32 $0x413C00, s31  }
0xb: {  	s3 =	sadd.s32 $0x800, s1;
	s4 =	sadd.s32 $0x232800, s4;
	s1 =	smov.u32 @p0 s7  }
0xc: {  	s4 =	smov.u32 @p0 s5;
	[dreg:$0x2] =	wrdreg s1;
	s5 =	simm.s32 $0x5  }
0xd: {  	[tilespmem:s2], [sflag:$0x5] =	stream.linear.gather [hbm4b:s4+s2], $0x500, $0x38;
	[tilespmem:$0x8500] =	vst v63  }
0xe: {  	_ =	swait.ge [sflag:s5], $0x500  }
0xf: {  	s8 =	simm.s32 $0x500;
	[sflag:s5] =	ssyncset.done $0x0  }
0x10: {  	s6 =	sadd.s32 $0x8200, s6;
	s7 =	simm.s32 $0x80;
	[sflag:s5] =	ssyncadd.s32 $0xFFFFFB00  }
0x11: {  	[tilespmem:s8], [sflag:$0x1] =	stream.indirect.gather [hbm4b:s6+s7], $0x80, s2, s7, $0xb8;
	[tilespmem:$0x8500] =	vst v63  }
0x12: {  	s9 =	simm.s32 $0x4500;
	s10 =	simm.s32 $0x1  }
0x13: {  	[tilespmem:s9], [sflag:$0x2] =	stream.indirect.gather [hbm4b:s6+s7], $0x80, s7, s7, $0xb8;
	[tilespmem:$0x8500] =	vst v63  }
0x14: {  	_ =	swait.ge [sflag:s10], $0x4000  }
0x15: {  	[sflag:s10] =	ssyncset.done $0x0  }
0x16: {  	s11 =	simm.s32 $0x3;
	s25 =	rddreg [dreg:$0x2];
	[sflag:s10] =	ssyncadd.s32 $0xFFFFC000  }
0x17: {  	[hbm4b:s25+s2] =	stream.linear.scatter [tilespmem:s8], [sflag:$0x3], $0x4000, $0x38;
	[tilespmem:$0x8500] =	vst v63  }
0x18: {  	_ =	swait.ge [sflag:s11], $0x4000  }
0x19: {  	[sflag:s11] =	ssyncset.done $0x0  }
0x1a: {  	s12 =	simm.s32 $0x100;
	s13 =	simm.s32 $0x2;
	[sflag:s11] =	ssyncadd.s32 $0xFFFFC000  }
0x1b: {  	[tilespmem:s8], [sflag:$0x1] =	stream.indirect.gather [hbm4b:s6+s7], $0x80, s12, s7, $0xb8;
	[tilespmem:$0x8500] =	vst v63  }
0x1c: {  	_ =	swait.ge [sflag:s13], $0x4000  }
0x1d: {  	s1 =	sadd.s32 $0x414400, s31;
	[sflag:s13] =	ssyncset.done $0x0  }
0x1e: {  	s14 =	simm.s32 $0x4;
	s3 =	smov.u32 @p0 s1;
	[sflag:s13] =	ssyncadd.s32 $0xFFFFC000  }
0x1f: {  	[hbm4b:s3+s2] =	stream.linear.scatter [tilespmem:s9], [sflag:$0x4], $0x4000, $0x38;
	[tilespmem:$0x8500] =	vst v63  }
0x20: {  	_ =	swait.ge [sflag:s14], $0x4000  }
0x21: {  	[sflag:s14] =	ssyncset.done $0x0  }
0x22: {  	s26 =	sand.u32 $0x1FFFF000, s15;
	s15 =	simm.s32 $0x180;
	[sflag:s14] =	ssyncadd.s32 $0xFFFFC000  }
0x23: {  	[tilespmem:s9], [sflag:$0x2] =	stream.indirect.gather [hbm4b:s6+s7], $0x80, s15, s7, $0xb8;
	[tilespmem:$0x8500] =	vst v63  }
0x24: {  	s1 =	sadd.s32 s16, s26;
	_ =	swait.ge [sflag:s10], $0x4000  }
0x25: {  	s17 =	sadd.s32 $0x414C00, s31;
	s16 =	sadd.s32 $0x1000, s1;
	[sflag:s10] =	ssyncset.done $0x0  }
0x26: {  	s16 =	smov.u32 @p0 s17;
	[sflag:s10] =	ssyncadd.s32 $0xFFFFC000  }
0x27: {  	[hbm4b:s16+s2] =	stream.linear.scatter [tilespmem:s8], [sflag:$0x3], $0x4000, $0x38;
	[tilespmem:$0x8500] =	vst v63  }
0x28: {  	_ =	swait.ge [sflag:s11], $0x4000  }
0x29: {  	[sflag:s11] =	ssyncset.done $0x0  }
0x2a: {  	s17 =	simm.s32 $0x200;
	[sflag:s11] =	ssyncadd.s32 $0xFFFFC000  }
0x2b: {  	[tilespmem:s8], [sflag:$0x1] =	stream.indirect.gather [hbm4b:s6+s7], $0x80, s17, s7, $0xb8;
	[tilespmem:$0x8500] =	vst v63  }
0x2c: {  	_ =	swait.ge [sflag:s13], $0x4000  }
0x2d: {  	s19 =	sadd.s32 $0x415400, s31;
	s18 =	sadd.s32 $0x1800, s1;
	[sflag:s13] =	ssyncset.done $0x0  }
0x2e: {  	s18 =	smov.u32 @p0 s19;
	[sflag:s13] =	ssyncadd.s32 $0xFFFFC000  }
0x2f: {  	[hbm4b:s18+s2] =	stream.linear.scatter [tilespmem:s9], [sflag:$0x4], $0x4000, $0x38;
	[tilespmem:$0x8500] =	vst v63  }
0x30: {  	_ =	swait.ge [sflag:s14], $0x4000  }
0x31: {  	[sflag:s14] =	ssyncset.done $0x0  }
0x32: {  	s19 =	simm.s32 $0x280;
	[sflag:s14] =	ssyncadd.s32 $0xFFFFC000  }
0x33: {  	[tilespmem:s9], [sflag:$0x2] =	stream.indirect.gather [hbm4b:s6+s7], $0x80, s19, s7, $0xb8;
	[tilespmem:$0x8500] =	vst v63  }
0x34: {  	_ =	swait.ge [sflag:s10], $0x4000  }
0x35: {  	s21 =	sadd.s32 $0x415C00, s31;
	s20 =	sadd.s32 $0x2000, s1;
	[sflag:s10] =	ssyncset.done $0x0  }
0x36: {  	s20 =	smov.u32 @p0 s21;
	[sflag:s10] =	ssyncadd.s32 $0xFFFFC000  }
0x37: {  	[hbm4b:s20+s2] =	stream.linear.scatter [tilespmem:s8], [sflag:$0x3], $0x4000, $0x38;
	[tilespmem:$0x8500] =	vst v63  }
0x38: {  	_ =	swait.ge [sflag:s11], $0x4000  }
0x39: {  	[sflag:s11] =	ssyncset.done $0x0  }
0x3a: {  	s21 =	simm.s32 $0x300;
	[sflag:s11] =	ssyncadd.s32 $0xFFFFC000  }
0x3b: {  	[tilespmem:s8], [sflag:$0x1] =	stream.indirect.gather [hbm4b:s6+s7], $0x80, s21, s7, $0xb8;
	[tilespmem:$0x8500] =	vst v63  }
0x3c: {  	_ =	swait.ge [sflag:s13], $0x4000  }
0x3d: {  	s23 =	sadd.s32 $0x416400, s31;
	s22 =	sadd.s32 $0x2800, s1;
	[sflag:s13] =	ssyncset.done $0x0  }
0x3e: {  	s22 =	smov.u32 @p0 s23;
	[sflag:s13] =	ssyncadd.s32 $0xFFFFC000  }
0x3f: {  	[hbm4b:s22+s2] =	stream.linear.scatter [tilespmem:s9], [sflag:$0x4], $0x4000, $0x38;
	[tilespmem:$0x8500] =	vst v63  }
0x40: {  	_ =	swait.ge [sflag:s14], $0x4000  }
0x41: {  	[sflag:s14] =	ssyncset.done $0x0  }
0x42: {  	s23 =	simm.s32 $0x380;
	[sflag:s14] =	ssyncadd.s32 $0xFFFFC000  }
0x43: {  	[tilespmem:s9], [sflag:$0x2] =	stream.indirect.gather [hbm4b:s6+s7], $0x80, s23, s7, $0xb8;
	[tilespmem:$0x8500] =	vst v63  }
0x44: {  	_ =	swait.ge [sflag:s10], $0x4000  }
0x45: {  	s24 =	sadd.s32 $0x3000, s1;
	s25 =	sadd.s32 $0x416C00, s31;
	[sflag:s10] =	ssyncset.done $0x0  }
0x46: {  	s24 =	smov.u32 @p0 s25;
	[sflag:s10] =	ssyncadd.s32 $0xFFFFC000  }
0x47: {  	[hbm4b:s24+s2] =	stream.linear.scatter [tilespmem:s8], [sflag:$0x3], $0x4000, $0x38;
	[tilespmem:$0x8500] =	vst v63  }
0x48: {  	_ =	swait.ge [sflag:s11], $0x4000  }
0x49: {  	[sflag:s11] =	ssyncset.done $0x0  }
0x4a: {  	s25 =	simm.s32 $0x400;
	[sflag:s11] =	ssyncadd.s32 $0xFFFFC000  }
0x4b: {  	[tilespmem:s8], [sflag:$0x1] =	stream.indirect.gather [hbm4b:s6+s7], $0x80, s25, s7, $0xb8;
	[tilespmem:$0x8500] =	vst v63  }
0x4c: {  	_ =	swait.ge [sflag:s13], $0x4000  }
0x4d: {  	s28 =	sadd.s32 $0x417400, s31;
	s26 =	sadd.s32 $0x3800, s1;
	[sflag:s13] =	ssyncset.done $0x0  }
0x4e: {  	s26 =	smov.u32 @p0 s28;
	[sflag:s13] =	ssyncadd.s32 $0xFFFFC000  }
0x4f: {  	[hbm4b:s26+s2] =	stream.linear.scatter [tilespmem:s9], [sflag:$0x4], $0x4000, $0x38;
	[tilespmem:$0x8500] =	vst v63  }
0x50: {  	_ =	swait.ge [sflag:s14], $0x4000  }
0x51: {  	[sflag:s14] =	ssyncset.done $0x0  }
0x52: {  	s28 =	simm.s32 $0x480;
	[sflag:s14] =	ssyncadd.s32 $0xFFFFC000  }
0x53: {  	[tilespmem:s9], [sflag:$0x2] =	stream.indirect.gather [hbm4b:s6+s7], $0x80, s28, s7, $0xb8;
	[tilespmem:$0x8500] =	vst v63  }
0x54: {  	_ =	swait.ge [sflag:s10], $0x4000  }
0x55: {  	s0 =	sadd.s32 $0x417C00, s31;
	s29 =	sadd.s32 $0x4000, s1;
	[sflag:s10] =	ssyncset.done $0x0  }
0x56: {  	s29 =	smov.u32 @p0 s0;
	s0 =	ssub.s32 $0x2, s30;
	[sflag:s10] =	ssyncadd.s32 $0xFFFFC000  }
0x57: {  	[hbm4b:s29+s2] =	stream.linear.scatter [tilespmem:s8], [sflag:$0x3], $0x4000, $0x38;
	[tilespmem:$0x8500] =	vst v63  }
0x58: {  	s30 =	sshrl.u32 s0, $0x1;
	_ =	swait.ge [sflag:s11], $0x4000  }
0x59: {  	s0 =	ssub.s32 s0, s30;
	s30 =	sadd.s32 $0x4800, s1;
	[sflag:s11] =	ssyncset.done $0x0  }
0x5a: {  	s1 =	sadd.s32 $0x418400, s31;
	s0 =	smax.u32 s0, $0x1;
	[sflag:s11] =	ssyncadd.s32 $0xFFFFC000  }
0x5b: {  	s30 =	smov.u32 @p0 s1;
	p0 =	sne.s32 s0, $0x1;
	_ =	swait.ge [sflag:s13], $0x4000  }
.Ltmp0:
0x5c: {  	[sflag:s13] =	ssyncset.done $0x0;
	(pc) =	sbr.rel @!p0 .LBB2_2-.Ltmp0, $4  }
0x5d: {  	[sflag:s13] =	ssyncadd.s32 $0xFFFFC000  }
0x5e: {  	[hbm4b:s30+s2] =	stream.linear.scatter [tilespmem:s9], [sflag:$0x4], $0x4000, $0x38;
	[tilespmem:$0x8500] =	vst v63  }
0x5f: {  	_ =	swait.ge [sflag:s14], $0x4000  }
0x60: {  	s31 =	sadd.s32 $0xFFFFFFFF, s0;
	[sflag:s14] =	ssyncset.done $0x0  }
.LBB2_1:
0x61: {  	[sflag:s14] =	ssyncadd.s32 $0xFFFFC000  }
0x62: {  	[tilespmem:s2], [sflag:$0x5] =	stream.linear.gather [hbm4b:s4+s2], $0x500, $0x38;
	[tilespmem:$0x8500] =	vst v63  }
0x63: {  	_ =	swait.ge [sflag:s5], $0x500  }
0x64: {  	[sflag:s5] =	ssyncset.done $0x0  }
0x65: {  	[sflag:s5] =	ssyncadd.s32 $0xFFFFFB00  }
0x66: {  	[tilespmem:s8], [sflag:$0x1] =	stream.indirect.gather [hbm4b:s6+s7], $0x80, s2, s7, $0xb8;
	[tilespmem:$0x8500] =	vst v63  }
0x67: {  	_ = 	snop  }
0x68: {  	[tilespmem:s9], [sflag:$0x2] =	stream.indirect.gather [hbm4b:s6+s7], $0x80, s7, s7, $0xb8;
	[tilespmem:$0x8500] =	vst v63  }
0x69: {  	_ =	swait.ge [sflag:s10], $0x4000  }
0x6a: {  	[sflag:s10] =	ssyncset.done $0x0  }
0x6b: {  	s0 =	rddreg [dreg:$0x2];
	[sflag:s10] =	ssyncadd.s32 $0xFFFFC000  }
0x6c: {  	[hbm4b:s0+s2] =	stream.linear.scatter [tilespmem:s8], [sflag:$0x3], $0x4000, $0x38;
	[tilespmem:$0x8500] =	vst v63  }
0x6d: {  	_ =	swait.ge [sflag:s11], $0x4000  }
0x6e: {  	[sflag:s11] =	ssyncset.done $0x0  }
0x6f: {  	[sflag:s11] =	ssyncadd.s32 $0xFFFFC000  }
0x70: {  	[tilespmem:s8], [sflag:$0x1] =	stream.indirect.gather [hbm4b:s6+s7], $0x80, s12, s7, $0xb8;
	[tilespmem:$0x8500] =	vst v63  }
0x71: {  	_ =	swait.ge [sflag:s13], $0x4000  }
0x72: {  	[sflag:s13] =	ssyncset.done $0x0  }
0x73: {  	[sflag:s13] =	ssyncadd.s32 $0xFFFFC000  }
0x74: {  	[hbm4b:s3+s2] =	stream.linear.scatter [tilespmem:s9], [sflag:$0x4], $0x4000, $0x38;
	[tilespmem:$0x8500] =	vst v63  }
0x75: {  	_ =	swait.ge [sflag:s14], $0x4000  }
0x76: {  	[sflag:s14] =	ssyncset.done $0x0  }
0x77: {  	[sflag:s14] =	ssyncadd.s32 $0xFFFFC000  }
0x78: {  	[tilespmem:s9], [sflag:$0x2] =	stream.indirect.gather [hbm4b:s6+s7], $0x80, s15, s7, $0xb8;
	[tilespmem:$0x8500] =	vst v63  }
0x79: {  	_ =	swait.ge [sflag:s10], $0x4000  }
0x7a: {  	[sflag:s10] =	ssyncset.done $0x0  }
0x7b: {  	[sflag:s10] =	ssyncadd.s32 $0xFFFFC000  }
0x7c: {  	[hbm4b:s16+s2] =	stream.linear.scatter [tilespmem:s8], [sflag:$0x3], $0x4000, $0x38;
	[tilespmem:$0x8500] =	vst v63  }
0x7d: {  	_ =	swait.ge [sflag:s11], $0x4000  }
0x7e: {  	[sflag:s11] =	ssyncset.done $0x0  }
0x7f: {  	[sflag:s11] =	ssyncadd.s32 $0xFFFFC000  }
0x80: {  	[tilespmem:s8], [sflag:$0x1] =	stream.indirect.gather [hbm4b:s6+s7], $0x80, s17, s7, $0xb8;
	[tilespmem:$0x8500] =	vst v63  }
0x81: {  	_ =	swait.ge [sflag:s13], $0x4000  }
0x82: {  	[sflag:s13] =	ssyncset.done $0x0  }
0x83: {  	[sflag:s13] =	ssyncadd.s32 $0xFFFFC000  }
0x84: {  	[hbm4b:s18+s2] =	stream.linear.scatter [tilespmem:s9], [sflag:$0x4], $0x4000, $0x38;
	[tilespmem:$0x8500] =	vst v63  }
0x85: {  	_ =	swait.ge [sflag:s14], $0x4000  }
0x86: {  	[sflag:s14] =	ssyncset.done $0x0  }
0x87: {  	[sflag:s14] =	ssyncadd.s32 $0xFFFFC000  }
0x88: {  	[tilespmem:s9], [sflag:$0x2] =	stream.indirect.gather [hbm4b:s6+s7], $0x80, s19, s7, $0xb8;
	[tilespmem:$0x8500] =	vst v63  }
0x89: {  	_ =	swait.ge [sflag:s10], $0x4000  }
0x8a: {  	[sflag:s10] =	ssyncset.done $0x0  }
0x8b: {  	[sflag:s10] =	ssyncadd.s32 $0xFFFFC000  }
0x8c: {  	[hbm4b:s20+s2] =	stream.linear.scatter [tilespmem:s8], [sflag:$0x3], $0x4000, $0x38;
	[tilespmem:$0x8500] =	vst v63  }
0x8d: {  	_ =	swait.ge [sflag:s11], $0x4000  }
0x8e: {  	[sflag:s11] =	ssyncset.done $0x0  }
0x8f: {  	[sflag:s11] =	ssyncadd.s32 $0xFFFFC000  }
0x90: {  	[tilespmem:s8], [sflag:$0x1] =	stream.indirect.gather [hbm4b:s6+s7], $0x80, s21, s7, $0xb8;
	[tilespmem:$0x8500] =	vst v63  }
0x91: {  	_ =	swait.ge [sflag:s13], $0x4000  }
0x92: {  	[sflag:s13] =	ssyncset.done $0x0  }
0x93: {  	[sflag:s13] =	ssyncadd.s32 $0xFFFFC000  }
0x94: {  	[hbm4b:s22+s2] =	stream.linear.scatter [tilespmem:s9], [sflag:$0x4], $0x4000, $0x38;
	[tilespmem:$0x8500] =	vst v63  }
0x95: {  	_ =	swait.ge [sflag:s14], $0x4000  }
0x96: {  	[sflag:s14] =	ssyncset.done $0x0  }
0x97: {  	[sflag:s14] =	ssyncadd.s32 $0xFFFFC000  }
0x98: {  	[tilespmem:s9], [sflag:$0x2] =	stream.indirect.gather [hbm4b:s6+s7], $0x80, s23, s7, $0xb8;
	[tilespmem:$0x8500] =	vst v63  }
0x99: {  	_ =	swait.ge [sflag:s10], $0x4000  }
0x9a: {  	[sflag:s10] =	ssyncset.done $0x0  }
0x9b: {  	[sflag:s10] =	ssyncadd.s32 $0xFFFFC000  }
0x9c: {  	[hbm4b:s24+s2] =	stream.linear.scatter [tilespmem:s8], [sflag:$0x3], $0x4000, $0x38;
	[tilespmem:$0x8500] =	vst v63  }
0x9d: {  	_ =	swait.ge [sflag:s11], $0x4000  }
0x9e: {  	[sflag:s11] =	ssyncset.done $0x0  }
0x9f: {  	[sflag:s11] =	ssyncadd.s32 $0xFFFFC000  }
0xa0: {  	[tilespmem:s8], [sflag:$0x1] =	stream.indirect.gather [hbm4b:s6+s7], $0x80, s25, s7, $0xb8;
	[tilespmem:$0x8500] =	vst v63  }
0xa1: {  	_ =	swait.ge [sflag:s13], $0x4000  }
0xa2: {  	[sflag:s13] =	ssyncset.done $0x0  }
0xa3: {  	[sflag:s13] =	ssyncadd.s32 $0xFFFFC000  }
0xa4: {  	[hbm4b:s26+s2] =	stream.linear.scatter [tilespmem:s9], [sflag:$0x4], $0x4000, $0x38;
	[tilespmem:$0x8500] =	vst v63  }
0xa5: {  	_ =	swait.ge [sflag:s14], $0x4000  }
0xa6: {  	[sflag:s14] =	ssyncset.done $0x0  }
0xa7: {  	[sflag:s14] =	ssyncadd.s32 $0xFFFFC000  }
0xa8: {  	[tilespmem:s9], [sflag:$0x2] =	stream.indirect.gather [hbm4b:s6+s7], $0x80, s28, s7, $0xb8;
	[tilespmem:$0x8500] =	vst v63  }
0xa9: {  	_ =	swait.ge [sflag:s10], $0x4000  }
0xaa: {  	[sflag:s10] =	ssyncset.done $0x0  }
0xab: {  	[sflag:s10] =	ssyncadd.s32 $0xFFFFC000  }
0xac: {  	[hbm4b:s29+s2] =	stream.linear.scatter [tilespmem:s8], [sflag:$0x3], $0x4000, $0x38;
	[tilespmem:$0x8500] =	vst v63  }
0xad: {  	_ =	swait.ge [sflag:s11], $0x4000  }
0xae: {  	[sflag:s11] =	ssyncset.done $0x0  }
0xaf: {  	[sflag:s11] =	ssyncadd.s32 $0xFFFFC000  }
0xb0: {  	p0 =	sne.s32 s31, $0x1;
	_ =	swait.ge [sflag:s13], $0x4000  }
.Ltmp1:
0xb1: {  	[sflag:s13] =	ssyncset.done $0x0;
	(pc) =	sbr.rel @p0 .LBB2_1-.Ltmp1, $4  }
0xb2: {  	[sflag:s13] =	ssyncadd.s32 $0xFFFFC000  }
0xb3: {  	[hbm4b:s30+s2] =	stream.linear.scatter [tilespmem:s9], [sflag:$0x4], $0x4000, $0x38;
	[tilespmem:$0x8500] =	vst v63  }
0xb4: {  	_ =	swait.ge [sflag:s14], $0x4000  }
0xb5: {  	s31 =	sadd.s32 $0xFFFFFFFF, s31;
	[sflag:s14] =	ssyncset.done $0x0  }
.LBB2_2:
0xb6: {  	[sflag:s14] =	ssyncadd.s32 $0xFFFFC000  }
0xb7: {  	_ =	sfence.sel $0x180000  }
0xb8: {  	[bflag:$0x0] =	sbarrier.arrive $0xFFFF  }
0xb9: {  	_ =	strace $0x90000053  }
0xba: {  	s0 =	stileid.u32;
	[bflag:$0x2] =	sbarrier.arrive $0xFFFF  }
0xbb: {  	p0 =	sne.s32 s0, $0x0;
	s0 =	rddreg [dreg:$0x1]  }
0xbc: {  	s0 =	sadd.s32 @!p0 $0x100000, s0  }
0xbd: {  	[sflag:s0] =	ssyncadd.tile.s32 @!p0 $0x1;
	_ =	shalt  }
.Lfunc_end2:
_tile_overlayer_lowered:
.L_overlay_start_2:
0xbe: {  	(tag) =	ssettag $0x2  }
0xbf: {  	s0 =	rddreg [dreg:$0x0];
	s2 =	stileid.u32  }
0xc0: {  	s1 =	rddreg [dreg:$0x1];
	p0 =	sne.s32 s2, $0x0  }
0xc1: {  	s3 =	rddreg [dreg:$0x2];
	[bflag:$0x3] =	sbarrier.arrive $0xFFFF;
	s2 =	simm.s32 @!p0 $0x1C05  }
0xc2: {  	[timem:s3], [sflag:s2] =	dma.local @!p0 [hbm:s0], s1  }
0xc3: {  	s0 =	simm.s32 @!p0 $0x5  }
0xc4: {  	_ =	swait.ge @!p0 [sflag:s0], s1  }
0xc5: {  	s1 =	ssub.s32 @!p0 $0x0, s1;
	[sflag:s0] =	ssyncset.done @!p0 $0x0  }
0xc6: {  	[sflag:s0] =	ssyncadd.s32 @!p0 s1  }
0xc7: {  	[bflag:$0x3] =	sbarrier.arrive $0xFFFF  }
0xc8: {  	_ =	shalt  }

</sc_bundles>
